<compile_context>
chip_gen: v7x
topology: tpu7x:2x2x1
jax: 0.10.2.dev20260603
libtpu: 0.0.44.dev20260713+nightly
codegen_flags: <defaults>
</compile_context>

<pallas_src>
import functools

import jax
import jax.numpy as jnp
from jax import lax
from jax.experimental import pallas as pl
from jax.experimental.pallas import tpu as pltpu
from jax.experimental.pallas import tpu_sc as plsc

N = 10000
E = 320000
D = 128
H = 128
DH = D // 2

NC = 2
NS = 16
K = 128
ER = E // K
TROWS = ER // NS
LE = ER - NS * TROWS
SEG = 3
SROWS = TROWS // SEG
DROWS = ER // (NC * NS)
DLE = ER - NC * NS * DROWS

RPT = 624
RTAIL = N - NS * RPT

_MESH = plsc.VectorSubcoreMesh(core_axis_name="c", subcore_axis_name="s")
_SC_PARAMS = pltpu.CompilerParams(use_tc_tiling_on_sc=False)


@functools.partial(
    pl.kernel,
    out_type=jax.ShapeDtypeStruct((NC * 2 * N,), jnp.float32),
    mesh=_MESH,
    scratch_types=[
        pltpu.VMEM((DROWS, K), jnp.int32),
        pltpu.VMEM((DROWS, K), jnp.int32),
        pltpu.VMEM((K,), jnp.float32),
        pltpu.VMEM((RPT,), jnp.float32),
        pltpu.VMEM_SHARED((N,), jnp.float32),
        pltpu.VMEM_SHARED((N,), jnp.float32),
        pltpu.SemaphoreType.DMA,
    ],
    compiler_params=_SC_PARAMS,
)
def _deg_kernel(edge_hbm, zeros1_hbm, ones_hbm, out_hbm,
                src_all, dst_all, ones_v, stage_v, acc_src, acc_dst, sem):
    cid = lax.axis_index("c")
    sid = lax.axis_index("s")
    wid = cid * NS + sid

    pltpu.sync_copy(edge_hbm.at[pl.ds(wid * DROWS, DROWS)], src_all)
    pltpu.sync_copy(edge_hbm.at[pl.ds(ER + wid * DROWS, DROWS)], dst_all)

    pltpu.sync_copy(zeros1_hbm, stage_v)
    pltpu.sync_copy(stage_v, acc_src.at[pl.ds(sid * RPT, RPT)])
    pltpu.sync_copy(stage_v, acc_dst.at[pl.ds(sid * RPT, RPT)])

    @pl.when(sid == NS - 1)
    def _zero_tail():
        pltpu.sync_copy(stage_v.at[pl.ds(0, RTAIL)],
                        acc_src.at[pl.ds(NS * RPT, RTAIL)])
        pltpu.sync_copy(stage_v.at[pl.ds(0, RTAIL)],
                        acc_dst.at[pl.ds(NS * RPT, RTAIL)])

    pltpu.sync_copy(ones_hbm, ones_v)
    plsc.subcore_barrier()

    def body(i, carry):
        pltpu.sync_copy(ones_v, acc_src.at[src_all.at[i]], add=True)
        pltpu.sync_copy(ones_v, acc_dst.at[dst_all.at[i]], add=True)
        return carry

    lax.fori_loop(0, DROWS, body, 0)

    @pl.when(wid < DLE)
    def _extra():
        row = NC * NS * DROWS + wid
        pltpu.sync_copy(edge_hbm.at[pl.ds(row, 1)], src_all.at[pl.ds(0, 1)])
        pltpu.sync_copy(edge_hbm.at[pl.ds(ER + row, 1)],
                        dst_all.at[pl.ds(0, 1)])
        pltpu.sync_copy(ones_v, acc_src.at[src_all.at[0]], add=True)
        pltpu.sync_copy(ones_v, acc_dst.at[dst_all.at[0]], add=True)

    plsc.subcore_barrier()

    obase = cid * 2 * N
    pltpu.sync_copy(acc_src.at[pl.ds(sid * RPT, RPT)], stage_v)
    pltpu.sync_copy(stage_v, out_hbm.at[pl.ds(obase + sid * RPT, RPT)])
    pltpu.sync_copy(acc_dst.at[pl.ds(sid * RPT, RPT)], stage_v)
    pltpu.sync_copy(stage_v, out_hbm.at[pl.ds(obase + N + sid * RPT, RPT)])

    @pl.when(sid == NS - 1)
    def _write_tail():
        pltpu.sync_copy(acc_src.at[pl.ds(NS * RPT, RTAIL)],
                        stage_v.at[pl.ds(0, RTAIL)])
        pltpu.sync_copy(stage_v.at[pl.ds(0, RTAIL)],
                        out_hbm.at[pl.ds(obase + NS * RPT, RTAIL)])
        pltpu.sync_copy(acc_dst.at[pl.ds(NS * RPT, RTAIL)],
                        stage_v.at[pl.ds(0, RTAIL)])
        pltpu.sync_copy(stage_v.at[pl.ds(0, RTAIL)],
                        out_hbm.at[pl.ds(obase + N + NS * RPT, RTAIL)])


@functools.partial(
    pl.kernel,
    out_type=jax.ShapeDtypeStruct((N, NC, DH), jnp.float32),
    mesh=_MESH,
    scratch_types=[
        pltpu.VMEM((SROWS, K), jnp.int32),
        pltpu.VMEM((SROWS, K), jnp.int32),
        pltpu.VMEM((K, DH), jnp.float32),
        pltpu.VMEM((K, DH), jnp.float32),
        pltpu.VMEM((K, DH), jnp.float32),
        pltpu.VMEM((K, DH), jnp.float32),
        pltpu.VMEM_SHARED((N, DH), jnp.float32),
        pltpu.SemaphoreType.DMA,
        pltpu.SemaphoreType.DMA,
        pltpu.SemaphoreType.DMA,
        pltpu.SemaphoreType.DMA,
        pltpu.SemaphoreType.DMA,
        pltpu.SemaphoreType.DMA,
        pltpu.SemaphoreType.DMA,
        pltpu.SemaphoreType.DMA,
    ],
    compiler_params=_SC_PARAMS,
)
def _agg_kernel(feat_hbm, edge_hbm, zeros2_hbm, out_hbm,
                src_seg, dst_seg, rows0, rows1, rows2, rows3, acc_sh,
                gs0, gs1, gs2, gs3, ss0, ss1, ss2, ss3):
    cid = lax.axis_index("c")
    sid = lax.axis_index("s")

    pltpu.sync_copy(zeros2_hbm, rows0)
    for j in range(RPT // K):
        pltpu.sync_copy(rows0, acc_sh.at[pl.ds(sid * RPT + j * K, K)])
    pltpu.sync_copy(rows0.at[pl.ds(0, RPT % K)],
                    acc_sh.at[pl.ds(sid * RPT + (RPT // K) * K, RPT % K)])

    @pl.when(sid == NS - 1)
    def _zero_tail():
        pltpu.sync_copy(rows0.at[pl.ds(0, RTAIL)],
                        acc_sh.at[pl.ds(NS * RPT, RTAIL)])

    plsc.subcore_barrier()

    bufs = (rows0, rows1, rows2, rows3)
    gsems = (gs0, gs1, gs2, gs3)
    ssems = (ss0, ss1, ss2, ss3)

    def wait_gather(i, b):
        pltpu.make_async_copy(feat_hbm.at[src_seg.at[i]], bufs[b],
                              gsems[b]).wait()

    def wait_scatter(b):
        pltpu.make_async_copy(bufs[b], acc_sh.at[dst_seg.at[0]],
                              ssems[b]).wait()

    def xform_src(i):
        for j in range(K // 16):
            sl = pl.ds(j * 16, 16)
            src_seg[i, sl] = src_seg[i, sl] * 2 + cid

    def seg_body(s, carry):
        base_row = sid * TROWS + s * SROWS
        pltpu.sync_copy(edge_hbm.at[pl.ds(base_row, SROWS)], src_seg)
        pltpu.sync_copy(edge_hbm.at[pl.ds(ER + base_row, SROWS)], dst_seg)

        def xbody(i, c):
            xform_src(i)
            return c

        lax.fori_loop(0, SROWS, xbody, 0)

        pltpu.async_copy(feat_hbm.at[src_seg.at[0]], rows0, gs0)
        pltpu.async_copy(feat_hbm.at[src_seg.at[1]], rows1, gs1)

        def body(g, c):
            for b in range(4):
                i = g * 4 + b
                wait_gather(i, b)
                pltpu.async_copy(bufs[b], acc_sh.at[dst_seg.at[i]],
                                 ssems[b], add=True)
                b2 = (b + 2) % 4

                @pl.when(i + 2 < SROWS)
                def _prefetch():
                    @pl.when(i >= 2)
                    def _recycle():
                        wait_scatter(b2)

                    pltpu.async_copy(feat_hbm.at[src_seg.at[i + 2]], bufs[b2],
                                     gsems[b2])
            return c

        lax.fori_loop(0, SROWS // 4, body, 0)
        for b in range(4):
            wait_scatter(b)
        return carry

    lax.fori_loop(0, SEG, seg_body, 0)

    @pl.when(sid < LE)
    def _extra():
        row = NS * TROWS + sid
        pltpu.sync_copy(edge_hbm.at[pl.ds(row, 1)], src_seg.at[pl.ds(0, 1)])
        pltpu.sync_copy(edge_hbm.at[pl.ds(ER + row, 1)],
                        dst_seg.at[pl.ds(0, 1)])
        xform_src(0)
        pltpu.async_copy(feat_hbm.at[src_seg.at[0]], rows0, gs0)
        wait_gather(0, 0)
        pltpu.sync_copy(rows0, acc_sh.at[dst_seg.at[0]], add=True)

    plsc.subcore_barrier()

    for j in range(RPT // K):
        pltpu.sync_copy(acc_sh.at[pl.ds(sid * RPT + j * K, K)], rows0)
        pltpu.sync_copy(rows0, out_hbm.at[pl.ds(sid * RPT + j * K, K), cid])
    last = RPT % K
    pltpu.sync_copy(acc_sh.at[pl.ds(sid * RPT + (RPT // K) * K, last)],
                    rows0.at[pl.ds(0, last)])
    pltpu.sync_copy(rows0.at[pl.ds(0, last)],
                    out_hbm.at[pl.ds(sid * RPT + (RPT // K) * K, last), cid])

    @pl.when(sid == NS - 1)
    def _write_tail():
        pltpu.sync_copy(acc_sh.at[pl.ds(NS * RPT, RTAIL)],
                        rows1.at[pl.ds(0, RTAIL)])
        pltpu.sync_copy(rows1.at[pl.ds(0, RTAIL)],
                        out_hbm.at[pl.ds(NS * RPT, RTAIL), cid])


RB = 1000
GRID = N // RB


def _norm_body(deg_ref, x_ref, w_ref, xw_ref, ns_ref, nd_ref):
    deg = deg_ref[...]
    dsrc = deg[:, 0:1] + deg[:, 2:3]
    ddst = deg[:, 1:2] + deg[:, 3:4]
    ns = lax.rsqrt(jnp.where(dsrc > 0, dsrc, 1.0))
    nd = lax.rsqrt(jnp.where(ddst > 0, ddst, 1.0))
    xw_ref[...] = jnp.dot(x_ref[...] * ns, w_ref[...],
                          preferred_element_type=jnp.float32, precision=lax.Precision.HIGHEST)
    ns_ref[...] = ns
    nd_ref[...] = nd


def _layer1_body(a_ref, w_ref, b_ref, nd_ref, ns_ref, out_ref):
    h = jnp.maximum(a_ref[...] * nd_ref[...] + b_ref[...], 0.0)
    out_ref[...] = jnp.dot(h * ns_ref[...], w_ref[...],
                           preferred_element_type=jnp.float32, precision=lax.Precision.HIGHEST)


def _final_body(a_ref, b_ref, nd_ref,
                wc1_ref, bc1_ref, wc2_ref, bc2_ref, wc3_ref, bc3_ref,
                out_ref, acc_ref):
    i = pl.program_id(0)

    @pl.when(i == 0)
    def _init():
        acc_ref[...] = jnp.zeros_like(acc_ref)

    h = jnp.maximum(a_ref[...] * nd_ref[...] + b_ref[...], 0.0)
    acc_ref[...] += jnp.sum(h, axis=0, keepdims=True)

    @pl.when(i == pl.num_programs(0) - 1)
    def _head():
        hg = acc_ref[...] * (1.0 / N)
        o = jnp.dot(hg, wc1_ref[...], preferred_element_type=jnp.float32, precision=lax.Precision.HIGHEST)
        o = jnp.maximum(o + bc1_ref[...], 0.0)
        o = jnp.dot(o, wc2_ref[...], preferred_element_type=jnp.float32, precision=lax.Precision.HIGHEST)
        o = jnp.maximum(o + bc2_ref[...], 0.0)
        out_ref[...] = (jnp.dot(o, wc3_ref[...],
                                preferred_element_type=jnp.float32, precision=lax.Precision.HIGHEST)
                        + bc3_ref[...])


def kernel(x, edge_index, W1, b1, W2, b2, Wc1, bc1, Wc2, bc2, Wc3, bc3):
    edge2d = edge_index.astype(jnp.int32).reshape(2 * ER, K)
    zeros1 = jnp.zeros((RPT,), jnp.float32)
    zeros2 = jnp.zeros((DH, D), jnp.float32).reshape(K, DH)
    ones_k = jnp.ones((K,), jnp.float32)

    deg = _deg_kernel(edge2d, zeros1, ones_k)
    degT = deg.reshape(2 * NC, N).T

    xw, nsrc, ndst = pl.pallas_call(
        _norm_body,
        grid=(GRID,),
        in_specs=[
            pl.BlockSpec((RB, 2 * NC), lambda i: (i, 0)),
            pl.BlockSpec((RB, D), lambda i: (i, 0)),
            pl.BlockSpec((D, H), lambda i: (0, 0)),
        ],
        out_specs=[
            pl.BlockSpec((RB, H), lambda i: (i, 0)),
            pl.BlockSpec((RB, 1), lambda i: (i, 0)),
            pl.BlockSpec((RB, 1), lambda i: (i, 0)),
        ],
        out_shape=[
            jax.ShapeDtypeStruct((N, H), jnp.float32),
            jax.ShapeDtypeStruct((N, 1), jnp.float32),
            jax.ShapeDtypeStruct((N, 1), jnp.float32),
        ],
    )(degT, x, W1)

    agg1 = _agg_kernel(xw.reshape(2 * N, DH), edge2d, zeros2)
    agg1c = agg1.reshape(N, H)

    h1w = pl.pallas_call(
        _layer1_body,
        grid=(GRID,),
        in_specs=[
            pl.BlockSpec((RB, H), lambda i: (i, 0)),
            pl.BlockSpec((H, H), lambda i: (0, 0)),
            pl.BlockSpec((1, H), lambda i: (0, 0)),
            pl.BlockSpec((RB, 1), lambda i: (i, 0)),
            pl.BlockSpec((RB, 1), lambda i: (i, 0)),
        ],
        out_specs=pl.BlockSpec((RB, H), lambda i: (i, 0)),
        out_shape=jax.ShapeDtypeStruct((N, H), jnp.float32),
    )(agg1c, W2, b1.reshape(1, H), ndst, nsrc)

    agg2 = _agg_kernel(h1w.reshape(2 * N, DH), edge2d, zeros2)
    agg2c = agg2.reshape(N, H)

    out = pl.pallas_call(
        _final_body,
        grid=(GRID,),
        in_specs=[
            pl.BlockSpec((RB, H), lambda i: (i, 0)),
            pl.BlockSpec((1, H), lambda i: (0, 0)),
            pl.BlockSpec((RB, 1), lambda i: (i, 0)),
            pl.BlockSpec((H, H), lambda i: (0, 0)),
            pl.BlockSpec((1, H), lambda i: (0, 0)),
            pl.BlockSpec((H, H), lambda i: (0, 0)),
            pl.BlockSpec((1, H), lambda i: (0, 0)),
            pl.BlockSpec((H, 1), lambda i: (0, 0)),
            pl.BlockSpec((1, 1), lambda i: (0, 0)),
        ],
        out_specs=pl.BlockSpec((1, 1), lambda i: (0, 0)),
        out_shape=jax.ShapeDtypeStruct((1, 1), jnp.float32),
        scratch_shapes=[pltpu.VMEM((1, H), jnp.float32)],
    )(agg2c, b2.reshape(1, H), ndst,
      Wc1, bc1.reshape(1, H), Wc2, bc2.reshape(1, H),
      Wc3, bc3.reshape(1, 1))

    return out

# --- scband reference (transcript-rebuilt; emitter-appended) ---
"""Pipeline reference for scband-gcnreg-print-29703993819342 (READ-ONLY COPY).

The authoritative reference and input builder live on the scoring server;
editing this copy changes nothing except your own understanding.
"""

import jax, jax.numpy as jnp
import numpy as np

N = 10000
E = 320000
D = 128
H = 128
C = 1

def setup_inputs(seed: int = 0) -> dict:
    key = jax.random.key(seed)
    ks = jax.random.split(key, 14)
    x = jax.random.normal(ks[0], (N, D), dtype=jnp.float32)
    edge_index = jax.random.randint(ks[1], (2, E), 0, N, dtype=jnp.int32)
    s1 = 1.0 / np.sqrt(D)
    s2 = 1.0 / np.sqrt(H)
    W1 = jax.random.normal(ks[2], (D, H), dtype=jnp.float32) * s1
    b1 = jnp.zeros((H,), dtype=jnp.float32)
    W2 = jax.random.normal(ks[3], (H, H), dtype=jnp.float32) * s2
    b2 = jnp.zeros((H,), dtype=jnp.float32)
    Wc1 = jax.random.normal(ks[4], (H, H), dtype=jnp.float32) * s2
    bc1 = jax.random.normal(ks[5], (H,), dtype=jnp.float32) * s2
    Wc2 = jax.random.normal(ks[6], (H, H), dtype=jnp.float32) * s2
    bc2 = jax.random.normal(ks[7], (H,), dtype=jnp.float32) * s2
    Wc3 = jax.random.normal(ks[8], (H, C), dtype=jnp.float32) * s2
    bc3 = jax.random.normal(ks[9], (C,), dtype=jnp.float32) * s2
    return {"x": x, "edge_index": edge_index, "W1": W1, "b1": b1, "W2": W2, "b2": b2,
            "Wc1": Wc1, "bc1": bc1, "Wc2": Wc2, "bc2": bc2, "Wc3": Wc3, "bc3": bc3}

def reference(x, edge_index, W1, b1, W2, b2, Wc1, bc1, Wc2, bc2, Wc3, bc3):
    src = edge_index[0]
    dst = edge_index[1]
    n = x.shape[0]
    ones = jnp.ones((src.shape[0],), dtype=jnp.float32)
    deg_out = jnp.zeros((n,), dtype=jnp.float32).at[src].add(ones)
    deg_in = jnp.zeros((n,), dtype=jnp.float32).at[dst].add(ones)
    norm_src = jnp.where(deg_out > 0, deg_out, 1.0) ** -0.5
    norm_dst = jnp.where(deg_in > 0, deg_in, 1.0) ** -0.5

    def gconv(h, W, b):
        # DGL GraphConv with norm='both': D_out^{-1/2} message, sum-aggregate, D_in^{-1/2}, then bias
        h = h * norm_src[:, None]
        h = h @ W
        agg = jax.ops.segment_sum(h[src], dst, num_segments=n)
        return agg * norm_dst[:, None] + b

    h1 = jax.nn.relu(gconv(x, W1, b1))
    h1 = jax.nn.relu(gconv(h1, W2, b2))
    # dgl.mean_nodes over a single graph -> [1, H]
    hg = jnp.mean(h1, axis=0, keepdims=True)
    o = jax.nn.relu(hg @ Wc1 + bc1)
    o = jax.nn.relu(o @ Wc2 + bc2)
    out = o @ Wc3 + bc3
    return out

if __name__ == "__main__":
    import jax
    _d = setup_inputs()
    print(jax.jit(kernel)(*tuple(_d.values())))

</pallas_src>

<mosaic_0001>
#map = affine_map<(d0, d1) -> (0, 0)>
#map1 = affine_map<(d0, d1) -> (0)>
module attributes {stable_mosaic.version = 14 : i64} {
  func.func @_deg_kernel(%arg0: i32, %arg1: i32, %arg2: memref<5000x128xi32, #tpu.memory_space<hbm>>, %arg3: memref<624xf32, #tpu.memory_space<hbm>>, %arg4: memref<128xf32, #tpu.memory_space<hbm>>, %arg5: memref<40000xf32, #tpu.memory_space<hbm>>, %arg6: memref<78x128xi32, #tpu.memory_space<vmem>>, %arg7: memref<78x128xi32, #tpu.memory_space<vmem>>, %arg8: memref<128xf32, #tpu.memory_space<vmem>>, %arg9: memref<624xf32, #tpu.memory_space<vmem>>, %arg10: memref<10000xf32, #tpu.memory_space<vmem_shared>>, %arg11: memref<10000xf32, #tpu.memory_space<vmem_shared>>, %arg12: memref<!tpu.dma_semaphore, #tpu.memory_space<semaphore_mem>>) attributes {dimension_semantics = [#tpu.dimension_semantics<core_parallel>, #tpu.dimension_semantics<subcore_parallel>], iteration_bounds = array<i64: 2, 16>, scalar_prefetch = 0 : i64, scratch_operands = 7 : i64, tpu.core_type = #tpu.core_type<sc_vector_subcore>, window_params = [{transform_indices = #map}, {transform_indices = #map1}, {transform_indices = #map1}, {transform_indices = #map1}]} {
    %mul3A = arith.constant 16 : i32
    %mul3A_0 = arith.muli %arg0, %mul3A : i32
    %add3A = arith.addi %mul3A_0, %arg1 : i32
    %mul3A_1 = arith.constant 78 : i32
    %mul3A_2 = arith.muli %add3A, %mul3A_1 : i32
    "tpu.region"() ({
      %run_scoped3A = tpu.sem_alloc : memref<!tpu.dma_semaphore, #tpu.memory_space<semaphore_mem>>
      %dma_start3A = arith.constant 0 : i32
      %dma_start3A_44 = tpu.memref_slice %arg2[%mul3A_2, %dma_start3A] : memref<5000x128xi32, #tpu.memory_space<hbm>> -> memref<78x128xi32, #tpu.memory_space<hbm>>
      %dma_start3A_45 = arith.constant 0 : i32
      %dma_start3A_46 = tpu.memref_slice %arg2[%mul3A_2, %dma_start3A_45] : memref<5000x128xi32, #tpu.memory_space<hbm>> -> memref<78x128xi32, #tpu.memory_space<hbm>>
      tpu.enqueue_dma source(%dma_start3A_46 : memref<78x128xi32, #tpu.memory_space<hbm>>) target(%arg6 : memref<78x128xi32, #tpu.memory_space<vmem>>) target_semaphore(%run_scoped3A : memref<!tpu.dma_semaphore, #tpu.memory_space<semaphore_mem>>)
      %dma_wait3A = arith.constant 0 : i32
      %dma_wait3A_47 = tpu.memref_slice %arg2[%mul3A_2, %dma_wait3A] : memref<5000x128xi32, #tpu.memory_space<hbm>> -> memref<78x128xi32, #tpu.memory_space<hbm>>
      %dma_wait3A_48 = arith.constant 0 : i32
      %dma_wait3A_49 = tpu.memref_slice %arg2[%mul3A_2, %dma_wait3A_48] : memref<5000x128xi32, #tpu.memory_space<hbm>> -> memref<78x128xi32, #tpu.memory_space<hbm>>
      tpu.wait_dma2 semaphore(%run_scoped3A : memref<!tpu.dma_semaphore, #tpu.memory_space<semaphore_mem>>) src(%dma_wait3A_49 : memref<78x128xi32, #tpu.memory_space<hbm>>) dst(%arg6 : memref<78x128xi32, #tpu.memory_space<vmem>>)
      tpu.yield
    }) : () -> ()
    %mul3A_3 = arith.constant 78 : i32
    %mul3A_4 = arith.muli %add3A, %mul3A_3 : i32
    %add3A_5 = arith.constant 2500 : i32
    %add3A_6 = arith.addi %add3A_5, %mul3A_4 : i32
    "tpu.region"() ({
      %run_scoped3A = tpu.sem_alloc : memref<!tpu.dma_semaphore, #tpu.memory_space<semaphore_mem>>
      %dma_start3A = arith.constant 0 : i32
      %dma_start3A_44 = tpu.memref_slice %arg2[%add3A_6, %dma_start3A] : memref<5000x128xi32, #tpu.memory_space<hbm>> -> memref<78x128xi32, #tpu.memory_space<hbm>>
      %dma_start3A_45 = arith.constant 0 : i32
      %dma_start3A_46 = tpu.memref_slice %arg2[%add3A_6, %dma_start3A_45] : memref<5000x128xi32, #tpu.memory_space<hbm>> -> memref<78x128xi32, #tpu.memory_space<hbm>>
      tpu.enqueue_dma source(%dma_start3A_46 : memref<78x128xi32, #tpu.memory_space<hbm>>) target(%arg7 : memref<78x128xi32, #tpu.memory_space<vmem>>) target_semaphore(%run_scoped3A : memref<!tpu.dma_semaphore, #tpu.memory_space<semaphore_mem>>)
      %dma_wait3A = arith.constant 0 : i32
      %dma_wait3A_47 = tpu.memref_slice %arg2[%add3A_6, %dma_wait3A] : memref<5000x128xi32, #tpu.memory_space<hbm>> -> memref<78x128xi32, #tpu.memory_space<hbm>>
      %dma_wait3A_48 = arith.constant 0 : i32
      %dma_wait3A_49 = tpu.memref_slice %arg2[%add3A_6, %dma_wait3A_48] : memref<5000x128xi32, #tpu.memory_space<hbm>> -> memref<78x128xi32, #tpu.memory_space<hbm>>
      tpu.wait_dma2 semaphore(%run_scoped3A : memref<!tpu.dma_semaphore, #tpu.memory_space<semaphore_mem>>) src(%dma_wait3A_49 : memref<78x128xi32, #tpu.memory_space<hbm>>) dst(%arg7 : memref<78x128xi32, #tpu.memory_space<vmem>>)
      tpu.yield
    }) : () -> ()
    "tpu.region"() ({
      %run_scoped3A = tpu.sem_alloc : memref<!tpu.dma_semaphore, #tpu.memory_space<semaphore_mem>>
      tpu.enqueue_dma source(%arg3 : memref<624xf32, #tpu.memory_space<hbm>>) target(%arg9 : memref<624xf32, #tpu.memory_space<vmem>>) target_semaphore(%run_scoped3A : memref<!tpu.dma_semaphore, #tpu.memory_space<semaphore_mem>>)
      tpu.wait_dma2 semaphore(%run_scoped3A : memref<!tpu.dma_semaphore, #tpu.memory_space<semaphore_mem>>) src(%arg3 : memref<624xf32, #tpu.memory_space<hbm>>) dst(%arg9 : memref<624xf32, #tpu.memory_space<vmem>>)
      tpu.yield
    }) : () -> ()
    %mul3A_7 = arith.constant 624 : i32
    %mul3A_8 = arith.muli %arg1, %mul3A_7 : i32
    "tpu.region"() ({
      %run_scoped3A = tpu.sem_alloc : memref<!tpu.dma_semaphore, #tpu.memory_space<semaphore_mem>>
      %dma_start3A = tpu.memref_slice %arg10[%mul3A_8] : memref<10000xf32, #tpu.memory_space<vmem_shared>> -> memref<624xf32, #tpu.memory_space<vmem_shared>>
      %dma_start3A_44 = tpu.memref_slice %arg10[%mul3A_8] : memref<10000xf32, #tpu.memory_space<vmem_shared>> -> memref<624xf32, #tpu.memory_space<vmem_shared>>
      tpu.enqueue_dma source(%arg9 : memref<624xf32, #tpu.memory_space<vmem>>) target(%dma_start3A_44 : memref<624xf32, #tpu.memory_space<vmem_shared>>) target_semaphore(%run_scoped3A : memref<!tpu.dma_semaphore, #tpu.memory_space<semaphore_mem>>)
      %dma_wait3A = tpu.memref_slice %arg10[%mul3A_8] : memref<10000xf32, #tpu.memory_space<vmem_shared>> -> memref<624xf32, #tpu.memory_space<vmem_shared>>
      %dma_wait3A_45 = tpu.memref_slice %arg10[%mul3A_8] : memref<10000xf32, #tpu.memory_space<vmem_shared>> -> memref<624xf32, #tpu.memory_space<vmem_shared>>
      tpu.wait_dma2 semaphore(%run_scoped3A : memref<!tpu.dma_semaphore, #tpu.memory_space<semaphore_mem>>) src(%arg9 : memref<624xf32, #tpu.memory_space<vmem>>) dst(%dma_wait3A_45 : memref<624xf32, #tpu.memory_space<vmem_shared>>)
      tpu.yield
    }) : () -> ()
    %mul3A_9 = arith.constant 624 : i32
    %mul3A_10 = arith.muli %arg1, %mul3A_9 : i32
    "tpu.region"() ({
      %run_scoped3A = tpu.sem_alloc : memref<!tpu.dma_semaphore, #tpu.memory_space<semaphore_mem>>
      %dma_start3A = tpu.memref_slice %arg11[%mul3A_10] : memref<10000xf32, #tpu.memory_space<vmem_shared>> -> memref<624xf32, #tpu.memory_space<vmem_shared>>
      %dma_start3A_44 = tpu.memref_slice %arg11[%mul3A_10] : memref<10000xf32, #tpu.memory_space<vmem_shared>> -> memref<624xf32, #tpu.memory_space<vmem_shared>>
      tpu.enqueue_dma source(%arg9 : memref<624xf32, #tpu.memory_space<vmem>>) target(%dma_start3A_44 : memref<624xf32, #tpu.memory_space<vmem_shared>>) target_semaphore(%run_scoped3A : memref<!tpu.dma_semaphore, #tpu.memory_space<semaphore_mem>>)
      %dma_wait3A = tpu.memref_slice %arg11[%mul3A_10] : memref<10000xf32, #tpu.memory_space<vmem_shared>> -> memref<624xf32, #tpu.memory_space<vmem_shared>>
      %dma_wait3A_45 = tpu.memref_slice %arg11[%mul3A_10] : memref<10000xf32, #tpu.memory_space<vmem_shared>> -> memref<624xf32, #tpu.memory_space<vmem_shared>>
      tpu.wait_dma2 semaphore(%run_scoped3A : memref<!tpu.dma_semaphore, #tpu.memory_space<semaphore_mem>>) src(%arg9 : memref<624xf32, #tpu.memory_space<vmem>>) dst(%dma_wait3A_45 : memref<624xf32, #tpu.memory_space<vmem_shared>>)
      tpu.yield
    }) : () -> ()
    %eq3A = arith.constant 15 : i32
    %eq3A_11 = arith.cmpi eq, %arg1, %eq3A : i32
    %convert_element_type3A = arith.extui %eq3A_11 : i1 to i32
    %cond3A = arith.constant 0 : i32
    %cond3A_12 = arith.cmpi ne, %convert_element_type3A, %cond3A : i32
    scf.if %cond3A_12 {
      "tpu.region"() ({
        %run_scoped3A = tpu.sem_alloc : memref<!tpu.dma_semaphore, #tpu.memory_space<semaphore_mem>>
        %dma_start3A = arith.constant 0 : i32
        %dma_start3A_44 = tpu.memref_slice %arg9[%dma_start3A] : memref<624xf32, #tpu.memory_space<vmem>> -> memref<16xf32, #tpu.memory_space<vmem>>
        %dma_start3A_45 = arith.constant 9984 : i32
        %dma_start3A_46 = tpu.memref_slice %arg10[%dma_start3A_45] : memref<10000xf32, #tpu.memory_space<vmem_shared>> -> memref<16xf32, #tpu.memory_space<vmem_shared>>
        %dma_start3A_47 = arith.constant 9984 : i32
        %dma_start3A_48 = tpu.memref_slice %arg10[%dma_start3A_47] : memref<10000xf32, #tpu.memory_space<vmem_shared>> -> memref<16xf32, #tpu.memory_space<vmem_shared>>
        %dma_start3A_49 = arith.constant 0 : i32
        %dma_start3A_50 = tpu.memref_slice %arg9[%dma_start3A_49] : memref<624xf32, #tpu.memory_space<vmem>> -> memref<16xf32, #tpu.memory_space<vmem>>
        tpu.enqueue_dma source(%dma_start3A_50 : memref<16xf32, #tpu.memory_space<vmem>>) target(%dma_start3A_48 : memref<16xf32, #tpu.memory_space<vmem_shared>>) target_semaphore(%run_scoped3A : memref<!tpu.dma_semaphore, #tpu.memory_space<semaphore_mem>>)
        %dma_wait3A = arith.constant 0 : i32
        %dma_wait3A_51 = tpu.memref_slice %arg9[%dma_wait3A] : memref<624xf32, #tpu.memory_space<vmem>> -> memref<16xf32, #tpu.memory_space<vmem>>
        %dma_wait3A_52 = arith.constant 9984 : i32
        %dma_wait3A_53 = tpu.memref_slice %arg10[%dma_wait3A_52] : memref<10000xf32, #tpu.memory_space<vmem_shared>> -> memref<16xf32, #tpu.memory_space<vmem_shared>>
        %dma_wait3A_54 = arith.constant 9984 : i32
        %dma_wait3A_55 = tpu.memref_slice %arg10[%dma_wait3A_54] : memref<10000xf32, #tpu.memory_space<vmem_shared>> -> memref<16xf32, #tpu.memory_space<vmem_shared>>
        %dma_wait3A_56 = arith.constant 0 : i32
        %dma_wait3A_57 = tpu.memref_slice %arg9[%dma_wait3A_56] : memref<624xf32, #tpu.memory_space<vmem>> -> memref<16xf32, #tpu.memory_space<vmem>>
        tpu.wait_dma2 semaphore(%run_scoped3A : memref<!tpu.dma_semaphore, #tpu.memory_space<semaphore_mem>>) src(%dma_wait3A_57 : memref<16xf32, #tpu.memory_space<vmem>>) dst(%dma_wait3A_55 : memref<16xf32, #tpu.memory_space<vmem_shared>>)
        tpu.yield
      }) : () -> ()
      "tpu.region"() ({
        %run_scoped3A = tpu.sem_alloc : memref<!tpu.dma_semaphore, #tpu.memory_space<semaphore_mem>>
        %dma_start3A = arith.constant 0 : i32
        %dma_start3A_44 = tpu.memref_slice %arg9[%dma_start3A] : memref<624xf32, #tpu.memory_space<vmem>> -> memref<16xf32, #tpu.memory_space<vmem>>
        %dma_start3A_45 = arith.constant 9984 : i32
        %dma_start3A_46 = tpu.memref_slice %arg11[%dma_start3A_45] : memref<10000xf32, #tpu.memory_space<vmem_shared>> -> memref<16xf32, #tpu.memory_space<vmem_shared>>
        %dma_start3A_47 = arith.constant 9984 : i32
        %dma_start3A_48 = tpu.memref_slice %arg11[%dma_start3A_47] : memref<10000xf32, #tpu.memory_space<vmem_shared>> -> memref<16xf32, #tpu.memory_space<vmem_shared>>
        %dma_start3A_49 = arith.constant 0 : i32
        %dma_start3A_50 = tpu.memref_slice %arg9[%dma_start3A_49] : memref<624xf32, #tpu.memory_space<vmem>> -> memref<16xf32, #tpu.memory_space<vmem>>
        tpu.enqueue_dma source(%dma_start3A_50 : memref<16xf32, #tpu.memory_space<vmem>>) target(%dma_start3A_48 : memref<16xf32, #tpu.memory_space<vmem_shared>>) target_semaphore(%run_scoped3A : memref<!tpu.dma_semaphore, #tpu.memory_space<semaphore_mem>>)
        %dma_wait3A = arith.constant 0 : i32
        %dma_wait3A_51 = tpu.memref_slice %arg9[%dma_wait3A] : memref<624xf32, #tpu.memory_space<vmem>> -> memref<16xf32, #tpu.memory_space<vmem>>
        %dma_wait3A_52 = arith.constant 9984 : i32
        %dma_wait3A_53 = tpu.memref_slice %arg11[%dma_wait3A_52] : memref<10000xf32, #tpu.memory_space<vmem_shared>> -> memref<16xf32, #tpu.memory_space<vmem_shared>>
        %dma_wait3A_54 = arith.constant 9984 : i32
        %dma_wait3A_55 = tpu.memref_slice %arg11[%dma_wait3A_54] : memref<10000xf32, #tpu.memory_space<vmem_shared>> -> memref<16xf32, #tpu.memory_space<vmem_shared>>
        %dma_wait3A_56 = arith.constant 0 : i32
        %dma_wait3A_57 = tpu.memref_slice %arg9[%dma_wait3A_56] : memref<624xf32, #tpu.memory_space<vmem>> -> memref<16xf32, #tpu.memory_space<vmem>>
        tpu.wait_dma2 semaphore(%run_scoped3A : memref<!tpu.dma_semaphore, #tpu.memory_space<semaphore_mem>>) src(%dma_wait3A_57 : memref<16xf32, #tpu.memory_space<vmem>>) dst(%dma_wait3A_55 : memref<16xf32, #tpu.memory_space<vmem_shared>>)
        tpu.yield
      }) : () -> ()
    } else {
    }
    "tpu.region"() ({
      %run_scoped3A = tpu.sem_alloc : memref<!tpu.dma_semaphore, #tpu.memory_space<semaphore_mem>>
      tpu.enqueue_dma source(%arg4 : memref<128xf32, #tpu.memory_space<hbm>>) target(%arg8 : memref<128xf32, #tpu.memory_space<vmem>>) target_semaphore(%run_scoped3A : memref<!tpu.dma_semaphore, #tpu.memory_space<semaphore_mem>>)
      tpu.wait_dma2 semaphore(%run_scoped3A : memref<!tpu.dma_semaphore, #tpu.memory_space<semaphore_mem>>) src(%arg4 : memref<128xf32, #tpu.memory_space<hbm>>) dst(%arg8 : memref<128xf32, #tpu.memory_space<vmem>>)
      tpu.yield
    }) : () -> ()
    %barrier3A = arith.constant 0 : index
    tpu.barrier barrier_id(%barrier3A)
    %scan3A = arith.constant 0 : i32
    %scan3A_13 = arith.constant 0 : i32
    %scan3A_14 = arith.constant 78 : i32
    %scan3A_15 = arith.addi %scan3A_13, %scan3A_14 : i32
    %scan3A_16 = arith.constant 1 : i32
    scf.for %scan3A_44 = %scan3A_13 to %scan3A_15 step %scan3A_16  : i32 {
      "tpu.region"() ({
        %run_scoped3A = tpu.sem_alloc : memref<!tpu.dma_semaphore, #tpu.memory_space<semaphore_mem>>
        %dma_start3A = arith.constant 0 : i32
        %dma_start3A_45 = tpu.memref_slice %arg6[%scan3A_44, %dma_start3A] : memref<78x128xi32, #tpu.memory_space<vmem>> -> memref<1x128xi32, #tpu.memory_space<vmem>>
        %dma_start3A_46 = tpu.memref_squeeze %dma_start3A_45 : memref<1x128xi32, #tpu.memory_space<vmem>> -> memref<128xi32, #tpu.memory_space<vmem>>
        %dma_start3A_47 = arith.constant 0 : i32
        %dma_start3A_48 = tpu.memref_slice %arg10[%dma_start3A_47] : memref<10000xf32, #tpu.memory_space<vmem_shared>> -> memref<10000xf32, #tpu.memory_space<vmem_shared>>
        tpu.enqueue_indirect_dma source(%arg8 : memref<128xf32, #tpu.memory_space<vmem>>) target(%dma_start3A_48 : memref<10000xf32, #tpu.memory_space<vmem_shared>>) offsets(%dma_start3A_46 : memref<128xi32, #tpu.memory_space<vmem>>) semaphore(%run_scoped3A : memref<!tpu.dma_semaphore, #tpu.memory_space<semaphore_mem>>) {add = true}
        %dma_wait3A = arith.constant 0 : i32
        %dma_wait3A_49 = tpu.memref_slice %arg6[%scan3A_44, %dma_wait3A] : memref<78x128xi32, #tpu.memory_space<vmem>> -> memref<1x128xi32, #tpu.memory_space<vmem>>
        %dma_wait3A_50 = tpu.memref_squeeze %dma_wait3A_49 : memref<1x128xi32, #tpu.memory_space<vmem>> -> memref<128xi32, #tpu.memory_space<vmem>>
        %dma_wait3A_51 = arith.constant 0 : i32
        %dma_wait3A_52 = tpu.memref_slice %arg10[%dma_wait3A_51] : memref<10000xf32, #tpu.memory_space<vmem_shared>> -> memref<10000xf32, #tpu.memory_space<vmem_shared>>
        tpu.wait_indirect_dma semaphore(%run_scoped3A : memref<!tpu.dma_semaphore, #tpu.memory_space<semaphore_mem>>) src(%arg8 : memref<128xf32, #tpu.memory_space<vmem>>) dst(%dma_wait3A_52 : memref<10000xf32, #tpu.memory_space<vmem_shared>>)
        tpu.yield
      }) : () -> ()
      "tpu.region"() ({
        %run_scoped3A = tpu.sem_alloc : memref<!tpu.dma_semaphore, #tpu.memory_space<semaphore_mem>>
        %dma_start3A = arith.constant 0 : i32
        %dma_start3A_45 = tpu.memref_slice %arg7[%scan3A_44, %dma_start3A] : memref<78x128xi32, #tpu.memory_space<vmem>> -> memref<1x128xi32, #tpu.memory_space<vmem>>
        %dma_start3A_46 = tpu.memref_squeeze %dma_start3A_45 : memref<1x128xi32, #tpu.memory_space<vmem>> -> memref<128xi32, #tpu.memory_space<vmem>>
        %dma_start3A_47 = arith.constant 0 : i32
        %dma_start3A_48 = tpu.memref_slice %arg11[%dma_start3A_47] : memref<10000xf32, #tpu.memory_space<vmem_shared>> -> memref<10000xf32, #tpu.memory_space<vmem_shared>>
        tpu.enqueue_indirect_dma source(%arg8 : memref<128xf32, #tpu.memory_space<vmem>>) target(%dma_start3A_48 : memref<10000xf32, #tpu.memory_space<vmem_shared>>) offsets(%dma_start3A_46 : memref<128xi32, #tpu.memory_space<vmem>>) semaphore(%run_scoped3A : memref<!tpu.dma_semaphore, #tpu.memory_space<semaphore_mem>>) {add = true}
        %dma_wait3A = arith.constant 0 : i32
        %dma_wait3A_49 = tpu.memref_slice %arg7[%scan3A_44, %dma_wait3A] : memref<78x128xi32, #tpu.memory_space<vmem>> -> memref<1x128xi32, #tpu.memory_space<vmem>>
        %dma_wait3A_50 = tpu.memref_squeeze %dma_wait3A_49 : memref<1x128xi32, #tpu.memory_space<vmem>> -> memref<128xi32, #tpu.memory_space<vmem>>
        %dma_wait3A_51 = arith.constant 0 : i32
        %dma_wait3A_52 = tpu.memref_slice %arg11[%dma_wait3A_51] : memref<10000xf32, #tpu.memory_space<vmem_shared>> -> memref<10000xf32, #tpu.memory_space<vmem_shared>>
        tpu.wait_indirect_dma semaphore(%run_scoped3A : memref<!tpu.dma_semaphore, #tpu.memory_space<semaphore_mem>>) src(%arg8 : memref<128xf32, #tpu.memory_space<vmem>>) dst(%dma_wait3A_52 : memref<10000xf32, #tpu.memory_space<vmem_shared>>)
        tpu.yield
      }) : () -> ()
    }
    %scan3A_17 = arith.constant 78 : i32
    %lt3A = arith.constant 4 : i32
    %lt3A_18 = arith.cmpi slt, %add3A, %lt3A : i32
    %convert_element_type3A_19 = arith.extui %lt3A_18 : i1 to i32
    %cond3A_20 = arith.constant 0 : i32
    %cond3A_21 = arith.cmpi ne, %convert_element_type3A_19, %cond3A_20 : i32
    scf.if %cond3A_21 {
      %add3A_44 = arith.constant 2496 : i32
      %add3A_45 = arith.addi %add3A_44, %add3A : i32
      "tpu.region"() ({
        %run_scoped3A_49 = tpu.sem_alloc : memref<!tpu.dma_semaphore, #tpu.memory_space<semaphore_mem>>
        %dma_start3A = arith.constant 0 : i32
        %dma_start3A_50 = arith.constant 0 : i32
        %dma_start3A_51 = tpu.memref_slice %arg6[%dma_start3A, %dma_start3A_50] : memref<78x128xi32, #tpu.memory_space<vmem>> -> memref<1x128xi32, #tpu.memory_space<vmem>>
        %dma_start3A_52 = arith.constant 0 : i32
        %dma_start3A_53 = tpu.memref_slice %arg2[%add3A_45, %dma_start3A_52] : memref<5000x128xi32, #tpu.memory_space<hbm>> -> memref<1x128xi32, #tpu.memory_space<hbm>>
        %dma_start3A_54 = arith.constant 0 : i32
        %dma_start3A_55 = arith.constant 0 : i32
        %dma_start3A_56 = tpu.memref_slice %arg6[%dma_start3A_54, %dma_start3A_55] : memref<78x128xi32, #tpu.memory_space<vmem>> -> memref<1x128xi32, #tpu.memory_space<vmem>>
        %dma_start3A_57 = arith.constant 0 : i32
        %dma_start3A_58 = tpu.memref_slice %arg2[%add3A_45, %dma_start3A_57] : memref<5000x128xi32, #tpu.memory_space<hbm>> -> memref<1x128xi32, #tpu.memory_space<hbm>>
        tpu.enqueue_dma source(%dma_start3A_58 : memref<1x128xi32, #tpu.memory_space<hbm>>) target(%dma_start3A_56 : memref<1x128xi32, #tpu.memory_space<vmem>>) target_semaphore(%run_scoped3A_49 : memref<!tpu.dma_semaphore, #tpu.memory_space<semaphore_mem>>)
        %dma_wait3A = arith.constant 0 : i32
        %dma_wait3A_59 = arith.constant 0 : i32
        %dma_wait3A_60 = tpu.memref_slice %arg6[%dma_wait3A, %dma_wait3A_59] : memref<78x128xi32, #tpu.memory_space<vmem>> -> memref<1x128xi32, #tpu.memory_space<vmem>>
        %dma_wait3A_61 = arith.constant 0 : i32
        %dma_wait3A_62 = tpu.memref_slice %arg2[%add3A_45, %dma_wait3A_61] : memref<5000x128xi32, #tpu.memory_space<hbm>> -> memref<1x128xi32, #tpu.memory_space<hbm>>
        %dma_wait3A_63 = arith.constant 0 : i32
        %dma_wait3A_64 = arith.constant 0 : i32
        %dma_wait3A_65 = tpu.memref_slice %arg6[%dma_wait3A_63, %dma_wait3A_64] : memref<78x128xi32, #tpu.memory_space<vmem>> -> memref<1x128xi32, #tpu.memory_space<vmem>>
        %dma_wait3A_66 = arith.constant 0 : i32
        %dma_wait3A_67 = tpu.memref_slice %arg2[%add3A_45, %dma_wait3A_66] : memref<5000x128xi32, #tpu.memory_space<hbm>> -> memref<1x128xi32, #tpu.memory_space<hbm>>
        tpu.wait_dma2 semaphore(%run_scoped3A_49 : memref<!tpu.dma_semaphore, #tpu.memory_space<semaphore_mem>>) src(%dma_wait3A_67 : memref<1x128xi32, #tpu.memory_space<hbm>>) dst(%dma_wait3A_65 : memref<1x128xi32, #tpu.memory_space<vmem>>)
        tpu.yield
      }) : () -> ()
      %add3A_46 = arith.constant 2500 : i32
      %add3A_47 = arith.addi %add3A_46, %add3A_45 : i32
      "tpu.region"() ({
        %run_scoped3A_49 = tpu.sem_alloc : memref<!tpu.dma_semaphore, #tpu.memory_space<semaphore_mem>>
        %dma_start3A = arith.constant 0 : i32
        %dma_start3A_50 = arith.constant 0 : i32
        %dma_start3A_51 = tpu.memref_slice %arg7[%dma_start3A, %dma_start3A_50] : memref<78x128xi32, #tpu.memory_space<vmem>> -> memref<1x128xi32, #tpu.memory_space<vmem>>
        %dma_start3A_52 = arith.constant 0 : i32
        %dma_start3A_53 = tpu.memref_slice %arg2[%add3A_47, %dma_start3A_52] : memref<5000x128xi32, #tpu.memory_space<hbm>> -> memref<1x128xi32, #tpu.memory_space<hbm>>
        %dma_start3A_54 = arith.constant 0 : i32
        %dma_start3A_55 = arith.constant 0 : i32
        %dma_start3A_56 = tpu.memref_slice %arg7[%dma_start3A_54, %dma_start3A_55] : memref<78x128xi32, #tpu.memory_space<vmem>> -> memref<1x128xi32, #tpu.memory_space<vmem>>
        %dma_start3A_57 = arith.constant 0 : i32
        %dma_start3A_58 = tpu.memref_slice %arg2[%add3A_47, %dma_start3A_57] : memref<5000x128xi32, #tpu.memory_space<hbm>> -> memref<1x128xi32, #tpu.memory_space<hbm>>
        tpu.enqueue_dma source(%dma_start3A_58 : memref<1x128xi32, #tpu.memory_space<hbm>>) target(%dma_start3A_56 : memref<1x128xi32, #tpu.memory_space<vmem>>) target_semaphore(%run_scoped3A_49 : memref<!tpu.dma_semaphore, #tpu.memory_space<semaphore_mem>>)
        %dma_wait3A = arith.constant 0 : i32
        %dma_wait3A_59 = arith.constant 0 : i32
        %dma_wait3A_60 = tpu.memref_slice %arg7[%dma_wait3A, %dma_wait3A_59] : memref<78x128xi32, #tpu.memory_space<vmem>> -> memref<1x128xi32, #tpu.memory_space<vmem>>
        %dma_wait3A_61 = arith.constant 0 : i32
        %dma_wait3A_62 = tpu.memref_slice %arg2[%add3A_47, %dma_wait3A_61] : memref<5000x128xi32, #tpu.memory_space<hbm>> -> memref<1x128xi32, #tpu.memory_space<hbm>>
        %dma_wait3A_63 = arith.constant 0 : i32
        %dma_wait3A_64 = arith.constant 0 : i32
        %dma_wait3A_65 = tpu.memref_slice %arg7[%dma_wait3A_63, %dma_wait3A_64] : memref<78x128xi32, #tpu.memory_space<vmem>> -> memref<1x128xi32, #tpu.memory_space<vmem>>
        %dma_wait3A_66 = arith.constant 0 : i32
        %dma_wait3A_67 = tpu.memref_slice %arg2[%add3A_47, %dma_wait3A_66] : memref<5000x128xi32, #tpu.memory_space<hbm>> -> memref<1x128xi32, #tpu.memory_space<hbm>>
        tpu.wait_dma2 semaphore(%run_scoped3A_49 : memref<!tpu.dma_semaphore, #tpu.memory_space<semaphore_mem>>) src(%dma_wait3A_67 : memref<1x128xi32, #tpu.memory_space<hbm>>) dst(%dma_wait3A_65 : memref<1x128xi32, #tpu.memory_space<vmem>>)
        tpu.yield
      }) : () -> ()
      %run_scoped3A = arith.constant 0 : i32
      "tpu.region"() ({
        %run_scoped3A_49 = tpu.sem_alloc : memref<!tpu.dma_semaphore, #tpu.memory_space<semaphore_mem>>
        %dma_start3A = arith.constant 0 : i32
        %dma_start3A_50 = tpu.memref_slice %arg6[%run_scoped3A, %dma_start3A] : memref<78x128xi32, #tpu.memory_space<vmem>> -> memref<1x128xi32, #tpu.memory_space<vmem>>
        %dma_start3A_51 = tpu.memref_squeeze %dma_start3A_50 : memref<1x128xi32, #tpu.memory_space<vmem>> -> memref<128xi32, #tpu.memory_space<vmem>>
        %dma_start3A_52 = arith.constant 0 : i32
        %dma_start3A_53 = tpu.memref_slice %arg10[%dma_start3A_52] : memref<10000xf32, #tpu.memory_space<vmem_shared>> -> memref<10000xf32, #tpu.memory_space<vmem_shared>>
        tpu.enqueue_indirect_dma source(%arg8 : memref<128xf32, #tpu.memory_space<vmem>>) target(%dma_start3A_53 : memref<10000xf32, #tpu.memory_space<vmem_shared>>) offsets(%dma_start3A_51 : memref<128xi32, #tpu.memory_space<vmem>>) semaphore(%run_scoped3A_49 : memref<!tpu.dma_semaphore, #tpu.memory_space<semaphore_mem>>) {add = true}
        %dma_wait3A = arith.constant 0 : i32
        %dma_wait3A_54 = tpu.memref_slice %arg6[%run_scoped3A, %dma_wait3A] : memref<78x128xi32, #tpu.memory_space<vmem>> -> memref<1x128xi32, #tpu.memory_space<vmem>>
        %dma_wait3A_55 = tpu.memref_squeeze %dma_wait3A_54 : memref<1x128xi32, #tpu.memory_space<vmem>> -> memref<128xi32, #tpu.memory_space<vmem>>
        %dma_wait3A_56 = arith.constant 0 : i32
        %dma_wait3A_57 = tpu.memref_slice %arg10[%dma_wait3A_56] : memref<10000xf32, #tpu.memory_space<vmem_shared>> -> memref<10000xf32, #tpu.memory_space<vmem_shared>>
        tpu.wait_indirect_dma semaphore(%run_scoped3A_49 : memref<!tpu.dma_semaphore, #tpu.memory_space<semaphore_mem>>) src(%arg8 : memref<128xf32, #tpu.memory_space<vmem>>) dst(%dma_wait3A_57 : memref<10000xf32, #tpu.memory_space<vmem_shared>>)
        tpu.yield
      }) : () -> ()
      %run_scoped3A_48 = arith.constant 0 : i32
      "tpu.region"() ({
        %run_scoped3A_49 = tpu.sem_alloc : memref<!tpu.dma_semaphore, #tpu.memory_space<semaphore_mem>>
        %dma_start3A = arith.constant 0 : i32
        %dma_start3A_50 = tpu.memref_slice %arg7[%run_scoped3A_48, %dma_start3A] : memref<78x128xi32, #tpu.memory_space<vmem>> -> memref<1x128xi32, #tpu.memory_space<vmem>>
        %dma_start3A_51 = tpu.memref_squeeze %dma_start3A_50 : memref<1x128xi32, #tpu.memory_space<vmem>> -> memref<128xi32, #tpu.memory_space<vmem>>
        %dma_start3A_52 = arith.constant 0 : i32
        %dma_start3A_53 = tpu.memref_slice %arg11[%dma_start3A_52] : memref<10000xf32, #tpu.memory_space<vmem_shared>> -> memref<10000xf32, #tpu.memory_space<vmem_shared>>
        tpu.enqueue_indirect_dma source(%arg8 : memref<128xf32, #tpu.memory_space<vmem>>) target(%dma_start3A_53 : memref<10000xf32, #tpu.memory_space<vmem_shared>>) offsets(%dma_start3A_51 : memref<128xi32, #tpu.memory_space<vmem>>) semaphore(%run_scoped3A_49 : memref<!tpu.dma_semaphore, #tpu.memory_space<semaphore_mem>>) {add = true}
        %dma_wait3A = arith.constant 0 : i32
        %dma_wait3A_54 = tpu.memref_slice %arg7[%run_scoped3A_48, %dma_wait3A] : memref<78x128xi32, #tpu.memory_space<vmem>> -> memref<1x128xi32, #tpu.memory_space<vmem>>
        %dma_wait3A_55 = tpu.memref_squeeze %dma_wait3A_54 : memref<1x128xi32, #tpu.memory_space<vmem>> -> memref<128xi32, #tpu.memory_space<vmem>>
        %dma_wait3A_56 = arith.constant 0 : i32
        %dma_wait3A_57 = tpu.memref_slice %arg11[%dma_wait3A_56] : memref<10000xf32, #tpu.memory_space<vmem_shared>> -> memref<10000xf32, #tpu.memory_space<vmem_shared>>
        tpu.wait_indirect_dma semaphore(%run_scoped3A_49 : memref<!tpu.dma_semaphore, #tpu.memory_space<semaphore_mem>>) src(%arg8 : memref<128xf32, #tpu.memory_space<vmem>>) dst(%dma_wait3A_57 : memref<10000xf32, #tpu.memory_space<vmem_shared>>)
        tpu.yield
      }) : () -> ()
    } else {
    }
    %barrier3A_22 = arith.constant 0 : index
    tpu.barrier barrier_id(%barrier3A_22)
    %mul3A_23 = arith.constant 2 : i32
    %mul3A_24 = arith.muli %arg0, %mul3A_23 : i32
    %mul3A_25 = arith.constant 10000 : i32
    %mul3A_26 = arith.muli %mul3A_24, %mul3A_25 : i32
    %mul3A_27 = arith.constant 624 : i32
    %mul3A_28 = arith.muli %arg1, %mul3A_27 : i32
    "tpu.region"() ({
      %run_scoped3A = tpu.sem_alloc : memref<!tpu.dma_semaphore, #tpu.memory_space<semaphore_mem>>
      %dma_start3A = tpu.memref_slice %arg10[%mul3A_28] : memref<10000xf32, #tpu.memory_space<vmem_shared>> -> memref<624xf32, #tpu.memory_space<vmem_shared>>
      %dma_start3A_44 = tpu.memref_slice %arg10[%mul3A_28] : memref<10000xf32, #tpu.memory_space<vmem_shared>> -> memref<624xf32, #tpu.memory_space<vmem_shared>>
      tpu.enqueue_dma source(%dma_start3A_44 : memref<624xf32, #tpu.memory_space<vmem_shared>>) target(%arg9 : memref<624xf32, #tpu.memory_space<vmem>>) target_semaphore(%run_scoped3A : memref<!tpu.dma_semaphore, #tpu.memory_space<semaphore_mem>>)
      %dma_wait3A = tpu.memref_slice %arg10[%mul3A_28] : memref<10000xf32, #tpu.memory_space<vmem_shared>> -> memref<624xf32, #tpu.memory_space<vmem_shared>>
      %dma_wait3A_45 = tpu.memref_slice %arg10[%mul3A_28] : memref<10000xf32, #tpu.memory_space<vmem_shared>> -> memref<624xf32, #tpu.memory_space<vmem_shared>>
      tpu.wait_dma2 semaphore(%run_scoped3A : memref<!tpu.dma_semaphore, #tpu.memory_space<semaphore_mem>>) src(%dma_wait3A_45 : memref<624xf32, #tpu.memory_space<vmem_shared>>) dst(%arg9 : memref<624xf32, #tpu.memory_space<vmem>>)
      tpu.yield
    }) : () -> ()
    %mul3A_29 = arith.constant 624 : i32
    %mul3A_30 = arith.muli %arg1, %mul3A_29 : i32
    %add3A_31 = arith.addi %mul3A_26, %mul3A_30 : i32
    "tpu.region"() ({
      %run_scoped3A = tpu.sem_alloc : memref<!tpu.dma_semaphore, #tpu.memory_space<semaphore_mem>>
      %dma_start3A = tpu.memref_slice %arg5[%add3A_31] : memref<40000xf32, #tpu.memory_space<hbm>> -> memref<624xf32, #tpu.memory_space<hbm>>
      %dma_start3A_44 = tpu.memref_slice %arg5[%add3A_31] : memref<40000xf32, #tpu.memory_space<hbm>> -> memref<624xf32, #tpu.memory_space<hbm>>
      tpu.enqueue_dma source(%arg9 : memref<624xf32, #tpu.memory_space<vmem>>) target(%dma_start3A_44 : memref<624xf32, #tpu.memory_space<hbm>>) target_semaphore(%run_scoped3A : memref<!tpu.dma_semaphore, #tpu.memory_space<semaphore_mem>>)
      %dma_wait3A = tpu.memref_slice %arg5[%add3A_31] : memref<40000xf32, #tpu.memory_space<hbm>> -> memref<624xf32, #tpu.memory_space<hbm>>
      %dma_wait3A_45 = tpu.memref_slice %arg5[%add3A_31] : memref<40000xf32, #tpu.memory_space<hbm>> -> memref<624xf32, #tpu.memory_space<hbm>>
      tpu.wait_dma2 semaphore(%run_scoped3A : memref<!tpu.dma_semaphore, #tpu.memory_space<semaphore_mem>>) src(%arg9 : memref<624xf32, #tpu.memory_space<vmem>>) dst(%dma_wait3A_45 : memref<624xf32, #tpu.memory_space<hbm>>)
      tpu.yield
    }) : () -> ()
    %mul3A_32 = arith.constant 624 : i32
    %mul3A_33 = arith.muli %arg1, %mul3A_32 : i32
    "tpu.region"() ({
      %run_scoped3A = tpu.sem_alloc : memref<!tpu.dma_semaphore, #tpu.memory_space<semaphore_mem>>
      %dma_start3A = tpu.memref_slice %arg11[%mul3A_33] : memref<10000xf32, #tpu.memory_space<vmem_shared>> -> memref<624xf32, #tpu.memory_space<vmem_shared>>
      %dma_start3A_44 = tpu.memref_slice %arg11[%mul3A_33] : memref<10000xf32, #tpu.memory_space<vmem_shared>> -> memref<624xf32, #tpu.memory_space<vmem_shared>>
      tpu.enqueue_dma source(%dma_start3A_44 : memref<624xf32, #tpu.memory_space<vmem_shared>>) target(%arg9 : memref<624xf32, #tpu.memory_space<vmem>>) target_semaphore(%run_scoped3A : memref<!tpu.dma_semaphore, #tpu.memory_space<semaphore_mem>>)
      %dma_wait3A = tpu.memref_slice %arg11[%mul3A_33] : memref<10000xf32, #tpu.memory_space<vmem_shared>> -> memref<624xf32, #tpu.memory_space<vmem_shared>>
      %dma_wait3A_45 = tpu.memref_slice %arg11[%mul3A_33] : memref<10000xf32, #tpu.memory_space<vmem_shared>> -> memref<624xf32, #tpu.memory_space<vmem_shared>>
      tpu.wait_dma2 semaphore(%run_scoped3A : memref<!tpu.dma_semaphore, #tpu.memory_space<semaphore_mem>>) src(%dma_wait3A_45 : memref<624xf32, #tpu.memory_space<vmem_shared>>) dst(%arg9 : memref<624xf32, #tpu.memory_space<vmem>>)
      tpu.yield
    }) : () -> ()
    %add3A_34 = arith.constant 10000 : i32
    %add3A_35 = arith.addi %mul3A_26, %add3A_34 : i32
    %mul3A_36 = arith.constant 624 : i32
    %mul3A_37 = arith.muli %arg1, %mul3A_36 : i32
    %add3A_38 = arith.addi %add3A_35, %mul3A_37 : i32
    "tpu.region"() ({
      %run_scoped3A = tpu.sem_alloc : memref<!tpu.dma_semaphore, #tpu.memory_space<semaphore_mem>>
      %dma_start3A = tpu.memref_slice %arg5[%add3A_38] : memref<40000xf32, #tpu.memory_space<hbm>> -> memref<624xf32, #tpu.memory_space<hbm>>
      %dma_start3A_44 = tpu.memref_slice %arg5[%add3A_38] : memref<40000xf32, #tpu.memory_space<hbm>> -> memref<624xf32, #tpu.memory_space<hbm>>
      tpu.enqueue_dma source(%arg9 : memref<624xf32, #tpu.memory_space<vmem>>) target(%dma_start3A_44 : memref<624xf32, #tpu.memory_space<hbm>>) target_semaphore(%run_scoped3A : memref<!tpu.dma_semaphore, #tpu.memory_space<semaphore_mem>>)
      %dma_wait3A = tpu.memref_slice %arg5[%add3A_38] : memref<40000xf32, #tpu.memory_space<hbm>> -> memref<624xf32, #tpu.memory_space<hbm>>
      %dma_wait3A_45 = tpu.memref_slice %arg5[%add3A_38] : memref<40000xf32, #tpu.memory_space<hbm>> -> memref<624xf32, #tpu.memory_space<hbm>>
      tpu.wait_dma2 semaphore(%run_scoped3A : memref<!tpu.dma_semaphore, #tpu.memory_space<semaphore_mem>>) src(%arg9 : memref<624xf32, #tpu.memory_space<vmem>>) dst(%dma_wait3A_45 : memref<624xf32, #tpu.memory_space<hbm>>)
      tpu.yield
    }) : () -> ()
    %eq3A_39 = arith.constant 15 : i32
    %eq3A_40 = arith.cmpi eq, %arg1, %eq3A_39 : i32
    %convert_element_type3A_41 = arith.extui %eq3A_40 : i1 to i32
    %cond3A_42 = arith.constant 0 : i32
    %cond3A_43 = arith.cmpi ne, %convert_element_type3A_41, %cond3A_42 : i32
    scf.if %cond3A_43 {
      "tpu.region"() ({
        %run_scoped3A = tpu.sem_alloc : memref<!tpu.dma_semaphore, #tpu.memory_space<semaphore_mem>>
        %dma_start3A = arith.constant 0 : i32
        %dma_start3A_50 = tpu.memref_slice %arg9[%dma_start3A] : memref<624xf32, #tpu.memory_space<vmem>> -> memref<16xf32, #tpu.memory_space<vmem>>
        %dma_start3A_51 = arith.constant 9984 : i32
        %dma_start3A_52 = tpu.memref_slice %arg10[%dma_start3A_51] : memref<10000xf32, #tpu.memory_space<vmem_shared>> -> memref<16xf32, #tpu.memory_space<vmem_shared>>
        %dma_start3A_53 = arith.constant 0 : i32
        %dma_start3A_54 = tpu.memref_slice %arg9[%dma_start3A_53] : memref<624xf32, #tpu.memory_space<vmem>> -> memref<16xf32, #tpu.memory_space<vmem>>
        %dma_start3A_55 = arith.constant 9984 : i32
        %dma_start3A_56 = tpu.memref_slice %arg10[%dma_start3A_55] : memref<10000xf32, #tpu.memory_space<vmem_shared>> -> memref<16xf32, #tpu.memory_space<vmem_shared>>
        tpu.enqueue_dma source(%dma_start3A_56 : memref<16xf32, #tpu.memory_space<vmem_shared>>) target(%dma_start3A_54 : memref<16xf32, #tpu.memory_space<vmem>>) target_semaphore(%run_scoped3A : memref<!tpu.dma_semaphore, #tpu.memory_space<semaphore_mem>>)
        %dma_wait3A = arith.constant 0 : i32
        %dma_wait3A_57 = tpu.memref_slice %arg9[%dma_wait3A] : memref<624xf32, #tpu.memory_space<vmem>> -> memref<16xf32, #tpu.memory_space<vmem>>
        %dma_wait3A_58 = arith.constant 9984 : i32
        %dma_wait3A_59 = tpu.memref_slice %arg10[%dma_wait3A_58] : memref<10000xf32, #tpu.memory_space<vmem_shared>> -> memref<16xf32, #tpu.memory_space<vmem_shared>>
        %dma_wait3A_60 = arith.constant 0 : i32
        %dma_wait3A_61 = tpu.memref_slice %arg9[%dma_wait3A_60] : memref<624xf32, #tpu.memory_space<vmem>> -> memref<16xf32, #tpu.memory_space<vmem>>
        %dma_wait3A_62 = arith.constant 9984 : i32
        %dma_wait3A_63 = tpu.memref_slice %arg10[%dma_wait3A_62] : memref<10000xf32, #tpu.memory_space<vmem_shared>> -> memref<16xf32, #tpu.memory_space<vmem_shared>>
        tpu.wait_dma2 semaphore(%run_scoped3A : memref<!tpu.dma_semaphore, #tpu.memory_space<semaphore_mem>>) src(%dma_wait3A_63 : memref<16xf32, #tpu.memory_space<vmem_shared>>) dst(%dma_wait3A_61 : memref<16xf32, #tpu.memory_space<vmem>>)
        tpu.yield
      }) : () -> ()
      %add3A_44 = arith.constant 9984 : i32
      %add3A_45 = arith.addi %mul3A_26, %add3A_44 : i32
      "tpu.region"() ({
        %run_scoped3A = tpu.sem_alloc : memref<!tpu.dma_semaphore, #tpu.memory_space<semaphore_mem>>
        %dma_start3A = arith.constant 0 : i32
        %dma_start3A_50 = tpu.memref_slice %arg9[%dma_start3A] : memref<624xf32, #tpu.memory_space<vmem>> -> memref<16xf32, #tpu.memory_space<vmem>>
        %dma_start3A_51 = tpu.memref_slice %arg5[%add3A_45] : memref<40000xf32, #tpu.memory_space<hbm>> -> memref<16xf32, #tpu.memory_space<hbm>>
        %dma_start3A_52 = tpu.memref_slice %arg5[%add3A_45] : memref<40000xf32, #tpu.memory_space<hbm>> -> memref<16xf32, #tpu.memory_space<hbm>>
        %dma_start3A_53 = arith.constant 0 : i32
        %dma_start3A_54 = tpu.memref_slice %arg9[%dma_start3A_53] : memref<624xf32, #tpu.memory_space<vmem>> -> memref<16xf32, #tpu.memory_space<vmem>>
        tpu.enqueue_dma source(%dma_start3A_54 : memref<16xf32, #tpu.memory_space<vmem>>) target(%dma_start3A_52 : memref<16xf32, #tpu.memory_space<hbm>>) target_semaphore(%run_scoped3A : memref<!tpu.dma_semaphore, #tpu.memory_space<semaphore_mem>>)
        %dma_wait3A = arith.constant 0 : i32
        %dma_wait3A_55 = tpu.memref_slice %arg9[%dma_wait3A] : memref<624xf32, #tpu.memory_space<vmem>> -> memref<16xf32, #tpu.memory_space<vmem>>
        %dma_wait3A_56 = tpu.memref_slice %arg5[%add3A_45] : memref<40000xf32, #tpu.memory_space<hbm>> -> memref<16xf32, #tpu.memory_space<hbm>>
        %dma_wait3A_57 = tpu.memref_slice %arg5[%add3A_45] : memref<40000xf32, #tpu.memory_space<hbm>> -> memref<16xf32, #tpu.memory_space<hbm>>
        %dma_wait3A_58 = arith.constant 0 : i32
        %dma_wait3A_59 = tpu.memref_slice %arg9[%dma_wait3A_58] : memref<624xf32, #tpu.memory_space<vmem>> -> memref<16xf32, #tpu.memory_space<vmem>>
        tpu.wait_dma2 semaphore(%run_scoped3A : memref<!tpu.dma_semaphore, #tpu.memory_space<semaphore_mem>>) src(%dma_wait3A_59 : memref<16xf32, #tpu.memory_space<vmem>>) dst(%dma_wait3A_57 : memref<16xf32, #tpu.memory_space<hbm>>)
        tpu.yield
      }) : () -> ()
      "tpu.region"() ({
        %run_scoped3A = tpu.sem_alloc : memref<!tpu.dma_semaphore, #tpu.memory_space<semaphore_mem>>
        %dma_start3A = arith.constant 0 : i32
        %dma_start3A_50 = tpu.memref_slice %arg9[%dma_start3A] : memref<624xf32, #tpu.memory_space<vmem>> -> memref<16xf32, #tpu.memory_space<vmem>>
        %dma_start3A_51 = arith.constant 9984 : i32
        %dma_start3A_52 = tpu.memref_slice %arg11[%dma_start3A_51] : memref<10000xf32, #tpu.memory_space<vmem_shared>> -> memref<16xf32, #tpu.memory_space<vmem_shared>>
        %dma_start3A_53 = arith.constant 0 : i32
        %dma_start3A_54 = tpu.memref_slice %arg9[%dma_start3A_53] : memref<624xf32, #tpu.memory_space<vmem>> -> memref<16xf32, #tpu.memory_space<vmem>>
        %dma_start3A_55 = arith.constant 9984 : i32
        %dma_start3A_56 = tpu.memref_slice %arg11[%dma_start3A_55] : memref<10000xf32, #tpu.memory_space<vmem_shared>> -> memref<16xf32, #tpu.memory_space<vmem_shared>>
        tpu.enqueue_dma source(%dma_start3A_56 : memref<16xf32, #tpu.memory_space<vmem_shared>>) target(%dma_start3A_54 : memref<16xf32, #tpu.memory_space<vmem>>) target_semaphore(%run_scoped3A : memref<!tpu.dma_semaphore, #tpu.memory_space<semaphore_mem>>)
        %dma_wait3A = arith.constant 0 : i32
        %dma_wait3A_57 = tpu.memref_slice %arg9[%dma_wait3A] : memref<624xf32, #tpu.memory_space<vmem>> -> memref<16xf32, #tpu.memory_space<vmem>>
        %dma_wait3A_58 = arith.constant 9984 : i32
        %dma_wait3A_59 = tpu.memref_slice %arg11[%dma_wait3A_58] : memref<10000xf32, #tpu.memory_space<vmem_shared>> -> memref<16xf32, #tpu.memory_space<vmem_shared>>
        %dma_wait3A_60 = arith.constant 0 : i32
        %dma_wait3A_61 = tpu.memref_slice %arg9[%dma_wait3A_60] : memref<624xf32, #tpu.memory_space<vmem>> -> memref<16xf32, #tpu.memory_space<vmem>>
        %dma_wait3A_62 = arith.constant 9984 : i32
        %dma_wait3A_63 = tpu.memref_slice %arg11[%dma_wait3A_62] : memref<10000xf32, #tpu.memory_space<vmem_shared>> -> memref<16xf32, #tpu.memory_space<vmem_shared>>
        tpu.wait_dma2 semaphore(%run_scoped3A : memref<!tpu.dma_semaphore, #tpu.memory_space<semaphore_mem>>) src(%dma_wait3A_63 : memref<16xf32, #tpu.memory_space<vmem_shared>>) dst(%dma_wait3A_61 : memref<16xf32, #tpu.memory_space<vmem>>)
        tpu.yield
      }) : () -> ()
      %add3A_46 = arith.constant 10000 : i32
      %add3A_47 = arith.addi %mul3A_26, %add3A_46 : i32
      %add3A_48 = arith.constant 9984 : i32
      %add3A_49 = arith.addi %add3A_47, %add3A_48 : i32
      "tpu.region"() ({
        %run_scoped3A = tpu.sem_alloc : memref<!tpu.dma_semaphore, #tpu.memory_space<semaphore_mem>>
        %dma_start3A = arith.constant 0 : i32
        %dma_start3A_50 = tpu.memref_slice %arg9[%dma_start3A] : memref<624xf32, #tpu.memory_space<vmem>> -> memref<16xf32, #tpu.memory_space<vmem>>
        %dma_start3A_51 = tpu.memref_slice %arg5[%add3A_49] : memref<40000xf32, #tpu.memory_space<hbm>> -> memref<16xf32, #tpu.memory_space<hbm>>
        %dma_start3A_52 = tpu.memref_slice %arg5[%add3A_49] : memref<40000xf32, #tpu.memory_space<hbm>> -> memref<16xf32, #tpu.memory_space<hbm>>
        %dma_start3A_53 = arith.constant 0 : i32
        %dma_start3A_54 = tpu.memref_slice %arg9[%dma_start3A_53] : memref<624xf32, #tpu.memory_space<vmem>> -> memref<16xf32, #tpu.memory_space<vmem>>
        tpu.enqueue_dma source(%dma_start3A_54 : memref<16xf32, #tpu.memory_space<vmem>>) target(%dma_start3A_52 : memref<16xf32, #tpu.memory_space<hbm>>) target_semaphore(%run_scoped3A : memref<!tpu.dma_semaphore, #tpu.memory_space<semaphore_mem>>)
        %dma_wait3A = arith.constant 0 : i32
        %dma_wait3A_55 = tpu.memref_slice %arg9[%dma_wait3A] : memref<624xf32, #tpu.memory_space<vmem>> -> memref<16xf32, #tpu.memory_space<vmem>>
        %dma_wait3A_56 = tpu.memref_slice %arg5[%add3A_49] : memref<40000xf32, #tpu.memory_space<hbm>> -> memref<16xf32, #tpu.memory_space<hbm>>
        %dma_wait3A_57 = tpu.memref_slice %arg5[%add3A_49] : memref<40000xf32, #tpu.memory_space<hbm>> -> memref<16xf32, #tpu.memory_space<hbm>>
        %dma_wait3A_58 = arith.constant 0 : i32
        %dma_wait3A_59 = tpu.memref_slice %arg9[%dma_wait3A_58] : memref<624xf32, #tpu.memory_space<vmem>> -> memref<16xf32, #tpu.memory_space<vmem>>
        tpu.wait_dma2 semaphore(%run_scoped3A : memref<!tpu.dma_semaphore, #tpu.memory_space<semaphore_mem>>) src(%dma_wait3A_59 : memref<16xf32, #tpu.memory_space<vmem>>) dst(%dma_wait3A_57 : memref<16xf32, #tpu.memory_space<hbm>>)
        tpu.yield
      }) : () -> ()
    } else {
    }
    return
  }
}

#map = affine_map<(d0, d1) -> (0, 0)>
#map1 = affine_map<(d0, d1) -> (0, 0, 0)>
module attributes {stable_mosaic.version = 14 : i64} {
  func.func @_agg_kernel(%arg0: i32, %arg1: i32, %arg2: memref<20000x64xf32, #tpu.memory_space<hbm>>, %arg3: memref<5000x128xi32, #tpu.memory_space<hbm>>, %arg4: memref<128x64xf32, #tpu.memory_space<hbm>>, %arg5: memref<10000x2x64xf32, #tpu.memory_space<hbm>>, %arg6: memref<52x128xi32, #tpu.memory_space<vmem>>, %arg7: memref<52x128xi32, #tpu.memory_space<vmem>>, %arg8: memref<128x64xf32, #tpu.memory_space<vmem>>, %arg9: memref<128x64xf32, #tpu.memory_space<vmem>>, %arg10: memref<128x64xf32, #tpu.memory_space<vmem>>, %arg11: memref<128x64xf32, #tpu.memory_space<vmem>>, %arg12: memref<10000x64xf32, #tpu.memory_space<vmem_shared>>, %arg13: memref<!tpu.dma_semaphore, #tpu.memory_space<semaphore_mem>>, %arg14: memref<!tpu.dma_semaphore, #tpu.memory_space<semaphore_mem>>, %arg15: memref<!tpu.dma_semaphore, #tpu.memory_space<semaphore_mem>>, %arg16: memref<!tpu.dma_semaphore, #tpu.memory_space<semaphore_mem>>, %arg17: memref<!tpu.dma_semaphore, #tpu.memory_space<semaphore_mem>>, %arg18: memref<!tpu.dma_semaphore, #tpu.memory_space<semaphore_mem>>, %arg19: memref<!tpu.dma_semaphore, #tpu.memory_space<semaphore_mem>>, %arg20: memref<!tpu.dma_semaphore, #tpu.memory_space<semaphore_mem>>) attributes {dimension_semantics = [#tpu.dimension_semantics<core_parallel>, #tpu.dimension_semantics<subcore_parallel>], iteration_bounds = array<i64: 2, 16>, scalar_prefetch = 0 : i64, scratch_operands = 15 : i64, tpu.core_type = #tpu.core_type<sc_vector_subcore>, window_params = [{transform_indices = #map}, {transform_indices = #map}, {transform_indices = #map}, {transform_indices = #map1}]} {
    "tpu.region"() ({
      %run_scoped3A = tpu.sem_alloc : memref<!tpu.dma_semaphore, #tpu.memory_space<semaphore_mem>>
      tpu.enqueue_dma source(%arg4 : memref<128x64xf32, #tpu.memory_space<hbm>>) target(%arg8 : memref<128x64xf32, #tpu.memory_space<vmem>>) target_semaphore(%run_scoped3A : memref<!tpu.dma_semaphore, #tpu.memory_space<semaphore_mem>>)
      tpu.wait_dma2 semaphore(%run_scoped3A : memref<!tpu.dma_semaphore, #tpu.memory_space<semaphore_mem>>) src(%arg4 : memref<128x64xf32, #tpu.memory_space<hbm>>) dst(%arg8 : memref<128x64xf32, #tpu.memory_space<vmem>>)
      tpu.yield
    }) : () -> ()
    %mul3A = arith.constant 624 : i32
    %mul3A_0 = arith.muli %arg1, %mul3A : i32
    %add3A = arith.constant 0 : i32
    %add3A_1 = arith.addi %mul3A_0, %add3A : i32
    "tpu.region"() ({
      %run_scoped3A = tpu.sem_alloc : memref<!tpu.dma_semaphore, #tpu.memory_space<semaphore_mem>>
      %dma_start3A = arith.constant 0 : i32
      %dma_start3A_75 = tpu.memref_slice %arg12[%add3A_1, %dma_start3A] : memref<10000x64xf32, #tpu.memory_space<vmem_shared>> -> memref<128x64xf32, #tpu.memory_space<vmem_shared>>
      %dma_start3A_76 = arith.constant 0 : i32
      %dma_start3A_77 = tpu.memref_slice %arg12[%add3A_1, %dma_start3A_76] : memref<10000x64xf32, #tpu.memory_space<vmem_shared>> -> memref<128x64xf32, #tpu.memory_space<vmem_shared>>
      tpu.enqueue_dma source(%arg8 : memref<128x64xf32, #tpu.memory_space<vmem>>) target(%dma_start3A_77 : memref<128x64xf32, #tpu.memory_space<vmem_shared>>) target_semaphore(%run_scoped3A : memref<!tpu.dma_semaphore, #tpu.memory_space<semaphore_mem>>)
      %dma_wait3A = arith.constant 0 : i32
      %dma_wait3A_78 = tpu.memref_slice %arg12[%add3A_1, %dma_wait3A] : memref<10000x64xf32, #tpu.memory_space<vmem_shared>> -> memref<128x64xf32, #tpu.memory_space<vmem_shared>>
      %dma_wait3A_79 = arith.constant 0 : i32
      %dma_wait3A_80 = tpu.memref_slice %arg12[%add3A_1, %dma_wait3A_79] : memref<10000x64xf32, #tpu.memory_space<vmem_shared>> -> memref<128x64xf32, #tpu.memory_space<vmem_shared>>
      tpu.wait_dma2 semaphore(%run_scoped3A : memref<!tpu.dma_semaphore, #tpu.memory_space<semaphore_mem>>) src(%arg8 : memref<128x64xf32, #tpu.memory_space<vmem>>) dst(%dma_wait3A_80 : memref<128x64xf32, #tpu.memory_space<vmem_shared>>)
      tpu.yield
    }) : () -> ()
    %mul3A_2 = arith.constant 624 : i32
    %mul3A_3 = arith.muli %arg1, %mul3A_2 : i32
    %add3A_4 = arith.constant 128 : i32
    %add3A_5 = arith.addi %mul3A_3, %add3A_4 : i32
    "tpu.region"() ({
      %run_scoped3A = tpu.sem_alloc : memref<!tpu.dma_semaphore, #tpu.memory_space<semaphore_mem>>
      %dma_start3A = arith.constant 0 : i32
      %dma_start3A_75 = tpu.memref_slice %arg12[%add3A_5, %dma_start3A] : memref<10000x64xf32, #tpu.memory_space<vmem_shared>> -> memref<128x64xf32, #tpu.memory_space<vmem_shared>>
      %dma_start3A_76 = arith.constant 0 : i32
      %dma_start3A_77 = tpu.memref_slice %arg12[%add3A_5, %dma_start3A_76] : memref<10000x64xf32, #tpu.memory_space<vmem_shared>> -> memref<128x64xf32, #tpu.memory_space<vmem_shared>>
      tpu.enqueue_dma source(%arg8 : memref<128x64xf32, #tpu.memory_space<vmem>>) target(%dma_start3A_77 : memref<128x64xf32, #tpu.memory_space<vmem_shared>>) target_semaphore(%run_scoped3A : memref<!tpu.dma_semaphore, #tpu.memory_space<semaphore_mem>>)
      %dma_wait3A = arith.constant 0 : i32
      %dma_wait3A_78 = tpu.memref_slice %arg12[%add3A_5, %dma_wait3A] : memref<10000x64xf32, #tpu.memory_space<vmem_shared>> -> memref<128x64xf32, #tpu.memory_space<vmem_shared>>
      %dma_wait3A_79 = arith.constant 0 : i32
      %dma_wait3A_80 = tpu.memref_slice %arg12[%add3A_5, %dma_wait3A_79] : memref<10000x64xf32, #tpu.memory_space<vmem_shared>> -> memref<128x64xf32, #tpu.memory_space<vmem_shared>>
      tpu.wait_dma2 semaphore(%run_scoped3A : memref<!tpu.dma_semaphore, #tpu.memory_space<semaphore_mem>>) src(%arg8 : memref<128x64xf32, #tpu.memory_space<vmem>>) dst(%dma_wait3A_80 : memref<128x64xf32, #tpu.memory_space<vmem_shared>>)
      tpu.yield
    }) : () -> ()
    %mul3A_6 = arith.constant 624 : i32
    %mul3A_7 = arith.muli %arg1, %mul3A_6 : i32
    %add3A_8 = arith.constant 256 : i32
    %add3A_9 = arith.addi %mul3A_7, %add3A_8 : i32
    "tpu.region"() ({
      %run_scoped3A = tpu.sem_alloc : memref<!tpu.dma_semaphore, #tpu.memory_space<semaphore_mem>>
      %dma_start3A = arith.constant 0 : i32
      %dma_start3A_75 = tpu.memref_slice %arg12[%add3A_9, %dma_start3A] : memref<10000x64xf32, #tpu.memory_space<vmem_shared>> -> memref<128x64xf32, #tpu.memory_space<vmem_shared>>
      %dma_start3A_76 = arith.constant 0 : i32
      %dma_start3A_77 = tpu.memref_slice %arg12[%add3A_9, %dma_start3A_76] : memref<10000x64xf32, #tpu.memory_space<vmem_shared>> -> memref<128x64xf32, #tpu.memory_space<vmem_shared>>
      tpu.enqueue_dma source(%arg8 : memref<128x64xf32, #tpu.memory_space<vmem>>) target(%dma_start3A_77 : memref<128x64xf32, #tpu.memory_space<vmem_shared>>) target_semaphore(%run_scoped3A : memref<!tpu.dma_semaphore, #tpu.memory_space<semaphore_mem>>)
      %dma_wait3A = arith.constant 0 : i32
      %dma_wait3A_78 = tpu.memref_slice %arg12[%add3A_9, %dma_wait3A] : memref<10000x64xf32, #tpu.memory_space<vmem_shared>> -> memref<128x64xf32, #tpu.memory_space<vmem_shared>>
      %dma_wait3A_79 = arith.constant 0 : i32
      %dma_wait3A_80 = tpu.memref_slice %arg12[%add3A_9, %dma_wait3A_79] : memref<10000x64xf32, #tpu.memory_space<vmem_shared>> -> memref<128x64xf32, #tpu.memory_space<vmem_shared>>
      tpu.wait_dma2 semaphore(%run_scoped3A : memref<!tpu.dma_semaphore, #tpu.memory_space<semaphore_mem>>) src(%arg8 : memref<128x64xf32, #tpu.memory_space<vmem>>) dst(%dma_wait3A_80 : memref<128x64xf32, #tpu.memory_space<vmem_shared>>)
      tpu.yield
    }) : () -> ()
    %mul3A_10 = arith.constant 624 : i32
    %mul3A_11 = arith.muli %arg1, %mul3A_10 : i32
    %add3A_12 = arith.constant 384 : i32
    %add3A_13 = arith.addi %mul3A_11, %add3A_12 : i32
    "tpu.region"() ({
      %run_scoped3A = tpu.sem_alloc : memref<!tpu.dma_semaphore, #tpu.memory_space<semaphore_mem>>
      %dma_start3A = arith.constant 0 : i32
      %dma_start3A_75 = tpu.memref_slice %arg12[%add3A_13, %dma_start3A] : memref<10000x64xf32, #tpu.memory_space<vmem_shared>> -> memref<128x64xf32, #tpu.memory_space<vmem_shared>>
      %dma_start3A_76 = arith.constant 0 : i32
      %dma_start3A_77 = tpu.memref_slice %arg12[%add3A_13, %dma_start3A_76] : memref<10000x64xf32, #tpu.memory_space<vmem_shared>> -> memref<128x64xf32, #tpu.memory_space<vmem_shared>>
      tpu.enqueue_dma source(%arg8 : memref<128x64xf32, #tpu.memory_space<vmem>>) target(%dma_start3A_77 : memref<128x64xf32, #tpu.memory_space<vmem_shared>>) target_semaphore(%run_scoped3A : memref<!tpu.dma_semaphore, #tpu.memory_space<semaphore_mem>>)
      %dma_wait3A = arith.constant 0 : i32
      %dma_wait3A_78 = tpu.memref_slice %arg12[%add3A_13, %dma_wait3A] : memref<10000x64xf32, #tpu.memory_space<vmem_shared>> -> memref<128x64xf32, #tpu.memory_space<vmem_shared>>
      %dma_wait3A_79 = arith.constant 0 : i32
      %dma_wait3A_80 = tpu.memref_slice %arg12[%add3A_13, %dma_wait3A_79] : memref<10000x64xf32, #tpu.memory_space<vmem_shared>> -> memref<128x64xf32, #tpu.memory_space<vmem_shared>>
      tpu.wait_dma2 semaphore(%run_scoped3A : memref<!tpu.dma_semaphore, #tpu.memory_space<semaphore_mem>>) src(%arg8 : memref<128x64xf32, #tpu.memory_space<vmem>>) dst(%dma_wait3A_80 : memref<128x64xf32, #tpu.memory_space<vmem_shared>>)
      tpu.yield
    }) : () -> ()
    %mul3A_14 = arith.constant 624 : i32
    %mul3A_15 = arith.muli %arg1, %mul3A_14 : i32
    %add3A_16 = arith.constant 512 : i32
    %add3A_17 = arith.addi %mul3A_15, %add3A_16 : i32
    "tpu.region"() ({
      %run_scoped3A = tpu.sem_alloc : memref<!tpu.dma_semaphore, #tpu.memory_space<semaphore_mem>>
      %dma_start3A = arith.constant 0 : i32
      %dma_start3A_75 = arith.constant 0 : i32
      %dma_start3A_76 = tpu.memref_slice %arg8[%dma_start3A, %dma_start3A_75] : memref<128x64xf32, #tpu.memory_space<vmem>> -> memref<112x64xf32, #tpu.memory_space<vmem>>
      %dma_start3A_77 = arith.constant 0 : i32
      %dma_start3A_78 = tpu.memref_slice %arg12[%add3A_17, %dma_start3A_77] : memref<10000x64xf32, #tpu.memory_space<vmem_shared>> -> memref<112x64xf32, #tpu.memory_space<vmem_shared>>
      %dma_start3A_79 = arith.constant 0 : i32
      %dma_start3A_80 = tpu.memref_slice %arg12[%add3A_17, %dma_start3A_79] : memref<10000x64xf32, #tpu.memory_space<vmem_shared>> -> memref<112x64xf32, #tpu.memory_space<vmem_shared>>
      %dma_start3A_81 = arith.constant 0 : i32
      %dma_start3A_82 = arith.constant 0 : i32
      %dma_start3A_83 = tpu.memref_slice %arg8[%dma_start3A_81, %dma_start3A_82] : memref<128x64xf32, #tpu.memory_space<vmem>> -> memref<112x64xf32, #tpu.memory_space<vmem>>
      tpu.enqueue_dma source(%dma_start3A_83 : memref<112x64xf32, #tpu.memory_space<vmem>>) target(%dma_start3A_80 : memref<112x64xf32, #tpu.memory_space<vmem_shared>>) target_semaphore(%run_scoped3A : memref<!tpu.dma_semaphore, #tpu.memory_space<semaphore_mem>>)
      %dma_wait3A = arith.constant 0 : i32
      %dma_wait3A_84 = arith.constant 0 : i32
      %dma_wait3A_85 = tpu.memref_slice %arg8[%dma_wait3A, %dma_wait3A_84] : memref<128x64xf32, #tpu.memory_space<vmem>> -> memref<112x64xf32, #tpu.memory_space<vmem>>
      %dma_wait3A_86 = arith.constant 0 : i32
      %dma_wait3A_87 = tpu.memref_slice %arg12[%add3A_17, %dma_wait3A_86] : memref<10000x64xf32, #tpu.memory_space<vmem_shared>> -> memref<112x64xf32, #tpu.memory_space<vmem_shared>>
      %dma_wait3A_88 = arith.constant 0 : i32
      %dma_wait3A_89 = tpu.memref_slice %arg12[%add3A_17, %dma_wait3A_88] : memref<10000x64xf32, #tpu.memory_space<vmem_shared>> -> memref<112x64xf32, #tpu.memory_space<vmem_shared>>
      %dma_wait3A_90 = arith.constant 0 : i32
      %dma_wait3A_91 = arith.constant 0 : i32
      %dma_wait3A_92 = tpu.memref_slice %arg8[%dma_wait3A_90, %dma_wait3A_91] : memref<128x64xf32, #tpu.memory_space<vmem>> -> memref<112x64xf32, #tpu.memory_space<vmem>>
      tpu.wait_dma2 semaphore(%run_scoped3A : memref<!tpu.dma_semaphore, #tpu.memory_space<semaphore_mem>>) src(%dma_wait3A_92 : memref<112x64xf32, #tpu.memory_space<vmem>>) dst(%dma_wait3A_89 : memref<112x64xf32, #tpu.memory_space<vmem_shared>>)
      tpu.yield
    }) : () -> ()
    %eq3A = arith.constant 15 : i32
    %eq3A_18 = arith.cmpi eq, %arg1, %eq3A : i32
    %convert_element_type3A = arith.extui %eq3A_18 : i1 to i32
    %cond3A = arith.constant 0 : i32
    %cond3A_19 = arith.cmpi ne, %convert_element_type3A, %cond3A : i32
    scf.if %cond3A_19 {
      "tpu.region"() ({
        %run_scoped3A = tpu.sem_alloc : memref<!tpu.dma_semaphore, #tpu.memory_space<semaphore_mem>>
        %dma_start3A = arith.constant 0 : i32
        %dma_start3A_75 = arith.constant 0 : i32
        %dma_start3A_76 = tpu.memref_slice %arg8[%dma_start3A, %dma_start3A_75] : memref<128x64xf32, #tpu.memory_space<vmem>> -> memref<16x64xf32, #tpu.memory_space<vmem>>
        %dma_start3A_77 = arith.constant 9984 : i32
        %dma_start3A_78 = arith.constant 0 : i32
        %dma_start3A_79 = tpu.memref_slice %arg12[%dma_start3A_77, %dma_start3A_78] : memref<10000x64xf32, #tpu.memory_space<vmem_shared>> -> memref<16x64xf32, #tpu.memory_space<vmem_shared>>
        %dma_start3A_80 = arith.constant 9984 : i32
        %dma_start3A_81 = arith.constant 0 : i32
        %dma_start3A_82 = tpu.memref_slice %arg12[%dma_start3A_80, %dma_start3A_81] : memref<10000x64xf32, #tpu.memory_space<vmem_shared>> -> memref<16x64xf32, #tpu.memory_space<vmem_shared>>
        %dma_start3A_83 = arith.constant 0 : i32
        %dma_start3A_84 = arith.constant 0 : i32
        %dma_start3A_85 = tpu.memref_slice %arg8[%dma_start3A_83, %dma_start3A_84] : memref<128x64xf32, #tpu.memory_space<vmem>> -> memref<16x64xf32, #tpu.memory_space<vmem>>
        tpu.enqueue_dma source(%dma_start3A_85 : memref<16x64xf32, #tpu.memory_space<vmem>>) target(%dma_start3A_82 : memref<16x64xf32, #tpu.memory_space<vmem_shared>>) target_semaphore(%run_scoped3A : memref<!tpu.dma_semaphore, #tpu.memory_space<semaphore_mem>>)
        %dma_wait3A = arith.constant 0 : i32
        %dma_wait3A_86 = arith.constant 0 : i32
        %dma_wait3A_87 = tpu.memref_slice %arg8[%dma_wait3A, %dma_wait3A_86] : memref<128x64xf32, #tpu.memory_space<vmem>> -> memref<16x64xf32, #tpu.memory_space<vmem>>
        %dma_wait3A_88 = arith.constant 9984 : i32
        %dma_wait3A_89 = arith.constant 0 : i32
        %dma_wait3A_90 = tpu.memref_slice %arg12[%dma_wait3A_88, %dma_wait3A_89] : memref<10000x64xf32, #tpu.memory_space<vmem_shared>> -> memref<16x64xf32, #tpu.memory_space<vmem_shared>>
        %dma_wait3A_91 = arith.constant 9984 : i32
        %dma_wait3A_92 = arith.constant 0 : i32
        %dma_wait3A_93 = tpu.memref_slice %arg12[%dma_wait3A_91, %dma_wait3A_92] : memref<10000x64xf32, #tpu.memory_space<vmem_shared>> -> memref<16x64xf32, #tpu.memory_space<vmem_shared>>
        %dma_wait3A_94 = arith.constant 0 : i32
        %dma_wait3A_95 = arith.constant 0 : i32
        %dma_wait3A_96 = tpu.memref_slice %arg8[%dma_wait3A_94, %dma_wait3A_95] : memref<128x64xf32, #tpu.memory_space<vmem>> -> memref<16x64xf32, #tpu.memory_space<vmem>>
        tpu.wait_dma2 semaphore(%run_scoped3A : memref<!tpu.dma_semaphore, #tpu.memory_space<semaphore_mem>>) src(%dma_wait3A_96 : memref<16x64xf32, #tpu.memory_space<vmem>>) dst(%dma_wait3A_93 : memref<16x64xf32, #tpu.memory_space<vmem_shared>>)
        tpu.yield
      }) : () -> ()
    } else {
    }
    %barrier3A = arith.constant 0 : index
    tpu.barrier barrier_id(%barrier3A)
    %scan3A = arith.constant 0 : i32
    %scan3A_20 = arith.constant 0 : i32
    %scan3A_21 = arith.constant 3 : i32
    %scan3A_22 = arith.addi %scan3A_20, %scan3A_21 : i32
    %scan3A_23 = arith.constant 1 : i32
    scf.for %scan3A_75 = %scan3A_20 to %scan3A_22 step %scan3A_23  : i32 {
      %mul3A_76 = arith.constant 156 : i32
      %mul3A_77 = arith.muli %arg1, %mul3A_76 : i32
      %mul3A_78 = arith.constant 52 : i32
      %mul3A_79 = arith.muli %scan3A_75, %mul3A_78 : i32
      %add3A_80 = arith.addi %mul3A_77, %mul3A_79 : i32
      "tpu.region"() ({
        %run_scoped3A = tpu.sem_alloc : memref<!tpu.dma_semaphore, #tpu.memory_space<semaphore_mem>>
        %dma_start3A_135 = arith.constant 0 : i32
        %dma_start3A_136 = tpu.memref_slice %arg3[%add3A_80, %dma_start3A_135] : memref<5000x128xi32, #tpu.memory_space<hbm>> -> memref<52x128xi32, #tpu.memory_space<hbm>>
        %dma_start3A_137 = arith.constant 0 : i32
        %dma_start3A_138 = tpu.memref_slice %arg3[%add3A_80, %dma_start3A_137] : memref<5000x128xi32, #tpu.memory_space<hbm>> -> memref<52x128xi32, #tpu.memory_space<hbm>>
        tpu.enqueue_dma source(%dma_start3A_138 : memref<52x128xi32, #tpu.memory_space<hbm>>) target(%arg6 : memref<52x128xi32, #tpu.memory_space<vmem>>) target_semaphore(%run_scoped3A : memref<!tpu.dma_semaphore, #tpu.memory_space<semaphore_mem>>)
        %dma_wait3A_139 = arith.constant 0 : i32
        %dma_wait3A_140 = tpu.memref_slice %arg3[%add3A_80, %dma_wait3A_139] : memref<5000x128xi32, #tpu.memory_space<hbm>> -> memref<52x128xi32, #tpu.memory_space<hbm>>
        %dma_wait3A_141 = arith.constant 0 : i32
        %dma_wait3A_142 = tpu.memref_slice %arg3[%add3A_80, %dma_wait3A_141] : memref<5000x128xi32, #tpu.memory_space<hbm>> -> memref<52x128xi32, #tpu.memory_space<hbm>>
        tpu.wait_dma2 semaphore(%run_scoped3A : memref<!tpu.dma_semaphore, #tpu.memory_space<semaphore_mem>>) src(%dma_wait3A_142 : memref<52x128xi32, #tpu.memory_space<hbm>>) dst(%arg6 : memref<52x128xi32, #tpu.memory_space<vmem>>)
        tpu.yield
      }) : () -> ()
      %add3A_81 = arith.constant 2500 : i32
      %add3A_82 = arith.addi %add3A_81, %add3A_80 : i32
      "tpu.region"() ({
        %run_scoped3A = tpu.sem_alloc : memref<!tpu.dma_semaphore, #tpu.memory_space<semaphore_mem>>
        %dma_start3A_135 = arith.constant 0 : i32
        %dma_start3A_136 = tpu.memref_slice %arg3[%add3A_82, %dma_start3A_135] : memref<5000x128xi32, #tpu.memory_space<hbm>> -> memref<52x128xi32, #tpu.memory_space<hbm>>
        %dma_start3A_137 = arith.constant 0 : i32
        %dma_start3A_138 = tpu.memref_slice %arg3[%add3A_82, %dma_start3A_137] : memref<5000x128xi32, #tpu.memory_space<hbm>> -> memref<52x128xi32, #tpu.memory_space<hbm>>
        tpu.enqueue_dma source(%dma_start3A_138 : memref<52x128xi32, #tpu.memory_space<hbm>>) target(%arg7 : memref<52x128xi32, #tpu.memory_space<vmem>>) target_semaphore(%run_scoped3A : memref<!tpu.dma_semaphore, #tpu.memory_space<semaphore_mem>>)
        %dma_wait3A_139 = arith.constant 0 : i32
        %dma_wait3A_140 = tpu.memref_slice %arg3[%add3A_82, %dma_wait3A_139] : memref<5000x128xi32, #tpu.memory_space<hbm>> -> memref<52x128xi32, #tpu.memory_space<hbm>>
        %dma_wait3A_141 = arith.constant 0 : i32
        %dma_wait3A_142 = tpu.memref_slice %arg3[%add3A_82, %dma_wait3A_141] : memref<5000x128xi32, #tpu.memory_space<hbm>> -> memref<52x128xi32, #tpu.memory_space<hbm>>
        tpu.wait_dma2 semaphore(%run_scoped3A : memref<!tpu.dma_semaphore, #tpu.memory_space<semaphore_mem>>) src(%dma_wait3A_142 : memref<52x128xi32, #tpu.memory_space<hbm>>) dst(%arg7 : memref<52x128xi32, #tpu.memory_space<vmem>>)
        tpu.yield
      }) : () -> ()
      %scan3A_83 = arith.constant 0 : i32
      %scan3A_84 = arith.constant 0 : i32
      %scan3A_85 = arith.constant 52 : i32
      %scan3A_86 = arith.addi %scan3A_84, %scan3A_85 : i32
      %scan3A_87 = arith.constant 1 : i32
      scf.for %scan3A_135 = %scan3A_84 to %scan3A_86 step %scan3A_87  : i32 {
        %get3A = arith.index_cast %scan3A_135 : i32 to index
        %get3A_136 = arith.constant 0 : index
        %get3A_137 = tpu.vector_load %arg6[%get3A, %get3A_136] {strides = array<i32>} : memref<52x128xi32, #tpu.memory_space<vmem>>, vector<1x16xi32>,
        %get3A_138 = vector.shape_cast %get3A_137 : vector<1x16xi32> to vector<16xi32>
        %mul3A_139 = arith.constant 2 : i32
        %mul3A_140 = vector.broadcast %mul3A_139 : i32 to vector<16xi32>
        %mul3A_141 = arith.muli %get3A_138, %mul3A_140 : vector<16xi32>
        %add3A_142 = vector.broadcast %arg0 : i32 to vector<16xi32>
        %add3A_143 = arith.addi %mul3A_141, %add3A_142 : vector<16xi32>
        %swap3A = arith.index_cast %scan3A_135 : i32 to index
        %swap3A_144 = arith.constant 0 : index
        %swap3A_145 = tpu.vector_load %arg6[%swap3A, %swap3A_144] {strides = array<i32>} : memref<52x128xi32, #tpu.memory_space<vmem>>, vector<1x16xi32>,
        %swap3A_146 = vector.shape_cast %swap3A_145 : vector<1x16xi32> to vector<16xi32>
        %swap3A_147 = vector.shape_cast %add3A_143 : vector<16xi32> to vector<1x16xi32>
        tpu.vector_store %arg6[%swap3A, %swap3A_144], %swap3A_147 {strides = array<i32>} : memref<52x128xi32, #tpu.memory_space<vmem>>, vector<1x16xi32>,
        %get3A_148 = arith.index_cast %scan3A_135 : i32 to index
        %get3A_149 = arith.constant 16 : index
        %get3A_150 = tpu.vector_load %arg6[%get3A_148, %get3A_149] {strides = array<i32>} : memref<52x128xi32, #tpu.memory_space<vmem>>, vector<1x16xi32>,
        %get3A_151 = vector.shape_cast %get3A_150 : vector<1x16xi32> to vector<16xi32>
        %mul3A_152 = arith.constant 2 : i32
        %mul3A_153 = vector.broadcast %mul3A_152 : i32 to vector<16xi32>
        %mul3A_154 = arith.muli %get3A_151, %mul3A_153 : vector<16xi32>
        %add3A_155 = vector.broadcast %arg0 : i32 to vector<16xi32>
        %add3A_156 = arith.addi %mul3A_154, %add3A_155 : vector<16xi32>
        %swap3A_157 = arith.index_cast %scan3A_135 : i32 to index
        %swap3A_158 = arith.constant 16 : index
        %swap3A_159 = tpu.vector_load %arg6[%swap3A_157, %swap3A_158] {strides = array<i32>} : memref<52x128xi32, #tpu.memory_space<vmem>>, vector<1x16xi32>,
        %swap3A_160 = vector.shape_cast %swap3A_159 : vector<1x16xi32> to vector<16xi32>
        %swap3A_161 = vector.shape_cast %add3A_156 : vector<16xi32> to vector<1x16xi32>
        tpu.vector_store %arg6[%swap3A_157, %swap3A_158], %swap3A_161 {strides = array<i32>} : memref<52x128xi32, #tpu.memory_space<vmem>>, vector<1x16xi32>,
        %get3A_162 = arith.index_cast %scan3A_135 : i32 to index
        %get3A_163 = arith.constant 32 : index
        %get3A_164 = tpu.vector_load %arg6[%get3A_162, %get3A_163] {strides = array<i32>} : memref<52x128xi32, #tpu.memory_space<vmem>>, vector<1x16xi32>,
        %get3A_165 = vector.shape_cast %get3A_164 : vector<1x16xi32> to vector<16xi32>
        %mul3A_166 = arith.constant 2 : i32
        %mul3A_167 = vector.broadcast %mul3A_166 : i32 to vector<16xi32>
        %mul3A_168 = arith.muli %get3A_165, %mul3A_167 : vector<16xi32>
        %add3A_169 = vector.broadcast %arg0 : i32 to vector<16xi32>
        %add3A_170 = arith.addi %mul3A_168, %add3A_169 : vector<16xi32>
        %swap3A_171 = arith.index_cast %scan3A_135 : i32 to index
        %swap3A_172 = arith.constant 32 : index
        %swap3A_173 = tpu.vector_load %arg6[%swap3A_171, %swap3A_172] {strides = array<i32>} : memref<52x128xi32, #tpu.memory_space<vmem>>, vector<1x16xi32>,
        %swap3A_174 = vector.shape_cast %swap3A_173 : vector<1x16xi32> to vector<16xi32>
        %swap3A_175 = vector.shape_cast %add3A_170 : vector<16xi32> to vector<1x16xi32>
        tpu.vector_store %arg6[%swap3A_171, %swap3A_172], %swap3A_175 {strides = array<i32>} : memref<52x128xi32, #tpu.memory_space<vmem>>, vector<1x16xi32>,
        %get3A_176 = arith.index_cast %scan3A_135 : i32 to index
        %get3A_177 = arith.constant 48 : index
        %get3A_178 = tpu.vector_load %arg6[%get3A_176, %get3A_177] {strides = array<i32>} : memref<52x128xi32, #tpu.memory_space<vmem>>, vector<1x16xi32>,
        %get3A_179 = vector.shape_cast %get3A_178 : vector<1x16xi32> to vector<16xi32>
        %mul3A_180 = arith.constant 2 : i32
        %mul3A_181 = vector.broadcast %mul3A_180 : i32 to vector<16xi32>
        %mul3A_182 = arith.muli %get3A_179, %mul3A_181 : vector<16xi32>
        %add3A_183 = vector.broadcast %arg0 : i32 to vector<16xi32>
        %add3A_184 = arith.addi %mul3A_182, %add3A_183 : vector<16xi32>
        %swap3A_185 = arith.index_cast %scan3A_135 : i32 to index
        %swap3A_186 = arith.constant 48 : index
        %swap3A_187 = tpu.vector_load %arg6[%swap3A_185, %swap3A_186] {strides = array<i32>} : memref<52x128xi32, #tpu.memory_space<vmem>>, vector<1x16xi32>,
        %swap3A_188 = vector.shape_cast %swap3A_187 : vector<1x16xi32> to vector<16xi32>
        %swap3A_189 = vector.shape_cast %add3A_184 : vector<16xi32> to vector<1x16xi32>
        tpu.vector_store %arg6[%swap3A_185, %swap3A_186], %swap3A_189 {strides = array<i32>} : memref<52x128xi32, #tpu.memory_space<vmem>>, vector<1x16xi32>,
        %get3A_190 = arith.index_cast %scan3A_135 : i32 to index
        %get3A_191 = arith.constant 64 : index
        %get3A_192 = tpu.vector_load %arg6[%get3A_190, %get3A_191] {strides = array<i32>} : memref<52x128xi32, #tpu.memory_space<vmem>>, vector<1x16xi32>,
        %get3A_193 = vector.shape_cast %get3A_192 : vector<1x16xi32> to vector<16xi32>
        %mul3A_194 = arith.constant 2 : i32
        %mul3A_195 = vector.broadcast %mul3A_194 : i32 to vector<16xi32>
        %mul3A_196 = arith.muli %get3A_193, %mul3A_195 : vector<16xi32>
        %add3A_197 = vector.broadcast %arg0 : i32 to vector<16xi32>
        %add3A_198 = arith.addi %mul3A_196, %add3A_197 : vector<16xi32>
        %swap3A_199 = arith.index_cast %scan3A_135 : i32 to index
        %swap3A_200 = arith.constant 64 : index
        %swap3A_201 = tpu.vector_load %arg6[%swap3A_199, %swap3A_200] {strides = array<i32>} : memref<52x128xi32, #tpu.memory_space<vmem>>, vector<1x16xi32>,
        %swap3A_202 = vector.shape_cast %swap3A_201 : vector<1x16xi32> to vector<16xi32>
        %swap3A_203 = vector.shape_cast %add3A_198 : vector<16xi32> to vector<1x16xi32>
        tpu.vector_store %arg6[%swap3A_199, %swap3A_200], %swap3A_203 {strides = array<i32>} : memref<52x128xi32, #tpu.memory_space<vmem>>, vector<1x16xi32>,
        %get3A_204 = arith.index_cast %scan3A_135 : i32 to index
        %get3A_205 = arith.constant 80 : index
        %get3A_206 = tpu.vector_load %arg6[%get3A_204, %get3A_205] {strides = array<i32>} : memref<52x128xi32, #tpu.memory_space<vmem>>, vector<1x16xi32>,
        %get3A_207 = vector.shape_cast %get3A_206 : vector<1x16xi32> to vector<16xi32>
        %mul3A_208 = arith.constant 2 : i32
        %mul3A_209 = vector.broadcast %mul3A_208 : i32 to vector<16xi32>
        %mul3A_210 = arith.muli %get3A_207, %mul3A_209 : vector<16xi32>
        %add3A_211 = vector.broadcast %arg0 : i32 to vector<16xi32>
        %add3A_212 = arith.addi %mul3A_210, %add3A_211 : vector<16xi32>
        %swap3A_213 = arith.index_cast %scan3A_135 : i32 to index
        %swap3A_214 = arith.constant 80 : index
        %swap3A_215 = tpu.vector_load %arg6[%swap3A_213, %swap3A_214] {strides = array<i32>} : memref<52x128xi32, #tpu.memory_space<vmem>>, vector<1x16xi32>,
        %swap3A_216 = vector.shape_cast %swap3A_215 : vector<1x16xi32> to vector<16xi32>
        %swap3A_217 = vector.shape_cast %add3A_212 : vector<16xi32> to vector<1x16xi32>
        tpu.vector_store %arg6[%swap3A_213, %swap3A_214], %swap3A_217 {strides = array<i32>} : memref<52x128xi32, #tpu.memory_space<vmem>>, vector<1x16xi32>,
        %get3A_218 = arith.index_cast %scan3A_135 : i32 to index
        %get3A_219 = arith.constant 96 : index
        %get3A_220 = tpu.vector_load %arg6[%get3A_218, %get3A_219] {strides = array<i32>} : memref<52x128xi32, #tpu.memory_space<vmem>>, vector<1x16xi32>,
        %get3A_221 = vector.shape_cast %get3A_220 : vector<1x16xi32> to vector<16xi32>
        %mul3A_222 = arith.constant 2 : i32
        %mul3A_223 = vector.broadcast %mul3A_222 : i32 to vector<16xi32>
        %mul3A_224 = arith.muli %get3A_221, %mul3A_223 : vector<16xi32>
        %add3A_225 = vector.broadcast %arg0 : i32 to vector<16xi32>
        %add3A_226 = arith.addi %mul3A_224, %add3A_225 : vector<16xi32>
        %swap3A_227 = arith.index_cast %scan3A_135 : i32 to index
        %swap3A_228 = arith.constant 96 : index
        %swap3A_229 = tpu.vector_load %arg6[%swap3A_227, %swap3A_228] {strides = array<i32>} : memref<52x128xi32, #tpu.memory_space<vmem>>, vector<1x16xi32>,
        %swap3A_230 = vector.shape_cast %swap3A_229 : vector<1x16xi32> to vector<16xi32>
        %swap3A_231 = vector.shape_cast %add3A_226 : vector<16xi32> to vector<1x16xi32>
        tpu.vector_store %arg6[%swap3A_227, %swap3A_228], %swap3A_231 {strides = array<i32>} : memref<52x128xi32, #tpu.memory_space<vmem>>, vector<1x16xi32>,
        %get3A_232 = arith.index_cast %scan3A_135 : i32 to index
        %get3A_233 = arith.constant 112 : index
        %get3A_234 = tpu.vector_load %arg6[%get3A_232, %get3A_233] {strides = array<i32>} : memref<52x128xi32, #tpu.memory_space<vmem>>, vector<1x16xi32>,
        %get3A_235 = vector.shape_cast %get3A_234 : vector<1x16xi32> to vector<16xi32>
        %mul3A_236 = arith.constant 2 : i32
        %mul3A_237 = vector.broadcast %mul3A_236 : i32 to vector<16xi32>
        %mul3A_238 = arith.muli %get3A_235, %mul3A_237 : vector<16xi32>
        %add3A_239 = vector.broadcast %arg0 : i32 to vector<16xi32>
        %add3A_240 = arith.addi %mul3A_238, %add3A_239 : vector<16xi32>
        %swap3A_241 = arith.index_cast %scan3A_135 : i32 to index
        %swap3A_242 = arith.constant 112 : index
        %swap3A_243 = tpu.vector_load %arg6[%swap3A_241, %swap3A_242] {strides = array<i32>} : memref<52x128xi32, #tpu.memory_space<vmem>>, vector<1x16xi32>,
        %swap3A_244 = vector.shape_cast %swap3A_243 : vector<1x16xi32> to vector<16xi32>
        %swap3A_245 = vector.shape_cast %add3A_240 : vector<16xi32> to vector<1x16xi32>
        tpu.vector_store %arg6[%swap3A_241, %swap3A_242], %swap3A_245 {strides = array<i32>} : memref<52x128xi32, #tpu.memory_space<vmem>>, vector<1x16xi32>,
      }
      %scan3A_88 = arith.constant 52 : i32
      %dma_start3A = arith.constant 0 : i32
      %dma_start3A_89 = arith.constant 0 : i32
      %dma_start3A_90 = tpu.memref_slice %arg6[%dma_start3A, %dma_start3A_89] : memref<52x128xi32, #tpu.memory_space<vmem>> -> memref<1x128xi32, #tpu.memory_space<vmem>>
      %dma_start3A_91 = tpu.memref_squeeze %dma_start3A_90 : memref<1x128xi32, #tpu.memory_space<vmem>> -> memref<128xi32, #tpu.memory_space<vmem>>
      %dma_start3A_92 = arith.constant 0 : i32
      %dma_start3A_93 = arith.constant 0 : i32
      %dma_start3A_94 = tpu.memref_slice %arg2[%dma_start3A_92, %dma_start3A_93] : memref<20000x64xf32, #tpu.memory_space<hbm>> -> memref<20000x64xf32, #tpu.memory_space<hbm>>
      tpu.enqueue_indirect_dma source(%dma_start3A_94 : memref<20000x64xf32, #tpu.memory_space<hbm>>) target(%arg8 : memref<128x64xf32, #tpu.memory_space<vmem>>) offsets(%dma_start3A_91 : memref<128xi32, #tpu.memory_space<vmem>>) semaphore(%arg13 : memref<!tpu.dma_semaphore, #tpu.memory_space<semaphore_mem>>)
      %dma_start3A_95 = arith.constant 1 : i32
      %dma_start3A_96 = arith.constant 0 : i32
      %dma_start3A_97 = tpu.memref_slice %arg6[%dma_start3A_95, %dma_start3A_96] : memref<52x128xi32, #tpu.memory_space<vmem>> -> memref<1x128xi32, #tpu.memory_space<vmem>>
      %dma_start3A_98 = tpu.memref_squeeze %dma_start3A_97 : memref<1x128xi32, #tpu.memory_space<vmem>> -> memref<128xi32, #tpu.memory_space<vmem>>
      %dma_start3A_99 = arith.constant 0 : i32
      %dma_start3A_100 = arith.constant 0 : i32
      %dma_start3A_101 = tpu.memref_slice %arg2[%dma_start3A_99, %dma_start3A_100] : memref<20000x64xf32, #tpu.memory_space<hbm>> -> memref<20000x64xf32, #tpu.memory_space<hbm>>
      tpu.enqueue_indirect_dma source(%dma_start3A_101 : memref<20000x64xf32, #tpu.memory_space<hbm>>) target(%arg9 : memref<128x64xf32, #tpu.memory_space<vmem>>) offsets(%dma_start3A_98 : memref<128xi32, #tpu.memory_space<vmem>>) semaphore(%arg14 : memref<!tpu.dma_semaphore, #tpu.memory_space<semaphore_mem>>)
      %scan3A_102 = arith.constant 0 : i32
      %scan3A_103 = arith.constant 0 : i32
      %scan3A_104 = arith.constant 13 : i32
      %scan3A_105 = arith.addi %scan3A_103, %scan3A_104 : i32
      %scan3A_106 = arith.constant 1 : i32
      scf.for %scan3A_135 = %scan3A_103 to %scan3A_105 step %scan3A_106  : i32 {
        %mul3A_136 = arith.constant 4 : i32
        %mul3A_137 = arith.muli %scan3A_135, %mul3A_136 : i32
        %add3A_138 = arith.constant 0 : i32
        %add3A_139 = arith.addi %mul3A_137, %add3A_138 : i32
        %dma_wait3A_140 = arith.constant 0 : i32
        %dma_wait3A_141 = tpu.memref_slice %arg6[%add3A_139, %dma_wait3A_140] : memref<52x128xi32, #tpu.memory_space<vmem>> -> memref<1x128xi32, #tpu.memory_space<vmem>>
        %dma_wait3A_142 = tpu.memref_squeeze %dma_wait3A_141 : memref<1x128xi32, #tpu.memory_space<vmem>> -> memref<128xi32, #tpu.memory_space<vmem>>
        %dma_wait3A_143 = arith.constant 0 : i32
        %dma_wait3A_144 = arith.constant 0 : i32
        %dma_wait3A_145 = tpu.memref_slice %arg2[%dma_wait3A_143, %dma_wait3A_144] : memref<20000x64xf32, #tpu.memory_space<hbm>> -> memref<20000x64xf32, #tpu.memory_space<hbm>>
        tpu.wait_indirect_dma semaphore(%arg13 : memref<!tpu.dma_semaphore, #tpu.memory_space<semaphore_mem>>) src(%dma_wait3A_145 : memref<20000x64xf32, #tpu.memory_space<hbm>>) dst(%arg8 : memref<128x64xf32, #tpu.memory_space<vmem>>)
        %dma_start3A_146 = arith.constant 0 : i32
        %dma_start3A_147 = tpu.memref_slice %arg7[%add3A_139, %dma_start3A_146] : memref<52x128xi32, #tpu.memory_space<vmem>> -> memref<1x128xi32, #tpu.memory_space<vmem>>
        %dma_start3A_148 = tpu.memref_squeeze %dma_start3A_147 : memref<1x128xi32, #tpu.memory_space<vmem>> -> memref<128xi32, #tpu.memory_space<vmem>>
        %dma_start3A_149 = arith.constant 0 : i32
        %dma_start3A_150 = arith.constant 0 : i32
        %dma_start3A_151 = tpu.memref_slice %arg12[%dma_start3A_149, %dma_start3A_150] : memref<10000x64xf32, #tpu.memory_space<vmem_shared>> -> memref<10000x64xf32, #tpu.memory_space<vmem_shared>>
        tpu.enqueue_indirect_dma source(%arg8 : memref<128x64xf32, #tpu.memory_space<vmem>>) target(%dma_start3A_151 : memref<10000x64xf32, #tpu.memory_space<vmem_shared>>) offsets(%dma_start3A_148 : memref<128xi32, #tpu.memory_space<vmem>>) semaphore(%arg17 : memref<!tpu.dma_semaphore, #tpu.memory_space<semaphore_mem>>) {add = true}
        %add3A_152 = arith.constant 2 : i32
        %add3A_153 = arith.addi %add3A_139, %add3A_152 : i32
        %lt3A_154 = arith.constant 52 : i32
        %lt3A_155 = arith.cmpi slt, %add3A_153, %lt3A_154 : i32
        %convert_element_type3A_156 = arith.extui %lt3A_155 : i1 to i32
        %cond3A_157 = arith.constant 0 : i32
        %cond3A_158 = arith.cmpi ne, %convert_element_type3A_156, %cond3A_157 : i32
        scf.if %cond3A_158 {
          %ge3A = arith.constant 2 : i32
          %ge3A_228 = arith.cmpi sge, %add3A_139, %ge3A : i32
          %convert_element_type3A_229 = arith.extui %ge3A_228 : i1 to i32
          %cond3A_230 = arith.constant 0 : i32
          %cond3A_231 = arith.cmpi ne, %convert_element_type3A_229, %cond3A_230 : i32
          scf.if %cond3A_231 {
            %dma_wait3A_240 = arith.constant 0 : i32
            %dma_wait3A_241 = arith.constant 0 : i32
            %dma_wait3A_242 = tpu.memref_slice %arg7[%dma_wait3A_240, %dma_wait3A_241] : memref<52x128xi32, #tpu.memory_space<vmem>> -> memref<1x128xi32, #tpu.memory_space<vmem>>
            %dma_wait3A_243 = tpu.memref_squeeze %dma_wait3A_242 : memref<1x128xi32, #tpu.memory_space<vmem>> -> memref<128xi32, #tpu.memory_space<vmem>>
            %dma_wait3A_244 = arith.constant 0 : i32
            %dma_wait3A_245 = arith.constant 0 : i32
            %dma_wait3A_246 = tpu.memref_slice %arg12[%dma_wait3A_244, %dma_wait3A_245] : memref<10000x64xf32, #tpu.memory_space<vmem_shared>> -> memref<10000x64xf32, #tpu.memory_space<vmem_shared>>
            tpu.wait_indirect_dma semaphore(%arg19 : memref<!tpu.dma_semaphore, #tpu.memory_space<semaphore_mem>>) src(%arg10 : memref<128x64xf32, #tpu.memory_space<vmem>>) dst(%dma_wait3A_246 : memref<10000x64xf32, #tpu.memory_space<vmem_shared>>)
          } else {
          }
          %add3A_232 = arith.constant 2 : i32
          %add3A_233 = arith.addi %add3A_139, %add3A_232 : i32
          %dma_start3A_234 = arith.constant 0 : i32
          %dma_start3A_235 = tpu.memref_slice %arg6[%add3A_233, %dma_start3A_234] : memref<52x128xi32, #tpu.memory_space<vmem>> -> memref<1x128xi32, #tpu.memory_space<vmem>>
          %dma_start3A_236 = tpu.memref_squeeze %dma_start3A_235 : memref<1x128xi32, #tpu.memory_space<vmem>> -> memref<128xi32, #tpu.memory_space<vmem>>
          %dma_start3A_237 = arith.constant 0 : i32
          %dma_start3A_238 = arith.constant 0 : i32
          %dma_start3A_239 = tpu.memref_slice %arg2[%dma_start3A_237, %dma_start3A_238] : memref<20000x64xf32, #tpu.memory_space<hbm>> -> memref<20000x64xf32, #tpu.memory_space<hbm>>
          tpu.enqueue_indirect_dma source(%dma_start3A_239 : memref<20000x64xf32, #tpu.memory_space<hbm>>) target(%arg10 : memref<128x64xf32, #tpu.memory_space<vmem>>) offsets(%dma_start3A_236 : memref<128xi32, #tpu.memory_space<vmem>>) semaphore(%arg15 : memref<!tpu.dma_semaphore, #tpu.memory_space<semaphore_mem>>)
        } else {
        }
        %mul3A_159 = arith.constant 4 : i32
        %mul3A_160 = arith.muli %scan3A_135, %mul3A_159 : i32
        %add3A_161 = arith.constant 1 : i32
        %add3A_162 = arith.addi %mul3A_160, %add3A_161 : i32
        %dma_wait3A_163 = arith.constant 0 : i32
        %dma_wait3A_164 = tpu.memref_slice %arg6[%add3A_162, %dma_wait3A_163] : memref<52x128xi32, #tpu.memory_space<vmem>> -> memref<1x128xi32, #tpu.memory_space<vmem>>
        %dma_wait3A_165 = tpu.memref_squeeze %dma_wait3A_164 : memref<1x128xi32, #tpu.memory_space<vmem>> -> memref<128xi32, #tpu.memory_space<vmem>>
        %dma_wait3A_166 = arith.constant 0 : i32
        %dma_wait3A_167 = arith.constant 0 : i32
        %dma_wait3A_168 = tpu.memref_slice %arg2[%dma_wait3A_166, %dma_wait3A_167] : memref<20000x64xf32, #tpu.memory_space<hbm>> -> memref<20000x64xf32, #tpu.memory_space<hbm>>
        tpu.wait_indirect_dma semaphore(%arg14 : memref<!tpu.dma_semaphore, #tpu.memory_space<semaphore_mem>>) src(%dma_wait3A_168 : memref<20000x64xf32, #tpu.memory_space<hbm>>) dst(%arg9 : memref<128x64xf32, #tpu.memory_space<vmem>>)
        %dma_start3A_169 = arith.constant 0 : i32
        %dma_start3A_170 = tpu.memref_slice %arg7[%add3A_162, %dma_start3A_169] : memref<52x128xi32, #tpu.memory_space<vmem>> -> memref<1x128xi32, #tpu.memory_space<vmem>>
        %dma_start3A_171 = tpu.memref_squeeze %dma_start3A_170 : memref<1x128xi32, #tpu.memory_space<vmem>> -> memref<128xi32, #tpu.memory_space<vmem>>
        %dma_start3A_172 = arith.constant 0 : i32
        %dma_start3A_173 = arith.constant 0 : i32
        %dma_start3A_174 = tpu.memref_slice %arg12[%dma_start3A_172, %dma_start3A_173] : memref<10000x64xf32, #tpu.memory_space<vmem_shared>> -> memref<10000x64xf32, #tpu.memory_space<vmem_shared>>
        tpu.enqueue_indirect_dma source(%arg9 : memref<128x64xf32, #tpu.memory_space<vmem>>) target(%dma_start3A_174 : memref<10000x64xf32, #tpu.memory_space<vmem_shared>>) offsets(%dma_start3A_171 : memref<128xi32, #tpu.memory_space<vmem>>) semaphore(%arg18 : memref<!tpu.dma_semaphore, #tpu.memory_space<semaphore_mem>>) {add = true}
        %add3A_175 = arith.constant 2 : i32
        %add3A_176 = arith.addi %add3A_162, %add3A_175 : i32
        %lt3A_177 = arith.constant 52 : i32
        %lt3A_178 = arith.cmpi slt, %add3A_176, %lt3A_177 : i32
        %convert_element_type3A_179 = arith.extui %lt3A_178 : i1 to i32
        %cond3A_180 = arith.constant 0 : i32
        %cond3A_181 = arith.cmpi ne, %convert_element_type3A_179, %cond3A_180 : i32
        scf.if %cond3A_181 {
          %ge3A = arith.constant 2 : i32
          %ge3A_228 = arith.cmpi sge, %add3A_162, %ge3A : i32
          %convert_element_type3A_229 = arith.extui %ge3A_228 : i1 to i32
          %cond3A_230 = arith.constant 0 : i32
          %cond3A_231 = arith.cmpi ne, %convert_element_type3A_229, %cond3A_230 : i32
          scf.if %cond3A_231 {
            %dma_wait3A_240 = arith.constant 0 : i32
            %dma_wait3A_241 = arith.constant 0 : i32
            %dma_wait3A_242 = tpu.memref_slice %arg7[%dma_wait3A_240, %dma_wait3A_241] : memref<52x128xi32, #tpu.memory_space<vmem>> -> memref<1x128xi32, #tpu.memory_space<vmem>>
            %dma_wait3A_243 = tpu.memref_squeeze %dma_wait3A_242 : memref<1x128xi32, #tpu.memory_space<vmem>> -> memref<128xi32, #tpu.memory_space<vmem>>
            %dma_wait3A_244 = arith.constant 0 : i32
            %dma_wait3A_245 = arith.constant 0 : i32
            %dma_wait3A_246 = tpu.memref_slice %arg12[%dma_wait3A_244, %dma_wait3A_245] : memref<10000x64xf32, #tpu.memory_space<vmem_shared>> -> memref<10000x64xf32, #tpu.memory_space<vmem_shared>>
            tpu.wait_indirect_dma semaphore(%arg20 : memref<!tpu.dma_semaphore, #tpu.memory_space<semaphore_mem>>) src(%arg11 : memref<128x64xf32, #tpu.memory_space<vmem>>) dst(%dma_wait3A_246 : memref<10000x64xf32, #tpu.memory_space<vmem_shared>>)
          } else {
          }
          %add3A_232 = arith.constant 2 : i32
          %add3A_233 = arith.addi %add3A_162, %add3A_232 : i32
          %dma_start3A_234 = arith.constant 0 : i32
          %dma_start3A_235 = tpu.memref_slice %arg6[%add3A_233, %dma_start3A_234] : memref<52x128xi32, #tpu.memory_space<vmem>> -> memref<1x128xi32, #tpu.memory_space<vmem>>
          %dma_start3A_236 = tpu.memref_squeeze %dma_start3A_235 : memref<1x128xi32, #tpu.memory_space<vmem>> -> memref<128xi32, #tpu.memory_space<vmem>>
          %dma_start3A_237 = arith.constant 0 : i32
          %dma_start3A_238 = arith.constant 0 : i32
          %dma_start3A_239 = tpu.memref_slice %arg2[%dma_start3A_237, %dma_start3A_238] : memref<20000x64xf32, #tpu.memory_space<hbm>> -> memref<20000x64xf32, #tpu.memory_space<hbm>>
          tpu.enqueue_indirect_dma source(%dma_start3A_239 : memref<20000x64xf32, #tpu.memory_space<hbm>>) target(%arg11 : memref<128x64xf32, #tpu.memory_space<vmem>>) offsets(%dma_start3A_236 : memref<128xi32, #tpu.memory_space<vmem>>) semaphore(%arg16 : memref<!tpu.dma_semaphore, #tpu.memory_space<semaphore_mem>>)
        } else {
        }
        %mul3A_182 = arith.constant 4 : i32
        %mul3A_183 = arith.muli %scan3A_135, %mul3A_182 : i32
        %add3A_184 = arith.constant 2 : i32
        %add3A_185 = arith.addi %mul3A_183, %add3A_184 : i32
        %dma_wait3A_186 = arith.constant 0 : i32
        %dma_wait3A_187 = tpu.memref_slice %arg6[%add3A_185, %dma_wait3A_186] : memref<52x128xi32, #tpu.memory_space<vmem>> -> memref<1x128xi32, #tpu.memory_space<vmem>>
        %dma_wait3A_188 = tpu.memref_squeeze %dma_wait3A_187 : memref<1x128xi32, #tpu.memory_space<vmem>> -> memref<128xi32, #tpu.memory_space<vmem>>
        %dma_wait3A_189 = arith.constant 0 : i32
        %dma_wait3A_190 = arith.constant 0 : i32
        %dma_wait3A_191 = tpu.memref_slice %arg2[%dma_wait3A_189, %dma_wait3A_190] : memref<20000x64xf32, #tpu.memory_space<hbm>> -> memref<20000x64xf32, #tpu.memory_space<hbm>>
        tpu.wait_indirect_dma semaphore(%arg15 : memref<!tpu.dma_semaphore, #tpu.memory_space<semaphore_mem>>) src(%dma_wait3A_191 : memref<20000x64xf32, #tpu.memory_space<hbm>>) dst(%arg10 : memref<128x64xf32, #tpu.memory_space<vmem>>)
        %dma_start3A_192 = arith.constant 0 : i32
        %dma_start3A_193 = tpu.memref_slice %arg7[%add3A_185, %dma_start3A_192] : memref<52x128xi32, #tpu.memory_space<vmem>> -> memref<1x128xi32, #tpu.memory_space<vmem>>
        %dma_start3A_194 = tpu.memref_squeeze %dma_start3A_193 : memref<1x128xi32, #tpu.memory_space<vmem>> -> memref<128xi32, #tpu.memory_space<vmem>>
        %dma_start3A_195 = arith.constant 0 : i32
        %dma_start3A_196 = arith.constant 0 : i32
        %dma_start3A_197 = tpu.memref_slice %arg12[%dma_start3A_195, %dma_start3A_196] : memref<10000x64xf32, #tpu.memory_space<vmem_shared>> -> memref<10000x64xf32, #tpu.memory_space<vmem_shared>>
        tpu.enqueue_indirect_dma source(%arg10 : memref<128x64xf32, #tpu.memory_space<vmem>>) target(%dma_start3A_197 : memref<10000x64xf32, #tpu.memory_space<vmem_shared>>) offsets(%dma_start3A_194 : memref<128xi32, #tpu.memory_space<vmem>>) semaphore(%arg19 : memref<!tpu.dma_semaphore, #tpu.memory_space<semaphore_mem>>) {add = true}
        %add3A_198 = arith.constant 2 : i32
        %add3A_199 = arith.addi %add3A_185, %add3A_198 : i32
        %lt3A_200 = arith.constant 52 : i32
        %lt3A_201 = arith.cmpi slt, %add3A_199, %lt3A_200 : i32
        %convert_element_type3A_202 = arith.extui %lt3A_201 : i1 to i32
        %cond3A_203 = arith.constant 0 : i32
        %cond3A_204 = arith.cmpi ne, %convert_element_type3A_202, %cond3A_203 : i32
        scf.if %cond3A_204 {
          %ge3A = arith.constant 2 : i32
          %ge3A_228 = arith.cmpi sge, %add3A_185, %ge3A : i32
          %convert_element_type3A_229 = arith.extui %ge3A_228 : i1 to i32
          %cond3A_230 = arith.constant 0 : i32
          %cond3A_231 = arith.cmpi ne, %convert_element_type3A_229, %cond3A_230 : i32
          scf.if %cond3A_231 {
            %dma_wait3A_240 = arith.constant 0 : i32
            %dma_wait3A_241 = arith.constant 0 : i32
            %dma_wait3A_242 = tpu.memref_slice %arg7[%dma_wait3A_240, %dma_wait3A_241] : memref<52x128xi32, #tpu.memory_space<vmem>> -> memref<1x128xi32, #tpu.memory_space<vmem>>
            %dma_wait3A_243 = tpu.memref_squeeze %dma_wait3A_242 : memref<1x128xi32, #tpu.memory_space<vmem>> -> memref<128xi32, #tpu.memory_space<vmem>>
            %dma_wait3A_244 = arith.constant 0 : i32
            %dma_wait3A_245 = arith.constant 0 : i32
            %dma_wait3A_246 = tpu.memref_slice %arg12[%dma_wait3A_244, %dma_wait3A_245] : memref<10000x64xf32, #tpu.memory_space<vmem_shared>> -> memref<10000x64xf32, #tpu.memory_space<vmem_shared>>
            tpu.wait_indirect_dma semaphore(%arg17 : memref<!tpu.dma_semaphore, #tpu.memory_space<semaphore_mem>>) src(%arg8 : memref<128x64xf32, #tpu.memory_space<vmem>>) dst(%dma_wait3A_246 : memref<10000x64xf32, #tpu.memory_space<vmem_shared>>)
          } else {
          }
          %add3A_232 = arith.constant 2 : i32
          %add3A_233 = arith.addi %add3A_185, %add3A_232 : i32
          %dma_start3A_234 = arith.constant 0 : i32
          %dma_start3A_235 = tpu.memref_slice %arg6[%add3A_233, %dma_start3A_234] : memref<52x128xi32, #tpu.memory_space<vmem>> -> memref<1x128xi32, #tpu.memory_space<vmem>>
          %dma_start3A_236 = tpu.memref_squeeze %dma_start3A_235 : memref<1x128xi32, #tpu.memory_space<vmem>> -> memref<128xi32, #tpu.memory_space<vmem>>
          %dma_start3A_237 = arith.constant 0 : i32
          %dma_start3A_238 = arith.constant 0 : i32
          %dma_start3A_239 = tpu.memref_slice %arg2[%dma_start3A_237, %dma_start3A_238] : memref<20000x64xf32, #tpu.memory_space<hbm>> -> memref<20000x64xf32, #tpu.memory_space<hbm>>
          tpu.enqueue_indirect_dma source(%dma_start3A_239 : memref<20000x64xf32, #tpu.memory_space<hbm>>) target(%arg8 : memref<128x64xf32, #tpu.memory_space<vmem>>) offsets(%dma_start3A_236 : memref<128xi32, #tpu.memory_space<vmem>>) semaphore(%arg13 : memref<!tpu.dma_semaphore, #tpu.memory_space<semaphore_mem>>)
        } else {
        }
        %mul3A_205 = arith.constant 4 : i32
        %mul3A_206 = arith.muli %scan3A_135, %mul3A_205 : i32
        %add3A_207 = arith.constant 3 : i32
        %add3A_208 = arith.addi %mul3A_206, %add3A_207 : i32
        %dma_wait3A_209 = arith.constant 0 : i32
        %dma_wait3A_210 = tpu.memref_slice %arg6[%add3A_208, %dma_wait3A_209] : memref<52x128xi32, #tpu.memory_space<vmem>> -> memref<1x128xi32, #tpu.memory_space<vmem>>
        %dma_wait3A_211 = tpu.memref_squeeze %dma_wait3A_210 : memref<1x128xi32, #tpu.memory_space<vmem>> -> memref<128xi32, #tpu.memory_space<vmem>>
        %dma_wait3A_212 = arith.constant 0 : i32
        %dma_wait3A_213 = arith.constant 0 : i32
        %dma_wait3A_214 = tpu.memref_slice %arg2[%dma_wait3A_212, %dma_wait3A_213] : memref<20000x64xf32, #tpu.memory_space<hbm>> -> memref<20000x64xf32, #tpu.memory_space<hbm>>
        tpu.wait_indirect_dma semaphore(%arg16 : memref<!tpu.dma_semaphore, #tpu.memory_space<semaphore_mem>>) src(%dma_wait3A_214 : memref<20000x64xf32, #tpu.memory_space<hbm>>) dst(%arg11 : memref<128x64xf32, #tpu.memory_space<vmem>>)
        %dma_start3A_215 = arith.constant 0 : i32
        %dma_start3A_216 = tpu.memref_slice %arg7[%add3A_208, %dma_start3A_215] : memref<52x128xi32, #tpu.memory_space<vmem>> -> memref<1x128xi32, #tpu.memory_space<vmem>>
        %dma_start3A_217 = tpu.memref_squeeze %dma_start3A_216 : memref<1x128xi32, #tpu.memory_space<vmem>> -> memref<128xi32, #tpu.memory_space<vmem>>
        %dma_start3A_218 = arith.constant 0 : i32
        %dma_start3A_219 = arith.constant 0 : i32
        %dma_start3A_220 = tpu.memref_slice %arg12[%dma_start3A_218, %dma_start3A_219] : memref<10000x64xf32, #tpu.memory_space<vmem_shared>> -> memref<10000x64xf32, #tpu.memory_space<vmem_shared>>
        tpu.enqueue_indirect_dma source(%arg11 : memref<128x64xf32, #tpu.memory_space<vmem>>) target(%dma_start3A_220 : memref<10000x64xf32, #tpu.memory_space<vmem_shared>>) offsets(%dma_start3A_217 : memref<128xi32, #tpu.memory_space<vmem>>) semaphore(%arg20 : memref<!tpu.dma_semaphore, #tpu.memory_space<semaphore_mem>>) {add = true}
        %add3A_221 = arith.constant 2 : i32
        %add3A_222 = arith.addi %add3A_208, %add3A_221 : i32
        %lt3A_223 = arith.constant 52 : i32
        %lt3A_224 = arith.cmpi slt, %add3A_222, %lt3A_223 : i32
        %convert_element_type3A_225 = arith.extui %lt3A_224 : i1 to i32
        %cond3A_226 = arith.constant 0 : i32
        %cond3A_227 = arith.cmpi ne, %convert_element_type3A_225, %cond3A_226 : i32
        scf.if %cond3A_227 {
          %ge3A = arith.constant 2 : i32
          %ge3A_228 = arith.cmpi sge, %add3A_208, %ge3A : i32
          %convert_element_type3A_229 = arith.extui %ge3A_228 : i1 to i32
          %cond3A_230 = arith.constant 0 : i32
          %cond3A_231 = arith.cmpi ne, %convert_element_type3A_229, %cond3A_230 : i32
          scf.if %cond3A_231 {
            %dma_wait3A_240 = arith.constant 0 : i32
            %dma_wait3A_241 = arith.constant 0 : i32
            %dma_wait3A_242 = tpu.memref_slice %arg7[%dma_wait3A_240, %dma_wait3A_241] : memref<52x128xi32, #tpu.memory_space<vmem>> -> memref<1x128xi32, #tpu.memory_space<vmem>>
            %dma_wait3A_243 = tpu.memref_squeeze %dma_wait3A_242 : memref<1x128xi32, #tpu.memory_space<vmem>> -> memref<128xi32, #tpu.memory_space<vmem>>
            %dma_wait3A_244 = arith.constant 0 : i32
            %dma_wait3A_245 = arith.constant 0 : i32
            %dma_wait3A_246 = tpu.memref_slice %arg12[%dma_wait3A_244, %dma_wait3A_245] : memref<10000x64xf32, #tpu.memory_space<vmem_shared>> -> memref<10000x64xf32, #tpu.memory_space<vmem_shared>>
            tpu.wait_indirect_dma semaphore(%arg18 : memref<!tpu.dma_semaphore, #tpu.memory_space<semaphore_mem>>) src(%arg9 : memref<128x64xf32, #tpu.memory_space<vmem>>) dst(%dma_wait3A_246 : memref<10000x64xf32, #tpu.memory_space<vmem_shared>>)
          } else {
          }
          %add3A_232 = arith.constant 2 : i32
          %add3A_233 = arith.addi %add3A_208, %add3A_232 : i32
          %dma_start3A_234 = arith.constant 0 : i32
          %dma_start3A_235 = tpu.memref_slice %arg6[%add3A_233, %dma_start3A_234] : memref<52x128xi32, #tpu.memory_space<vmem>> -> memref<1x128xi32, #tpu.memory_space<vmem>>
          %dma_start3A_236 = tpu.memref_squeeze %dma_start3A_235 : memref<1x128xi32, #tpu.memory_space<vmem>> -> memref<128xi32, #tpu.memory_space<vmem>>
          %dma_start3A_237 = arith.constant 0 : i32
          %dma_start3A_238 = arith.constant 0 : i32
          %dma_start3A_239 = tpu.memref_slice %arg2[%dma_start3A_237, %dma_start3A_238] : memref<20000x64xf32, #tpu.memory_space<hbm>> -> memref<20000x64xf32, #tpu.memory_space<hbm>>
          tpu.enqueue_indirect_dma source(%dma_start3A_239 : memref<20000x64xf32, #tpu.memory_space<hbm>>) target(%arg9 : memref<128x64xf32, #tpu.memory_space<vmem>>) offsets(%dma_start3A_236 : memref<128xi32, #tpu.memory_space<vmem>>) semaphore(%arg14 : memref<!tpu.dma_semaphore, #tpu.memory_space<semaphore_mem>>)
        } else {
        }
      }
      %scan3A_107 = arith.constant 13 : i32
      %dma_wait3A = arith.constant 0 : i32
      %dma_wait3A_108 = arith.constant 0 : i32
      %dma_wait3A_109 = tpu.memref_slice %arg7[%dma_wait3A, %dma_wait3A_108] : memref<52x128xi32, #tpu.memory_space<vmem>> -> memref<1x128xi32, #tpu.memory_space<vmem>>
      %dma_wait3A_110 = tpu.memref_squeeze %dma_wait3A_109 : memref<1x128xi32, #tpu.memory_space<vmem>> -> memref<128xi32, #tpu.memory_space<vmem>>
      %dma_wait3A_111 = arith.constant 0 : i32
      %dma_wait3A_112 = arith.constant 0 : i32
      %dma_wait3A_113 = tpu.memref_slice %arg12[%dma_wait3A_111, %dma_wait3A_112] : memref<10000x64xf32, #tpu.memory_space<vmem_shared>> -> memref<10000x64xf32, #tpu.memory_space<vmem_shared>>
      tpu.wait_indirect_dma semaphore(%arg17 : memref<!tpu.dma_semaphore, #tpu.memory_space<semaphore_mem>>) src(%arg8 : memref<128x64xf32, #tpu.memory_space<vmem>>) dst(%dma_wait3A_113 : memref<10000x64xf32, #tpu.memory_space<vmem_shared>>)
      %dma_wait3A_114 = arith.constant 0 : i32
      %dma_wait3A_115 = arith.constant 0 : i32
      %dma_wait3A_116 = tpu.memref_slice %arg7[%dma_wait3A_114, %dma_wait3A_115] : memref<52x128xi32, #tpu.memory_space<vmem>> -> memref<1x128xi32, #tpu.memory_space<vmem>>
      %dma_wait3A_117 = tpu.memref_squeeze %dma_wait3A_116 : memref<1x128xi32, #tpu.memory_space<vmem>> -> memref<128xi32, #tpu.memory_space<vmem>>
      %dma_wait3A_118 = arith.constant 0 : i32
      %dma_wait3A_119 = arith.constant 0 : i32
      %dma_wait3A_120 = tpu.memref_slice %arg12[%dma_wait3A_118, %dma_wait3A_119] : memref<10000x64xf32, #tpu.memory_space<vmem_shared>> -> memref<10000x64xf32, #tpu.memory_space<vmem_shared>>
      tpu.wait_indirect_dma semaphore(%arg18 : memref<!tpu.dma_semaphore, #tpu.memory_space<semaphore_mem>>) src(%arg9 : memref<128x64xf32, #tpu.memory_space<vmem>>) dst(%dma_wait3A_120 : memref<10000x64xf32, #tpu.memory_space<vmem_shared>>)
      %dma_wait3A_121 = arith.constant 0 : i32
      %dma_wait3A_122 = arith.constant 0 : i32
      %dma_wait3A_123 = tpu.memref_slice %arg7[%dma_wait3A_121, %dma_wait3A_122] : memref<52x128xi32, #tpu.memory_space<vmem>> -> memref<1x128xi32, #tpu.memory_space<vmem>>
      %dma_wait3A_124 = tpu.memref_squeeze %dma_wait3A_123 : memref<1x128xi32, #tpu.memory_space<vmem>> -> memref<128xi32, #tpu.memory_space<vmem>>
      %dma_wait3A_125 = arith.constant 0 : i32
      %dma_wait3A_126 = arith.constant 0 : i32
      %dma_wait3A_127 = tpu.memref_slice %arg12[%dma_wait3A_125, %dma_wait3A_126] : memref<10000x64xf32, #tpu.memory_space<vmem_shared>> -> memref<10000x64xf32, #tpu.memory_space<vmem_shared>>
      tpu.wait_indirect_dma semaphore(%arg19 : memref<!tpu.dma_semaphore, #tpu.memory_space<semaphore_mem>>) src(%arg10 : memref<128x64xf32, #tpu.memory_space<vmem>>) dst(%dma_wait3A_127 : memref<10000x64xf32, #tpu.memory_space<vmem_shared>>)
      %dma_wait3A_128 = arith.constant 0 : i32
      %dma_wait3A_129 = arith.constant 0 : i32
      %dma_wait3A_130 = tpu.memref_slice %arg7[%dma_wait3A_128, %dma_wait3A_129] : memref<52x128xi32, #tpu.memory_space<vmem>> -> memref<1x128xi32, #tpu.memory_space<vmem>>
      %dma_wait3A_131 = tpu.memref_squeeze %dma_wait3A_130 : memref<1x128xi32, #tpu.memory_space<vmem>> -> memref<128xi32, #tpu.memory_space<vmem>>
      %dma_wait3A_132 = arith.constant 0 : i32
      %dma_wait3A_133 = arith.constant 0 : i32
      %dma_wait3A_134 = tpu.memref_slice %arg12[%dma_wait3A_132, %dma_wait3A_133] : memref<10000x64xf32, #tpu.memory_space<vmem_shared>> -> memref<10000x64xf32, #tpu.memory_space<vmem_shared>>
      tpu.wait_indirect_dma semaphore(%arg20 : memref<!tpu.dma_semaphore, #tpu.memory_space<semaphore_mem>>) src(%arg11 : memref<128x64xf32, #tpu.memory_space<vmem>>) dst(%dma_wait3A_134 : memref<10000x64xf32, #tpu.memory_space<vmem_shared>>)
    }
    %scan3A_24 = arith.constant 3 : i32
    %lt3A = arith.constant 4 : i32
    %lt3A_25 = arith.cmpi slt, %arg1, %lt3A : i32
    %convert_element_type3A_26 = arith.extui %lt3A_25 : i1 to i32
    %cond3A_27 = arith.constant 0 : i32
    %cond3A_28 = arith.cmpi ne, %convert_element_type3A_26, %cond3A_27 : i32
    scf.if %cond3A_28 {
      %add3A_75 = arith.constant 2496 : i32
      %add3A_76 = arith.addi %add3A_75, %arg1 : i32
      "tpu.region"() ({
        %run_scoped3A_217 = tpu.sem_alloc : memref<!tpu.dma_semaphore, #tpu.memory_space<semaphore_mem>>
        %dma_start3A_218 = arith.constant 0 : i32
        %dma_start3A_219 = arith.constant 0 : i32
        %dma_start3A_220 = tpu.memref_slice %arg6[%dma_start3A_218, %dma_start3A_219] : memref<52x128xi32, #tpu.memory_space<vmem>> -> memref<1x128xi32, #tpu.memory_space<vmem>>
        %dma_start3A_221 = arith.constant 0 : i32
        %dma_start3A_222 = tpu.memref_slice %arg3[%add3A_76, %dma_start3A_221] : memref<5000x128xi32, #tpu.memory_space<hbm>> -> memref<1x128xi32, #tpu.memory_space<hbm>>
        %dma_start3A_223 = arith.constant 0 : i32
        %dma_start3A_224 = arith.constant 0 : i32
        %dma_start3A_225 = tpu.memref_slice %arg6[%dma_start3A_223, %dma_start3A_224] : memref<52x128xi32, #tpu.memory_space<vmem>> -> memref<1x128xi32, #tpu.memory_space<vmem>>
        %dma_start3A_226 = arith.constant 0 : i32
        %dma_start3A_227 = tpu.memref_slice %arg3[%add3A_76, %dma_start3A_226] : memref<5000x128xi32, #tpu.memory_space<hbm>> -> memref<1x128xi32, #tpu.memory_space<hbm>>
        tpu.enqueue_dma source(%dma_start3A_227 : memref<1x128xi32, #tpu.memory_space<hbm>>) target(%dma_start3A_225 : memref<1x128xi32, #tpu.memory_space<vmem>>) target_semaphore(%run_scoped3A_217 : memref<!tpu.dma_semaphore, #tpu.memory_space<semaphore_mem>>)
        %dma_wait3A_228 = arith.constant 0 : i32
        %dma_wait3A_229 = arith.constant 0 : i32
        %dma_wait3A_230 = tpu.memref_slice %arg6[%dma_wait3A_228, %dma_wait3A_229] : memref<52x128xi32, #tpu.memory_space<vmem>> -> memref<1x128xi32, #tpu.memory_space<vmem>>
        %dma_wait3A_231 = arith.constant 0 : i32
        %dma_wait3A_232 = tpu.memref_slice %arg3[%add3A_76, %dma_wait3A_231] : memref<5000x128xi32, #tpu.memory_space<hbm>> -> memref<1x128xi32, #tpu.memory_space<hbm>>
        %dma_wait3A_233 = arith.constant 0 : i32
        %dma_wait3A_234 = arith.constant 0 : i32
        %dma_wait3A_235 = tpu.memref_slice %arg6[%dma_wait3A_233, %dma_wait3A_234] : memref<52x128xi32, #tpu.memory_space<vmem>> -> memref<1x128xi32, #tpu.memory_space<vmem>>
        %dma_wait3A_236 = arith.constant 0 : i32
        %dma_wait3A_237 = tpu.memref_slice %arg3[%add3A_76, %dma_wait3A_236] : memref<5000x128xi32, #tpu.memory_space<hbm>> -> memref<1x128xi32, #tpu.memory_space<hbm>>
        tpu.wait_dma2 semaphore(%run_scoped3A_217 : memref<!tpu.dma_semaphore, #tpu.memory_space<semaphore_mem>>) src(%dma_wait3A_237 : memref<1x128xi32, #tpu.memory_space<hbm>>) dst(%dma_wait3A_235 : memref<1x128xi32, #tpu.memory_space<vmem>>)
        tpu.yield
      }) : () -> ()
      %add3A_77 = arith.constant 2500 : i32
      %add3A_78 = arith.addi %add3A_77, %add3A_76 : i32
      "tpu.region"() ({
        %run_scoped3A_217 = tpu.sem_alloc : memref<!tpu.dma_semaphore, #tpu.memory_space<semaphore_mem>>
        %dma_start3A_218 = arith.constant 0 : i32
        %dma_start3A_219 = arith.constant 0 : i32
        %dma_start3A_220 = tpu.memref_slice %arg7[%dma_start3A_218, %dma_start3A_219] : memref<52x128xi32, #tpu.memory_space<vmem>> -> memref<1x128xi32, #tpu.memory_space<vmem>>
        %dma_start3A_221 = arith.constant 0 : i32
        %dma_start3A_222 = tpu.memref_slice %arg3[%add3A_78, %dma_start3A_221] : memref<5000x128xi32, #tpu.memory_space<hbm>> -> memref<1x128xi32, #tpu.memory_space<hbm>>
        %dma_start3A_223 = arith.constant 0 : i32
        %dma_start3A_224 = arith.constant 0 : i32
        %dma_start3A_225 = tpu.memref_slice %arg7[%dma_start3A_223, %dma_start3A_224] : memref<52x128xi32, #tpu.memory_space<vmem>> -> memref<1x128xi32, #tpu.memory_space<vmem>>
        %dma_start3A_226 = arith.constant 0 : i32
        %dma_start3A_227 = tpu.memref_slice %arg3[%add3A_78, %dma_start3A_226] : memref<5000x128xi32, #tpu.memory_space<hbm>> -> memref<1x128xi32, #tpu.memory_space<hbm>>
        tpu.enqueue_dma source(%dma_start3A_227 : memref<1x128xi32, #tpu.memory_space<hbm>>) target(%dma_start3A_225 : memref<1x128xi32, #tpu.memory_space<vmem>>) target_semaphore(%run_scoped3A_217 : memref<!tpu.dma_semaphore, #tpu.memory_space<semaphore_mem>>)
        %dma_wait3A_228 = arith.constant 0 : i32
        %dma_wait3A_229 = arith.constant 0 : i32
        %dma_wait3A_230 = tpu.memref_slice %arg7[%dma_wait3A_228, %dma_wait3A_229] : memref<52x128xi32, #tpu.memory_space<vmem>> -> memref<1x128xi32, #tpu.memory_space<vmem>>
        %dma_wait3A_231 = arith.constant 0 : i32
        %dma_wait3A_232 = tpu.memref_slice %arg3[%add3A_78, %dma_wait3A_231] : memref<5000x128xi32, #tpu.memory_space<hbm>> -> memref<1x128xi32, #tpu.memory_space<hbm>>
        %dma_wait3A_233 = arith.constant 0 : i32
        %dma_wait3A_234 = arith.constant 0 : i32
        %dma_wait3A_235 = tpu.memref_slice %arg7[%dma_wait3A_233, %dma_wait3A_234] : memref<52x128xi32, #tpu.memory_space<vmem>> -> memref<1x128xi32, #tpu.memory_space<vmem>>
        %dma_wait3A_236 = arith.constant 0 : i32
        %dma_wait3A_237 = tpu.memref_slice %arg3[%add3A_78, %dma_wait3A_236] : memref<5000x128xi32, #tpu.memory_space<hbm>> -> memref<1x128xi32, #tpu.memory_space<hbm>>
        tpu.wait_dma2 semaphore(%run_scoped3A_217 : memref<!tpu.dma_semaphore, #tpu.memory_space<semaphore_mem>>) src(%dma_wait3A_237 : memref<1x128xi32, #tpu.memory_space<hbm>>) dst(%dma_wait3A_235 : memref<1x128xi32, #tpu.memory_space<vmem>>)
        tpu.yield
      }) : () -> ()
      %get3A = arith.constant 0 : i32
      %get3A_79 = arith.index_cast %get3A : i32 to index
      %get3A_80 = arith.constant 0 : index
      %get3A_81 = tpu.vector_load %arg6[%get3A_79, %get3A_80] {strides = array<i32>} : memref<52x128xi32, #tpu.memory_space<vmem>>, vector<1x16xi32>,
      %get3A_82 = vector.shape_cast %get3A_81 : vector<1x16xi32> to vector<16xi32>
      %mul3A_83 = arith.constant 2 : i32
      %mul3A_84 = vector.broadcast %mul3A_83 : i32 to vector<16xi32>
      %mul3A_85 = arith.muli %get3A_82, %mul3A_84 : vector<16xi32>
      %add3A_86 = vector.broadcast %arg0 : i32 to vector<16xi32>
      %add3A_87 = arith.addi %mul3A_85, %add3A_86 : vector<16xi32>
      %swap3A = arith.constant 0 : i32
      %swap3A_88 = arith.index_cast %swap3A : i32 to index
      %swap3A_89 = arith.constant 0 : index
      %swap3A_90 = tpu.vector_load %arg6[%swap3A_88, %swap3A_89] {strides = array<i32>} : memref<52x128xi32, #tpu.memory_space<vmem>>, vector<1x16xi32>,
      %swap3A_91 = vector.shape_cast %swap3A_90 : vector<1x16xi32> to vector<16xi32>
      %swap3A_92 = vector.shape_cast %add3A_87 : vector<16xi32> to vector<1x16xi32>
      tpu.vector_store %arg6[%swap3A_88, %swap3A_89], %swap3A_92 {strides = array<i32>} : memref<52x128xi32, #tpu.memory_space<vmem>>, vector<1x16xi32>,
      %get3A_93 = arith.constant 0 : i32
      %get3A_94 = arith.index_cast %get3A_93 : i32 to index
      %get3A_95 = arith.constant 16 : index
      %get3A_96 = tpu.vector_load %arg6[%get3A_94, %get3A_95] {strides = array<i32>} : memref<52x128xi32, #tpu.memory_space<vmem>>, vector<1x16xi32>,
      %get3A_97 = vector.shape_cast %get3A_96 : vector<1x16xi32> to vector<16xi32>
      %mul3A_98 = arith.constant 2 : i32
      %mul3A_99 = vector.broadcast %mul3A_98 : i32 to vector<16xi32>
      %mul3A_100 = arith.muli %get3A_97, %mul3A_99 : vector<16xi32>
      %add3A_101 = vector.broadcast %arg0 : i32 to vector<16xi32>
      %add3A_102 = arith.addi %mul3A_100, %add3A_101 : vector<16xi32>
      %swap3A_103 = arith.constant 0 : i32
      %swap3A_104 = arith.index_cast %swap3A_103 : i32 to index
      %swap3A_105 = arith.constant 16 : index
      %swap3A_106 = tpu.vector_load %arg6[%swap3A_104, %swap3A_105] {strides = array<i32>} : memref<52x128xi32, #tpu.memory_space<vmem>>, vector<1x16xi32>,
      %swap3A_107 = vector.shape_cast %swap3A_106 : vector<1x16xi32> to vector<16xi32>
      %swap3A_108 = vector.shape_cast %add3A_102 : vector<16xi32> to vector<1x16xi32>
      tpu.vector_store %arg6[%swap3A_104, %swap3A_105], %swap3A_108 {strides = array<i32>} : memref<52x128xi32, #tpu.memory_space<vmem>>, vector<1x16xi32>,
      %get3A_109 = arith.constant 0 : i32
      %get3A_110 = arith.index_cast %get3A_109 : i32 to index
      %get3A_111 = arith.constant 32 : index
      %get3A_112 = tpu.vector_load %arg6[%get3A_110, %get3A_111] {strides = array<i32>} : memref<52x128xi32, #tpu.memory_space<vmem>>, vector<1x16xi32>,
      %get3A_113 = vector.shape_cast %get3A_112 : vector<1x16xi32> to vector<16xi32>
      %mul3A_114 = arith.constant 2 : i32
      %mul3A_115 = vector.broadcast %mul3A_114 : i32 to vector<16xi32>
      %mul3A_116 = arith.muli %get3A_113, %mul3A_115 : vector<16xi32>
      %add3A_117 = vector.broadcast %arg0 : i32 to vector<16xi32>
      %add3A_118 = arith.addi %mul3A_116, %add3A_117 : vector<16xi32>
      %swap3A_119 = arith.constant 0 : i32
      %swap3A_120 = arith.index_cast %swap3A_119 : i32 to index
      %swap3A_121 = arith.constant 32 : index
      %swap3A_122 = tpu.vector_load %arg6[%swap3A_120, %swap3A_121] {strides = array<i32>} : memref<52x128xi32, #tpu.memory_space<vmem>>, vector<1x16xi32>,
      %swap3A_123 = vector.shape_cast %swap3A_122 : vector<1x16xi32> to vector<16xi32>
      %swap3A_124 = vector.shape_cast %add3A_118 : vector<16xi32> to vector<1x16xi32>
      tpu.vector_store %arg6[%swap3A_120, %swap3A_121], %swap3A_124 {strides = array<i32>} : memref<52x128xi32, #tpu.memory_space<vmem>>, vector<1x16xi32>,
      %get3A_125 = arith.constant 0 : i32
      %get3A_126 = arith.index_cast %get3A_125 : i32 to index
      %get3A_127 = arith.constant 48 : index
      %get3A_128 = tpu.vector_load %arg6[%get3A_126, %get3A_127] {strides = array<i32>} : memref<52x128xi32, #tpu.memory_space<vmem>>, vector<1x16xi32>,
      %get3A_129 = vector.shape_cast %get3A_128 : vector<1x16xi32> to vector<16xi32>
      %mul3A_130 = arith.constant 2 : i32
      %mul3A_131 = vector.broadcast %mul3A_130 : i32 to vector<16xi32>
      %mul3A_132 = arith.muli %get3A_129, %mul3A_131 : vector<16xi32>
      %add3A_133 = vector.broadcast %arg0 : i32 to vector<16xi32>
      %add3A_134 = arith.addi %mul3A_132, %add3A_133 : vector<16xi32>
      %swap3A_135 = arith.constant 0 : i32
      %swap3A_136 = arith.index_cast %swap3A_135 : i32 to index
      %swap3A_137 = arith.constant 48 : index
      %swap3A_138 = tpu.vector_load %arg6[%swap3A_136, %swap3A_137] {strides = array<i32>} : memref<52x128xi32, #tpu.memory_space<vmem>>, vector<1x16xi32>,
      %swap3A_139 = vector.shape_cast %swap3A_138 : vector<1x16xi32> to vector<16xi32>
      %swap3A_140 = vector.shape_cast %add3A_134 : vector<16xi32> to vector<1x16xi32>
      tpu.vector_store %arg6[%swap3A_136, %swap3A_137], %swap3A_140 {strides = array<i32>} : memref<52x128xi32, #tpu.memory_space<vmem>>, vector<1x16xi32>,
      %get3A_141 = arith.constant 0 : i32
      %get3A_142 = arith.index_cast %get3A_141 : i32 to index
      %get3A_143 = arith.constant 64 : index
      %get3A_144 = tpu.vector_load %arg6[%get3A_142, %get3A_143] {strides = array<i32>} : memref<52x128xi32, #tpu.memory_space<vmem>>, vector<1x16xi32>,
      %get3A_145 = vector.shape_cast %get3A_144 : vector<1x16xi32> to vector<16xi32>
      %mul3A_146 = arith.constant 2 : i32
      %mul3A_147 = vector.broadcast %mul3A_146 : i32 to vector<16xi32>
      %mul3A_148 = arith.muli %get3A_145, %mul3A_147 : vector<16xi32>
      %add3A_149 = vector.broadcast %arg0 : i32 to vector<16xi32>
      %add3A_150 = arith.addi %mul3A_148, %add3A_149 : vector<16xi32>
      %swap3A_151 = arith.constant 0 : i32
      %swap3A_152 = arith.index_cast %swap3A_151 : i32 to index
      %swap3A_153 = arith.constant 64 : index
      %swap3A_154 = tpu.vector_load %arg6[%swap3A_152, %swap3A_153] {strides = array<i32>} : memref<52x128xi32, #tpu.memory_space<vmem>>, vector<1x16xi32>,
      %swap3A_155 = vector.shape_cast %swap3A_154 : vector<1x16xi32> to vector<16xi32>
      %swap3A_156 = vector.shape_cast %add3A_150 : vector<16xi32> to vector<1x16xi32>
      tpu.vector_store %arg6[%swap3A_152, %swap3A_153], %swap3A_156 {strides = array<i32>} : memref<52x128xi32, #tpu.memory_space<vmem>>, vector<1x16xi32>,
      %get3A_157 = arith.constant 0 : i32
      %get3A_158 = arith.index_cast %get3A_157 : i32 to index
      %get3A_159 = arith.constant 80 : index
      %get3A_160 = tpu.vector_load %arg6[%get3A_158, %get3A_159] {strides = array<i32>} : memref<52x128xi32, #tpu.memory_space<vmem>>, vector<1x16xi32>,
      %get3A_161 = vector.shape_cast %get3A_160 : vector<1x16xi32> to vector<16xi32>
      %mul3A_162 = arith.constant 2 : i32
      %mul3A_163 = vector.broadcast %mul3A_162 : i32 to vector<16xi32>
      %mul3A_164 = arith.muli %get3A_161, %mul3A_163 : vector<16xi32>
      %add3A_165 = vector.broadcast %arg0 : i32 to vector<16xi32>
      %add3A_166 = arith.addi %mul3A_164, %add3A_165 : vector<16xi32>
      %swap3A_167 = arith.constant 0 : i32
      %swap3A_168 = arith.index_cast %swap3A_167 : i32 to index
      %swap3A_169 = arith.constant 80 : index
      %swap3A_170 = tpu.vector_load %arg6[%swap3A_168, %swap3A_169] {strides = array<i32>} : memref<52x128xi32, #tpu.memory_space<vmem>>, vector<1x16xi32>,
      %swap3A_171 = vector.shape_cast %swap3A_170 : vector<1x16xi32> to vector<16xi32>
      %swap3A_172 = vector.shape_cast %add3A_166 : vector<16xi32> to vector<1x16xi32>
      tpu.vector_store %arg6[%swap3A_168, %swap3A_169], %swap3A_172 {strides = array<i32>} : memref<52x128xi32, #tpu.memory_space<vmem>>, vector<1x16xi32>,
      %get3A_173 = arith.constant 0 : i32
      %get3A_174 = arith.index_cast %get3A_173 : i32 to index
      %get3A_175 = arith.constant 96 : index
      %get3A_176 = tpu.vector_load %arg6[%get3A_174, %get3A_175] {strides = array<i32>} : memref<52x128xi32, #tpu.memory_space<vmem>>, vector<1x16xi32>,
      %get3A_177 = vector.shape_cast %get3A_176 : vector<1x16xi32> to vector<16xi32>
      %mul3A_178 = arith.constant 2 : i32
      %mul3A_179 = vector.broadcast %mul3A_178 : i32 to vector<16xi32>
      %mul3A_180 = arith.muli %get3A_177, %mul3A_179 : vector<16xi32>
      %add3A_181 = vector.broadcast %arg0 : i32 to vector<16xi32>
      %add3A_182 = arith.addi %mul3A_180, %add3A_181 : vector<16xi32>
      %swap3A_183 = arith.constant 0 : i32
      %swap3A_184 = arith.index_cast %swap3A_183 : i32 to index
      %swap3A_185 = arith.constant 96 : index
      %swap3A_186 = tpu.vector_load %arg6[%swap3A_184, %swap3A_185] {strides = array<i32>} : memref<52x128xi32, #tpu.memory_space<vmem>>, vector<1x16xi32>,
      %swap3A_187 = vector.shape_cast %swap3A_186 : vector<1x16xi32> to vector<16xi32>
      %swap3A_188 = vector.shape_cast %add3A_182 : vector<16xi32> to vector<1x16xi32>
      tpu.vector_store %arg6[%swap3A_184, %swap3A_185], %swap3A_188 {strides = array<i32>} : memref<52x128xi32, #tpu.memory_space<vmem>>, vector<1x16xi32>,
      %get3A_189 = arith.constant 0 : i32
      %get3A_190 = arith.index_cast %get3A_189 : i32 to index
      %get3A_191 = arith.constant 112 : index
      %get3A_192 = tpu.vector_load %arg6[%get3A_190, %get3A_191] {strides = array<i32>} : memref<52x128xi32, #tpu.memory_space<vmem>>, vector<1x16xi32>,
      %get3A_193 = vector.shape_cast %get3A_192 : vector<1x16xi32> to vector<16xi32>
      %mul3A_194 = arith.constant 2 : i32
      %mul3A_195 = vector.broadcast %mul3A_194 : i32 to vector<16xi32>
      %mul3A_196 = arith.muli %get3A_193, %mul3A_195 : vector<16xi32>
      %add3A_197 = vector.broadcast %arg0 : i32 to vector<16xi32>
      %add3A_198 = arith.addi %mul3A_196, %add3A_197 : vector<16xi32>
      %swap3A_199 = arith.constant 0 : i32
      %swap3A_200 = arith.index_cast %swap3A_199 : i32 to index
      %swap3A_201 = arith.constant 112 : index
      %swap3A_202 = tpu.vector_load %arg6[%swap3A_200, %swap3A_201] {strides = array<i32>} : memref<52x128xi32, #tpu.memory_space<vmem>>, vector<1x16xi32>,
      %swap3A_203 = vector.shape_cast %swap3A_202 : vector<1x16xi32> to vector<16xi32>
      %swap3A_204 = vector.shape_cast %add3A_198 : vector<16xi32> to vector<1x16xi32>
      tpu.vector_store %arg6[%swap3A_200, %swap3A_201], %swap3A_204 {strides = array<i32>} : memref<52x128xi32, #tpu.memory_space<vmem>>, vector<1x16xi32>,
      %dma_start3A = arith.constant 0 : i32
      %dma_start3A_205 = arith.constant 0 : i32
      %dma_start3A_206 = tpu.memref_slice %arg6[%dma_start3A, %dma_start3A_205] : memref<52x128xi32, #tpu.memory_space<vmem>> -> memref<1x128xi32, #tpu.memory_space<vmem>>
      %dma_start3A_207 = tpu.memref_squeeze %dma_start3A_206 : memref<1x128xi32, #tpu.memory_space<vmem>> -> memref<128xi32, #tpu.memory_space<vmem>>
      %dma_start3A_208 = arith.constant 0 : i32
      %dma_start3A_209 = arith.constant 0 : i32
      %dma_start3A_210 = tpu.memref_slice %arg2[%dma_start3A_208, %dma_start3A_209] : memref<20000x64xf32, #tpu.memory_space<hbm>> -> memref<20000x64xf32, #tpu.memory_space<hbm>>
      tpu.enqueue_indirect_dma source(%dma_start3A_210 : memref<20000x64xf32, #tpu.memory_space<hbm>>) target(%arg8 : memref<128x64xf32, #tpu.memory_space<vmem>>) offsets(%dma_start3A_207 : memref<128xi32, #tpu.memory_space<vmem>>) semaphore(%arg13 : memref<!tpu.dma_semaphore, #tpu.memory_space<semaphore_mem>>)
      %dma_wait3A = arith.constant 0 : i32
      %dma_wait3A_211 = arith.constant 0 : i32
      %dma_wait3A_212 = tpu.memref_slice %arg6[%dma_wait3A, %dma_wait3A_211] : memref<52x128xi32, #tpu.memory_space<vmem>> -> memref<1x128xi32, #tpu.memory_space<vmem>>
      %dma_wait3A_213 = tpu.memref_squeeze %dma_wait3A_212 : memref<1x128xi32, #tpu.memory_space<vmem>> -> memref<128xi32, #tpu.memory_space<vmem>>
      %dma_wait3A_214 = arith.constant 0 : i32
      %dma_wait3A_215 = arith.constant 0 : i32
      %dma_wait3A_216 = tpu.memref_slice %arg2[%dma_wait3A_214, %dma_wait3A_215] : memref<20000x64xf32, #tpu.memory_space<hbm>> -> memref<20000x64xf32, #tpu.memory_space<hbm>>
      tpu.wait_indirect_dma semaphore(%arg13 : memref<!tpu.dma_semaphore, #tpu.memory_space<semaphore_mem>>) src(%dma_wait3A_216 : memref<20000x64xf32, #tpu.memory_space<hbm>>) dst(%arg8 : memref<128x64xf32, #tpu.memory_space<vmem>>)
      %run_scoped3A = arith.constant 0 : i32
      "tpu.region"() ({
        %run_scoped3A_217 = tpu.sem_alloc : memref<!tpu.dma_semaphore, #tpu.memory_space<semaphore_mem>>
        %dma_start3A_218 = arith.constant 0 : i32
        %dma_start3A_219 = tpu.memref_slice %arg7[%run_scoped3A, %dma_start3A_218] : memref<52x128xi32, #tpu.memory_space<vmem>> -> memref<1x128xi32, #tpu.memory_space<vmem>>
        %dma_start3A_220 = tpu.memref_squeeze %dma_start3A_219 : memref<1x128xi32, #tpu.memory_space<vmem>> -> memref<128xi32, #tpu.memory_space<vmem>>
        %dma_start3A_221 = arith.constant 0 : i32
        %dma_start3A_222 = arith.constant 0 : i32
        %dma_start3A_223 = tpu.memref_slice %arg12[%dma_start3A_221, %dma_start3A_222] : memref<10000x64xf32, #tpu.memory_space<vmem_shared>> -> memref<10000x64xf32, #tpu.memory_space<vmem_shared>>
        tpu.enqueue_indirect_dma source(%arg8 : memref<128x64xf32, #tpu.memory_space<vmem>>) target(%dma_start3A_223 : memref<10000x64xf32, #tpu.memory_space<vmem_shared>>) offsets(%dma_start3A_220 : memref<128xi32, #tpu.memory_space<vmem>>) semaphore(%run_scoped3A_217 : memref<!tpu.dma_semaphore, #tpu.memory_space<semaphore_mem>>) {add = true}
        %dma_wait3A_224 = arith.constant 0 : i32
        %dma_wait3A_225 = tpu.memref_slice %arg7[%run_scoped3A, %dma_wait3A_224] : memref<52x128xi32, #tpu.memory_space<vmem>> -> memref<1x128xi32, #tpu.memory_space<vmem>>
        %dma_wait3A_226 = tpu.memref_squeeze %dma_wait3A_225 : memref<1x128xi32, #tpu.memory_space<vmem>> -> memref<128xi32, #tpu.memory_space<vmem>>
        %dma_wait3A_227 = arith.constant 0 : i32
        %dma_wait3A_228 = arith.constant 0 : i32
        %dma_wait3A_229 = tpu.memref_slice %arg12[%dma_wait3A_227, %dma_wait3A_228] : memref<10000x64xf32, #tpu.memory_space<vmem_shared>> -> memref<10000x64xf32, #tpu.memory_space<vmem_shared>>
        tpu.wait_indirect_dma semaphore(%run_scoped3A_217 : memref<!tpu.dma_semaphore, #tpu.memory_space<semaphore_mem>>) src(%arg8 : memref<128x64xf32, #tpu.memory_space<vmem>>) dst(%dma_wait3A_229 : memref<10000x64xf32, #tpu.memory_space<vmem_shared>>)
        tpu.yield
      }) : () -> ()
    } else {
    }
    %barrier3A_29 = arith.constant 0 : index
    tpu.barrier barrier_id(%barrier3A_29)
    %mul3A_30 = arith.constant 624 : i32
    %mul3A_31 = arith.muli %arg1, %mul3A_30 : i32
    %add3A_32 = arith.constant 0 : i32
    %add3A_33 = arith.addi %mul3A_31, %add3A_32 : i32
    "tpu.region"() ({
      %run_scoped3A = tpu.sem_alloc : memref<!tpu.dma_semaphore, #tpu.memory_space<semaphore_mem>>
      %dma_start3A = arith.constant 0 : i32
      %dma_start3A_75 = tpu.memref_slice %arg12[%add3A_33, %dma_start3A] : memref<10000x64xf32, #tpu.memory_space<vmem_shared>> -> memref<128x64xf32, #tpu.memory_space<vmem_shared>>
      %dma_start3A_76 = arith.constant 0 : i32
      %dma_start3A_77 = tpu.memref_slice %arg12[%add3A_33, %dma_start3A_76] : memref<10000x64xf32, #tpu.memory_space<vmem_shared>> -> memref<128x64xf32, #tpu.memory_space<vmem_shared>>
      tpu.enqueue_dma source(%dma_start3A_77 : memref<128x64xf32, #tpu.memory_space<vmem_shared>>) target(%arg8 : memref<128x64xf32, #tpu.memory_space<vmem>>) target_semaphore(%run_scoped3A : memref<!tpu.dma_semaphore, #tpu.memory_space<semaphore_mem>>)
      %dma_wait3A = arith.constant 0 : i32
      %dma_wait3A_78 = tpu.memref_slice %arg12[%add3A_33, %dma_wait3A] : memref<10000x64xf32, #tpu.memory_space<vmem_shared>> -> memref<128x64xf32, #tpu.memory_space<vmem_shared>>
      %dma_wait3A_79 = arith.constant 0 : i32
      %dma_wait3A_80 = tpu.memref_slice %arg12[%add3A_33, %dma_wait3A_79] : memref<10000x64xf32, #tpu.memory_space<vmem_shared>> -> memref<128x64xf32, #tpu.memory_space<vmem_shared>>
      tpu.wait_dma2 semaphore(%run_scoped3A : memref<!tpu.dma_semaphore, #tpu.memory_space<semaphore_mem>>) src(%dma_wait3A_80 : memref<128x64xf32, #tpu.memory_space<vmem_shared>>) dst(%arg8 : memref<128x64xf32, #tpu.memory_space<vmem>>)
      tpu.yield
    }) : () -> ()
    %mul3A_34 = arith.constant 624 : i32
    %mul3A_35 = arith.muli %arg1, %mul3A_34 : i32
    %add3A_36 = arith.constant 0 : i32
    %add3A_37 = arith.addi %mul3A_35, %add3A_36 : i32
    "tpu.region"() ({
      %run_scoped3A = tpu.sem_alloc : memref<!tpu.dma_semaphore, #tpu.memory_space<semaphore_mem>>
      %dma_start3A = arith.constant 0 : i32
      %dma_start3A_75 = tpu.memref_slice %arg5[%add3A_37, %arg0, %dma_start3A] : memref<10000x2x64xf32, #tpu.memory_space<hbm>> -> memref<128x1x64xf32, #tpu.memory_space<hbm>>
      %dma_start3A_76 = tpu.memref_squeeze %dma_start3A_75 : memref<128x1x64xf32, #tpu.memory_space<hbm>> -> memref<128x64xf32, #tpu.memory_space<hbm>>
      %dma_start3A_77 = arith.constant 0 : i32
      %dma_start3A_78 = tpu.memref_slice %arg5[%add3A_37, %arg0, %dma_start3A_77] : memref<10000x2x64xf32, #tpu.memory_space<hbm>> -> memref<128x1x64xf32, #tpu.memory_space<hbm>>
      %dma_start3A_79 = tpu.memref_squeeze %dma_start3A_78 : memref<128x1x64xf32, #tpu.memory_space<hbm>> -> memref<128x64xf32, #tpu.memory_space<hbm>>
      tpu.enqueue_dma source(%arg8 : memref<128x64xf32, #tpu.memory_space<vmem>>) target(%dma_start3A_79 : memref<128x64xf32, #tpu.memory_space<hbm>>) target_semaphore(%run_scoped3A : memref<!tpu.dma_semaphore, #tpu.memory_space<semaphore_mem>>)
      %dma_wait3A = arith.constant 0 : i32
      %dma_wait3A_80 = tpu.memref_slice %arg5[%add3A_37, %arg0, %dma_wait3A] : memref<10000x2x64xf32, #tpu.memory_space<hbm>> -> memref<128x1x64xf32, #tpu.memory_space<hbm>>
      %dma_wait3A_81 = tpu.memref_squeeze %dma_wait3A_80 : memref<128x1x64xf32, #tpu.memory_space<hbm>> -> memref<128x64xf32, #tpu.memory_space<hbm>>
      %dma_wait3A_82 = arith.constant 0 : i32
      %dma_wait3A_83 = tpu.memref_slice %arg5[%add3A_37, %arg0, %dma_wait3A_82] : memref<10000x2x64xf32, #tpu.memory_space<hbm>> -> memref<128x1x64xf32, #tpu.memory_space<hbm>>
      %dma_wait3A_84 = tpu.memref_squeeze %dma_wait3A_83 : memref<128x1x64xf32, #tpu.memory_space<hbm>> -> memref<128x64xf32, #tpu.memory_space<hbm>>
      tpu.wait_dma2 semaphore(%run_scoped3A : memref<!tpu.dma_semaphore, #tpu.memory_space<semaphore_mem>>) src(%arg8 : memref<128x64xf32, #tpu.memory_space<vmem>>) dst(%dma_wait3A_84 : memref<128x64xf32, #tpu.memory_space<hbm>>)
      tpu.yield
    }) : () -> ()
    %mul3A_38 = arith.constant 624 : i32
    %mul3A_39 = arith.muli %arg1, %mul3A_38 : i32
    %add3A_40 = arith.constant 128 : i32
    %add3A_41 = arith.addi %mul3A_39, %add3A_40 : i32
    "tpu.region"() ({
      %run_scoped3A = tpu.sem_alloc : memref<!tpu.dma_semaphore, #tpu.memory_space<semaphore_mem>>
      %dma_start3A = arith.constant 0 : i32
      %dma_start3A_75 = tpu.memref_slice %arg12[%add3A_41, %dma_start3A] : memref<10000x64xf32, #tpu.memory_space<vmem_shared>> -> memref<128x64xf32, #tpu.memory_space<vmem_shared>>
      %dma_start3A_76 = arith.constant 0 : i32
      %dma_start3A_77 = tpu.memref_slice %arg12[%add3A_41, %dma_start3A_76] : memref<10000x64xf32, #tpu.memory_space<vmem_shared>> -> memref<128x64xf32, #tpu.memory_space<vmem_shared>>
      tpu.enqueue_dma source(%dma_start3A_77 : memref<128x64xf32, #tpu.memory_space<vmem_shared>>) target(%arg8 : memref<128x64xf32, #tpu.memory_space<vmem>>) target_semaphore(%run_scoped3A : memref<!tpu.dma_semaphore, #tpu.memory_space<semaphore_mem>>)
      %dma_wait3A = arith.constant 0 : i32
      %dma_wait3A_78 = tpu.memref_slice %arg12[%add3A_41, %dma_wait3A] : memref<10000x64xf32, #tpu.memory_space<vmem_shared>> -> memref<128x64xf32, #tpu.memory_space<vmem_shared>>
      %dma_wait3A_79 = arith.constant 0 : i32
      %dma_wait3A_80 = tpu.memref_slice %arg12[%add3A_41, %dma_wait3A_79] : memref<10000x64xf32, #tpu.memory_space<vmem_shared>> -> memref<128x64xf32, #tpu.memory_space<vmem_shared>>
      tpu.wait_dma2 semaphore(%run_scoped3A : memref<!tpu.dma_semaphore, #tpu.memory_space<semaphore_mem>>) src(%dma_wait3A_80 : memref<128x64xf32, #tpu.memory_space<vmem_shared>>) dst(%arg8 : memref<128x64xf32, #tpu.memory_space<vmem>>)
      tpu.yield
    }) : () -> ()
    %mul3A_42 = arith.constant 624 : i32
    %mul3A_43 = arith.muli %arg1, %mul3A_42 : i32
    %add3A_44 = arith.constant 128 : i32
    %add3A_45 = arith.addi %mul3A_43, %add3A_44 : i32
    "tpu.region"() ({
      %run_scoped3A = tpu.sem_alloc : memref<!tpu.dma_semaphore, #tpu.memory_space<semaphore_mem>>
      %dma_start3A = arith.constant 0 : i32
      %dma_start3A_75 = tpu.memref_slice %arg5[%add3A_45, %arg0, %dma_start3A] : memref<10000x2x64xf32, #tpu.memory_space<hbm>> -> memref<128x1x64xf32, #tpu.memory_space<hbm>>
      %dma_start3A_76 = tpu.memref_squeeze %dma_start3A_75 : memref<128x1x64xf32, #tpu.memory_space<hbm>> -> memref<128x64xf32, #tpu.memory_space<hbm>>
      %dma_start3A_77 = arith.constant 0 : i32
      %dma_start3A_78 = tpu.memref_slice %arg5[%add3A_45, %arg0, %dma_start3A_77] : memref<10000x2x64xf32, #tpu.memory_space<hbm>> -> memref<128x1x64xf32, #tpu.memory_space<hbm>>
      %dma_start3A_79 = tpu.memref_squeeze %dma_start3A_78 : memref<128x1x64xf32, #tpu.memory_space<hbm>> -> memref<128x64xf32, #tpu.memory_space<hbm>>
      tpu.enqueue_dma source(%arg8 : memref<128x64xf32, #tpu.memory_space<vmem>>) target(%dma_start3A_79 : memref<128x64xf32, #tpu.memory_space<hbm>>) target_semaphore(%run_scoped3A : memref<!tpu.dma_semaphore, #tpu.memory_space<semaphore_mem>>)
      %dma_wait3A = arith.constant 0 : i32
      %dma_wait3A_80 = tpu.memref_slice %arg5[%add3A_45, %arg0, %dma_wait3A] : memref<10000x2x64xf32, #tpu.memory_space<hbm>> -> memref<128x1x64xf32, #tpu.memory_space<hbm>>
      %dma_wait3A_81 = tpu.memref_squeeze %dma_wait3A_80 : memref<128x1x64xf32, #tpu.memory_space<hbm>> -> memref<128x64xf32, #tpu.memory_space<hbm>>
      %dma_wait3A_82 = arith.constant 0 : i32
      %dma_wait3A_83 = tpu.memref_slice %arg5[%add3A_45, %arg0, %dma_wait3A_82] : memref<10000x2x64xf32, #tpu.memory_space<hbm>> -> memref<128x1x64xf32, #tpu.memory_space<hbm>>
      %dma_wait3A_84 = tpu.memref_squeeze %dma_wait3A_83 : memref<128x1x64xf32, #tpu.memory_space<hbm>> -> memref<128x64xf32, #tpu.memory_space<hbm>>
      tpu.wait_dma2 semaphore(%run_scoped3A : memref<!tpu.dma_semaphore, #tpu.memory_space<semaphore_mem>>) src(%arg8 : memref<128x64xf32, #tpu.memory_space<vmem>>) dst(%dma_wait3A_84 : memref<128x64xf32, #tpu.memory_space<hbm>>)
      tpu.yield
    }) : () -> ()
    %mul3A_46 = arith.constant 624 : i32
    %mul3A_47 = arith.muli %arg1, %mul3A_46 : i32
    %add3A_48 = arith.constant 256 : i32
    %add3A_49 = arith.addi %mul3A_47, %add3A_48 : i32
    "tpu.region"() ({
      %run_scoped3A = tpu.sem_alloc : memref<!tpu.dma_semaphore, #tpu.memory_space<semaphore_mem>>
      %dma_start3A = arith.constant 0 : i32
      %dma_start3A_75 = tpu.memref_slice %arg12[%add3A_49, %dma_start3A] : memref<10000x64xf32, #tpu.memory_space<vmem_shared>> -> memref<128x64xf32, #tpu.memory_space<vmem_shared>>
      %dma_start3A_76 = arith.constant 0 : i32
      %dma_start3A_77 = tpu.memref_slice %arg12[%add3A_49, %dma_start3A_76] : memref<10000x64xf32, #tpu.memory_space<vmem_shared>> -> memref<128x64xf32, #tpu.memory_space<vmem_shared>>
      tpu.enqueue_dma source(%dma_start3A_77 : memref<128x64xf32, #tpu.memory_space<vmem_shared>>) target(%arg8 : memref<128x64xf32, #tpu.memory_space<vmem>>) target_semaphore(%run_scoped3A : memref<!tpu.dma_semaphore, #tpu.memory_space<semaphore_mem>>)
      %dma_wait3A = arith.constant 0 : i32
      %dma_wait3A_78 = tpu.memref_slice %arg12[%add3A_49, %dma_wait3A] : memref<10000x64xf32, #tpu.memory_space<vmem_shared>> -> memref<128x64xf32, #tpu.memory_space<vmem_shared>>
      %dma_wait3A_79 = arith.constant 0 : i32
      %dma_wait3A_80 = tpu.memref_slice %arg12[%add3A_49, %dma_wait3A_79] : memref<10000x64xf32, #tpu.memory_space<vmem_shared>> -> memref<128x64xf32, #tpu.memory_space<vmem_shared>>
      tpu.wait_dma2 semaphore(%run_scoped3A : memref<!tpu.dma_semaphore, #tpu.memory_space<semaphore_mem>>) src(%dma_wait3A_80 : memref<128x64xf32, #tpu.memory_space<vmem_shared>>) dst(%arg8 : memref<128x64xf32, #tpu.memory_space<vmem>>)
      tpu.yield
    }) : () -> ()
    %mul3A_50 = arith.constant 624 : i32
    %mul3A_51 = arith.muli %arg1, %mul3A_50 : i32
    %add3A_52 = arith.constant 256 : i32
    %add3A_53 = arith.addi %mul3A_51, %add3A_52 : i32
    "tpu.region"() ({
      %run_scoped3A = tpu.sem_alloc : memref<!tpu.dma_semaphore, #tpu.memory_space<semaphore_mem>>
      %dma_start3A = arith.constant 0 : i32
      %dma_start3A_75 = tpu.memref_slice %arg5[%add3A_53, %arg0, %dma_start3A] : memref<10000x2x64xf32, #tpu.memory_space<hbm>> -> memref<128x1x64xf32, #tpu.memory_space<hbm>>
      %dma_start3A_76 = tpu.memref_squeeze %dma_start3A_75 : memref<128x1x64xf32, #tpu.memory_space<hbm>> -> memref<128x64xf32, #tpu.memory_space<hbm>>
      %dma_start3A_77 = arith.constant 0 : i32
      %dma_start3A_78 = tpu.memref_slice %arg5[%add3A_53, %arg0, %dma_start3A_77] : memref<10000x2x64xf32, #tpu.memory_space<hbm>> -> memref<128x1x64xf32, #tpu.memory_space<hbm>>
      %dma_start3A_79 = tpu.memref_squeeze %dma_start3A_78 : memref<128x1x64xf32, #tpu.memory_space<hbm>> -> memref<128x64xf32, #tpu.memory_space<hbm>>
      tpu.enqueue_dma source(%arg8 : memref<128x64xf32, #tpu.memory_space<vmem>>) target(%dma_start3A_79 : memref<128x64xf32, #tpu.memory_space<hbm>>) target_semaphore(%run_scoped3A : memref<!tpu.dma_semaphore, #tpu.memory_space<semaphore_mem>>)
      %dma_wait3A = arith.constant 0 : i32
      %dma_wait3A_80 = tpu.memref_slice %arg5[%add3A_53, %arg0, %dma_wait3A] : memref<10000x2x64xf32, #tpu.memory_space<hbm>> -> memref<128x1x64xf32, #tpu.memory_space<hbm>>
      %dma_wait3A_81 = tpu.memref_squeeze %dma_wait3A_80 : memref<128x1x64xf32, #tpu.memory_space<hbm>> -> memref<128x64xf32, #tpu.memory_space<hbm>>
      %dma_wait3A_82 = arith.constant 0 : i32
      %dma_wait3A_83 = tpu.memref_slice %arg5[%add3A_53, %arg0, %dma_wait3A_82] : memref<10000x2x64xf32, #tpu.memory_space<hbm>> -> memref<128x1x64xf32, #tpu.memory_space<hbm>>
      %dma_wait3A_84 = tpu.memref_squeeze %dma_wait3A_83 : memref<128x1x64xf32, #tpu.memory_space<hbm>> -> memref<128x64xf32, #tpu.memory_space<hbm>>
      tpu.wait_dma2 semaphore(%run_scoped3A : memref<!tpu.dma_semaphore, #tpu.memory_space<semaphore_mem>>) src(%arg8 : memref<128x64xf32, #tpu.memory_space<vmem>>) dst(%dma_wait3A_84 : memref<128x64xf32, #tpu.memory_space<hbm>>)
      tpu.yield
    }) : () -> ()
    %mul3A_54 = arith.constant 624 : i32
    %mul3A_55 = arith.muli %arg1, %mul3A_54 : i32
    %add3A_56 = arith.constant 384 : i32
    %add3A_57 = arith.addi %mul3A_55, %add3A_56 : i32
    "tpu.region"() ({
      %run_scoped3A = tpu.sem_alloc : memref<!tpu.dma_semaphore, #tpu.memory_space<semaphore_mem>>
      %dma_start3A = arith.constant 0 : i32
      %dma_start3A_75 = tpu.memref_slice %arg12[%add3A_57, %dma_start3A] : memref<10000x64xf32, #tpu.memory_space<vmem_shared>> -> memref<128x64xf32, #tpu.memory_space<vmem_shared>>
      %dma_start3A_76 = arith.constant 0 : i32
      %dma_start3A_77 = tpu.memref_slice %arg12[%add3A_57, %dma_start3A_76] : memref<10000x64xf32, #tpu.memory_space<vmem_shared>> -> memref<128x64xf32, #tpu.memory_space<vmem_shared>>
      tpu.enqueue_dma source(%dma_start3A_77 : memref<128x64xf32, #tpu.memory_space<vmem_shared>>) target(%arg8 : memref<128x64xf32, #tpu.memory_space<vmem>>) target_semaphore(%run_scoped3A : memref<!tpu.dma_semaphore, #tpu.memory_space<semaphore_mem>>)
      %dma_wait3A = arith.constant 0 : i32
      %dma_wait3A_78 = tpu.memref_slice %arg12[%add3A_57, %dma_wait3A] : memref<10000x64xf32, #tpu.memory_space<vmem_shared>> -> memref<128x64xf32, #tpu.memory_space<vmem_shared>>
      %dma_wait3A_79 = arith.constant 0 : i32
      %dma_wait3A_80 = tpu.memref_slice %arg12[%add3A_57, %dma_wait3A_79] : memref<10000x64xf32, #tpu.memory_space<vmem_shared>> -> memref<128x64xf32, #tpu.memory_space<vmem_shared>>
      tpu.wait_dma2 semaphore(%run_scoped3A : memref<!tpu.dma_semaphore, #tpu.memory_space<semaphore_mem>>) src(%dma_wait3A_80 : memref<128x64xf32, #tpu.memory_space<vmem_shared>>) dst(%arg8 : memref<128x64xf32, #tpu.memory_space<vmem>>)
      tpu.yield
    }) : () -> ()
    %mul3A_58 = arith.constant 624 : i32
    %mul3A_59 = arith.muli %arg1, %mul3A_58 : i32
    %add3A_60 = arith.constant 384 : i32
    %add3A_61 = arith.addi %mul3A_59, %add3A_60 : i32
    "tpu.region"() ({
      %run_scoped3A = tpu.sem_alloc : memref<!tpu.dma_semaphore, #tpu.memory_space<semaphore_mem>>
      %dma_start3A = arith.constant 0 : i32
      %dma_start3A_75 = tpu.memref_slice %arg5[%add3A_61, %arg0, %dma_start3A] : memref<10000x2x64xf32, #tpu.memory_space<hbm>> -> memref<128x1x64xf32, #tpu.memory_space<hbm>>
      %dma_start3A_76 = tpu.memref_squeeze %dma_start3A_75 : memref<128x1x64xf32, #tpu.memory_space<hbm>> -> memref<128x64xf32, #tpu.memory_space<hbm>>
      %dma_start3A_77 = arith.constant 0 : i32
      %dma_start3A_78 = tpu.memref_slice %arg5[%add3A_61, %arg0, %dma_start3A_77] : memref<10000x2x64xf32, #tpu.memory_space<hbm>> -> memref<128x1x64xf32, #tpu.memory_space<hbm>>
      %dma_start3A_79 = tpu.memref_squeeze %dma_start3A_78 : memref<128x1x64xf32, #tpu.memory_space<hbm>> -> memref<128x64xf32, #tpu.memory_space<hbm>>
      tpu.enqueue_dma source(%arg8 : memref<128x64xf32, #tpu.memory_space<vmem>>) target(%dma_start3A_79 : memref<128x64xf32, #tpu.memory_space<hbm>>) target_semaphore(%run_scoped3A : memref<!tpu.dma_semaphore, #tpu.memory_space<semaphore_mem>>)
      %dma_wait3A = arith.constant 0 : i32
      %dma_wait3A_80 = tpu.memref_slice %arg5[%add3A_61, %arg0, %dma_wait3A] : memref<10000x2x64xf32, #tpu.memory_space<hbm>> -> memref<128x1x64xf32, #tpu.memory_space<hbm>>
      %dma_wait3A_81 = tpu.memref_squeeze %dma_wait3A_80 : memref<128x1x64xf32, #tpu.memory_space<hbm>> -> memref<128x64xf32, #tpu.memory_space<hbm>>
      %dma_wait3A_82 = arith.constant 0 : i32
      %dma_wait3A_83 = tpu.memref_slice %arg5[%add3A_61, %arg0, %dma_wait3A_82] : memref<10000x2x64xf32, #tpu.memory_space<hbm>> -> memref<128x1x64xf32, #tpu.memory_space<hbm>>
      %dma_wait3A_84 = tpu.memref_squeeze %dma_wait3A_83 : memref<128x1x64xf32, #tpu.memory_space<hbm>> -> memref<128x64xf32, #tpu.memory_space<hbm>>
      tpu.wait_dma2 semaphore(%run_scoped3A : memref<!tpu.dma_semaphore, #tpu.memory_space<semaphore_mem>>) src(%arg8 : memref<128x64xf32, #tpu.memory_space<vmem>>) dst(%dma_wait3A_84 : memref<128x64xf32, #tpu.memory_space<hbm>>)
      tpu.yield
    }) : () -> ()
    %mul3A_62 = arith.constant 624 : i32
    %mul3A_63 = arith.muli %arg1, %mul3A_62 : i32
    %add3A_64 = arith.constant 512 : i32
    %add3A_65 = arith.addi %mul3A_63, %add3A_64 : i32
    "tpu.region"() ({
      %run_scoped3A = tpu.sem_alloc : memref<!tpu.dma_semaphore, #tpu.memory_space<semaphore_mem>>
      %dma_start3A = arith.constant 0 : i32
      %dma_start3A_75 = arith.constant 0 : i32
      %dma_start3A_76 = tpu.memref_slice %arg8[%dma_start3A, %dma_start3A_75] : memref<128x64xf32, #tpu.memory_space<vmem>> -> memref<112x64xf32, #tpu.memory_space<vmem>>
      %dma_start3A_77 = arith.constant 0 : i32
      %dma_start3A_78 = tpu.memref_slice %arg12[%add3A_65, %dma_start3A_77] : memref<10000x64xf32, #tpu.memory_space<vmem_shared>> -> memref<112x64xf32, #tpu.memory_space<vmem_shared>>
      %dma_start3A_79 = arith.constant 0 : i32
      %dma_start3A_80 = arith.constant 0 : i32
      %dma_start3A_81 = tpu.memref_slice %arg8[%dma_start3A_79, %dma_start3A_80] : memref<128x64xf32, #tpu.memory_space<vmem>> -> memref<112x64xf32, #tpu.memory_space<vmem>>
      %dma_start3A_82 = arith.constant 0 : i32
      %dma_start3A_83 = tpu.memref_slice %arg12[%add3A_65, %dma_start3A_82] : memref<10000x64xf32, #tpu.memory_space<vmem_shared>> -> memref<112x64xf32, #tpu.memory_space<vmem_shared>>
      tpu.enqueue_dma source(%dma_start3A_83 : memref<112x64xf32, #tpu.memory_space<vmem_shared>>) target(%dma_start3A_81 : memref<112x64xf32, #tpu.memory_space<vmem>>) target_semaphore(%run_scoped3A : memref<!tpu.dma_semaphore, #tpu.memory_space<semaphore_mem>>)
      %dma_wait3A = arith.constant 0 : i32
      %dma_wait3A_84 = arith.constant 0 : i32
      %dma_wait3A_85 = tpu.memref_slice %arg8[%dma_wait3A, %dma_wait3A_84] : memref<128x64xf32, #tpu.memory_space<vmem>> -> memref<112x64xf32, #tpu.memory_space<vmem>>
      %dma_wait3A_86 = arith.constant 0 : i32
      %dma_wait3A_87 = tpu.memref_slice %arg12[%add3A_65, %dma_wait3A_86] : memref<10000x64xf32, #tpu.memory_space<vmem_shared>> -> memref<112x64xf32, #tpu.memory_space<vmem_shared>>
      %dma_wait3A_88 = arith.constant 0 : i32
      %dma_wait3A_89 = arith.constant 0 : i32
      %dma_wait3A_90 = tpu.memref_slice %arg8[%dma_wait3A_88, %dma_wait3A_89] : memref<128x64xf32, #tpu.memory_space<vmem>> -> memref<112x64xf32, #tpu.memory_space<vmem>>
      %dma_wait3A_91 = arith.constant 0 : i32
      %dma_wait3A_92 = tpu.memref_slice %arg12[%add3A_65, %dma_wait3A_91] : memref<10000x64xf32, #tpu.memory_space<vmem_shared>> -> memref<112x64xf32, #tpu.memory_space<vmem_shared>>
      tpu.wait_dma2 semaphore(%run_scoped3A : memref<!tpu.dma_semaphore, #tpu.memory_space<semaphore_mem>>) src(%dma_wait3A_92 : memref<112x64xf32, #tpu.memory_space<vmem_shared>>) dst(%dma_wait3A_90 : memref<112x64xf32, #tpu.memory_space<vmem>>)
      tpu.yield
    }) : () -> ()
    %mul3A_66 = arith.constant 624 : i32
    %mul3A_67 = arith.muli %arg1, %mul3A_66 : i32
    %add3A_68 = arith.constant 512 : i32
    %add3A_69 = arith.addi %mul3A_67, %add3A_68 : i32
    "tpu.region"() ({
      %run_scoped3A = tpu.sem_alloc : memref<!tpu.dma_semaphore, #tpu.memory_space<semaphore_mem>>
      %dma_start3A = arith.constant 0 : i32
      %dma_start3A_75 = arith.constant 0 : i32
      %dma_start3A_76 = tpu.memref_slice %arg8[%dma_start3A, %dma_start3A_75] : memref<128x64xf32, #tpu.memory_space<vmem>> -> memref<112x64xf32, #tpu.memory_space<vmem>>
      %dma_start3A_77 = arith.constant 0 : i32
      %dma_start3A_78 = tpu.memref_slice %arg5[%add3A_69, %arg0, %dma_start3A_77] : memref<10000x2x64xf32, #tpu.memory_space<hbm>> -> memref<112x1x64xf32, #tpu.memory_space<hbm>>
      %dma_start3A_79 = tpu.memref_squeeze %dma_start3A_78 : memref<112x1x64xf32, #tpu.memory_space<hbm>> -> memref<112x64xf32, #tpu.memory_space<hbm>>
      %dma_start3A_80 = arith.constant 0 : i32
      %dma_start3A_81 = tpu.memref_slice %arg5[%add3A_69, %arg0, %dma_start3A_80] : memref<10000x2x64xf32, #tpu.memory_space<hbm>> -> memref<112x1x64xf32, #tpu.memory_space<hbm>>
      %dma_start3A_82 = tpu.memref_squeeze %dma_start3A_81 : memref<112x1x64xf32, #tpu.memory_space<hbm>> -> memref<112x64xf32, #tpu.memory_space<hbm>>
      %dma_start3A_83 = arith.constant 0 : i32
      %dma_start3A_84 = arith.constant 0 : i32
      %dma_start3A_85 = tpu.memref_slice %arg8[%dma_start3A_83, %dma_start3A_84] : memref<128x64xf32, #tpu.memory_space<vmem>> -> memref<112x64xf32, #tpu.memory_space<vmem>>
      tpu.enqueue_dma source(%dma_start3A_85 : memref<112x64xf32, #tpu.memory_space<vmem>>) target(%dma_start3A_82 : memref<112x64xf32, #tpu.memory_space<hbm>>) target_semaphore(%run_scoped3A : memref<!tpu.dma_semaphore, #tpu.memory_space<semaphore_mem>>)
      %dma_wait3A = arith.constant 0 : i32
      %dma_wait3A_86 = arith.constant 0 : i32
      %dma_wait3A_87 = tpu.memref_slice %arg8[%dma_wait3A, %dma_wait3A_86] : memref<128x64xf32, #tpu.memory_space<vmem>> -> memref<112x64xf32, #tpu.memory_space<vmem>>
      %dma_wait3A_88 = arith.constant 0 : i32
      %dma_wait3A_89 = tpu.memref_slice %arg5[%add3A_69, %arg0, %dma_wait3A_88] : memref<10000x2x64xf32, #tpu.memory_space<hbm>> -> memref<112x1x64xf32, #tpu.memory_space<hbm>>
      %dma_wait3A_90 = tpu.memref_squeeze %dma_wait3A_89 : memref<112x1x64xf32, #tpu.memory_space<hbm>> -> memref<112x64xf32, #tpu.memory_space<hbm>>
      %dma_wait3A_91 = arith.constant 0 : i32
      %dma_wait3A_92 = tpu.memref_slice %arg5[%add3A_69, %arg0, %dma_wait3A_91] : memref<10000x2x64xf32, #tpu.memory_space<hbm>> -> memref<112x1x64xf32, #tpu.memory_space<hbm>>
      %dma_wait3A_93 = tpu.memref_squeeze %dma_wait3A_92 : memref<112x1x64xf32, #tpu.memory_space<hbm>> -> memref<112x64xf32, #tpu.memory_space<hbm>>
      %dma_wait3A_94 = arith.constant 0 : i32
      %dma_wait3A_95 = arith.constant 0 : i32
      %dma_wait3A_96 = tpu.memref_slice %arg8[%dma_wait3A_94, %dma_wait3A_95] : memref<128x64xf32, #tpu.memory_space<vmem>> -> memref<112x64xf32, #tpu.memory_space<vmem>>
      tpu.wait_dma2 semaphore(%run_scoped3A : memref<!tpu.dma_semaphore, #tpu.memory_space<semaphore_mem>>) src(%dma_wait3A_96 : memref<112x64xf32, #tpu.memory_space<vmem>>) dst(%dma_wait3A_93 : memref<112x64xf32, #tpu.memory_space<hbm>>)
      tpu.yield
    }) : () -> ()
    %eq3A_70 = arith.constant 15 : i32
    %eq3A_71 = arith.cmpi eq, %arg1, %eq3A_70 : i32
    %convert_element_type3A_72 = arith.extui %eq3A_71 : i1 to i32
    %cond3A_73 = arith.constant 0 : i32
    %cond3A_74 = arith.cmpi ne, %convert_element_type3A_72, %cond3A_73 : i32
    scf.if %cond3A_74 {
      "tpu.region"() ({
        %run_scoped3A = tpu.sem_alloc : memref<!tpu.dma_semaphore, #tpu.memory_space<semaphore_mem>>
        %dma_start3A = arith.constant 0 : i32
        %dma_start3A_75 = arith.constant 0 : i32
        %dma_start3A_76 = tpu.memref_slice %arg9[%dma_start3A, %dma_start3A_75] : memref<128x64xf32, #tpu.memory_space<vmem>> -> memref<16x64xf32, #tpu.memory_space<vmem>>
        %dma_start3A_77 = arith.constant 9984 : i32
        %dma_start3A_78 = arith.constant 0 : i32
        %dma_start3A_79 = tpu.memref_slice %arg12[%dma_start3A_77, %dma_start3A_78] : memref<10000x64xf32, #tpu.memory_space<vmem_shared>> -> memref<16x64xf32, #tpu.memory_space<vmem_shared>>
        %dma_start3A_80 = arith.constant 0 : i32
        %dma_start3A_81 = arith.constant 0 : i32
        %dma_start3A_82 = tpu.memref_slice %arg9[%dma_start3A_80, %dma_start3A_81] : memref<128x64xf32, #tpu.memory_space<vmem>> -> memref<16x64xf32, #tpu.memory_space<vmem>>
        %dma_start3A_83 = arith.constant 9984 : i32
        %dma_start3A_84 = arith.constant 0 : i32
        %dma_start3A_85 = tpu.memref_slice %arg12[%dma_start3A_83, %dma_start3A_84] : memref<10000x64xf32, #tpu.memory_space<vmem_shared>> -> memref<16x64xf32, #tpu.memory_space<vmem_shared>>
        tpu.enqueue_dma source(%dma_start3A_85 : memref<16x64xf32, #tpu.memory_space<vmem_shared>>) target(%dma_start3A_82 : memref<16x64xf32, #tpu.memory_space<vmem>>) target_semaphore(%run_scoped3A : memref<!tpu.dma_semaphore, #tpu.memory_space<semaphore_mem>>)
        %dma_wait3A = arith.constant 0 : i32
        %dma_wait3A_86 = arith.constant 0 : i32
        %dma_wait3A_87 = tpu.memref_slice %arg9[%dma_wait3A, %dma_wait3A_86] : memref<128x64xf32, #tpu.memory_space<vmem>> -> memref<16x64xf32, #tpu.memory_space<vmem>>
        %dma_wait3A_88 = arith.constant 9984 : i32
        %dma_wait3A_89 = arith.constant 0 : i32
        %dma_wait3A_90 = tpu.memref_slice %arg12[%dma_wait3A_88, %dma_wait3A_89] : memref<10000x64xf32, #tpu.memory_space<vmem_shared>> -> memref<16x64xf32, #tpu.memory_space<vmem_shared>>
        %dma_wait3A_91 = arith.constant 0 : i32
        %dma_wait3A_92 = arith.constant 0 : i32
        %dma_wait3A_93 = tpu.memref_slice %arg9[%dma_wait3A_91, %dma_wait3A_92] : memref<128x64xf32, #tpu.memory_space<vmem>> -> memref<16x64xf32, #tpu.memory_space<vmem>>
        %dma_wait3A_94 = arith.constant 9984 : i32
        %dma_wait3A_95 = arith.constant 0 : i32
        %dma_wait3A_96 = tpu.memref_slice %arg12[%dma_wait3A_94, %dma_wait3A_95] : memref<10000x64xf32, #tpu.memory_space<vmem_shared>> -> memref<16x64xf32, #tpu.memory_space<vmem_shared>>
        tpu.wait_dma2 semaphore(%run_scoped3A : memref<!tpu.dma_semaphore, #tpu.memory_space<semaphore_mem>>) src(%dma_wait3A_96 : memref<16x64xf32, #tpu.memory_space<vmem_shared>>) dst(%dma_wait3A_93 : memref<16x64xf32, #tpu.memory_space<vmem>>)
        tpu.yield
      }) : () -> ()
      "tpu.region"() ({
        %run_scoped3A = tpu.sem_alloc : memref<!tpu.dma_semaphore, #tpu.memory_space<semaphore_mem>>
        %dma_start3A = arith.constant 0 : i32
        %dma_start3A_75 = arith.constant 0 : i32
        %dma_start3A_76 = tpu.memref_slice %arg9[%dma_start3A, %dma_start3A_75] : memref<128x64xf32, #tpu.memory_space<vmem>> -> memref<16x64xf32, #tpu.memory_space<vmem>>
        %dma_start3A_77 = arith.constant 9984 : i32
        %dma_start3A_78 = arith.constant 0 : i32
        %dma_start3A_79 = tpu.memref_slice %arg5[%dma_start3A_77, %arg0, %dma_start3A_78] : memref<10000x2x64xf32, #tpu.memory_space<hbm>> -> memref<16x1x64xf32, #tpu.memory_space<hbm>>
        %dma_start3A_80 = tpu.memref_squeeze %dma_start3A_79 : memref<16x1x64xf32, #tpu.memory_space<hbm>> -> memref<16x64xf32, #tpu.memory_space<hbm>>
        %dma_start3A_81 = arith.constant 9984 : i32
        %dma_start3A_82 = arith.constant 0 : i32
        %dma_start3A_83 = tpu.memref_slice %arg5[%dma_start3A_81, %arg0, %dma_start3A_82] : memref<10000x2x64xf32, #tpu.memory_space<hbm>> -> memref<16x1x64xf32, #tpu.memory_space<hbm>>
        %dma_start3A_84 = tpu.memref_squeeze %dma_start3A_83 : memref<16x1x64xf32, #tpu.memory_space<hbm>> -> memref<16x64xf32, #tpu.memory_space<hbm>>
        %dma_start3A_85 = arith.constant 0 : i32
        %dma_start3A_86 = arith.constant 0 : i32
        %dma_start3A_87 = tpu.memref_slice %arg9[%dma_start3A_85, %dma_start3A_86] : memref<128x64xf32, #tpu.memory_space<vmem>> -> memref<16x64xf32, #tpu.memory_space<vmem>>
        tpu.enqueue_dma source(%dma_start3A_87 : memref<16x64xf32, #tpu.memory_space<vmem>>) target(%dma_start3A_84 : memref<16x64xf32, #tpu.memory_space<hbm>>) target_semaphore(%run_scoped3A : memref<!tpu.dma_semaphore, #tpu.memory_space<semaphore_mem>>)
        %dma_wait3A = arith.constant 0 : i32
        %dma_wait3A_88 = arith.constant 0 : i32
        %dma_wait3A_89 = tpu.memref_slice %arg9[%dma_wait3A, %dma_wait3A_88] : memref<128x64xf32, #tpu.memory_space<vmem>> -> memref<16x64xf32, #tpu.memory_space<vmem>>
        %dma_wait3A_90 = arith.constant 9984 : i32
        %dma_wait3A_91 = arith.constant 0 : i32
        %dma_wait3A_92 = tpu.memref_slice %arg5[%dma_wait3A_90, %arg0, %dma_wait3A_91] : memref<10000x2x64xf32, #tpu.memory_space<hbm>> -> memref<16x1x64xf32, #tpu.memory_space<hbm>>
        %dma_wait3A_93 = tpu.memref_squeeze %dma_wait3A_92 : memref<16x1x64xf32, #tpu.memory_space<hbm>> -> memref<16x64xf32, #tpu.memory_space<hbm>>
        %dma_wait3A_94 = arith.constant 9984 : i32
        %dma_wait3A_95 = arith.constant 0 : i32
        %dma_wait3A_96 = tpu.memref_slice %arg5[%dma_wait3A_94, %arg0, %dma_wait3A_95] : memref<10000x2x64xf32, #tpu.memory_space<hbm>> -> memref<16x1x64xf32, #tpu.memory_space<hbm>>
        %dma_wait3A_97 = tpu.memref_squeeze %dma_wait3A_96 : memref<16x1x64xf32, #tpu.memory_space<hbm>> -> memref<16x64xf32, #tpu.memory_space<hbm>>
        %dma_wait3A_98 = arith.constant 0 : i32
        %dma_wait3A_99 = arith.constant 0 : i32
        %dma_wait3A_100 = tpu.memref_slice %arg9[%dma_wait3A_98, %dma_wait3A_99] : memref<128x64xf32, #tpu.memory_space<vmem>> -> memref<16x64xf32, #tpu.memory_space<vmem>>
        tpu.wait_dma2 semaphore(%run_scoped3A : memref<!tpu.dma_semaphore, #tpu.memory_space<semaphore_mem>>) src(%dma_wait3A_100 : memref<16x64xf32, #tpu.memory_space<vmem>>) dst(%dma_wait3A_97 : memref<16x64xf32, #tpu.memory_space<hbm>>)
        tpu.yield
      }) : () -> ()
    } else {
    }
    return
  }
}

#map = affine_map<(d0, d1) -> (0, 0)>
#map1 = affine_map<(d0, d1) -> (0, 0, 0)>
module attributes {stable_mosaic.version = 14 : i64} {
  func.func @_agg_kernel(%arg0: i32, %arg1: i32, %arg2: memref<20000x64xf32, #tpu.memory_space<hbm>>, %arg3: memref<5000x128xi32, #tpu.memory_space<hbm>>, %arg4: memref<128x64xf32, #tpu.memory_space<hbm>>, %arg5: memref<10000x2x64xf32, #tpu.memory_space<hbm>>, %arg6: memref<52x128xi32, #tpu.memory_space<vmem>>, %arg7: memref<52x128xi32, #tpu.memory_space<vmem>>, %arg8: memref<128x64xf32, #tpu.memory_space<vmem>>, %arg9: memref<128x64xf32, #tpu.memory_space<vmem>>, %arg10: memref<128x64xf32, #tpu.memory_space<vmem>>, %arg11: memref<128x64xf32, #tpu.memory_space<vmem>>, %arg12: memref<10000x64xf32, #tpu.memory_space<vmem_shared>>, %arg13: memref<!tpu.dma_semaphore, #tpu.memory_space<semaphore_mem>>, %arg14: memref<!tpu.dma_semaphore, #tpu.memory_space<semaphore_mem>>, %arg15: memref<!tpu.dma_semaphore, #tpu.memory_space<semaphore_mem>>, %arg16: memref<!tpu.dma_semaphore, #tpu.memory_space<semaphore_mem>>, %arg17: memref<!tpu.dma_semaphore, #tpu.memory_space<semaphore_mem>>, %arg18: memref<!tpu.dma_semaphore, #tpu.memory_space<semaphore_mem>>, %arg19: memref<!tpu.dma_semaphore, #tpu.memory_space<semaphore_mem>>, %arg20: memref<!tpu.dma_semaphore, #tpu.memory_space<semaphore_mem>>) attributes {dimension_semantics = [#tpu.dimension_semantics<core_parallel>, #tpu.dimension_semantics<subcore_parallel>], iteration_bounds = array<i64: 2, 16>, scalar_prefetch = 0 : i64, scratch_operands = 15 : i64, tpu.core_type = #tpu.core_type<sc_vector_subcore>, window_params = [{transform_indices = #map}, {transform_indices = #map}, {transform_indices = #map}, {transform_indices = #map1}]} {
    "tpu.region"() ({
      %run_scoped3A = tpu.sem_alloc : memref<!tpu.dma_semaphore, #tpu.memory_space<semaphore_mem>>
      tpu.enqueue_dma source(%arg4 : memref<128x64xf32, #tpu.memory_space<hbm>>) target(%arg8 : memref<128x64xf32, #tpu.memory_space<vmem>>) target_semaphore(%run_scoped3A : memref<!tpu.dma_semaphore, #tpu.memory_space<semaphore_mem>>)
      tpu.wait_dma2 semaphore(%run_scoped3A : memref<!tpu.dma_semaphore, #tpu.memory_space<semaphore_mem>>) src(%arg4 : memref<128x64xf32, #tpu.memory_space<hbm>>) dst(%arg8 : memref<128x64xf32, #tpu.memory_space<vmem>>)
      tpu.yield
    }) : () -> ()
    %mul3A = arith.constant 624 : i32
    %mul3A_0 = arith.muli %arg1, %mul3A : i32
    %add3A = arith.constant 0 : i32
    %add3A_1 = arith.addi %mul3A_0, %add3A : i32
    "tpu.region"() ({
      %run_scoped3A = tpu.sem_alloc : memref<!tpu.dma_semaphore, #tpu.memory_space<semaphore_mem>>
      %dma_start3A = arith.constant 0 : i32
      %dma_start3A_75 = tpu.memref_slice %arg12[%add3A_1, %dma_start3A] : memref<10000x64xf32, #tpu.memory_space<vmem_shared>> -> memref<128x64xf32, #tpu.memory_space<vmem_shared>>
      %dma_start3A_76 = arith.constant 0 : i32
      %dma_start3A_77 = tpu.memref_slice %arg12[%add3A_1, %dma_start3A_76] : memref<10000x64xf32, #tpu.memory_space<vmem_shared>> -> memref<128x64xf32, #tpu.memory_space<vmem_shared>>
      tpu.enqueue_dma source(%arg8 : memref<128x64xf32, #tpu.memory_space<vmem>>) target(%dma_start3A_77 : memref<128x64xf32, #tpu.memory_space<vmem_shared>>) target_semaphore(%run_scoped3A : memref<!tpu.dma_semaphore, #tpu.memory_space<semaphore_mem>>)
      %dma_wait3A = arith.constant 0 : i32
      %dma_wait3A_78 = tpu.memref_slice %arg12[%add3A_1, %dma_wait3A] : memref<10000x64xf32, #tpu.memory_space<vmem_shared>> -> memref<128x64xf32, #tpu.memory_space<vmem_shared>>
      %dma_wait3A_79 = arith.constant 0 : i32
      %dma_wait3A_80 = tpu.memref_slice %arg12[%add3A_1, %dma_wait3A_79] : memref<10000x64xf32, #tpu.memory_space<vmem_shared>> -> memref<128x64xf32, #tpu.memory_space<vmem_shared>>
      tpu.wait_dma2 semaphore(%run_scoped3A : memref<!tpu.dma_semaphore, #tpu.memory_space<semaphore_mem>>) src(%arg8 : memref<128x64xf32, #tpu.memory_space<vmem>>) dst(%dma_wait3A_80 : memref<128x64xf32, #tpu.memory_space<vmem_shared>>)
      tpu.yield
    }) : () -> ()
    %mul3A_2 = arith.constant 624 : i32
    %mul3A_3 = arith.muli %arg1, %mul3A_2 : i32
    %add3A_4 = arith.constant 128 : i32
    %add3A_5 = arith.addi %mul3A_3, %add3A_4 : i32
    "tpu.region"() ({
      %run_scoped3A = tpu.sem_alloc : memref<!tpu.dma_semaphore, #tpu.memory_space<semaphore_mem>>
      %dma_start3A = arith.constant 0 : i32
      %dma_start3A_75 = tpu.memref_slice %arg12[%add3A_5, %dma_start3A] : memref<10000x64xf32, #tpu.memory_space<vmem_shared>> -> memref<128x64xf32, #tpu.memory_space<vmem_shared>>
      %dma_start3A_76 = arith.constant 0 : i32
      %dma_start3A_77 = tpu.memref_slice %arg12[%add3A_5, %dma_start3A_76] : memref<10000x64xf32, #tpu.memory_space<vmem_shared>> -> memref<128x64xf32, #tpu.memory_space<vmem_shared>>
      tpu.enqueue_dma source(%arg8 : memref<128x64xf32, #tpu.memory_space<vmem>>) target(%dma_start3A_77 : memref<128x64xf32, #tpu.memory_space<vmem_shared>>) target_semaphore(%run_scoped3A : memref<!tpu.dma_semaphore, #tpu.memory_space<semaphore_mem>>)
      %dma_wait3A = arith.constant 0 : i32
      %dma_wait3A_78 = tpu.memref_slice %arg12[%add3A_5, %dma_wait3A] : memref<10000x64xf32, #tpu.memory_space<vmem_shared>> -> memref<128x64xf32, #tpu.memory_space<vmem_shared>>
      %dma_wait3A_79 = arith.constant 0 : i32
      %dma_wait3A_80 = tpu.memref_slice %arg12[%add3A_5, %dma_wait3A_79] : memref<10000x64xf32, #tpu.memory_space<vmem_shared>> -> memref<128x64xf32, #tpu.memory_space<vmem_shared>>
      tpu.wait_dma2 semaphore(%run_scoped3A : memref<!tpu.dma_semaphore, #tpu.memory_space<semaphore_mem>>) src(%arg8 : memref<128x64xf32, #tpu.memory_space<vmem>>) dst(%dma_wait3A_80 : memref<128x64xf32, #tpu.memory_space<vmem_shared>>)
      tpu.yield
    }) : () -> ()
    %mul3A_6 = arith.constant 624 : i32
    %mul3A_7 = arith.muli %arg1, %mul3A_6 : i32
    %add3A_8 = arith.constant 256 : i32
    %add3A_9 = arith.addi %mul3A_7, %add3A_8 : i32
    "tpu.region"() ({
      %run_scoped3A = tpu.sem_alloc : memref<!tpu.dma_semaphore, #tpu.memory_space<semaphore_mem>>
      %dma_start3A = arith.constant 0 : i32
      %dma_start3A_75 = tpu.memref_slice %arg12[%add3A_9, %dma_start3A] : memref<10000x64xf32, #tpu.memory_space<vmem_shared>> -> memref<128x64xf32, #tpu.memory_space<vmem_shared>>
      %dma_start3A_76 = arith.constant 0 : i32
      %dma_start3A_77 = tpu.memref_slice %arg12[%add3A_9, %dma_start3A_76] : memref<10000x64xf32, #tpu.memory_space<vmem_shared>> -> memref<128x64xf32, #tpu.memory_space<vmem_shared>>
      tpu.enqueue_dma source(%arg8 : memref<128x64xf32, #tpu.memory_space<vmem>>) target(%dma_start3A_77 : memref<128x64xf32, #tpu.memory_space<vmem_shared>>) target_semaphore(%run_scoped3A : memref<!tpu.dma_semaphore, #tpu.memory_space<semaphore_mem>>)
      %dma_wait3A = arith.constant 0 : i32
      %dma_wait3A_78 = tpu.memref_slice %arg12[%add3A_9, %dma_wait3A] : memref<10000x64xf32, #tpu.memory_space<vmem_shared>> -> memref<128x64xf32, #tpu.memory_space<vmem_shared>>
      %dma_wait3A_79 = arith.constant 0 : i32
      %dma_wait3A_80 = tpu.memref_slice %arg12[%add3A_9, %dma_wait3A_79] : memref<10000x64xf32, #tpu.memory_space<vmem_shared>> -> memref<128x64xf32, #tpu.memory_space<vmem_shared>>
      tpu.wait_dma2 semaphore(%run_scoped3A : memref<!tpu.dma_semaphore, #tpu.memory_space<semaphore_mem>>) src(%arg8 : memref<128x64xf32, #tpu.memory_space<vmem>>) dst(%dma_wait3A_80 : memref<128x64xf32, #tpu.memory_space<vmem_shared>>)
      tpu.yield
    }) : () -> ()
    %mul3A_10 = arith.constant 624 : i32
    %mul3A_11 = arith.muli %arg1, %mul3A_10 : i32
    %add3A_12 = arith.constant 384 : i32
    %add3A_13 = arith.addi %mul3A_11, %add3A_12 : i32
    "tpu.region"() ({
      %run_scoped3A = tpu.sem_alloc : memref<!tpu.dma_semaphore, #tpu.memory_space<semaphore_mem>>
      %dma_start3A = arith.constant 0 : i32
      %dma_start3A_75 = tpu.memref_slice %arg12[%add3A_13, %dma_start3A] : memref<10000x64xf32, #tpu.memory_space<vmem_shared>> -> memref<128x64xf32, #tpu.memory_space<vmem_shared>>
      %dma_start3A_76 = arith.constant 0 : i32
      %dma_start3A_77 = tpu.memref_slice %arg12[%add3A_13, %dma_start3A_76] : memref<10000x64xf32, #tpu.memory_space<vmem_shared>> -> memref<128x64xf32, #tpu.memory_space<vmem_shared>>
      tpu.enqueue_dma source(%arg8 : memref<128x64xf32, #tpu.memory_space<vmem>>) target(%dma_start3A_77 : memref<128x64xf32, #tpu.memory_space<vmem_shared>>) target_semaphore(%run_scoped3A : memref<!tpu.dma_semaphore, #tpu.memory_space<semaphore_mem>>)
      %dma_wait3A = arith.constant 0 : i32
      %dma_wait3A_78 = tpu.memref_slice %arg12[%add3A_13, %dma_wait3A] : memref<10000x64xf32, #tpu.memory_space<vmem_shared>> -> memref<128x64xf32, #tpu.memory_space<vmem_shared>>
      %dma_wait3A_79 = arith.constant 0 : i32
      %dma_wait3A_80 = tpu.memref_slice %arg12[%add3A_13, %dma_wait3A_79] : memref<10000x64xf32, #tpu.memory_space<vmem_shared>> -> memref<128x64xf32, #tpu.memory_space<vmem_shared>>
      tpu.wait_dma2 semaphore(%run_scoped3A : memref<!tpu.dma_semaphore, #tpu.memory_space<semaphore_mem>>) src(%arg8 : memref<128x64xf32, #tpu.memory_space<vmem>>) dst(%dma_wait3A_80 : memref<128x64xf32, #tpu.memory_space<vmem_shared>>)
      tpu.yield
    }) : () -> ()
    %mul3A_14 = arith.constant 624 : i32
    %mul3A_15 = arith.muli %arg1, %mul3A_14 : i32
    %add3A_16 = arith.constant 512 : i32
    %add3A_17 = arith.addi %mul3A_15, %add3A_16 : i32
    "tpu.region"() ({
      %run_scoped3A = tpu.sem_alloc : memref<!tpu.dma_semaphore, #tpu.memory_space<semaphore_mem>>
      %dma_start3A = arith.constant 0 : i32
      %dma_start3A_75 = arith.constant 0 : i32
      %dma_start3A_76 = tpu.memref_slice %arg8[%dma_start3A, %dma_start3A_75] : memref<128x64xf32, #tpu.memory_space<vmem>> -> memref<112x64xf32, #tpu.memory_space<vmem>>
      %dma_start3A_77 = arith.constant 0 : i32
      %dma_start3A_78 = tpu.memref_slice %arg12[%add3A_17, %dma_start3A_77] : memref<10000x64xf32, #tpu.memory_space<vmem_shared>> -> memref<112x64xf32, #tpu.memory_space<vmem_shared>>
      %dma_start3A_79 = arith.constant 0 : i32
      %dma_start3A_80 = tpu.memref_slice %arg12[%add3A_17, %dma_start3A_79] : memref<10000x64xf32, #tpu.memory_space<vmem_shared>> -> memref<112x64xf32, #tpu.memory_space<vmem_shared>>
      %dma_start3A_81 = arith.constant 0 : i32
      %dma_start3A_82 = arith.constant 0 : i32
      %dma_start3A_83 = tpu.memref_slice %arg8[%dma_start3A_81, %dma_start3A_82] : memref<128x64xf32, #tpu.memory_space<vmem>> -> memref<112x64xf32, #tpu.memory_space<vmem>>
      tpu.enqueue_dma source(%dma_start3A_83 : memref<112x64xf32, #tpu.memory_space<vmem>>) target(%dma_start3A_80 : memref<112x64xf32, #tpu.memory_space<vmem_shared>>) target_semaphore(%run_scoped3A : memref<!tpu.dma_semaphore, #tpu.memory_space<semaphore_mem>>)
      %dma_wait3A = arith.constant 0 : i32
      %dma_wait3A_84 = arith.constant 0 : i32
      %dma_wait3A_85 = tpu.memref_slice %arg8[%dma_wait3A, %dma_wait3A_84] : memref<128x64xf32, #tpu.memory_space<vmem>> -> memref<112x64xf32, #tpu.memory_space<vmem>>
      %dma_wait3A_86 = arith.constant 0 : i32
      %dma_wait3A_87 = tpu.memref_slice %arg12[%add3A_17, %dma_wait3A_86] : memref<10000x64xf32, #tpu.memory_space<vmem_shared>> -> memref<112x64xf32, #tpu.memory_space<vmem_shared>>
      %dma_wait3A_88 = arith.constant 0 : i32
      %dma_wait3A_89 = tpu.memref_slice %arg12[%add3A_17, %dma_wait3A_88] : memref<10000x64xf32, #tpu.memory_space<vmem_shared>> -> memref<112x64xf32, #tpu.memory_space<vmem_shared>>
      %dma_wait3A_90 = arith.constant 0 : i32
      %dma_wait3A_91 = arith.constant 0 : i32
      %dma_wait3A_92 = tpu.memref_slice %arg8[%dma_wait3A_90, %dma_wait3A_91] : memref<128x64xf32, #tpu.memory_space<vmem>> -> memref<112x64xf32, #tpu.memory_space<vmem>>
      tpu.wait_dma2 semaphore(%run_scoped3A : memref<!tpu.dma_semaphore, #tpu.memory_space<semaphore_mem>>) src(%dma_wait3A_92 : memref<112x64xf32, #tpu.memory_space<vmem>>) dst(%dma_wait3A_89 : memref<112x64xf32, #tpu.memory_space<vmem_shared>>)
      tpu.yield
    }) : () -> ()
    %eq3A = arith.constant 15 : i32
    %eq3A_18 = arith.cmpi eq, %arg1, %eq3A : i32
    %convert_element_type3A = arith.extui %eq3A_18 : i1 to i32
    %cond3A = arith.constant 0 : i32
    %cond3A_19 = arith.cmpi ne, %convert_element_type3A, %cond3A : i32
    scf.if %cond3A_19 {
      "tpu.region"() ({
        %run_scoped3A = tpu.sem_alloc : memref<!tpu.dma_semaphore, #tpu.memory_space<semaphore_mem>>
        %dma_start3A = arith.constant 0 : i32
        %dma_start3A_75 = arith.constant 0 : i32
        %dma_start3A_76 = tpu.memref_slice %arg8[%dma_start3A, %dma_start3A_75] : memref<128x64xf32, #tpu.memory_space<vmem>> -> memref<16x64xf32, #tpu.memory_space<vmem>>
        %dma_start3A_77 = arith.constant 9984 : i32
        %dma_start3A_78 = arith.constant 0 : i32
        %dma_start3A_79 = tpu.memref_slice %arg12[%dma_start3A_77, %dma_start3A_78] : memref<10000x64xf32, #tpu.memory_space<vmem_shared>> -> memref<16x64xf32, #tpu.memory_space<vmem_shared>>
        %dma_start3A_80 = arith.constant 9984 : i32
        %dma_start3A_81 = arith.constant 0 : i32
        %dma_start3A_82 = tpu.memref_slice %arg12[%dma_start3A_80, %dma_start3A_81] : memref<10000x64xf32, #tpu.memory_space<vmem_shared>> -> memref<16x64xf32, #tpu.memory_space<vmem_shared>>
        %dma_start3A_83 = arith.constant 0 : i32
        %dma_start3A_84 = arith.constant 0 : i32
        %dma_start3A_85 = tpu.memref_slice %arg8[%dma_start3A_83, %dma_start3A_84] : memref<128x64xf32, #tpu.memory_space<vmem>> -> memref<16x64xf32, #tpu.memory_space<vmem>>
        tpu.enqueue_dma source(%dma_start3A_85 : memref<16x64xf32, #tpu.memory_space<vmem>>) target(%dma_start3A_82 : memref<16x64xf32, #tpu.memory_space<vmem_shared>>) target_semaphore(%run_scoped3A : memref<!tpu.dma_semaphore, #tpu.memory_space<semaphore_mem>>)
        %dma_wait3A = arith.constant 0 : i32
        %dma_wait3A_86 = arith.constant 0 : i32
        %dma_wait3A_87 = tpu.memref_slice %arg8[%dma_wait3A, %dma_wait3A_86] : memref<128x64xf32, #tpu.memory_space<vmem>> -> memref<16x64xf32, #tpu.memory_space<vmem>>
        %dma_wait3A_88 = arith.constant 9984 : i32
        %dma_wait3A_89 = arith.constant 0 : i32
        %dma_wait3A_90 = tpu.memref_slice %arg12[%dma_wait3A_88, %dma_wait3A_89] : memref<10000x64xf32, #tpu.memory_space<vmem_shared>> -> memref<16x64xf32, #tpu.memory_space<vmem_shared>>
        %dma_wait3A_91 = arith.constant 9984 : i32
        %dma_wait3A_92 = arith.constant 0 : i32
        %dma_wait3A_93 = tpu.memref_slice %arg12[%dma_wait3A_91, %dma_wait3A_92] : memref<10000x64xf32, #tpu.memory_space<vmem_shared>> -> memref<16x64xf32, #tpu.memory_space<vmem_shared>>
        %dma_wait3A_94 = arith.constant 0 : i32
        %dma_wait3A_95 = arith.constant 0 : i32
        %dma_wait3A_96 = tpu.memref_slice %arg8[%dma_wait3A_94, %dma_wait3A_95] : memref<128x64xf32, #tpu.memory_space<vmem>> -> memref<16x64xf32, #tpu.memory_space<vmem>>
        tpu.wait_dma2 semaphore(%run_scoped3A : memref<!tpu.dma_semaphore, #tpu.memory_space<semaphore_mem>>) src(%dma_wait3A_96 : memref<16x64xf32, #tpu.memory_space<vmem>>) dst(%dma_wait3A_93 : memref<16x64xf32, #tpu.memory_space<vmem_shared>>)
        tpu.yield
      }) : () -> ()
    } else {
    }
    %barrier3A = arith.constant 0 : index
    tpu.barrier barrier_id(%barrier3A)
    %scan3A = arith.constant 0 : i32
    %scan3A_20 = arith.constant 0 : i32
    %scan3A_21 = arith.constant 3 : i32
    %scan3A_22 = arith.addi %scan3A_20, %scan3A_21 : i32
    %scan3A_23 = arith.constant 1 : i32
    scf.for %scan3A_75 = %scan3A_20 to %scan3A_22 step %scan3A_23  : i32 {
      %mul3A_76 = arith.constant 156 : i32
      %mul3A_77 = arith.muli %arg1, %mul3A_76 : i32
      %mul3A_78 = arith.constant 52 : i32
      %mul3A_79 = arith.muli %scan3A_75, %mul3A_78 : i32
      %add3A_80 = arith.addi %mul3A_77, %mul3A_79 : i32
      "tpu.region"() ({
        %run_scoped3A = tpu.sem_alloc : memref<!tpu.dma_semaphore, #tpu.memory_space<semaphore_mem>>
        %dma_start3A_135 = arith.constant 0 : i32
        %dma_start3A_136 = tpu.memref_slice %arg3[%add3A_80, %dma_start3A_135] : memref<5000x128xi32, #tpu.memory_space<hbm>> -> memref<52x128xi32, #tpu.memory_space<hbm>>
        %dma_start3A_137 = arith.constant 0 : i32
        %dma_start3A_138 = tpu.memref_slice %arg3[%add3A_80, %dma_start3A_137] : memref<5000x128xi32, #tpu.memory_space<hbm>> -> memref<52x128xi32, #tpu.memory_space<hbm>>
        tpu.enqueue_dma source(%dma_start3A_138 : memref<52x128xi32, #tpu.memory_space<hbm>>) target(%arg6 : memref<52x128xi32, #tpu.memory_space<vmem>>) target_semaphore(%run_scoped3A : memref<!tpu.dma_semaphore, #tpu.memory_space<semaphore_mem>>)
        %dma_wait3A_139 = arith.constant 0 : i32
        %dma_wait3A_140 = tpu.memref_slice %arg3[%add3A_80, %dma_wait3A_139] : memref<5000x128xi32, #tpu.memory_space<hbm>> -> memref<52x128xi32, #tpu.memory_space<hbm>>
        %dma_wait3A_141 = arith.constant 0 : i32
        %dma_wait3A_142 = tpu.memref_slice %arg3[%add3A_80, %dma_wait3A_141] : memref<5000x128xi32, #tpu.memory_space<hbm>> -> memref<52x128xi32, #tpu.memory_space<hbm>>
        tpu.wait_dma2 semaphore(%run_scoped3A : memref<!tpu.dma_semaphore, #tpu.memory_space<semaphore_mem>>) src(%dma_wait3A_142 : memref<52x128xi32, #tpu.memory_space<hbm>>) dst(%arg6 : memref<52x128xi32, #tpu.memory_space<vmem>>)
        tpu.yield
      }) : () -> ()
      %add3A_81 = arith.constant 2500 : i32
      %add3A_82 = arith.addi %add3A_81, %add3A_80 : i32
      "tpu.region"() ({
        %run_scoped3A = tpu.sem_alloc : memref<!tpu.dma_semaphore, #tpu.memory_space<semaphore_mem>>
        %dma_start3A_135 = arith.constant 0 : i32
        %dma_start3A_136 = tpu.memref_slice %arg3[%add3A_82, %dma_start3A_135] : memref<5000x128xi32, #tpu.memory_space<hbm>> -> memref<52x128xi32, #tpu.memory_space<hbm>>
        %dma_start3A_137 = arith.constant 0 : i32
        %dma_start3A_138 = tpu.memref_slice %arg3[%add3A_82, %dma_start3A_137] : memref<5000x128xi32, #tpu.memory_space<hbm>> -> memref<52x128xi32, #tpu.memory_space<hbm>>
        tpu.enqueue_dma source(%dma_start3A_138 : memref<52x128xi32, #tpu.memory_space<hbm>>) target(%arg7 : memref<52x128xi32, #tpu.memory_space<vmem>>) target_semaphore(%run_scoped3A : memref<!tpu.dma_semaphore, #tpu.memory_space<semaphore_mem>>)
        %dma_wait3A_139 = arith.constant 0 : i32
        %dma_wait3A_140 = tpu.memref_slice %arg3[%add3A_82, %dma_wait3A_139] : memref<5000x128xi32, #tpu.memory_space<hbm>> -> memref<52x128xi32, #tpu.memory_space<hbm>>
        %dma_wait3A_141 = arith.constant 0 : i32
        %dma_wait3A_142 = tpu.memref_slice %arg3[%add3A_82, %dma_wait3A_141] : memref<5000x128xi32, #tpu.memory_space<hbm>> -> memref<52x128xi32, #tpu.memory_space<hbm>>
        tpu.wait_dma2 semaphore(%run_scoped3A : memref<!tpu.dma_semaphore, #tpu.memory_space<semaphore_mem>>) src(%dma_wait3A_142 : memref<52x128xi32, #tpu.memory_space<hbm>>) dst(%arg7 : memref<52x128xi32, #tpu.memory_space<vmem>>)
        tpu.yield
      }) : () -> ()
      %scan3A_83 = arith.constant 0 : i32
      %scan3A_84 = arith.constant 0 : i32
      %scan3A_85 = arith.constant 52 : i32
      %scan3A_86 = arith.addi %scan3A_84, %scan3A_85 : i32
      %scan3A_87 = arith.constant 1 : i32
      scf.for %scan3A_135 = %scan3A_84 to %scan3A_86 step %scan3A_87  : i32 {
        %get3A = arith.index_cast %scan3A_135 : i32 to index
        %get3A_136 = arith.constant 0 : index
        %get3A_137 = tpu.vector_load %arg6[%get3A, %get3A_136] {strides = array<i32>} : memref<52x128xi32, #tpu.memory_space<vmem>>, vector<1x16xi32>,
        %get3A_138 = vector.shape_cast %get3A_137 : vector<1x16xi32> to vector<16xi32>
        %mul3A_139 = arith.constant 2 : i32
        %mul3A_140 = vector.broadcast %mul3A_139 : i32 to vector<16xi32>
        %mul3A_141 = arith.muli %get3A_138, %mul3A_140 : vector<16xi32>
        %add3A_142 = vector.broadcast %arg0 : i32 to vector<16xi32>
        %add3A_143 = arith.addi %mul3A_141, %add3A_142 : vector<16xi32>
        %swap3A = arith.index_cast %scan3A_135 : i32 to index
        %swap3A_144 = arith.constant 0 : index
        %swap3A_145 = tpu.vector_load %arg6[%swap3A, %swap3A_144] {strides = array<i32>} : memref<52x128xi32, #tpu.memory_space<vmem>>, vector<1x16xi32>,
        %swap3A_146 = vector.shape_cast %swap3A_145 : vector<1x16xi32> to vector<16xi32>
        %swap3A_147 = vector.shape_cast %add3A_143 : vector<16xi32> to vector<1x16xi32>
        tpu.vector_store %arg6[%swap3A, %swap3A_144], %swap3A_147 {strides = array<i32>} : memref<52x128xi32, #tpu.memory_space<vmem>>, vector<1x16xi32>,
        %get3A_148 = arith.index_cast %scan3A_135 : i32 to index
        %get3A_149 = arith.constant 16 : index
        %get3A_150 = tpu.vector_load %arg6[%get3A_148, %get3A_149] {strides = array<i32>} : memref<52x128xi32, #tpu.memory_space<vmem>>, vector<1x16xi32>,
        %get3A_151 = vector.shape_cast %get3A_150 : vector<1x16xi32> to vector<16xi32>
        %mul3A_152 = arith.constant 2 : i32
        %mul3A_153 = vector.broadcast %mul3A_152 : i32 to vector<16xi32>
        %mul3A_154 = arith.muli %get3A_151, %mul3A_153 : vector<16xi32>
        %add3A_155 = vector.broadcast %arg0 : i32 to vector<16xi32>
        %add3A_156 = arith.addi %mul3A_154, %add3A_155 : vector<16xi32>
        %swap3A_157 = arith.index_cast %scan3A_135 : i32 to index
        %swap3A_158 = arith.constant 16 : index
        %swap3A_159 = tpu.vector_load %arg6[%swap3A_157, %swap3A_158] {strides = array<i32>} : memref<52x128xi32, #tpu.memory_space<vmem>>, vector<1x16xi32>,
        %swap3A_160 = vector.shape_cast %swap3A_159 : vector<1x16xi32> to vector<16xi32>
        %swap3A_161 = vector.shape_cast %add3A_156 : vector<16xi32> to vector<1x16xi32>
        tpu.vector_store %arg6[%swap3A_157, %swap3A_158], %swap3A_161 {strides = array<i32>} : memref<52x128xi32, #tpu.memory_space<vmem>>, vector<1x16xi32>,
        %get3A_162 = arith.index_cast %scan3A_135 : i32 to index
        %get3A_163 = arith.constant 32 : index
        %get3A_164 = tpu.vector_load %arg6[%get3A_162, %get3A_163] {strides = array<i32>} : memref<52x128xi32, #tpu.memory_space<vmem>>, vector<1x16xi32>,
        %get3A_165 = vector.shape_cast %get3A_164 : vector<1x16xi32> to vector<16xi32>
        %mul3A_166 = arith.constant 2 : i32
        %mul3A_167 = vector.broadcast %mul3A_166 : i32 to vector<16xi32>
        %mul3A_168 = arith.muli %get3A_165, %mul3A_167 : vector<16xi32>
        %add3A_169 = vector.broadcast %arg0 : i32 to vector<16xi32>
        %add3A_170 = arith.addi %mul3A_168, %add3A_169 : vector<16xi32>
        %swap3A_171 = arith.index_cast %scan3A_135 : i32 to index
        %swap3A_172 = arith.constant 32 : index
        %swap3A_173 = tpu.vector_load %arg6[%swap3A_171, %swap3A_172] {strides = array<i32>} : memref<52x128xi32, #tpu.memory_space<vmem>>, vector<1x16xi32>,
        %swap3A_174 = vector.shape_cast %swap3A_173 : vector<1x16xi32> to vector<16xi32>
        %swap3A_175 = vector.shape_cast %add3A_170 : vector<16xi32> to vector<1x16xi32>
        tpu.vector_store %arg6[%swap3A_171, %swap3A_172], %swap3A_175 {strides = array<i32>} : memref<52x128xi32, #tpu.memory_space<vmem>>, vector<1x16xi32>,
        %get3A_176 = arith.index_cast %scan3A_135 : i32 to index
        %get3A_177 = arith.constant 48 : index
        %get3A_178 = tpu.vector_load %arg6[%get3A_176, %get3A_177] {strides = array<i32>} : memref<52x128xi32, #tpu.memory_space<vmem>>, vector<1x16xi32>,
        %get3A_179 = vector.shape_cast %get3A_178 : vector<1x16xi32> to vector<16xi32>
        %mul3A_180 = arith.constant 2 : i32
        %mul3A_181 = vector.broadcast %mul3A_180 : i32 to vector<16xi32>
        %mul3A_182 = arith.muli %get3A_179, %mul3A_181 : vector<16xi32>
        %add3A_183 = vector.broadcast %arg0 : i32 to vector<16xi32>
        %add3A_184 = arith.addi %mul3A_182, %add3A_183 : vector<16xi32>
        %swap3A_185 = arith.index_cast %scan3A_135 : i32 to index
        %swap3A_186 = arith.constant 48 : index
        %swap3A_187 = tpu.vector_load %arg6[%swap3A_185, %swap3A_186] {strides = array<i32>} : memref<52x128xi32, #tpu.memory_space<vmem>>, vector<1x16xi32>,
        %swap3A_188 = vector.shape_cast %swap3A_187 : vector<1x16xi32> to vector<16xi32>
        %swap3A_189 = vector.shape_cast %add3A_184 : vector<16xi32> to vector<1x16xi32>
        tpu.vector_store %arg6[%swap3A_185, %swap3A_186], %swap3A_189 {strides = array<i32>} : memref<52x128xi32, #tpu.memory_space<vmem>>, vector<1x16xi32>,
        %get3A_190 = arith.index_cast %scan3A_135 : i32 to index
        %get3A_191 = arith.constant 64 : index
        %get3A_192 = tpu.vector_load %arg6[%get3A_190, %get3A_191] {strides = array<i32>} : memref<52x128xi32, #tpu.memory_space<vmem>>, vector<1x16xi32>,
        %get3A_193 = vector.shape_cast %get3A_192 : vector<1x16xi32> to vector<16xi32>
        %mul3A_194 = arith.constant 2 : i32
        %mul3A_195 = vector.broadcast %mul3A_194 : i32 to vector<16xi32>
        %mul3A_196 = arith.muli %get3A_193, %mul3A_195 : vector<16xi32>
        %add3A_197 = vector.broadcast %arg0 : i32 to vector<16xi32>
        %add3A_198 = arith.addi %mul3A_196, %add3A_197 : vector<16xi32>
        %swap3A_199 = arith.index_cast %scan3A_135 : i32 to index
        %swap3A_200 = arith.constant 64 : index
        %swap3A_201 = tpu.vector_load %arg6[%swap3A_199, %swap3A_200] {strides = array<i32>} : memref<52x128xi32, #tpu.memory_space<vmem>>, vector<1x16xi32>,
        %swap3A_202 = vector.shape_cast %swap3A_201 : vector<1x16xi32> to vector<16xi32>
        %swap3A_203 = vector.shape_cast %add3A_198 : vector<16xi32> to vector<1x16xi32>
        tpu.vector_store %arg6[%swap3A_199, %swap3A_200], %swap3A_203 {strides = array<i32>} : memref<52x128xi32, #tpu.memory_space<vmem>>, vector<1x16xi32>,
        %get3A_204 = arith.index_cast %scan3A_135 : i32 to index
        %get3A_205 = arith.constant 80 : index
        %get3A_206 = tpu.vector_load %arg6[%get3A_204, %get3A_205] {strides = array<i32>} : memref<52x128xi32, #tpu.memory_space<vmem>>, vector<1x16xi32>,
        %get3A_207 = vector.shape_cast %get3A_206 : vector<1x16xi32> to vector<16xi32>
        %mul3A_208 = arith.constant 2 : i32
        %mul3A_209 = vector.broadcast %mul3A_208 : i32 to vector<16xi32>
        %mul3A_210 = arith.muli %get3A_207, %mul3A_209 : vector<16xi32>
        %add3A_211 = vector.broadcast %arg0 : i32 to vector<16xi32>
        %add3A_212 = arith.addi %mul3A_210, %add3A_211 : vector<16xi32>
        %swap3A_213 = arith.index_cast %scan3A_135 : i32 to index
        %swap3A_214 = arith.constant 80 : index
        %swap3A_215 = tpu.vector_load %arg6[%swap3A_213, %swap3A_214] {strides = array<i32>} : memref<52x128xi32, #tpu.memory_space<vmem>>, vector<1x16xi32>,
        %swap3A_216 = vector.shape_cast %swap3A_215 : vector<1x16xi32> to vector<16xi32>
        %swap3A_217 = vector.shape_cast %add3A_212 : vector<16xi32> to vector<1x16xi32>
        tpu.vector_store %arg6[%swap3A_213, %swap3A_214], %swap3A_217 {strides = array<i32>} : memref<52x128xi32, #tpu.memory_space<vmem>>, vector<1x16xi32>,
        %get3A_218 = arith.index_cast %scan3A_135 : i32 to index
        %get3A_219 = arith.constant 96 : index
        %get3A_220 = tpu.vector_load %arg6[%get3A_218, %get3A_219] {strides = array<i32>} : memref<52x128xi32, #tpu.memory_space<vmem>>, vector<1x16xi32>,
        %get3A_221 = vector.shape_cast %get3A_220 : vector<1x16xi32> to vector<16xi32>
        %mul3A_222 = arith.constant 2 : i32
        %mul3A_223 = vector.broadcast %mul3A_222 : i32 to vector<16xi32>
        %mul3A_224 = arith.muli %get3A_221, %mul3A_223 : vector<16xi32>
        %add3A_225 = vector.broadcast %arg0 : i32 to vector<16xi32>
        %add3A_226 = arith.addi %mul3A_224, %add3A_225 : vector<16xi32>
        %swap3A_227 = arith.index_cast %scan3A_135 : i32 to index
        %swap3A_228 = arith.constant 96 : index
        %swap3A_229 = tpu.vector_load %arg6[%swap3A_227, %swap3A_228] {strides = array<i32>} : memref<52x128xi32, #tpu.memory_space<vmem>>, vector<1x16xi32>,
        %swap3A_230 = vector.shape_cast %swap3A_229 : vector<1x16xi32> to vector<16xi32>
        %swap3A_231 = vector.shape_cast %add3A_226 : vector<16xi32> to vector<1x16xi32>
        tpu.vector_store %arg6[%swap3A_227, %swap3A_228], %swap3A_231 {strides = array<i32>} : memref<52x128xi32, #tpu.memory_space<vmem>>, vector<1x16xi32>,
        %get3A_232 = arith.index_cast %scan3A_135 : i32 to index
        %get3A_233 = arith.constant 112 : index
        %get3A_234 = tpu.vector_load %arg6[%get3A_232, %get3A_233] {strides = array<i32>} : memref<52x128xi32, #tpu.memory_space<vmem>>, vector<1x16xi32>,
        %get3A_235 = vector.shape_cast %get3A_234 : vector<1x16xi32> to vector<16xi32>
        %mul3A_236 = arith.constant 2 : i32
        %mul3A_237 = vector.broadcast %mul3A_236 : i32 to vector<16xi32>
        %mul3A_238 = arith.muli %get3A_235, %mul3A_237 : vector<16xi32>
        %add3A_239 = vector.broadcast %arg0 : i32 to vector<16xi32>
        %add3A_240 = arith.addi %mul3A_238, %add3A_239 : vector<16xi32>
        %swap3A_241 = arith.index_cast %scan3A_135 : i32 to index
        %swap3A_242 = arith.constant 112 : index
        %swap3A_243 = tpu.vector_load %arg6[%swap3A_241, %swap3A_242] {strides = array<i32>} : memref<52x128xi32, #tpu.memory_space<vmem>>, vector<1x16xi32>,
        %swap3A_244 = vector.shape_cast %swap3A_243 : vector<1x16xi32> to vector<16xi32>
        %swap3A_245 = vector.shape_cast %add3A_240 : vector<16xi32> to vector<1x16xi32>
        tpu.vector_store %arg6[%swap3A_241, %swap3A_242], %swap3A_245 {strides = array<i32>} : memref<52x128xi32, #tpu.memory_space<vmem>>, vector<1x16xi32>,
      }
      %scan3A_88 = arith.constant 52 : i32
      %dma_start3A = arith.constant 0 : i32
      %dma_start3A_89 = arith.constant 0 : i32
      %dma_start3A_90 = tpu.memref_slice %arg6[%dma_start3A, %dma_start3A_89] : memref<52x128xi32, #tpu.memory_space<vmem>> -> memref<1x128xi32, #tpu.memory_space<vmem>>
      %dma_start3A_91 = tpu.memref_squeeze %dma_start3A_90 : memref<1x128xi32, #tpu.memory_space<vmem>> -> memref<128xi32, #tpu.memory_space<vmem>>
      %dma_start3A_92 = arith.constant 0 : i32
      %dma_start3A_93 = arith.constant 0 : i32
      %dma_start3A_94 = tpu.memref_slice %arg2[%dma_start3A_92, %dma_start3A_93] : memref<20000x64xf32, #tpu.memory_space<hbm>> -> memref<20000x64xf32, #tpu.memory_space<hbm>>
      tpu.enqueue_indirect_dma source(%dma_start3A_94 : memref<20000x64xf32, #tpu.memory_space<hbm>>) target(%arg8 : memref<128x64xf32, #tpu.memory_space<vmem>>) offsets(%dma_start3A_91 : memref<128xi32, #tpu.memory_space<vmem>>) semaphore(%arg13 : memref<!tpu.dma_semaphore, #tpu.memory_space<semaphore_mem>>)
      %dma_start3A_95 = arith.constant 1 : i32
      %dma_start3A_96 = arith.constant 0 : i32
      %dma_start3A_97 = tpu.memref_slice %arg6[%dma_start3A_95, %dma_start3A_96] : memref<52x128xi32, #tpu.memory_space<vmem>> -> memref<1x128xi32, #tpu.memory_space<vmem>>
      %dma_start3A_98 = tpu.memref_squeeze %dma_start3A_97 : memref<1x128xi32, #tpu.memory_space<vmem>> -> memref<128xi32, #tpu.memory_space<vmem>>
      %dma_start3A_99 = arith.constant 0 : i32
      %dma_start3A_100 = arith.constant 0 : i32
      %dma_start3A_101 = tpu.memref_slice %arg2[%dma_start3A_99, %dma_start3A_100] : memref<20000x64xf32, #tpu.memory_space<hbm>> -> memref<20000x64xf32, #tpu.memory_space<hbm>>
      tpu.enqueue_indirect_dma source(%dma_start3A_101 : memref<20000x64xf32, #tpu.memory_space<hbm>>) target(%arg9 : memref<128x64xf32, #tpu.memory_space<vmem>>) offsets(%dma_start3A_98 : memref<128xi32, #tpu.memory_space<vmem>>) semaphore(%arg14 : memref<!tpu.dma_semaphore, #tpu.memory_space<semaphore_mem>>)
      %scan3A_102 = arith.constant 0 : i32
      %scan3A_103 = arith.constant 0 : i32
      %scan3A_104 = arith.constant 13 : i32
      %scan3A_105 = arith.addi %scan3A_103, %scan3A_104 : i32
      %scan3A_106 = arith.constant 1 : i32
      scf.for %scan3A_135 = %scan3A_103 to %scan3A_105 step %scan3A_106  : i32 {
        %mul3A_136 = arith.constant 4 : i32
        %mul3A_137 = arith.muli %scan3A_135, %mul3A_136 : i32
        %add3A_138 = arith.constant 0 : i32
        %add3A_139 = arith.addi %mul3A_137, %add3A_138 : i32
        %dma_wait3A_140 = arith.constant 0 : i32
        %dma_wait3A_141 = tpu.memref_slice %arg6[%add3A_139, %dma_wait3A_140] : memref<52x128xi32, #tpu.memory_space<vmem>> -> memref<1x128xi32, #tpu.memory_space<vmem>>
        %dma_wait3A_142 = tpu.memref_squeeze %dma_wait3A_141 : memref<1x128xi32, #tpu.memory_space<vmem>> -> memref<128xi32, #tpu.memory_space<vmem>>
        %dma_wait3A_143 = arith.constant 0 : i32
        %dma_wait3A_144 = arith.constant 0 : i32
        %dma_wait3A_145 = tpu.memref_slice %arg2[%dma_wait3A_143, %dma_wait3A_144] : memref<20000x64xf32, #tpu.memory_space<hbm>> -> memref<20000x64xf32, #tpu.memory_space<hbm>>
        tpu.wait_indirect_dma semaphore(%arg13 : memref<!tpu.dma_semaphore, #tpu.memory_space<semaphore_mem>>) src(%dma_wait3A_145 : memref<20000x64xf32, #tpu.memory_space<hbm>>) dst(%arg8 : memref<128x64xf32, #tpu.memory_space<vmem>>)
        %dma_start3A_146 = arith.constant 0 : i32
        %dma_start3A_147 = tpu.memref_slice %arg7[%add3A_139, %dma_start3A_146] : memref<52x128xi32, #tpu.memory_space<vmem>> -> memref<1x128xi32, #tpu.memory_space<vmem>>
        %dma_start3A_148 = tpu.memref_squeeze %dma_start3A_147 : memref<1x128xi32, #tpu.memory_space<vmem>> -> memref<128xi32, #tpu.memory_space<vmem>>
        %dma_start3A_149 = arith.constant 0 : i32
        %dma_start3A_150 = arith.constant 0 : i32
        %dma_start3A_151 = tpu.memref_slice %arg12[%dma_start3A_149, %dma_start3A_150] : memref<10000x64xf32, #tpu.memory_space<vmem_shared>> -> memref<10000x64xf32, #tpu.memory_space<vmem_shared>>
        tpu.enqueue_indirect_dma source(%arg8 : memref<128x64xf32, #tpu.memory_space<vmem>>) target(%dma_start3A_151 : memref<10000x64xf32, #tpu.memory_space<vmem_shared>>) offsets(%dma_start3A_148 : memref<128xi32, #tpu.memory_space<vmem>>) semaphore(%arg17 : memref<!tpu.dma_semaphore, #tpu.memory_space<semaphore_mem>>) {add = true}
        %add3A_152 = arith.constant 2 : i32
        %add3A_153 = arith.addi %add3A_139, %add3A_152 : i32
        %lt3A_154 = arith.constant 52 : i32
        %lt3A_155 = arith.cmpi slt, %add3A_153, %lt3A_154 : i32
        %convert_element_type3A_156 = arith.extui %lt3A_155 : i1 to i32
        %cond3A_157 = arith.constant 0 : i32
        %cond3A_158 = arith.cmpi ne, %convert_element_type3A_156, %cond3A_157 : i32
        scf.if %cond3A_158 {
          %ge3A = arith.constant 2 : i32
          %ge3A_228 = arith.cmpi sge, %add3A_139, %ge3A : i32
          %convert_element_type3A_229 = arith.extui %ge3A_228 : i1 to i32
          %cond3A_230 = arith.constant 0 : i32
          %cond3A_231 = arith.cmpi ne, %convert_element_type3A_229, %cond3A_230 : i32
          scf.if %cond3A_231 {
            %dma_wait3A_240 = arith.constant 0 : i32
            %dma_wait3A_241 = arith.constant 0 : i32
            %dma_wait3A_242 = tpu.memref_slice %arg7[%dma_wait3A_240, %dma_wait3A_241] : memref<52x128xi32, #tpu.memory_space<vmem>> -> memref<1x128xi32, #tpu.memory_space<vmem>>
            %dma_wait3A_243 = tpu.memref_squeeze %dma_wait3A_242 : memref<1x128xi32, #tpu.memory_space<vmem>> -> memref<128xi32, #tpu.memory_space<vmem>>
            %dma_wait3A_244 = arith.constant 0 : i32
            %dma_wait3A_245 = arith.constant 0 : i32
            %dma_wait3A_246 = tpu.memref_slice %arg12[%dma_wait3A_244, %dma_wait3A_245] : memref<10000x64xf32, #tpu.memory_space<vmem_shared>> -> memref<10000x64xf32, #tpu.memory_space<vmem_shared>>
            tpu.wait_indirect_dma semaphore(%arg19 : memref<!tpu.dma_semaphore, #tpu.memory_space<semaphore_mem>>) src(%arg10 : memref<128x64xf32, #tpu.memory_space<vmem>>) dst(%dma_wait3A_246 : memref<10000x64xf32, #tpu.memory_space<vmem_shared>>)
          } else {
          }
          %add3A_232 = arith.constant 2 : i32
          %add3A_233 = arith.addi %add3A_139, %add3A_232 : i32
          %dma_start3A_234 = arith.constant 0 : i32
          %dma_start3A_235 = tpu.memref_slice %arg6[%add3A_233, %dma_start3A_234] : memref<52x128xi32, #tpu.memory_space<vmem>> -> memref<1x128xi32, #tpu.memory_space<vmem>>
          %dma_start3A_236 = tpu.memref_squeeze %dma_start3A_235 : memref<1x128xi32, #tpu.memory_space<vmem>> -> memref<128xi32, #tpu.memory_space<vmem>>
          %dma_start3A_237 = arith.constant 0 : i32
          %dma_start3A_238 = arith.constant 0 : i32
          %dma_start3A_239 = tpu.memref_slice %arg2[%dma_start3A_237, %dma_start3A_238] : memref<20000x64xf32, #tpu.memory_space<hbm>> -> memref<20000x64xf32, #tpu.memory_space<hbm>>
          tpu.enqueue_indirect_dma source(%dma_start3A_239 : memref<20000x64xf32, #tpu.memory_space<hbm>>) target(%arg10 : memref<128x64xf32, #tpu.memory_space<vmem>>) offsets(%dma_start3A_236 : memref<128xi32, #tpu.memory_space<vmem>>) semaphore(%arg15 : memref<!tpu.dma_semaphore, #tpu.memory_space<semaphore_mem>>)
        } else {
        }
        %mul3A_159 = arith.constant 4 : i32
        %mul3A_160 = arith.muli %scan3A_135, %mul3A_159 : i32
        %add3A_161 = arith.constant 1 : i32
        %add3A_162 = arith.addi %mul3A_160, %add3A_161 : i32
        %dma_wait3A_163 = arith.constant 0 : i32
        %dma_wait3A_164 = tpu.memref_slice %arg6[%add3A_162, %dma_wait3A_163] : memref<52x128xi32, #tpu.memory_space<vmem>> -> memref<1x128xi32, #tpu.memory_space<vmem>>
        %dma_wait3A_165 = tpu.memref_squeeze %dma_wait3A_164 : memref<1x128xi32, #tpu.memory_space<vmem>> -> memref<128xi32, #tpu.memory_space<vmem>>
        %dma_wait3A_166 = arith.constant 0 : i32
        %dma_wait3A_167 = arith.constant 0 : i32
        %dma_wait3A_168 = tpu.memref_slice %arg2[%dma_wait3A_166, %dma_wait3A_167] : memref<20000x64xf32, #tpu.memory_space<hbm>> -> memref<20000x64xf32, #tpu.memory_space<hbm>>
        tpu.wait_indirect_dma semaphore(%arg14 : memref<!tpu.dma_semaphore, #tpu.memory_space<semaphore_mem>>) src(%dma_wait3A_168 : memref<20000x64xf32, #tpu.memory_space<hbm>>) dst(%arg9 : memref<128x64xf32, #tpu.memory_space<vmem>>)
        %dma_start3A_169 = arith.constant 0 : i32
        %dma_start3A_170 = tpu.memref_slice %arg7[%add3A_162, %dma_start3A_169] : memref<52x128xi32, #tpu.memory_space<vmem>> -> memref<1x128xi32, #tpu.memory_space<vmem>>
        %dma_start3A_171 = tpu.memref_squeeze %dma_start3A_170 : memref<1x128xi32, #tpu.memory_space<vmem>> -> memref<128xi32, #tpu.memory_space<vmem>>
        %dma_start3A_172 = arith.constant 0 : i32
        %dma_start3A_173 = arith.constant 0 : i32
        %dma_start3A_174 = tpu.memref_slice %arg12[%dma_start3A_172, %dma_start3A_173] : memref<10000x64xf32, #tpu.memory_space<vmem_shared>> -> memref<10000x64xf32, #tpu.memory_space<vmem_shared>>
        tpu.enqueue_indirect_dma source(%arg9 : memref<128x64xf32, #tpu.memory_space<vmem>>) target(%dma_start3A_174 : memref<10000x64xf32, #tpu.memory_space<vmem_shared>>) offsets(%dma_start3A_171 : memref<128xi32, #tpu.memory_space<vmem>>) semaphore(%arg18 : memref<!tpu.dma_semaphore, #tpu.memory_space<semaphore_mem>>) {add = true}
        %add3A_175 = arith.constant 2 : i32
        %add3A_176 = arith.addi %add3A_162, %add3A_175 : i32
        %lt3A_177 = arith.constant 52 : i32
        %lt3A_178 = arith.cmpi slt, %add3A_176, %lt3A_177 : i32
        %convert_element_type3A_179 = arith.extui %lt3A_178 : i1 to i32
        %cond3A_180 = arith.constant 0 : i32
        %cond3A_181 = arith.cmpi ne, %convert_element_type3A_179, %cond3A_180 : i32
        scf.if %cond3A_181 {
          %ge3A = arith.constant 2 : i32
          %ge3A_228 = arith.cmpi sge, %add3A_162, %ge3A : i32
          %convert_element_type3A_229 = arith.extui %ge3A_228 : i1 to i32
          %cond3A_230 = arith.constant 0 : i32
          %cond3A_231 = arith.cmpi ne, %convert_element_type3A_229, %cond3A_230 : i32
          scf.if %cond3A_231 {
            %dma_wait3A_240 = arith.constant 0 : i32
            %dma_wait3A_241 = arith.constant 0 : i32
            %dma_wait3A_242 = tpu.memref_slice %arg7[%dma_wait3A_240, %dma_wait3A_241] : memref<52x128xi32, #tpu.memory_space<vmem>> -> memref<1x128xi32, #tpu.memory_space<vmem>>
            %dma_wait3A_243 = tpu.memref_squeeze %dma_wait3A_242 : memref<1x128xi32, #tpu.memory_space<vmem>> -> memref<128xi32, #tpu.memory_space<vmem>>
            %dma_wait3A_244 = arith.constant 0 : i32
            %dma_wait3A_245 = arith.constant 0 : i32
            %dma_wait3A_246 = tpu.memref_slice %arg12[%dma_wait3A_244, %dma_wait3A_245] : memref<10000x64xf32, #tpu.memory_space<vmem_shared>> -> memref<10000x64xf32, #tpu.memory_space<vmem_shared>>
            tpu.wait_indirect_dma semaphore(%arg20 : memref<!tpu.dma_semaphore, #tpu.memory_space<semaphore_mem>>) src(%arg11 : memref<128x64xf32, #tpu.memory_space<vmem>>) dst(%dma_wait3A_246 : memref<10000x64xf32, #tpu.memory_space<vmem_shared>>)
          } else {
          }
          %add3A_232 = arith.constant 2 : i32
          %add3A_233 = arith.addi %add3A_162, %add3A_232 : i32
          %dma_start3A_234 = arith.constant 0 : i32
          %dma_start3A_235 = tpu.memref_slice %arg6[%add3A_233, %dma_start3A_234] : memref<52x128xi32, #tpu.memory_space<vmem>> -> memref<1x128xi32, #tpu.memory_space<vmem>>
          %dma_start3A_236 = tpu.memref_squeeze %dma_start3A_235 : memref<1x128xi32, #tpu.memory_space<vmem>> -> memref<128xi32, #tpu.memory_space<vmem>>
          %dma_start3A_237 = arith.constant 0 : i32
          %dma_start3A_238 = arith.constant 0 : i32
          %dma_start3A_239 = tpu.memref_slice %arg2[%dma_start3A_237, %dma_start3A_238] : memref<20000x64xf32, #tpu.memory_space<hbm>> -> memref<20000x64xf32, #tpu.memory_space<hbm>>
          tpu.enqueue_indirect_dma source(%dma_start3A_239 : memref<20000x64xf32, #tpu.memory_space<hbm>>) target(%arg11 : memref<128x64xf32, #tpu.memory_space<vmem>>) offsets(%dma_start3A_236 : memref<128xi32, #tpu.memory_space<vmem>>) semaphore(%arg16 : memref<!tpu.dma_semaphore, #tpu.memory_space<semaphore_mem>>)
        } else {
        }
        %mul3A_182 = arith.constant 4 : i32
        %mul3A_183 = arith.muli %scan3A_135, %mul3A_182 : i32
        %add3A_184 = arith.constant 2 : i32
        %add3A_185 = arith.addi %mul3A_183, %add3A_184 : i32
        %dma_wait3A_186 = arith.constant 0 : i32
        %dma_wait3A_187 = tpu.memref_slice %arg6[%add3A_185, %dma_wait3A_186] : memref<52x128xi32, #tpu.memory_space<vmem>> -> memref<1x128xi32, #tpu.memory_space<vmem>>
        %dma_wait3A_188 = tpu.memref_squeeze %dma_wait3A_187 : memref<1x128xi32, #tpu.memory_space<vmem>> -> memref<128xi32, #tpu.memory_space<vmem>>
        %dma_wait3A_189 = arith.constant 0 : i32
        %dma_wait3A_190 = arith.constant 0 : i32
        %dma_wait3A_191 = tpu.memref_slice %arg2[%dma_wait3A_189, %dma_wait3A_190] : memref<20000x64xf32, #tpu.memory_space<hbm>> -> memref<20000x64xf32, #tpu.memory_space<hbm>>
        tpu.wait_indirect_dma semaphore(%arg15 : memref<!tpu.dma_semaphore, #tpu.memory_space<semaphore_mem>>) src(%dma_wait3A_191 : memref<20000x64xf32, #tpu.memory_space<hbm>>) dst(%arg10 : memref<128x64xf32, #tpu.memory_space<vmem>>)
        %dma_start3A_192 = arith.constant 0 : i32
        %dma_start3A_193 = tpu.memref_slice %arg7[%add3A_185, %dma_start3A_192] : memref<52x128xi32, #tpu.memory_space<vmem>> -> memref<1x128xi32, #tpu.memory_space<vmem>>
        %dma_start3A_194 = tpu.memref_squeeze %dma_start3A_193 : memref<1x128xi32, #tpu.memory_space<vmem>> -> memref<128xi32, #tpu.memory_space<vmem>>
        %dma_start3A_195 = arith.constant 0 : i32
        %dma_start3A_196 = arith.constant 0 : i32
        %dma_start3A_197 = tpu.memref_slice %arg12[%dma_start3A_195, %dma_start3A_196] : memref<10000x64xf32, #tpu.memory_space<vmem_shared>> -> memref<10000x64xf32, #tpu.memory_space<vmem_shared>>
        tpu.enqueue_indirect_dma source(%arg10 : memref<128x64xf32, #tpu.memory_space<vmem>>) target(%dma_start3A_197 : memref<10000x64xf32, #tpu.memory_space<vmem_shared>>) offsets(%dma_start3A_194 : memref<128xi32, #tpu.memory_space<vmem>>) semaphore(%arg19 : memref<!tpu.dma_semaphore, #tpu.memory_space<semaphore_mem>>) {add = true}
        %add3A_198 = arith.constant 2 : i32
        %add3A_199 = arith.addi %add3A_185, %add3A_198 : i32
        %lt3A_200 = arith.constant 52 : i32
        %lt3A_201 = arith.cmpi slt, %add3A_199, %lt3A_200 : i32
        %convert_element_type3A_202 = arith.extui %lt3A_201 : i1 to i32
        %cond3A_203 = arith.constant 0 : i32
        %cond3A_204 = arith.cmpi ne, %convert_element_type3A_202, %cond3A_203 : i32
        scf.if %cond3A_204 {
          %ge3A = arith.constant 2 : i32
          %ge3A_228 = arith.cmpi sge, %add3A_185, %ge3A : i32
          %convert_element_type3A_229 = arith.extui %ge3A_228 : i1 to i32
          %cond3A_230 = arith.constant 0 : i32
          %cond3A_231 = arith.cmpi ne, %convert_element_type3A_229, %cond3A_230 : i32
          scf.if %cond3A_231 {
            %dma_wait3A_240 = arith.constant 0 : i32
            %dma_wait3A_241 = arith.constant 0 : i32
            %dma_wait3A_242 = tpu.memref_slice %arg7[%dma_wait3A_240, %dma_wait3A_241] : memref<52x128xi32, #tpu.memory_space<vmem>> -> memref<1x128xi32, #tpu.memory_space<vmem>>
            %dma_wait3A_243 = tpu.memref_squeeze %dma_wait3A_242 : memref<1x128xi32, #tpu.memory_space<vmem>> -> memref<128xi32, #tpu.memory_space<vmem>>
            %dma_wait3A_244 = arith.constant 0 : i32
            %dma_wait3A_245 = arith.constant 0 : i32
            %dma_wait3A_246 = tpu.memref_slice %arg12[%dma_wait3A_244, %dma_wait3A_245] : memref<10000x64xf32, #tpu.memory_space<vmem_shared>> -> memref<10000x64xf32, #tpu.memory_space<vmem_shared>>
            tpu.wait_indirect_dma semaphore(%arg17 : memref<!tpu.dma_semaphore, #tpu.memory_space<semaphore_mem>>) src(%arg8 : memref<128x64xf32, #tpu.memory_space<vmem>>) dst(%dma_wait3A_246 : memref<10000x64xf32, #tpu.memory_space<vmem_shared>>)
          } else {
          }
          %add3A_232 = arith.constant 2 : i32
          %add3A_233 = arith.addi %add3A_185, %add3A_232 : i32
          %dma_start3A_234 = arith.constant 0 : i32
          %dma_start3A_235 = tpu.memref_slice %arg6[%add3A_233, %dma_start3A_234] : memref<52x128xi32, #tpu.memory_space<vmem>> -> memref<1x128xi32, #tpu.memory_space<vmem>>
          %dma_start3A_236 = tpu.memref_squeeze %dma_start3A_235 : memref<1x128xi32, #tpu.memory_space<vmem>> -> memref<128xi32, #tpu.memory_space<vmem>>
          %dma_start3A_237 = arith.constant 0 : i32
          %dma_start3A_238 = arith.constant 0 : i32
          %dma_start3A_239 = tpu.memref_slice %arg2[%dma_start3A_237, %dma_start3A_238] : memref<20000x64xf32, #tpu.memory_space<hbm>> -> memref<20000x64xf32, #tpu.memory_space<hbm>>
          tpu.enqueue_indirect_dma source(%dma_start3A_239 : memref<20000x64xf32, #tpu.memory_space<hbm>>) target(%arg8 : memref<128x64xf32, #tpu.memory_space<vmem>>) offsets(%dma_start3A_236 : memref<128xi32, #tpu.memory_space<vmem>>) semaphore(%arg13 : memref<!tpu.dma_semaphore, #tpu.memory_space<semaphore_mem>>)
        } else {
        }
        %mul3A_205 = arith.constant 4 : i32
        %mul3A_206 = arith.muli %scan3A_135, %mul3A_205 : i32
        %add3A_207 = arith.constant 3 : i32
        %add3A_208 = arith.addi %mul3A_206, %add3A_207 : i32
        %dma_wait3A_209 = arith.constant 0 : i32
        %dma_wait3A_210 = tpu.memref_slice %arg6[%add3A_208, %dma_wait3A_209] : memref<52x128xi32, #tpu.memory_space<vmem>> -> memref<1x128xi32, #tpu.memory_space<vmem>>
        %dma_wait3A_211 = tpu.memref_squeeze %dma_wait3A_210 : memref<1x128xi32, #tpu.memory_space<vmem>> -> memref<128xi32, #tpu.memory_space<vmem>>
        %dma_wait3A_212 = arith.constant 0 : i32
        %dma_wait3A_213 = arith.constant 0 : i32
        %dma_wait3A_214 = tpu.memref_slice %arg2[%dma_wait3A_212, %dma_wait3A_213] : memref<20000x64xf32, #tpu.memory_space<hbm>> -> memref<20000x64xf32, #tpu.memory_space<hbm>>
        tpu.wait_indirect_dma semaphore(%arg16 : memref<!tpu.dma_semaphore, #tpu.memory_space<semaphore_mem>>) src(%dma_wait3A_214 : memref<20000x64xf32, #tpu.memory_space<hbm>>) dst(%arg11 : memref<128x64xf32, #tpu.memory_space<vmem>>)
        %dma_start3A_215 = arith.constant 0 : i32
        %dma_start3A_216 = tpu.memref_slice %arg7[%add3A_208, %dma_start3A_215] : memref<52x128xi32, #tpu.memory_space<vmem>> -> memref<1x128xi32, #tpu.memory_space<vmem>>
        %dma_start3A_217 = tpu.memref_squeeze %dma_start3A_216 : memref<1x128xi32, #tpu.memory_space<vmem>> -> memref<128xi32, #tpu.memory_space<vmem>>
        %dma_start3A_218 = arith.constant 0 : i32
        %dma_start3A_219 = arith.constant 0 : i32
        %dma_start3A_220 = tpu.memref_slice %arg12[%dma_start3A_218, %dma_start3A_219] : memref<10000x64xf32, #tpu.memory_space<vmem_shared>> -> memref<10000x64xf32, #tpu.memory_space<vmem_shared>>
        tpu.enqueue_indirect_dma source(%arg11 : memref<128x64xf32, #tpu.memory_space<vmem>>) target(%dma_start3A_220 : memref<10000x64xf32, #tpu.memory_space<vmem_shared>>) offsets(%dma_start3A_217 : memref<128xi32, #tpu.memory_space<vmem>>) semaphore(%arg20 : memref<!tpu.dma_semaphore, #tpu.memory_space<semaphore_mem>>) {add = true}
        %add3A_221 = arith.constant 2 : i32
        %add3A_222 = arith.addi %add3A_208, %add3A_221 : i32
        %lt3A_223 = arith.constant 52 : i32
        %lt3A_224 = arith.cmpi slt, %add3A_222, %lt3A_223 : i32
        %convert_element_type3A_225 = arith.extui %lt3A_224 : i1 to i32
        %cond3A_226 = arith.constant 0 : i32
        %cond3A_227 = arith.cmpi ne, %convert_element_type3A_225, %cond3A_226 : i32
        scf.if %cond3A_227 {
          %ge3A = arith.constant 2 : i32
          %ge3A_228 = arith.cmpi sge, %add3A_208, %ge3A : i32
          %convert_element_type3A_229 = arith.extui %ge3A_228 : i1 to i32
          %cond3A_230 = arith.constant 0 : i32
          %cond3A_231 = arith.cmpi ne, %convert_element_type3A_229, %cond3A_230 : i32
          scf.if %cond3A_231 {
            %dma_wait3A_240 = arith.constant 0 : i32
            %dma_wait3A_241 = arith.constant 0 : i32
            %dma_wait3A_242 = tpu.memref_slice %arg7[%dma_wait3A_240, %dma_wait3A_241] : memref<52x128xi32, #tpu.memory_space<vmem>> -> memref<1x128xi32, #tpu.memory_space<vmem>>
            %dma_wait3A_243 = tpu.memref_squeeze %dma_wait3A_242 : memref<1x128xi32, #tpu.memory_space<vmem>> -> memref<128xi32, #tpu.memory_space<vmem>>
            %dma_wait3A_244 = arith.constant 0 : i32
            %dma_wait3A_245 = arith.constant 0 : i32
            %dma_wait3A_246 = tpu.memref_slice %arg12[%dma_wait3A_244, %dma_wait3A_245] : memref<10000x64xf32, #tpu.memory_space<vmem_shared>> -> memref<10000x64xf32, #tpu.memory_space<vmem_shared>>
            tpu.wait_indirect_dma semaphore(%arg18 : memref<!tpu.dma_semaphore, #tpu.memory_space<semaphore_mem>>) src(%arg9 : memref<128x64xf32, #tpu.memory_space<vmem>>) dst(%dma_wait3A_246 : memref<10000x64xf32, #tpu.memory_space<vmem_shared>>)
          } else {
          }
          %add3A_232 = arith.constant 2 : i32
          %add3A_233 = arith.addi %add3A_208, %add3A_232 : i32
          %dma_start3A_234 = arith.constant 0 : i32
          %dma_start3A_235 = tpu.memref_slice %arg6[%add3A_233, %dma_start3A_234] : memref<52x128xi32, #tpu.memory_space<vmem>> -> memref<1x128xi32, #tpu.memory_space<vmem>>
          %dma_start3A_236 = tpu.memref_squeeze %dma_start3A_235 : memref<1x128xi32, #tpu.memory_space<vmem>> -> memref<128xi32, #tpu.memory_space<vmem>>
          %dma_start3A_237 = arith.constant 0 : i32
          %dma_start3A_238 = arith.constant 0 : i32
          %dma_start3A_239 = tpu.memref_slice %arg2[%dma_start3A_237, %dma_start3A_238] : memref<20000x64xf32, #tpu.memory_space<hbm>> -> memref<20000x64xf32, #tpu.memory_space<hbm>>
          tpu.enqueue_indirect_dma source(%dma_start3A_239 : memref<20000x64xf32, #tpu.memory_space<hbm>>) target(%arg9 : memref<128x64xf32, #tpu.memory_space<vmem>>) offsets(%dma_start3A_236 : memref<128xi32, #tpu.memory_space<vmem>>) semaphore(%arg14 : memref<!tpu.dma_semaphore, #tpu.memory_space<semaphore_mem>>)
        } else {
        }
      }
      %scan3A_107 = arith.constant 13 : i32
      %dma_wait3A = arith.constant 0 : i32
      %dma_wait3A_108 = arith.constant 0 : i32
      %dma_wait3A_109 = tpu.memref_slice %arg7[%dma_wait3A, %dma_wait3A_108] : memref<52x128xi32, #tpu.memory_space<vmem>> -> memref<1x128xi32, #tpu.memory_space<vmem>>
      %dma_wait3A_110 = tpu.memref_squeeze %dma_wait3A_109 : memref<1x128xi32, #tpu.memory_space<vmem>> -> memref<128xi32, #tpu.memory_space<vmem>>
      %dma_wait3A_111 = arith.constant 0 : i32
      %dma_wait3A_112 = arith.constant 0 : i32
      %dma_wait3A_113 = tpu.memref_slice %arg12[%dma_wait3A_111, %dma_wait3A_112] : memref<10000x64xf32, #tpu.memory_space<vmem_shared>> -> memref<10000x64xf32, #tpu.memory_space<vmem_shared>>
      tpu.wait_indirect_dma semaphore(%arg17 : memref<!tpu.dma_semaphore, #tpu.memory_space<semaphore_mem>>) src(%arg8 : memref<128x64xf32, #tpu.memory_space<vmem>>) dst(%dma_wait3A_113 : memref<10000x64xf32, #tpu.memory_space<vmem_shared>>)
      %dma_wait3A_114 = arith.constant 0 : i32
      %dma_wait3A_115 = arith.constant 0 : i32
      %dma_wait3A_116 = tpu.memref_slice %arg7[%dma_wait3A_114, %dma_wait3A_115] : memref<52x128xi32, #tpu.memory_space<vmem>> -> memref<1x128xi32, #tpu.memory_space<vmem>>
      %dma_wait3A_117 = tpu.memref_squeeze %dma_wait3A_116 : memref<1x128xi32, #tpu.memory_space<vmem>> -> memref<128xi32, #tpu.memory_space<vmem>>
      %dma_wait3A_118 = arith.constant 0 : i32
      %dma_wait3A_119 = arith.constant 0 : i32
      %dma_wait3A_120 = tpu.memref_slice %arg12[%dma_wait3A_118, %dma_wait3A_119] : memref<10000x64xf32, #tpu.memory_space<vmem_shared>> -> memref<10000x64xf32, #tpu.memory_space<vmem_shared>>
      tpu.wait_indirect_dma semaphore(%arg18 : memref<!tpu.dma_semaphore, #tpu.memory_space<semaphore_mem>>) src(%arg9 : memref<128x64xf32, #tpu.memory_space<vmem>>) dst(%dma_wait3A_120 : memref<10000x64xf32, #tpu.memory_space<vmem_shared>>)
      %dma_wait3A_121 = arith.constant 0 : i32
      %dma_wait3A_122 = arith.constant 0 : i32
      %dma_wait3A_123 = tpu.memref_slice %arg7[%dma_wait3A_121, %dma_wait3A_122] : memref<52x128xi32, #tpu.memory_space<vmem>> -> memref<1x128xi32, #tpu.memory_space<vmem>>
      %dma_wait3A_124 = tpu.memref_squeeze %dma_wait3A_123 : memref<1x128xi32, #tpu.memory_space<vmem>> -> memref<128xi32, #tpu.memory_space<vmem>>
      %dma_wait3A_125 = arith.constant 0 : i32
      %dma_wait3A_126 = arith.constant 0 : i32
      %dma_wait3A_127 = tpu.memref_slice %arg12[%dma_wait3A_125, %dma_wait3A_126] : memref<10000x64xf32, #tpu.memory_space<vmem_shared>> -> memref<10000x64xf32, #tpu.memory_space<vmem_shared>>
      tpu.wait_indirect_dma semaphore(%arg19 : memref<!tpu.dma_semaphore, #tpu.memory_space<semaphore_mem>>) src(%arg10 : memref<128x64xf32, #tpu.memory_space<vmem>>) dst(%dma_wait3A_127 : memref<10000x64xf32, #tpu.memory_space<vmem_shared>>)
      %dma_wait3A_128 = arith.constant 0 : i32
      %dma_wait3A_129 = arith.constant 0 : i32
      %dma_wait3A_130 = tpu.memref_slice %arg7[%dma_wait3A_128, %dma_wait3A_129] : memref<52x128xi32, #tpu.memory_space<vmem>> -> memref<1x128xi32, #tpu.memory_space<vmem>>
      %dma_wait3A_131 = tpu.memref_squeeze %dma_wait3A_130 : memref<1x128xi32, #tpu.memory_space<vmem>> -> memref<128xi32, #tpu.memory_space<vmem>>
      %dma_wait3A_132 = arith.constant 0 : i32
      %dma_wait3A_133 = arith.constant 0 : i32
      %dma_wait3A_134 = tpu.memref_slice %arg12[%dma_wait3A_132, %dma_wait3A_133] : memref<10000x64xf32, #tpu.memory_space<vmem_shared>> -> memref<10000x64xf32, #tpu.memory_space<vmem_shared>>
      tpu.wait_indirect_dma semaphore(%arg20 : memref<!tpu.dma_semaphore, #tpu.memory_space<semaphore_mem>>) src(%arg11 : memref<128x64xf32, #tpu.memory_space<vmem>>) dst(%dma_wait3A_134 : memref<10000x64xf32, #tpu.memory_space<vmem_shared>>)
    }
    %scan3A_24 = arith.constant 3 : i32
    %lt3A = arith.constant 4 : i32
    %lt3A_25 = arith.cmpi slt, %arg1, %lt3A : i32
    %convert_element_type3A_26 = arith.extui %lt3A_25 : i1 to i32
    %cond3A_27 = arith.constant 0 : i32
    %cond3A_28 = arith.cmpi ne, %convert_element_type3A_26, %cond3A_27 : i32
    scf.if %cond3A_28 {
      %add3A_75 = arith.constant 2496 : i32
      %add3A_76 = arith.addi %add3A_75, %arg1 : i32
      "tpu.region"() ({
        %run_scoped3A_217 = tpu.sem_alloc : memref<!tpu.dma_semaphore, #tpu.memory_space<semaphore_mem>>
        %dma_start3A_218 = arith.constant 0 : i32
        %dma_start3A_219 = arith.constant 0 : i32
        %dma_start3A_220 = tpu.memref_slice %arg6[%dma_start3A_218, %dma_start3A_219] : memref<52x128xi32, #tpu.memory_space<vmem>> -> memref<1x128xi32, #tpu.memory_space<vmem>>
        %dma_start3A_221 = arith.constant 0 : i32
        %dma_start3A_222 = tpu.memref_slice %arg3[%add3A_76, %dma_start3A_221] : memref<5000x128xi32, #tpu.memory_space<hbm>> -> memref<1x128xi32, #tpu.memory_space<hbm>>
        %dma_start3A_223 = arith.constant 0 : i32
        %dma_start3A_224 = arith.constant 0 : i32
        %dma_start3A_225 = tpu.memref_slice %arg6[%dma_start3A_223, %dma_start3A_224] : memref<52x128xi32, #tpu.memory_space<vmem>> -> memref<1x128xi32, #tpu.memory_space<vmem>>
        %dma_start3A_226 = arith.constant 0 : i32
        %dma_start3A_227 = tpu.memref_slice %arg3[%add3A_76, %dma_start3A_226] : memref<5000x128xi32, #tpu.memory_space<hbm>> -> memref<1x128xi32, #tpu.memory_space<hbm>>
        tpu.enqueue_dma source(%dma_start3A_227 : memref<1x128xi32, #tpu.memory_space<hbm>>) target(%dma_start3A_225 : memref<1x128xi32, #tpu.memory_space<vmem>>) target_semaphore(%run_scoped3A_217 : memref<!tpu.dma_semaphore, #tpu.memory_space<semaphore_mem>>)
        %dma_wait3A_228 = arith.constant 0 : i32
        %dma_wait3A_229 = arith.constant 0 : i32
        %dma_wait3A_230 = tpu.memref_slice %arg6[%dma_wait3A_228, %dma_wait3A_229] : memref<52x128xi32, #tpu.memory_space<vmem>> -> memref<1x128xi32, #tpu.memory_space<vmem>>
        %dma_wait3A_231 = arith.constant 0 : i32
        %dma_wait3A_232 = tpu.memref_slice %arg3[%add3A_76, %dma_wait3A_231] : memref<5000x128xi32, #tpu.memory_space<hbm>> -> memref<1x128xi32, #tpu.memory_space<hbm>>
        %dma_wait3A_233 = arith.constant 0 : i32
        %dma_wait3A_234 = arith.constant 0 : i32
        %dma_wait3A_235 = tpu.memref_slice %arg6[%dma_wait3A_233, %dma_wait3A_234] : memref<52x128xi32, #tpu.memory_space<vmem>> -> memref<1x128xi32, #tpu.memory_space<vmem>>
        %dma_wait3A_236 = arith.constant 0 : i32
        %dma_wait3A_237 = tpu.memref_slice %arg3[%add3A_76, %dma_wait3A_236] : memref<5000x128xi32, #tpu.memory_space<hbm>> -> memref<1x128xi32, #tpu.memory_space<hbm>>
        tpu.wait_dma2 semaphore(%run_scoped3A_217 : memref<!tpu.dma_semaphore, #tpu.memory_space<semaphore_mem>>) src(%dma_wait3A_237 : memref<1x128xi32, #tpu.memory_space<hbm>>) dst(%dma_wait3A_235 : memref<1x128xi32, #tpu.memory_space<vmem>>)
        tpu.yield
      }) : () -> ()
      %add3A_77 = arith.constant 2500 : i32
      %add3A_78 = arith.addi %add3A_77, %add3A_76 : i32
      "tpu.region"() ({
        %run_scoped3A_217 = tpu.sem_alloc : memref<!tpu.dma_semaphore, #tpu.memory_space<semaphore_mem>>
        %dma_start3A_218 = arith.constant 0 : i32
        %dma_start3A_219 = arith.constant 0 : i32
        %dma_start3A_220 = tpu.memref_slice %arg7[%dma_start3A_218, %dma_start3A_219] : memref<52x128xi32, #tpu.memory_space<vmem>> -> memref<1x128xi32, #tpu.memory_space<vmem>>
        %dma_start3A_221 = arith.constant 0 : i32
        %dma_start3A_222 = tpu.memref_slice %arg3[%add3A_78, %dma_start3A_221] : memref<5000x128xi32, #tpu.memory_space<hbm>> -> memref<1x128xi32, #tpu.memory_space<hbm>>
        %dma_start3A_223 = arith.constant 0 : i32
        %dma_start3A_224 = arith.constant 0 : i32
        %dma_start3A_225 = tpu.memref_slice %arg7[%dma_start3A_223, %dma_start3A_224] : memref<52x128xi32, #tpu.memory_space<vmem>> -> memref<1x128xi32, #tpu.memory_space<vmem>>
        %dma_start3A_226 = arith.constant 0 : i32
        %dma_start3A_227 = tpu.memref_slice %arg3[%add3A_78, %dma_start3A_226] : memref<5000x128xi32, #tpu.memory_space<hbm>> -> memref<1x128xi32, #tpu.memory_space<hbm>>
        tpu.enqueue_dma source(%dma_start3A_227 : memref<1x128xi32, #tpu.memory_space<hbm>>) target(%dma_start3A_225 : memref<1x128xi32, #tpu.memory_space<vmem>>) target_semaphore(%run_scoped3A_217 : memref<!tpu.dma_semaphore, #tpu.memory_space<semaphore_mem>>)
        %dma_wait3A_228 = arith.constant 0 : i32
        %dma_wait3A_229 = arith.constant 0 : i32
        %dma_wait3A_230 = tpu.memref_slice %arg7[%dma_wait3A_228, %dma_wait3A_229] : memref<52x128xi32, #tpu.memory_space<vmem>> -> memref<1x128xi32, #tpu.memory_space<vmem>>
        %dma_wait3A_231 = arith.constant 0 : i32
        %dma_wait3A_232 = tpu.memref_slice %arg3[%add3A_78, %dma_wait3A_231] : memref<5000x128xi32, #tpu.memory_space<hbm>> -> memref<1x128xi32, #tpu.memory_space<hbm>>
        %dma_wait3A_233 = arith.constant 0 : i32
        %dma_wait3A_234 = arith.constant 0 : i32
        %dma_wait3A_235 = tpu.memref_slice %arg7[%dma_wait3A_233, %dma_wait3A_234] : memref<52x128xi32, #tpu.memory_space<vmem>> -> memref<1x128xi32, #tpu.memory_space<vmem>>
        %dma_wait3A_236 = arith.constant 0 : i32
        %dma_wait3A_237 = tpu.memref_slice %arg3[%add3A_78, %dma_wait3A_236] : memref<5000x128xi32, #tpu.memory_space<hbm>> -> memref<1x128xi32, #tpu.memory_space<hbm>>
        tpu.wait_dma2 semaphore(%run_scoped3A_217 : memref<!tpu.dma_semaphore, #tpu.memory_space<semaphore_mem>>) src(%dma_wait3A_237 : memref<1x128xi32, #tpu.memory_space<hbm>>) dst(%dma_wait3A_235 : memref<1x128xi32, #tpu.memory_space<vmem>>)
        tpu.yield
      }) : () -> ()
      %get3A = arith.constant 0 : i32
      %get3A_79 = arith.index_cast %get3A : i32 to index
      %get3A_80 = arith.constant 0 : index
      %get3A_81 = tpu.vector_load %arg6[%get3A_79, %get3A_80] {strides = array<i32>} : memref<52x128xi32, #tpu.memory_space<vmem>>, vector<1x16xi32>,
      %get3A_82 = vector.shape_cast %get3A_81 : vector<1x16xi32> to vector<16xi32>
      %mul3A_83 = arith.constant 2 : i32
      %mul3A_84 = vector.broadcast %mul3A_83 : i32 to vector<16xi32>
      %mul3A_85 = arith.muli %get3A_82, %mul3A_84 : vector<16xi32>
      %add3A_86 = vector.broadcast %arg0 : i32 to vector<16xi32>
      %add3A_87 = arith.addi %mul3A_85, %add3A_86 : vector<16xi32>
      %swap3A = arith.constant 0 : i32
      %swap3A_88 = arith.index_cast %swap3A : i32 to index
      %swap3A_89 = arith.constant 0 : index
      %swap3A_90 = tpu.vector_load %arg6[%swap3A_88, %swap3A_89] {strides = array<i32>} : memref<52x128xi32, #tpu.memory_space<vmem>>, vector<1x16xi32>,
      %swap3A_91 = vector.shape_cast %swap3A_90 : vector<1x16xi32> to vector<16xi32>
      %swap3A_92 = vector.shape_cast %add3A_87 : vector<16xi32> to vector<1x16xi32>
      tpu.vector_store %arg6[%swap3A_88, %swap3A_89], %swap3A_92 {strides = array<i32>} : memref<52x128xi32, #tpu.memory_space<vmem>>, vector<1x16xi32>,
      %get3A_93 = arith.constant 0 : i32
      %get3A_94 = arith.index_cast %get3A_93 : i32 to index
      %get3A_95 = arith.constant 16 : index
      %get3A_96 = tpu.vector_load %arg6[%get3A_94, %get3A_95] {strides = array<i32>} : memref<52x128xi32, #tpu.memory_space<vmem>>, vector<1x16xi32>,
      %get3A_97 = vector.shape_cast %get3A_96 : vector<1x16xi32> to vector<16xi32>
      %mul3A_98 = arith.constant 2 : i32
      %mul3A_99 = vector.broadcast %mul3A_98 : i32 to vector<16xi32>
      %mul3A_100 = arith.muli %get3A_97, %mul3A_99 : vector<16xi32>
      %add3A_101 = vector.broadcast %arg0 : i32 to vector<16xi32>
      %add3A_102 = arith.addi %mul3A_100, %add3A_101 : vector<16xi32>
      %swap3A_103 = arith.constant 0 : i32
      %swap3A_104 = arith.index_cast %swap3A_103 : i32 to index
      %swap3A_105 = arith.constant 16 : index
      %swap3A_106 = tpu.vector_load %arg6[%swap3A_104, %swap3A_105] {strides = array<i32>} : memref<52x128xi32, #tpu.memory_space<vmem>>, vector<1x16xi32>,
      %swap3A_107 = vector.shape_cast %swap3A_106 : vector<1x16xi32> to vector<16xi32>
      %swap3A_108 = vector.shape_cast %add3A_102 : vector<16xi32> to vector<1x16xi32>
      tpu.vector_store %arg6[%swap3A_104, %swap3A_105], %swap3A_108 {strides = array<i32>} : memref<52x128xi32, #tpu.memory_space<vmem>>, vector<1x16xi32>,
      %get3A_109 = arith.constant 0 : i32
      %get3A_110 = arith.index_cast %get3A_109 : i32 to index
      %get3A_111 = arith.constant 32 : index
      %get3A_112 = tpu.vector_load %arg6[%get3A_110, %get3A_111] {strides = array<i32>} : memref<52x128xi32, #tpu.memory_space<vmem>>, vector<1x16xi32>,
      %get3A_113 = vector.shape_cast %get3A_112 : vector<1x16xi32> to vector<16xi32>
      %mul3A_114 = arith.constant 2 : i32
      %mul3A_115 = vector.broadcast %mul3A_114 : i32 to vector<16xi32>
      %mul3A_116 = arith.muli %get3A_113, %mul3A_115 : vector<16xi32>
      %add3A_117 = vector.broadcast %arg0 : i32 to vector<16xi32>
      %add3A_118 = arith.addi %mul3A_116, %add3A_117 : vector<16xi32>
      %swap3A_119 = arith.constant 0 : i32
      %swap3A_120 = arith.index_cast %swap3A_119 : i32 to index
      %swap3A_121 = arith.constant 32 : index
      %swap3A_122 = tpu.vector_load %arg6[%swap3A_120, %swap3A_121] {strides = array<i32>} : memref<52x128xi32, #tpu.memory_space<vmem>>, vector<1x16xi32>,
      %swap3A_123 = vector.shape_cast %swap3A_122 : vector<1x16xi32> to vector<16xi32>
      %swap3A_124 = vector.shape_cast %add3A_118 : vector<16xi32> to vector<1x16xi32>
      tpu.vector_store %arg6[%swap3A_120, %swap3A_121], %swap3A_124 {strides = array<i32>} : memref<52x128xi32, #tpu.memory_space<vmem>>, vector<1x16xi32>,
      %get3A_125 = arith.constant 0 : i32
      %get3A_126 = arith.index_cast %get3A_125 : i32 to index
      %get3A_127 = arith.constant 48 : index
      %get3A_128 = tpu.vector_load %arg6[%get3A_126, %get3A_127] {strides = array<i32>} : memref<52x128xi32, #tpu.memory_space<vmem>>, vector<1x16xi32>,
      %get3A_129 = vector.shape_cast %get3A_128 : vector<1x16xi32> to vector<16xi32>
      %mul3A_130 = arith.constant 2 : i32
      %mul3A_131 = vector.broadcast %mul3A_130 : i32 to vector<16xi32>
      %mul3A_132 = arith.muli %get3A_129, %mul3A_131 : vector<16xi32>
      %add3A_133 = vector.broadcast %arg0 : i32 to vector<16xi32>
      %add3A_134 = arith.addi %mul3A_132, %add3A_133 : vector<16xi32>
      %swap3A_135 = arith.constant 0 : i32
      %swap3A_136 = arith.index_cast %swap3A_135 : i32 to index
      %swap3A_137 = arith.constant 48 : index
      %swap3A_138 = tpu.vector_load %arg6[%swap3A_136, %swap3A_137] {strides = array<i32>} : memref<52x128xi32, #tpu.memory_space<vmem>>, vector<1x16xi32>,
      %swap3A_139 = vector.shape_cast %swap3A_138 : vector<1x16xi32> to vector<16xi32>
      %swap3A_140 = vector.shape_cast %add3A_134 : vector<16xi32> to vector<1x16xi32>
      tpu.vector_store %arg6[%swap3A_136, %swap3A_137], %swap3A_140 {strides = array<i32>} : memref<52x128xi32, #tpu.memory_space<vmem>>, vector<1x16xi32>,
      %get3A_141 = arith.constant 0 : i32
      %get3A_142 = arith.index_cast %get3A_141 : i32 to index
      %get3A_143 = arith.constant 64 : index
      %get3A_144 = tpu.vector_load %arg6[%get3A_142, %get3A_143] {strides = array<i32>} : memref<52x128xi32, #tpu.memory_space<vmem>>, vector<1x16xi32>,
      %get3A_145 = vector.shape_cast %get3A_144 : vector<1x16xi32> to vector<16xi32>
      %mul3A_146 = arith.constant 2 : i32
      %mul3A_147 = vector.broadcast %mul3A_146 : i32 to vector<16xi32>
      %mul3A_148 = arith.muli %get3A_145, %mul3A_147 : vector<16xi32>
      %add3A_149 = vector.broadcast %arg0 : i32 to vector<16xi32>
      %add3A_150 = arith.addi %mul3A_148, %add3A_149 : vector<16xi32>
      %swap3A_151 = arith.constant 0 : i32
      %swap3A_152 = arith.index_cast %swap3A_151 : i32 to index
      %swap3A_153 = arith.constant 64 : index
      %swap3A_154 = tpu.vector_load %arg6[%swap3A_152, %swap3A_153] {strides = array<i32>} : memref<52x128xi32, #tpu.memory_space<vmem>>, vector<1x16xi32>,
      %swap3A_155 = vector.shape_cast %swap3A_154 : vector<1x16xi32> to vector<16xi32>
      %swap3A_156 = vector.shape_cast %add3A_150 : vector<16xi32> to vector<1x16xi32>
      tpu.vector_store %arg6[%swap3A_152, %swap3A_153], %swap3A_156 {strides = array<i32>} : memref<52x128xi32, #tpu.memory_space<vmem>>, vector<1x16xi32>,
      %get3A_157 = arith.constant 0 : i32
      %get3A_158 = arith.index_cast %get3A_157 : i32 to index
      %get3A_159 = arith.constant 80 : index
      %get3A_160 = tpu.vector_load %arg6[%get3A_158, %get3A_159] {strides = array<i32>} : memref<52x128xi32, #tpu.memory_space<vmem>>, vector<1x16xi32>,
      %get3A_161 = vector.shape_cast %get3A_160 : vector<1x16xi32> to vector<16xi32>
      %mul3A_162 = arith.constant 2 : i32
      %mul3A_163 = vector.broadcast %mul3A_162 : i32 to vector<16xi32>
      %mul3A_164 = arith.muli %get3A_161, %mul3A_163 : vector<16xi32>
      %add3A_165 = vector.broadcast %arg0 : i32 to vector<16xi32>
      %add3A_166 = arith.addi %mul3A_164, %add3A_165 : vector<16xi32>
      %swap3A_167 = arith.constant 0 : i32
      %swap3A_168 = arith.index_cast %swap3A_167 : i32 to index
      %swap3A_169 = arith.constant 80 : index
      %swap3A_170 = tpu.vector_load %arg6[%swap3A_168, %swap3A_169] {strides = array<i32>} : memref<52x128xi32, #tpu.memory_space<vmem>>, vector<1x16xi32>,
      %swap3A_171 = vector.shape_cast %swap3A_170 : vector<1x16xi32> to vector<16xi32>
      %swap3A_172 = vector.shape_cast %add3A_166 : vector<16xi32> to vector<1x16xi32>
      tpu.vector_store %arg6[%swap3A_168, %swap3A_169], %swap3A_172 {strides = array<i32>} : memref<52x128xi32, #tpu.memory_space<vmem>>, vector<1x16xi32>,
      %get3A_173 = arith.constant 0 : i32
      %get3A_174 = arith.index_cast %get3A_173 : i32 to index
      %get3A_175 = arith.constant 96 : index
      %get3A_176 = tpu.vector_load %arg6[%get3A_174, %get3A_175] {strides = array<i32>} : memref<52x128xi32, #tpu.memory_space<vmem>>, vector<1x16xi32>,
      %get3A_177 = vector.shape_cast %get3A_176 : vector<1x16xi32> to vector<16xi32>
      %mul3A_178 = arith.constant 2 : i32
      %mul3A_179 = vector.broadcast %mul3A_178 : i32 to vector<16xi32>
      %mul3A_180 = arith.muli %get3A_177, %mul3A_179 : vector<16xi32>
      %add3A_181 = vector.broadcast %arg0 : i32 to vector<16xi32>
      %add3A_182 = arith.addi %mul3A_180, %add3A_181 : vector<16xi32>
      %swap3A_183 = arith.constant 0 : i32
      %swap3A_184 = arith.index_cast %swap3A_183 : i32 to index
      %swap3A_185 = arith.constant 96 : index
      %swap3A_186 = tpu.vector_load %arg6[%swap3A_184, %swap3A_185] {strides = array<i32>} : memref<52x128xi32, #tpu.memory_space<vmem>>, vector<1x16xi32>,
      %swap3A_187 = vector.shape_cast %swap3A_186 : vector<1x16xi32> to vector<16xi32>
      %swap3A_188 = vector.shape_cast %add3A_182 : vector<16xi32> to vector<1x16xi32>
      tpu.vector_store %arg6[%swap3A_184, %swap3A_185], %swap3A_188 {strides = array<i32>} : memref<52x128xi32, #tpu.memory_space<vmem>>, vector<1x16xi32>,
      %get3A_189 = arith.constant 0 : i32
      %get3A_190 = arith.index_cast %get3A_189 : i32 to index
      %get3A_191 = arith.constant 112 : index
      %get3A_192 = tpu.vector_load %arg6[%get3A_190, %get3A_191] {strides = array<i32>} : memref<52x128xi32, #tpu.memory_space<vmem>>, vector<1x16xi32>,
      %get3A_193 = vector.shape_cast %get3A_192 : vector<1x16xi32> to vector<16xi32>
      %mul3A_194 = arith.constant 2 : i32
      %mul3A_195 = vector.broadcast %mul3A_194 : i32 to vector<16xi32>
      %mul3A_196 = arith.muli %get3A_193, %mul3A_195 : vector<16xi32>
      %add3A_197 = vector.broadcast %arg0 : i32 to vector<16xi32>
      %add3A_198 = arith.addi %mul3A_196, %add3A_197 : vector<16xi32>
      %swap3A_199 = arith.constant 0 : i32
      %swap3A_200 = arith.index_cast %swap3A_199 : i32 to index
      %swap3A_201 = arith.constant 112 : index
      %swap3A_202 = tpu.vector_load %arg6[%swap3A_200, %swap3A_201] {strides = array<i32>} : memref<52x128xi32, #tpu.memory_space<vmem>>, vector<1x16xi32>,
      %swap3A_203 = vector.shape_cast %swap3A_202 : vector<1x16xi32> to vector<16xi32>
      %swap3A_204 = vector.shape_cast %add3A_198 : vector<16xi32> to vector<1x16xi32>
      tpu.vector_store %arg6[%swap3A_200, %swap3A_201], %swap3A_204 {strides = array<i32>} : memref<52x128xi32, #tpu.memory_space<vmem>>, vector<1x16xi32>,
      %dma_start3A = arith.constant 0 : i32
      %dma_start3A_205 = arith.constant 0 : i32
      %dma_start3A_206 = tpu.memref_slice %arg6[%dma_start3A, %dma_start3A_205] : memref<52x128xi32, #tpu.memory_space<vmem>> -> memref<1x128xi32, #tpu.memory_space<vmem>>
      %dma_start3A_207 = tpu.memref_squeeze %dma_start3A_206 : memref<1x128xi32, #tpu.memory_space<vmem>> -> memref<128xi32, #tpu.memory_space<vmem>>
      %dma_start3A_208 = arith.constant 0 : i32
      %dma_start3A_209 = arith.constant 0 : i32
      %dma_start3A_210 = tpu.memref_slice %arg2[%dma_start3A_208, %dma_start3A_209] : memref<20000x64xf32, #tpu.memory_space<hbm>> -> memref<20000x64xf32, #tpu.memory_space<hbm>>
      tpu.enqueue_indirect_dma source(%dma_start3A_210 : memref<20000x64xf32, #tpu.memory_space<hbm>>) target(%arg8 : memref<128x64xf32, #tpu.memory_space<vmem>>) offsets(%dma_start3A_207 : memref<128xi32, #tpu.memory_space<vmem>>) semaphore(%arg13 : memref<!tpu.dma_semaphore, #tpu.memory_space<semaphore_mem>>)
      %dma_wait3A = arith.constant 0 : i32
      %dma_wait3A_211 = arith.constant 0 : i32
      %dma_wait3A_212 = tpu.memref_slice %arg6[%dma_wait3A, %dma_wait3A_211] : memref<52x128xi32, #tpu.memory_space<vmem>> -> memref<1x128xi32, #tpu.memory_space<vmem>>
      %dma_wait3A_213 = tpu.memref_squeeze %dma_wait3A_212 : memref<1x128xi32, #tpu.memory_space<vmem>> -> memref<128xi32, #tpu.memory_space<vmem>>
      %dma_wait3A_214 = arith.constant 0 : i32
      %dma_wait3A_215 = arith.constant 0 : i32
      %dma_wait3A_216 = tpu.memref_slice %arg2[%dma_wait3A_214, %dma_wait3A_215] : memref<20000x64xf32, #tpu.memory_space<hbm>> -> memref<20000x64xf32, #tpu.memory_space<hbm>>
      tpu.wait_indirect_dma semaphore(%arg13 : memref<!tpu.dma_semaphore, #tpu.memory_space<semaphore_mem>>) src(%dma_wait3A_216 : memref<20000x64xf32, #tpu.memory_space<hbm>>) dst(%arg8 : memref<128x64xf32, #tpu.memory_space<vmem>>)
      %run_scoped3A = arith.constant 0 : i32
      "tpu.region"() ({
        %run_scoped3A_217 = tpu.sem_alloc : memref<!tpu.dma_semaphore, #tpu.memory_space<semaphore_mem>>
        %dma_start3A_218 = arith.constant 0 : i32
        %dma_start3A_219 = tpu.memref_slice %arg7[%run_scoped3A, %dma_start3A_218] : memref<52x128xi32, #tpu.memory_space<vmem>> -> memref<1x128xi32, #tpu.memory_space<vmem>>
        %dma_start3A_220 = tpu.memref_squeeze %dma_start3A_219 : memref<1x128xi32, #tpu.memory_space<vmem>> -> memref<128xi32, #tpu.memory_space<vmem>>
        %dma_start3A_221 = arith.constant 0 : i32
        %dma_start3A_222 = arith.constant 0 : i32
        %dma_start3A_223 = tpu.memref_slice %arg12[%dma_start3A_221, %dma_start3A_222] : memref<10000x64xf32, #tpu.memory_space<vmem_shared>> -> memref<10000x64xf32, #tpu.memory_space<vmem_shared>>
        tpu.enqueue_indirect_dma source(%arg8 : memref<128x64xf32, #tpu.memory_space<vmem>>) target(%dma_start3A_223 : memref<10000x64xf32, #tpu.memory_space<vmem_shared>>) offsets(%dma_start3A_220 : memref<128xi32, #tpu.memory_space<vmem>>) semaphore(%run_scoped3A_217 : memref<!tpu.dma_semaphore, #tpu.memory_space<semaphore_mem>>) {add = true}
        %dma_wait3A_224 = arith.constant 0 : i32
        %dma_wait3A_225 = tpu.memref_slice %arg7[%run_scoped3A, %dma_wait3A_224] : memref<52x128xi32, #tpu.memory_space<vmem>> -> memref<1x128xi32, #tpu.memory_space<vmem>>
        %dma_wait3A_226 = tpu.memref_squeeze %dma_wait3A_225 : memref<1x128xi32, #tpu.memory_space<vmem>> -> memref<128xi32, #tpu.memory_space<vmem>>
        %dma_wait3A_227 = arith.constant 0 : i32
        %dma_wait3A_228 = arith.constant 0 : i32
        %dma_wait3A_229 = tpu.memref_slice %arg12[%dma_wait3A_227, %dma_wait3A_228] : memref<10000x64xf32, #tpu.memory_space<vmem_shared>> -> memref<10000x64xf32, #tpu.memory_space<vmem_shared>>
        tpu.wait_indirect_dma semaphore(%run_scoped3A_217 : memref<!tpu.dma_semaphore, #tpu.memory_space<semaphore_mem>>) src(%arg8 : memref<128x64xf32, #tpu.memory_space<vmem>>) dst(%dma_wait3A_229 : memref<10000x64xf32, #tpu.memory_space<vmem_shared>>)
        tpu.yield
      }) : () -> ()
    } else {
    }
    %barrier3A_29 = arith.constant 0 : index
    tpu.barrier barrier_id(%barrier3A_29)
    %mul3A_30 = arith.constant 624 : i32
    %mul3A_31 = arith.muli %arg1, %mul3A_30 : i32
    %add3A_32 = arith.constant 0 : i32
    %add3A_33 = arith.addi %mul3A_31, %add3A_32 : i32
    "tpu.region"() ({
      %run_scoped3A = tpu.sem_alloc : memref<!tpu.dma_semaphore, #tpu.memory_space<semaphore_mem>>
      %dma_start3A = arith.constant 0 : i32
      %dma_start3A_75 = tpu.memref_slice %arg12[%add3A_33, %dma_start3A] : memref<10000x64xf32, #tpu.memory_space<vmem_shared>> -> memref<128x64xf32, #tpu.memory_space<vmem_shared>>
      %dma_start3A_76 = arith.constant 0 : i32
      %dma_start3A_77 = tpu.memref_slice %arg12[%add3A_33, %dma_start3A_76] : memref<10000x64xf32, #tpu.memory_space<vmem_shared>> -> memref<128x64xf32, #tpu.memory_space<vmem_shared>>
      tpu.enqueue_dma source(%dma_start3A_77 : memref<128x64xf32, #tpu.memory_space<vmem_shared>>) target(%arg8 : memref<128x64xf32, #tpu.memory_space<vmem>>) target_semaphore(%run_scoped3A : memref<!tpu.dma_semaphore, #tpu.memory_space<semaphore_mem>>)
      %dma_wait3A = arith.constant 0 : i32
      %dma_wait3A_78 = tpu.memref_slice %arg12[%add3A_33, %dma_wait3A] : memref<10000x64xf32, #tpu.memory_space<vmem_shared>> -> memref<128x64xf32, #tpu.memory_space<vmem_shared>>
      %dma_wait3A_79 = arith.constant 0 : i32
      %dma_wait3A_80 = tpu.memref_slice %arg12[%add3A_33, %dma_wait3A_79] : memref<10000x64xf32, #tpu.memory_space<vmem_shared>> -> memref<128x64xf32, #tpu.memory_space<vmem_shared>>
      tpu.wait_dma2 semaphore(%run_scoped3A : memref<!tpu.dma_semaphore, #tpu.memory_space<semaphore_mem>>) src(%dma_wait3A_80 : memref<128x64xf32, #tpu.memory_space<vmem_shared>>) dst(%arg8 : memref<128x64xf32, #tpu.memory_space<vmem>>)
      tpu.yield
    }) : () -> ()
    %mul3A_34 = arith.constant 624 : i32
    %mul3A_35 = arith.muli %arg1, %mul3A_34 : i32
    %add3A_36 = arith.constant 0 : i32
    %add3A_37 = arith.addi %mul3A_35, %add3A_36 : i32
    "tpu.region"() ({
      %run_scoped3A = tpu.sem_alloc : memref<!tpu.dma_semaphore, #tpu.memory_space<semaphore_mem>>
      %dma_start3A = arith.constant 0 : i32
      %dma_start3A_75 = tpu.memref_slice %arg5[%add3A_37, %arg0, %dma_start3A] : memref<10000x2x64xf32, #tpu.memory_space<hbm>> -> memref<128x1x64xf32, #tpu.memory_space<hbm>>
      %dma_start3A_76 = tpu.memref_squeeze %dma_start3A_75 : memref<128x1x64xf32, #tpu.memory_space<hbm>> -> memref<128x64xf32, #tpu.memory_space<hbm>>
      %dma_start3A_77 = arith.constant 0 : i32
      %dma_start3A_78 = tpu.memref_slice %arg5[%add3A_37, %arg0, %dma_start3A_77] : memref<10000x2x64xf32, #tpu.memory_space<hbm>> -> memref<128x1x64xf32, #tpu.memory_space<hbm>>
      %dma_start3A_79 = tpu.memref_squeeze %dma_start3A_78 : memref<128x1x64xf32, #tpu.memory_space<hbm>> -> memref<128x64xf32, #tpu.memory_space<hbm>>
      tpu.enqueue_dma source(%arg8 : memref<128x64xf32, #tpu.memory_space<vmem>>) target(%dma_start3A_79 : memref<128x64xf32, #tpu.memory_space<hbm>>) target_semaphore(%run_scoped3A : memref<!tpu.dma_semaphore, #tpu.memory_space<semaphore_mem>>)
      %dma_wait3A = arith.constant 0 : i32
      %dma_wait3A_80 = tpu.memref_slice %arg5[%add3A_37, %arg0, %dma_wait3A] : memref<10000x2x64xf32, #tpu.memory_space<hbm>> -> memref<128x1x64xf32, #tpu.memory_space<hbm>>
      %dma_wait3A_81 = tpu.memref_squeeze %dma_wait3A_80 : memref<128x1x64xf32, #tpu.memory_space<hbm>> -> memref<128x64xf32, #tpu.memory_space<hbm>>
      %dma_wait3A_82 = arith.constant 0 : i32
      %dma_wait3A_83 = tpu.memref_slice %arg5[%add3A_37, %arg0, %dma_wait3A_82] : memref<10000x2x64xf32, #tpu.memory_space<hbm>> -> memref<128x1x64xf32, #tpu.memory_space<hbm>>
      %dma_wait3A_84 = tpu.memref_squeeze %dma_wait3A_83 : memref<128x1x64xf32, #tpu.memory_space<hbm>> -> memref<128x64xf32, #tpu.memory_space<hbm>>
      tpu.wait_dma2 semaphore(%run_scoped3A : memref<!tpu.dma_semaphore, #tpu.memory_space<semaphore_mem>>) src(%arg8 : memref<128x64xf32, #tpu.memory_space<vmem>>) dst(%dma_wait3A_84 : memref<128x64xf32, #tpu.memory_space<hbm>>)
      tpu.yield
    }) : () -> ()
    %mul3A_38 = arith.constant 624 : i32
    %mul3A_39 = arith.muli %arg1, %mul3A_38 : i32
    %add3A_40 = arith.constant 128 : i32
    %add3A_41 = arith.addi %mul3A_39, %add3A_40 : i32
    "tpu.region"() ({
      %run_scoped3A = tpu.sem_alloc : memref<!tpu.dma_semaphore, #tpu.memory_space<semaphore_mem>>
      %dma_start3A = arith.constant 0 : i32
      %dma_start3A_75 = tpu.memref_slice %arg12[%add3A_41, %dma_start3A] : memref<10000x64xf32, #tpu.memory_space<vmem_shared>> -> memref<128x64xf32, #tpu.memory_space<vmem_shared>>
      %dma_start3A_76 = arith.constant 0 : i32
      %dma_start3A_77 = tpu.memref_slice %arg12[%add3A_41, %dma_start3A_76] : memref<10000x64xf32, #tpu.memory_space<vmem_shared>> -> memref<128x64xf32, #tpu.memory_space<vmem_shared>>
      tpu.enqueue_dma source(%dma_start3A_77 : memref<128x64xf32, #tpu.memory_space<vmem_shared>>) target(%arg8 : memref<128x64xf32, #tpu.memory_space<vmem>>) target_semaphore(%run_scoped3A : memref<!tpu.dma_semaphore, #tpu.memory_space<semaphore_mem>>)
      %dma_wait3A = arith.constant 0 : i32
      %dma_wait3A_78 = tpu.memref_slice %arg12[%add3A_41, %dma_wait3A] : memref<10000x64xf32, #tpu.memory_space<vmem_shared>> -> memref<128x64xf32, #tpu.memory_space<vmem_shared>>
      %dma_wait3A_79 = arith.constant 0 : i32
      %dma_wait3A_80 = tpu.memref_slice %arg12[%add3A_41, %dma_wait3A_79] : memref<10000x64xf32, #tpu.memory_space<vmem_shared>> -> memref<128x64xf32, #tpu.memory_space<vmem_shared>>
      tpu.wait_dma2 semaphore(%run_scoped3A : memref<!tpu.dma_semaphore, #tpu.memory_space<semaphore_mem>>) src(%dma_wait3A_80 : memref<128x64xf32, #tpu.memory_space<vmem_shared>>) dst(%arg8 : memref<128x64xf32, #tpu.memory_space<vmem>>)
      tpu.yield
    }) : () -> ()
    %mul3A_42 = arith.constant 624 : i32
    %mul3A_43 = arith.muli %arg1, %mul3A_42 : i32
    %add3A_44 = arith.constant 128 : i32
    %add3A_45 = arith.addi %mul3A_43, %add3A_44 : i32
    "tpu.region"() ({
      %run_scoped3A = tpu.sem_alloc : memref<!tpu.dma_semaphore, #tpu.memory_space<semaphore_mem>>
      %dma_start3A = arith.constant 0 : i32
      %dma_start3A_75 = tpu.memref_slice %arg5[%add3A_45, %arg0, %dma_start3A] : memref<10000x2x64xf32, #tpu.memory_space<hbm>> -> memref<128x1x64xf32, #tpu.memory_space<hbm>>
      %dma_start3A_76 = tpu.memref_squeeze %dma_start3A_75 : memref<128x1x64xf32, #tpu.memory_space<hbm>> -> memref<128x64xf32, #tpu.memory_space<hbm>>
      %dma_start3A_77 = arith.constant 0 : i32
      %dma_start3A_78 = tpu.memref_slice %arg5[%add3A_45, %arg0, %dma_start3A_77] : memref<10000x2x64xf32, #tpu.memory_space<hbm>> -> memref<128x1x64xf32, #tpu.memory_space<hbm>>
      %dma_start3A_79 = tpu.memref_squeeze %dma_start3A_78 : memref<128x1x64xf32, #tpu.memory_space<hbm>> -> memref<128x64xf32, #tpu.memory_space<hbm>>
      tpu.enqueue_dma source(%arg8 : memref<128x64xf32, #tpu.memory_space<vmem>>) target(%dma_start3A_79 : memref<128x64xf32, #tpu.memory_space<hbm>>) target_semaphore(%run_scoped3A : memref<!tpu.dma_semaphore, #tpu.memory_space<semaphore_mem>>)
      %dma_wait3A = arith.constant 0 : i32
      %dma_wait3A_80 = tpu.memref_slice %arg5[%add3A_45, %arg0, %dma_wait3A] : memref<10000x2x64xf32, #tpu.memory_space<hbm>> -> memref<128x1x64xf32, #tpu.memory_space<hbm>>
      %dma_wait3A_81 = tpu.memref_squeeze %dma_wait3A_80 : memref<128x1x64xf32, #tpu.memory_space<hbm>> -> memref<128x64xf32, #tpu.memory_space<hbm>>
      %dma_wait3A_82 = arith.constant 0 : i32
      %dma_wait3A_83 = tpu.memref_slice %arg5[%add3A_45, %arg0, %dma_wait3A_82] : memref<10000x2x64xf32, #tpu.memory_space<hbm>> -> memref<128x1x64xf32, #tpu.memory_space<hbm>>
      %dma_wait3A_84 = tpu.memref_squeeze %dma_wait3A_83 : memref<128x1x64xf32, #tpu.memory_space<hbm>> -> memref<128x64xf32, #tpu.memory_space<hbm>>
      tpu.wait_dma2 semaphore(%run_scoped3A : memref<!tpu.dma_semaphore, #tpu.memory_space<semaphore_mem>>) src(%arg8 : memref<128x64xf32, #tpu.memory_space<vmem>>) dst(%dma_wait3A_84 : memref<128x64xf32, #tpu.memory_space<hbm>>)
      tpu.yield
    }) : () -> ()
    %mul3A_46 = arith.constant 624 : i32
    %mul3A_47 = arith.muli %arg1, %mul3A_46 : i32
    %add3A_48 = arith.constant 256 : i32
    %add3A_49 = arith.addi %mul3A_47, %add3A_48 : i32
    "tpu.region"() ({
      %run_scoped3A = tpu.sem_alloc : memref<!tpu.dma_semaphore, #tpu.memory_space<semaphore_mem>>
      %dma_start3A = arith.constant 0 : i32
      %dma_start3A_75 = tpu.memref_slice %arg12[%add3A_49, %dma_start3A] : memref<10000x64xf32, #tpu.memory_space<vmem_shared>> -> memref<128x64xf32, #tpu.memory_space<vmem_shared>>
      %dma_start3A_76 = arith.constant 0 : i32
      %dma_start3A_77 = tpu.memref_slice %arg12[%add3A_49, %dma_start3A_76] : memref<10000x64xf32, #tpu.memory_space<vmem_shared>> -> memref<128x64xf32, #tpu.memory_space<vmem_shared>>
      tpu.enqueue_dma source(%dma_start3A_77 : memref<128x64xf32, #tpu.memory_space<vmem_shared>>) target(%arg8 : memref<128x64xf32, #tpu.memory_space<vmem>>) target_semaphore(%run_scoped3A : memref<!tpu.dma_semaphore, #tpu.memory_space<semaphore_mem>>)
      %dma_wait3A = arith.constant 0 : i32
      %dma_wait3A_78 = tpu.memref_slice %arg12[%add3A_49, %dma_wait3A] : memref<10000x64xf32, #tpu.memory_space<vmem_shared>> -> memref<128x64xf32, #tpu.memory_space<vmem_shared>>
      %dma_wait3A_79 = arith.constant 0 : i32
      %dma_wait3A_80 = tpu.memref_slice %arg12[%add3A_49, %dma_wait3A_79] : memref<10000x64xf32, #tpu.memory_space<vmem_shared>> -> memref<128x64xf32, #tpu.memory_space<vmem_shared>>
      tpu.wait_dma2 semaphore(%run_scoped3A : memref<!tpu.dma_semaphore, #tpu.memory_space<semaphore_mem>>) src(%dma_wait3A_80 : memref<128x64xf32, #tpu.memory_space<vmem_shared>>) dst(%arg8 : memref<128x64xf32, #tpu.memory_space<vmem>>)
      tpu.yield
    }) : () -> ()
    %mul3A_50 = arith.constant 624 : i32
    %mul3A_51 = arith.muli %arg1, %mul3A_50 : i32
    %add3A_52 = arith.constant 256 : i32
    %add3A_53 = arith.addi %mul3A_51, %add3A_52 : i32
    "tpu.region"() ({
      %run_scoped3A = tpu.sem_alloc : memref<!tpu.dma_semaphore, #tpu.memory_space<semaphore_mem>>
      %dma_start3A = arith.constant 0 : i32
      %dma_start3A_75 = tpu.memref_slice %arg5[%add3A_53, %arg0, %dma_start3A] : memref<10000x2x64xf32, #tpu.memory_space<hbm>> -> memref<128x1x64xf32, #tpu.memory_space<hbm>>
      %dma_start3A_76 = tpu.memref_squeeze %dma_start3A_75 : memref<128x1x64xf32, #tpu.memory_space<hbm>> -> memref<128x64xf32, #tpu.memory_space<hbm>>
      %dma_start3A_77 = arith.constant 0 : i32
      %dma_start3A_78 = tpu.memref_slice %arg5[%add3A_53, %arg0, %dma_start3A_77] : memref<10000x2x64xf32, #tpu.memory_space<hbm>> -> memref<128x1x64xf32, #tpu.memory_space<hbm>>
      %dma_start3A_79 = tpu.memref_squeeze %dma_start3A_78 : memref<128x1x64xf32, #tpu.memory_space<hbm>> -> memref<128x64xf32, #tpu.memory_space<hbm>>
      tpu.enqueue_dma source(%arg8 : memref<128x64xf32, #tpu.memory_space<vmem>>) target(%dma_start3A_79 : memref<128x64xf32, #tpu.memory_space<hbm>>) target_semaphore(%run_scoped3A : memref<!tpu.dma_semaphore, #tpu.memory_space<semaphore_mem>>)
      %dma_wait3A = arith.constant 0 : i32
      %dma_wait3A_80 = tpu.memref_slice %arg5[%add3A_53, %arg0, %dma_wait3A] : memref<10000x2x64xf32, #tpu.memory_space<hbm>> -> memref<128x1x64xf32, #tpu.memory_space<hbm>>
      %dma_wait3A_81 = tpu.memref_squeeze %dma_wait3A_80 : memref<128x1x64xf32, #tpu.memory_space<hbm>> -> memref<128x64xf32, #tpu.memory_space<hbm>>
      %dma_wait3A_82 = arith.constant 0 : i32
      %dma_wait3A_83 = tpu.memref_slice %arg5[%add3A_53, %arg0, %dma_wait3A_82] : memref<10000x2x64xf32, #tpu.memory_space<hbm>> -> memref<128x1x64xf32, #tpu.memory_space<hbm>>
      %dma_wait3A_84 = tpu.memref_squeeze %dma_wait3A_83 : memref<128x1x64xf32, #tpu.memory_space<hbm>> -> memref<128x64xf32, #tpu.memory_space<hbm>>
      tpu.wait_dma2 semaphore(%run_scoped3A : memref<!tpu.dma_semaphore, #tpu.memory_space<semaphore_mem>>) src(%arg8 : memref<128x64xf32, #tpu.memory_space<vmem>>) dst(%dma_wait3A_84 : memref<128x64xf32, #tpu.memory_space<hbm>>)
      tpu.yield
    }) : () -> ()
    %mul3A_54 = arith.constant 624 : i32
    %mul3A_55 = arith.muli %arg1, %mul3A_54 : i32
    %add3A_56 = arith.constant 384 : i32
    %add3A_57 = arith.addi %mul3A_55, %add3A_56 : i32
    "tpu.region"() ({
      %run_scoped3A = tpu.sem_alloc : memref<!tpu.dma_semaphore, #tpu.memory_space<semaphore_mem>>
      %dma_start3A = arith.constant 0 : i32
      %dma_start3A_75 = tpu.memref_slice %arg12[%add3A_57, %dma_start3A] : memref<10000x64xf32, #tpu.memory_space<vmem_shared>> -> memref<128x64xf32, #tpu.memory_space<vmem_shared>>
      %dma_start3A_76 = arith.constant 0 : i32
      %dma_start3A_77 = tpu.memref_slice %arg12[%add3A_57, %dma_start3A_76] : memref<10000x64xf32, #tpu.memory_space<vmem_shared>> -> memref<128x64xf32, #tpu.memory_space<vmem_shared>>
      tpu.enqueue_dma source(%dma_start3A_77 : memref<128x64xf32, #tpu.memory_space<vmem_shared>>) target(%arg8 : memref<128x64xf32, #tpu.memory_space<vmem>>) target_semaphore(%run_scoped3A : memref<!tpu.dma_semaphore, #tpu.memory_space<semaphore_mem>>)
      %dma_wait3A = arith.constant 0 : i32
      %dma_wait3A_78 = tpu.memref_slice %arg12[%add3A_57, %dma_wait3A] : memref<10000x64xf32, #tpu.memory_space<vmem_shared>> -> memref<128x64xf32, #tpu.memory_space<vmem_shared>>
      %dma_wait3A_79 = arith.constant 0 : i32
      %dma_wait3A_80 = tpu.memref_slice %arg12[%add3A_57, %dma_wait3A_79] : memref<10000x64xf32, #tpu.memory_space<vmem_shared>> -> memref<128x64xf32, #tpu.memory_space<vmem_shared>>
      tpu.wait_dma2 semaphore(%run_scoped3A : memref<!tpu.dma_semaphore, #tpu.memory_space<semaphore_mem>>) src(%dma_wait3A_80 : memref<128x64xf32, #tpu.memory_space<vmem_shared>>) dst(%arg8 : memref<128x64xf32, #tpu.memory_space<vmem>>)
      tpu.yield
    }) : () -> ()
    %mul3A_58 = arith.constant 624 : i32
    %mul3A_59 = arith.muli %arg1, %mul3A_58 : i32
    %add3A_60 = arith.constant 384 : i32
    %add3A_61 = arith.addi %mul3A_59, %add3A_60 : i32
    "tpu.region"() ({
      %run_scoped3A = tpu.sem_alloc : memref<!tpu.dma_semaphore, #tpu.memory_space<semaphore_mem>>
      %dma_start3A = arith.constant 0 : i32
      %dma_start3A_75 = tpu.memref_slice %arg5[%add3A_61, %arg0, %dma_start3A] : memref<10000x2x64xf32, #tpu.memory_space<hbm>> -> memref<128x1x64xf32, #tpu.memory_space<hbm>>
      %dma_start3A_76 = tpu.memref_squeeze %dma_start3A_75 : memref<128x1x64xf32, #tpu.memory_space<hbm>> -> memref<128x64xf32, #tpu.memory_space<hbm>>
      %dma_start3A_77 = arith.constant 0 : i32
      %dma_start3A_78 = tpu.memref_slice %arg5[%add3A_61, %arg0, %dma_start3A_77] : memref<10000x2x64xf32, #tpu.memory_space<hbm>> -> memref<128x1x64xf32, #tpu.memory_space<hbm>>
      %dma_start3A_79 = tpu.memref_squeeze %dma_start3A_78 : memref<128x1x64xf32, #tpu.memory_space<hbm>> -> memref<128x64xf32, #tpu.memory_space<hbm>>
      tpu.enqueue_dma source(%arg8 : memref<128x64xf32, #tpu.memory_space<vmem>>) target(%dma_start3A_79 : memref<128x64xf32, #tpu.memory_space<hbm>>) target_semaphore(%run_scoped3A : memref<!tpu.dma_semaphore, #tpu.memory_space<semaphore_mem>>)
      %dma_wait3A = arith.constant 0 : i32
      %dma_wait3A_80 = tpu.memref_slice %arg5[%add3A_61, %arg0, %dma_wait3A] : memref<10000x2x64xf32, #tpu.memory_space<hbm>> -> memref<128x1x64xf32, #tpu.memory_space<hbm>>
      %dma_wait3A_81 = tpu.memref_squeeze %dma_wait3A_80 : memref<128x1x64xf32, #tpu.memory_space<hbm>> -> memref<128x64xf32, #tpu.memory_space<hbm>>
      %dma_wait3A_82 = arith.constant 0 : i32
      %dma_wait3A_83 = tpu.memref_slice %arg5[%add3A_61, %arg0, %dma_wait3A_82] : memref<10000x2x64xf32, #tpu.memory_space<hbm>> -> memref<128x1x64xf32, #tpu.memory_space<hbm>>
      %dma_wait3A_84 = tpu.memref_squeeze %dma_wait3A_83 : memref<128x1x64xf32, #tpu.memory_space<hbm>> -> memref<128x64xf32, #tpu.memory_space<hbm>>
      tpu.wait_dma2 semaphore(%run_scoped3A : memref<!tpu.dma_semaphore, #tpu.memory_space<semaphore_mem>>) src(%arg8 : memref<128x64xf32, #tpu.memory_space<vmem>>) dst(%dma_wait3A_84 : memref<128x64xf32, #tpu.memory_space<hbm>>)
      tpu.yield
    }) : () -> ()
    %mul3A_62 = arith.constant 624 : i32
    %mul3A_63 = arith.muli %arg1, %mul3A_62 : i32
    %add3A_64 = arith.constant 512 : i32
    %add3A_65 = arith.addi %mul3A_63, %add3A_64 : i32
    "tpu.region"() ({
      %run_scoped3A = tpu.sem_alloc : memref<!tpu.dma_semaphore, #tpu.memory_space<semaphore_mem>>
      %dma_start3A = arith.constant 0 : i32
      %dma_start3A_75 = arith.constant 0 : i32
      %dma_start3A_76 = tpu.memref_slice %arg8[%dma_start3A, %dma_start3A_75] : memref<128x64xf32, #tpu.memory_space<vmem>> -> memref<112x64xf32, #tpu.memory_space<vmem>>
      %dma_start3A_77 = arith.constant 0 : i32
      %dma_start3A_78 = tpu.memref_slice %arg12[%add3A_65, %dma_start3A_77] : memref<10000x64xf32, #tpu.memory_space<vmem_shared>> -> memref<112x64xf32, #tpu.memory_space<vmem_shared>>
      %dma_start3A_79 = arith.constant 0 : i32
      %dma_start3A_80 = arith.constant 0 : i32
      %dma_start3A_81 = tpu.memref_slice %arg8[%dma_start3A_79, %dma_start3A_80] : memref<128x64xf32, #tpu.memory_space<vmem>> -> memref<112x64xf32, #tpu.memory_space<vmem>>
      %dma_start3A_82 = arith.constant 0 : i32
      %dma_start3A_83 = tpu.memref_slice %arg12[%add3A_65, %dma_start3A_82] : memref<10000x64xf32, #tpu.memory_space<vmem_shared>> -> memref<112x64xf32, #tpu.memory_space<vmem_shared>>
      tpu.enqueue_dma source(%dma_start3A_83 : memref<112x64xf32, #tpu.memory_space<vmem_shared>>) target(%dma_start3A_81 : memref<112x64xf32, #tpu.memory_space<vmem>>) target_semaphore(%run_scoped3A : memref<!tpu.dma_semaphore, #tpu.memory_space<semaphore_mem>>)
      %dma_wait3A = arith.constant 0 : i32
      %dma_wait3A_84 = arith.constant 0 : i32
      %dma_wait3A_85 = tpu.memref_slice %arg8[%dma_wait3A, %dma_wait3A_84] : memref<128x64xf32, #tpu.memory_space<vmem>> -> memref<112x64xf32, #tpu.memory_space<vmem>>
      %dma_wait3A_86 = arith.constant 0 : i32
      %dma_wait3A_87 = tpu.memref_slice %arg12[%add3A_65, %dma_wait3A_86] : memref<10000x64xf32, #tpu.memory_space<vmem_shared>> -> memref<112x64xf32, #tpu.memory_space<vmem_shared>>
      %dma_wait3A_88 = arith.constant 0 : i32
      %dma_wait3A_89 = arith.constant 0 : i32
      %dma_wait3A_90 = tpu.memref_slice %arg8[%dma_wait3A_88, %dma_wait3A_89] : memref<128x64xf32, #tpu.memory_space<vmem>> -> memref<112x64xf32, #tpu.memory_space<vmem>>
      %dma_wait3A_91 = arith.constant 0 : i32
      %dma_wait3A_92 = tpu.memref_slice %arg12[%add3A_65, %dma_wait3A_91] : memref<10000x64xf32, #tpu.memory_space<vmem_shared>> -> memref<112x64xf32, #tpu.memory_space<vmem_shared>>
      tpu.wait_dma2 semaphore(%run_scoped3A : memref<!tpu.dma_semaphore, #tpu.memory_space<semaphore_mem>>) src(%dma_wait3A_92 : memref<112x64xf32, #tpu.memory_space<vmem_shared>>) dst(%dma_wait3A_90 : memref<112x64xf32, #tpu.memory_space<vmem>>)
      tpu.yield
    }) : () -> ()
    %mul3A_66 = arith.constant 624 : i32
    %mul3A_67 = arith.muli %arg1, %mul3A_66 : i32
    %add3A_68 = arith.constant 512 : i32
    %add3A_69 = arith.addi %mul3A_67, %add3A_68 : i32
    "tpu.region"() ({
      %run_scoped3A = tpu.sem_alloc : memref<!tpu.dma_semaphore, #tpu.memory_space<semaphore_mem>>
      %dma_start3A = arith.constant 0 : i32
      %dma_start3A_75 = arith.constant 0 : i32
      %dma_start3A_76 = tpu.memref_slice %arg8[%dma_start3A, %dma_start3A_75] : memref<128x64xf32, #tpu.memory_space<vmem>> -> memref<112x64xf32, #tpu.memory_space<vmem>>
      %dma_start3A_77 = arith.constant 0 : i32
      %dma_start3A_78 = tpu.memref_slice %arg5[%add3A_69, %arg0, %dma_start3A_77] : memref<10000x2x64xf32, #tpu.memory_space<hbm>> -> memref<112x1x64xf32, #tpu.memory_space<hbm>>
      %dma_start3A_79 = tpu.memref_squeeze %dma_start3A_78 : memref<112x1x64xf32, #tpu.memory_space<hbm>> -> memref<112x64xf32, #tpu.memory_space<hbm>>
      %dma_start3A_80 = arith.constant 0 : i32
      %dma_start3A_81 = tpu.memref_slice %arg5[%add3A_69, %arg0, %dma_start3A_80] : memref<10000x2x64xf32, #tpu.memory_space<hbm>> -> memref<112x1x64xf32, #tpu.memory_space<hbm>>
      %dma_start3A_82 = tpu.memref_squeeze %dma_start3A_81 : memref<112x1x64xf32, #tpu.memory_space<hbm>> -> memref<112x64xf32, #tpu.memory_space<hbm>>
      %dma_start3A_83 = arith.constant 0 : i32
      %dma_start3A_84 = arith.constant 0 : i32
      %dma_start3A_85 = tpu.memref_slice %arg8[%dma_start3A_83, %dma_start3A_84] : memref<128x64xf32, #tpu.memory_space<vmem>> -> memref<112x64xf32, #tpu.memory_space<vmem>>
      tpu.enqueue_dma source(%dma_start3A_85 : memref<112x64xf32, #tpu.memory_space<vmem>>) target(%dma_start3A_82 : memref<112x64xf32, #tpu.memory_space<hbm>>) target_semaphore(%run_scoped3A : memref<!tpu.dma_semaphore, #tpu.memory_space<semaphore_mem>>)
      %dma_wait3A = arith.constant 0 : i32
      %dma_wait3A_86 = arith.constant 0 : i32
      %dma_wait3A_87 = tpu.memref_slice %arg8[%dma_wait3A, %dma_wait3A_86] : memref<128x64xf32, #tpu.memory_space<vmem>> -> memref<112x64xf32, #tpu.memory_space<vmem>>
      %dma_wait3A_88 = arith.constant 0 : i32
      %dma_wait3A_89 = tpu.memref_slice %arg5[%add3A_69, %arg0, %dma_wait3A_88] : memref<10000x2x64xf32, #tpu.memory_space<hbm>> -> memref<112x1x64xf32, #tpu.memory_space<hbm>>
      %dma_wait3A_90 = tpu.memref_squeeze %dma_wait3A_89 : memref<112x1x64xf32, #tpu.memory_space<hbm>> -> memref<112x64xf32, #tpu.memory_space<hbm>>
      %dma_wait3A_91 = arith.constant 0 : i32
      %dma_wait3A_92 = tpu.memref_slice %arg5[%add3A_69, %arg0, %dma_wait3A_91] : memref<10000x2x64xf32, #tpu.memory_space<hbm>> -> memref<112x1x64xf32, #tpu.memory_space<hbm>>
      %dma_wait3A_93 = tpu.memref_squeeze %dma_wait3A_92 : memref<112x1x64xf32, #tpu.memory_space<hbm>> -> memref<112x64xf32, #tpu.memory_space<hbm>>
      %dma_wait3A_94 = arith.constant 0 : i32
      %dma_wait3A_95 = arith.constant 0 : i32
      %dma_wait3A_96 = tpu.memref_slice %arg8[%dma_wait3A_94, %dma_wait3A_95] : memref<128x64xf32, #tpu.memory_space<vmem>> -> memref<112x64xf32, #tpu.memory_space<vmem>>
      tpu.wait_dma2 semaphore(%run_scoped3A : memref<!tpu.dma_semaphore, #tpu.memory_space<semaphore_mem>>) src(%dma_wait3A_96 : memref<112x64xf32, #tpu.memory_space<vmem>>) dst(%dma_wait3A_93 : memref<112x64xf32, #tpu.memory_space<hbm>>)
      tpu.yield
    }) : () -> ()
    %eq3A_70 = arith.constant 15 : i32
    %eq3A_71 = arith.cmpi eq, %arg1, %eq3A_70 : i32
    %convert_element_type3A_72 = arith.extui %eq3A_71 : i1 to i32
    %cond3A_73 = arith.constant 0 : i32
    %cond3A_74 = arith.cmpi ne, %convert_element_type3A_72, %cond3A_73 : i32
    scf.if %cond3A_74 {
      "tpu.region"() ({
        %run_scoped3A = tpu.sem_alloc : memref<!tpu.dma_semaphore, #tpu.memory_space<semaphore_mem>>
        %dma_start3A = arith.constant 0 : i32
        %dma_start3A_75 = arith.constant 0 : i32
        %dma_start3A_76 = tpu.memref_slice %arg9[%dma_start3A, %dma_start3A_75] : memref<128x64xf32, #tpu.memory_space<vmem>> -> memref<16x64xf32, #tpu.memory_space<vmem>>
        %dma_start3A_77 = arith.constant 9984 : i32
        %dma_start3A_78 = arith.constant 0 : i32
        %dma_start3A_79 = tpu.memref_slice %arg12[%dma_start3A_77, %dma_start3A_78] : memref<10000x64xf32, #tpu.memory_space<vmem_shared>> -> memref<16x64xf32, #tpu.memory_space<vmem_shared>>
        %dma_start3A_80 = arith.constant 0 : i32
        %dma_start3A_81 = arith.constant 0 : i32
        %dma_start3A_82 = tpu.memref_slice %arg9[%dma_start3A_80, %dma_start3A_81] : memref<128x64xf32, #tpu.memory_space<vmem>> -> memref<16x64xf32, #tpu.memory_space<vmem>>
        %dma_start3A_83 = arith.constant 9984 : i32
        %dma_start3A_84 = arith.constant 0 : i32
        %dma_start3A_85 = tpu.memref_slice %arg12[%dma_start3A_83, %dma_start3A_84] : memref<10000x64xf32, #tpu.memory_space<vmem_shared>> -> memref<16x64xf32, #tpu.memory_space<vmem_shared>>
        tpu.enqueue_dma source(%dma_start3A_85 : memref<16x64xf32, #tpu.memory_space<vmem_shared>>) target(%dma_start3A_82 : memref<16x64xf32, #tpu.memory_space<vmem>>) target_semaphore(%run_scoped3A : memref<!tpu.dma_semaphore, #tpu.memory_space<semaphore_mem>>)
        %dma_wait3A = arith.constant 0 : i32
        %dma_wait3A_86 = arith.constant 0 : i32
        %dma_wait3A_87 = tpu.memref_slice %arg9[%dma_wait3A, %dma_wait3A_86] : memref<128x64xf32, #tpu.memory_space<vmem>> -> memref<16x64xf32, #tpu.memory_space<vmem>>
        %dma_wait3A_88 = arith.constant 9984 : i32
        %dma_wait3A_89 = arith.constant 0 : i32
        %dma_wait3A_90 = tpu.memref_slice %arg12[%dma_wait3A_88, %dma_wait3A_89] : memref<10000x64xf32, #tpu.memory_space<vmem_shared>> -> memref<16x64xf32, #tpu.memory_space<vmem_shared>>
        %dma_wait3A_91 = arith.constant 0 : i32
        %dma_wait3A_92 = arith.constant 0 : i32
        %dma_wait3A_93 = tpu.memref_slice %arg9[%dma_wait3A_91, %dma_wait3A_92] : memref<128x64xf32, #tpu.memory_space<vmem>> -> memref<16x64xf32, #tpu.memory_space<vmem>>
        %dma_wait3A_94 = arith.constant 9984 : i32
        %dma_wait3A_95 = arith.constant 0 : i32
        %dma_wait3A_96 = tpu.memref_slice %arg12[%dma_wait3A_94, %dma_wait3A_95] : memref<10000x64xf32, #tpu.memory_space<vmem_shared>> -> memref<16x64xf32, #tpu.memory_space<vmem_shared>>
        tpu.wait_dma2 semaphore(%run_scoped3A : memref<!tpu.dma_semaphore, #tpu.memory_space<semaphore_mem>>) src(%dma_wait3A_96 : memref<16x64xf32, #tpu.memory_space<vmem_shared>>) dst(%dma_wait3A_93 : memref<16x64xf32, #tpu.memory_space<vmem>>)
        tpu.yield
      }) : () -> ()
      "tpu.region"() ({
        %run_scoped3A = tpu.sem_alloc : memref<!tpu.dma_semaphore, #tpu.memory_space<semaphore_mem>>
        %dma_start3A = arith.constant 0 : i32
        %dma_start3A_75 = arith.constant 0 : i32
        %dma_start3A_76 = tpu.memref_slice %arg9[%dma_start3A, %dma_start3A_75] : memref<128x64xf32, #tpu.memory_space<vmem>> -> memref<16x64xf32, #tpu.memory_space<vmem>>
        %dma_start3A_77 = arith.constant 9984 : i32
        %dma_start3A_78 = arith.constant 0 : i32
        %dma_start3A_79 = tpu.memref_slice %arg5[%dma_start3A_77, %arg0, %dma_start3A_78] : memref<10000x2x64xf32, #tpu.memory_space<hbm>> -> memref<16x1x64xf32, #tpu.memory_space<hbm>>
        %dma_start3A_80 = tpu.memref_squeeze %dma_start3A_79 : memref<16x1x64xf32, #tpu.memory_space<hbm>> -> memref<16x64xf32, #tpu.memory_space<hbm>>
        %dma_start3A_81 = arith.constant 9984 : i32
        %dma_start3A_82 = arith.constant 0 : i32
        %dma_start3A_83 = tpu.memref_slice %arg5[%dma_start3A_81, %arg0, %dma_start3A_82] : memref<10000x2x64xf32, #tpu.memory_space<hbm>> -> memref<16x1x64xf32, #tpu.memory_space<hbm>>
        %dma_start3A_84 = tpu.memref_squeeze %dma_start3A_83 : memref<16x1x64xf32, #tpu.memory_space<hbm>> -> memref<16x64xf32, #tpu.memory_space<hbm>>
        %dma_start3A_85 = arith.constant 0 : i32
        %dma_start3A_86 = arith.constant 0 : i32
        %dma_start3A_87 = tpu.memref_slice %arg9[%dma_start3A_85, %dma_start3A_86] : memref<128x64xf32, #tpu.memory_space<vmem>> -> memref<16x64xf32, #tpu.memory_space<vmem>>
        tpu.enqueue_dma source(%dma_start3A_87 : memref<16x64xf32, #tpu.memory_space<vmem>>) target(%dma_start3A_84 : memref<16x64xf32, #tpu.memory_space<hbm>>) target_semaphore(%run_scoped3A : memref<!tpu.dma_semaphore, #tpu.memory_space<semaphore_mem>>)
        %dma_wait3A = arith.constant 0 : i32
        %dma_wait3A_88 = arith.constant 0 : i32
        %dma_wait3A_89 = tpu.memref_slice %arg9[%dma_wait3A, %dma_wait3A_88] : memref<128x64xf32, #tpu.memory_space<vmem>> -> memref<16x64xf32, #tpu.memory_space<vmem>>
        %dma_wait3A_90 = arith.constant 9984 : i32
        %dma_wait3A_91 = arith.constant 0 : i32
        %dma_wait3A_92 = tpu.memref_slice %arg5[%dma_wait3A_90, %arg0, %dma_wait3A_91] : memref<10000x2x64xf32, #tpu.memory_space<hbm>> -> memref<16x1x64xf32, #tpu.memory_space<hbm>>
        %dma_wait3A_93 = tpu.memref_squeeze %dma_wait3A_92 : memref<16x1x64xf32, #tpu.memory_space<hbm>> -> memref<16x64xf32, #tpu.memory_space<hbm>>
        %dma_wait3A_94 = arith.constant 9984 : i32
        %dma_wait3A_95 = arith.constant 0 : i32
        %dma_wait3A_96 = tpu.memref_slice %arg5[%dma_wait3A_94, %arg0, %dma_wait3A_95] : memref<10000x2x64xf32, #tpu.memory_space<hbm>> -> memref<16x1x64xf32, #tpu.memory_space<hbm>>
        %dma_wait3A_97 = tpu.memref_squeeze %dma_wait3A_96 : memref<16x1x64xf32, #tpu.memory_space<hbm>> -> memref<16x64xf32, #tpu.memory_space<hbm>>
        %dma_wait3A_98 = arith.constant 0 : i32
        %dma_wait3A_99 = arith.constant 0 : i32
        %dma_wait3A_100 = tpu.memref_slice %arg9[%dma_wait3A_98, %dma_wait3A_99] : memref<128x64xf32, #tpu.memory_space<vmem>> -> memref<16x64xf32, #tpu.memory_space<vmem>>
        tpu.wait_dma2 semaphore(%run_scoped3A : memref<!tpu.dma_semaphore, #tpu.memory_space<semaphore_mem>>) src(%dma_wait3A_100 : memref<16x64xf32, #tpu.memory_space<vmem>>) dst(%dma_wait3A_97 : memref<16x64xf32, #tpu.memory_space<hbm>>)
        tpu.yield
      }) : () -> ()
    } else {
    }
    return
  }
}

module attributes {stable_mosaic.version = 14 : i64} {
  func.func @_norm_body(%arg0: i32, %arg1: memref<1000x4xf32, #tpu.memory_space<vmem>>, %arg2: memref<1000x128xf32, #tpu.memory_space<vmem>>, %arg3: memref<128x128xf32, #tpu.memory_space<vmem>>, %arg4: memref<1000x128xf32, #tpu.memory_space<vmem>>, %arg5: memref<1000x1xf32, #tpu.memory_space<vmem>>, %arg6: memref<1000x1xf32, #tpu.memory_space<vmem>>) attributes {dimension_semantics = [#tpu.dimension_semantics<arbitrary>], iteration_bounds = array<i64: 10>, scalar_prefetch = 0 : i64, scratch_operands = 0 : i64, tpu.core_type = #tpu.core_type<tc>, window_params = [{transform_indices = @transform_0, window_bounds = array<i64: 1000, 4>}, {transform_indices = @transform_1, window_bounds = array<i64: 1000, 128>}, {pipeline_mode = #tpu.pipeline_mode<synchronous>, transform_indices = @transform_2, window_bounds = array<i64: 128, 128>}, {transform_indices = @transform_3, window_bounds = array<i64: 1000, 128>}, {transform_indices = @transform_4, window_bounds = array<i64: 1000, 1>}, {transform_indices = @transform_5, window_bounds = array<i64: 1000, 1>}]} {
    %get3A = arith.constant 0 : index
    %get3A_0 = arith.constant 0 : index
    %get3A_1 = vector.load %arg1[%get3A, %get3A_0] : memref<1000x4xf32, #tpu.memory_space<vmem>>, vector<1000x4xf32>
    %slice3A = vector.extract_strided_slice %get3A_1 {offsets = [0, 0], sizes = [1000, 1], strides = [1, 1]} : vector<1000x4xf32> to vector<1000x1xf32>
    %slice3A_2 = vector.extract_strided_slice %get3A_1 {offsets = [0, 2], sizes = [1000, 1], strides = [1, 1]} : vector<1000x4xf32> to vector<1000x1xf32>
    %add3A = arith.addf %slice3A, %slice3A_2 : vector<1000x1xf32>
    %slice3A_3 = vector.extract_strided_slice %get3A_1 {offsets = [0, 1], sizes = [1000, 1], strides = [1, 1]} : vector<1000x4xf32> to vector<1000x1xf32>
    %slice3A_4 = vector.extract_strided_slice %get3A_1 {offsets = [0, 3], sizes = [1000, 1], strides = [1, 1]} : vector<1000x4xf32> to vector<1000x1xf32>
    %add3A_5 = arith.addf %slice3A_3, %slice3A_4 : vector<1000x1xf32>
    %gt3A = arith.constant 0.000000e+00 : f32
    %gt3A_6 = vector.broadcast %gt3A : f32 to vector<1000x1xf32>
    %gt3A_7 = arith.cmpf ogt, %add3A, %gt3A_6 : vector<1000x1xf32>
    %jit3A = arith.constant 1.000000e+00 : f32
    %broadcast_in_dim3A = vector.broadcast %jit3A : f32 to vector<1000x1xf32>
    %select_n3A = arith.select %gt3A_7, %add3A, %broadcast_in_dim3A : vector<1000x1xi1>, vector<1000x1xf32>
    %rsqrt3A = math.rsqrt %select_n3A : vector<1000x1xf32>
    %gt3A_8 = arith.constant 0.000000e+00 : f32
    %gt3A_9 = vector.broadcast %gt3A_8 : f32 to vector<1000x1xf32>
    %gt3A_10 = arith.cmpf ogt, %add3A_5, %gt3A_9 : vector<1000x1xf32>
    %jit3A_11 = arith.constant 1.000000e+00 : f32
    %broadcast_in_dim3A_12 = vector.broadcast %jit3A_11 : f32 to vector<1000x1xf32>
    %select_n3A_13 = arith.select %gt3A_10, %add3A_5, %broadcast_in_dim3A_12 : vector<1000x1xi1>, vector<1000x1xf32>
    %rsqrt3A_14 = math.rsqrt %select_n3A_13 : vector<1000x1xf32>
    %get3A_15 = arith.constant 0 : index
    %get3A_16 = arith.constant 0 : index
    %get3A_17 = vector.load %arg2[%get3A_15, %get3A_16] : memref<1000x128xf32, #tpu.memory_space<vmem>>, vector<1000x128xf32>
    %mul3A = vector.broadcast %rsqrt3A : vector<1000x1xf32> to vector<1000x128xf32>
    %mul3A_18 = arith.mulf %get3A_17, %mul3A : vector<1000x128xf32>
    %get3A_19 = arith.constant 0 : index
    %get3A_20 = arith.constant 0 : index
    %get3A_21 = vector.load %arg3[%get3A_19, %get3A_20] : memref<128x128xf32, #tpu.memory_space<vmem>>, vector<128x128xf32>
    %dot_general3A = arith.constant dense<0.000000e+00> : vector<1000x128xf32>
    %dot_general3A_22 = tpu.matmul %mul3A_18, %get3A_21, %dot_general3A {dimension_numbers = #tpu.dot_dimension_numbers<[1], [0], [0], [1], [0, 0, 1, 1], [], []>, precision = #tpu.contract_precision<fp32>, transpose_lhs_hint = false} : vector<1000x128xf32>, vector<128x128xf32>, vector<1000x128xf32> -> vector<1000x128xf32>
    %swap3A = arith.constant 0 : index
    %swap3A_23 = arith.constant 0 : index
    %swap3A_24 = vector.load %arg4[%swap3A, %swap3A_23] : memref<1000x128xf32, #tpu.memory_space<vmem>>, vector<1000x128xf32>
    tpu.vector_store %arg4[%swap3A, %swap3A_23], %dot_general3A_22 {strides = array<i32>} : memref<1000x128xf32, #tpu.memory_space<vmem>>, vector<1000x128xf32>,
    %swap3A_25 = arith.constant 0 : index
    %swap3A_26 = arith.constant 0 : index
    %swap3A_27 = vector.load %arg5[%swap3A_25, %swap3A_26] : memref<1000x1xf32, #tpu.memory_space<vmem>>, vector<1000x1xf32>
    tpu.vector_store %arg5[%swap3A_25, %swap3A_26], %rsqrt3A {strides = array<i32>} : memref<1000x1xf32, #tpu.memory_space<vmem>>, vector<1000x1xf32>,
    %swap3A_28 = arith.constant 0 : index
    %swap3A_29 = arith.constant 0 : index
    %swap3A_30 = vector.load %arg6[%swap3A_28, %swap3A_29] : memref<1000x1xf32, #tpu.memory_space<vmem>>, vector<1000x1xf32>
    tpu.vector_store %arg6[%swap3A_28, %swap3A_29], %rsqrt3A_14 {strides = array<i32>} : memref<1000x1xf32, #tpu.memory_space<vmem>>, vector<1000x1xf32>,
    return
  }
  func.func @transform_0(%arg0: i32) -> (i32, i32) {
    %c0_i32 = arith.constant 0 : i32
    %c0_i32_0 = arith.constant 0 : i32
    return %arg0, %c0_i32 : i32, i32
  }
  func.func @transform_1(%arg0: i32) -> (i32, i32) {
    %c0_i32 = arith.constant 0 : i32
    %c0_i32_0 = arith.constant 0 : i32
    return %arg0, %c0_i32 : i32, i32
  }
  func.func @transform_2(%arg0: i32) -> (i32, i32) {
    %c0_i32 = arith.constant 0 : i32
    %c0_i32_0 = arith.constant 0 : i32
    %c0_i32_1 = arith.constant 0 : i32
    return %c0_i32, %c0_i32_0 : i32, i32
  }
  func.func @transform_3(%arg0: i32) -> (i32, i32) {
    %c0_i32 = arith.constant 0 : i32
    %c0_i32_0 = arith.constant 0 : i32
    return %arg0, %c0_i32 : i32, i32
  }
  func.func @transform_4(%arg0: i32) -> (i32, i32) {
    %c0_i32 = arith.constant 0 : i32
    %c0_i32_0 = arith.constant 0 : i32
    return %arg0, %c0_i32 : i32, i32
  }
  func.func @transform_5(%arg0: i32) -> (i32, i32) {
    %c0_i32 = arith.constant 0 : i32
    %c0_i32_0 = arith.constant 0 : i32
    return %arg0, %c0_i32 : i32, i32
  }
}

module attributes {stable_mosaic.version = 14 : i64} {
  func.func @_layer1_body(%arg0: i32, %arg1: memref<1000x128xf32, #tpu.memory_space<vmem>>, %arg2: memref<128x128xf32, #tpu.memory_space<vmem>>, %arg3: memref<1x128xf32, #tpu.memory_space<vmem>>, %arg4: memref<1000x1xf32, #tpu.memory_space<vmem>>, %arg5: memref<1000x1xf32, #tpu.memory_space<vmem>>, %arg6: memref<1000x128xf32, #tpu.memory_space<vmem>>) attributes {dimension_semantics = [#tpu.dimension_semantics<arbitrary>], iteration_bounds = array<i64: 10>, scalar_prefetch = 0 : i64, scratch_operands = 0 : i64, tpu.core_type = #tpu.core_type<tc>, window_params = [{transform_indices = @transform_0, window_bounds = array<i64: 1000, 128>}, {pipeline_mode = #tpu.pipeline_mode<synchronous>, transform_indices = @transform_1, window_bounds = array<i64: 128, 128>}, {pipeline_mode = #tpu.pipeline_mode<synchronous>, transform_indices = @transform_2, window_bounds = array<i64: 1, 128>}, {transform_indices = @transform_3, window_bounds = array<i64: 1000, 1>}, {transform_indices = @transform_4, window_bounds = array<i64: 1000, 1>}, {transform_indices = @transform_5, window_bounds = array<i64: 1000, 128>}]} {
    %get3A = arith.constant 0 : index
    %get3A_0 = arith.constant 0 : index
    %get3A_1 = vector.load %arg1[%get3A, %get3A_0] : memref<1000x128xf32, #tpu.memory_space<vmem>>, vector<1000x128xf32>
    %get3A_2 = arith.constant 0 : index
    %get3A_3 = arith.constant 0 : index
    %get3A_4 = vector.load %arg4[%get3A_2, %get3A_3] : memref<1000x1xf32, #tpu.memory_space<vmem>>, vector<1000x1xf32>
    %mul3A = vector.broadcast %get3A_4 : vector<1000x1xf32> to vector<1000x128xf32>
    %mul3A_5 = arith.mulf %get3A_1, %mul3A : vector<1000x128xf32>
    %get3A_6 = arith.constant 0 : index
    %get3A_7 = arith.constant 0 : index
    %get3A_8 = vector.load %arg3[%get3A_6, %get3A_7] : memref<1x128xf32, #tpu.memory_space<vmem>>, vector<1x128xf32>
    %add3A = vector.broadcast %get3A_8 : vector<1x128xf32> to vector<1000x128xf32>
    %add3A_9 = arith.addf %mul3A_5, %add3A : vector<1000x128xf32>
    %max3A = arith.constant 0.000000e+00 : f32
    %max3A_10 = vector.broadcast %max3A : f32 to vector<1000x128xf32>
    %max3A_11 = arith.maximumf %add3A_9, %max3A_10 : vector<1000x128xf32>
    %get3A_12 = arith.constant 0 : index
    %get3A_13 = arith.constant 0 : index
    %get3A_14 = vector.load %arg5[%get3A_12, %get3A_13] : memref<1000x1xf32, #tpu.memory_space<vmem>>, vector<1000x1xf32>
    %mul3A_15 = vector.broadcast %get3A_14 : vector<1000x1xf32> to vector<1000x128xf32>
    %mul3A_16 = arith.mulf %max3A_11, %mul3A_15 : vector<1000x128xf32>
    %get3A_17 = arith.constant 0 : index
    %get3A_18 = arith.constant 0 : index
    %get3A_19 = vector.load %arg2[%get3A_17, %get3A_18] : memref<128x128xf32, #tpu.memory_space<vmem>>, vector<128x128xf32>
    %dot_general3A = arith.constant dense<0.000000e+00> : vector<1000x128xf32>
    %dot_general3A_20 = tpu.matmul %mul3A_16, %get3A_19, %dot_general3A {dimension_numbers = #tpu.dot_dimension_numbers<[1], [0], [0], [1], [0, 0, 1, 1], [], []>, precision = #tpu.contract_precision<fp32>, transpose_lhs_hint = false} : vector<1000x128xf32>, vector<128x128xf32>, vector<1000x128xf32> -> vector<1000x128xf32>
    %swap3A = arith.constant 0 : index
    %swap3A_21 = arith.constant 0 : index
    %swap3A_22 = vector.load %arg6[%swap3A, %swap3A_21] : memref<1000x128xf32, #tpu.memory_space<vmem>>, vector<1000x128xf32>
    tpu.vector_store %arg6[%swap3A, %swap3A_21], %dot_general3A_20 {strides = array<i32>} : memref<1000x128xf32, #tpu.memory_space<vmem>>, vector<1000x128xf32>,
    return
  }
  func.func @transform_0(%arg0: i32) -> (i32, i32) {
    %c0_i32 = arith.constant 0 : i32
    %c0_i32_0 = arith.constant 0 : i32
    return %arg0, %c0_i32 : i32, i32
  }
  func.func @transform_1(%arg0: i32) -> (i32, i32) {
    %c0_i32 = arith.constant 0 : i32
    %c0_i32_0 = arith.constant 0 : i32
    %c0_i32_1 = arith.constant 0 : i32
    return %c0_i32, %c0_i32_0 : i32, i32
  }
  func.func @transform_2(%arg0: i32) -> (i32, i32) {
    %c0_i32 = arith.constant 0 : i32
    %c0_i32_0 = arith.constant 0 : i32
    %c0_i32_1 = arith.constant 0 : i32
    return %c0_i32, %c0_i32_0 : i32, i32
  }
  func.func @transform_3(%arg0: i32) -> (i32, i32) {
    %c0_i32 = arith.constant 0 : i32
    %c0_i32_0 = arith.constant 0 : i32
    return %arg0, %c0_i32 : i32, i32
  }
  func.func @transform_4(%arg0: i32) -> (i32, i32) {
    %c0_i32 = arith.constant 0 : i32
    %c0_i32_0 = arith.constant 0 : i32
    return %arg0, %c0_i32 : i32, i32
  }
  func.func @transform_5(%arg0: i32) -> (i32, i32) {
    %c0_i32 = arith.constant 0 : i32
    %c0_i32_0 = arith.constant 0 : i32
    return %arg0, %c0_i32 : i32, i32
  }
}

module attributes {stable_mosaic.version = 14 : i64} {
  func.func @_final_body(%arg0: i32, %arg1: memref<1000x128xf32, #tpu.memory_space<vmem>>, %arg2: memref<1x128xf32, #tpu.memory_space<vmem>>, %arg3: memref<1000x1xf32, #tpu.memory_space<vmem>>, %arg4: memref<128x128xf32, #tpu.memory_space<vmem>>, %arg5: memref<1x128xf32, #tpu.memory_space<vmem>>, %arg6: memref<128x128xf32, #tpu.memory_space<vmem>>, %arg7: memref<1x128xf32, #tpu.memory_space<vmem>>, %arg8: memref<128x1xf32, #tpu.memory_space<vmem>>, %arg9: memref<1x1xf32, #tpu.memory_space<vmem>>, %arg10: memref<1x1xf32, #tpu.memory_space<vmem>>, %arg11: memref<1x128xf32, #tpu.memory_space<vmem>>) attributes {dimension_semantics = [#tpu.dimension_semantics<arbitrary>], iteration_bounds = array<i64: 10>, scalar_prefetch = 0 : i64, scratch_operands = 1 : i64, tpu.core_type = #tpu.core_type<tc>, window_params = [{transform_indices = @transform_0, window_bounds = array<i64: 1000, 128>}, {pipeline_mode = #tpu.pipeline_mode<synchronous>, transform_indices = @transform_1, window_bounds = array<i64: 1, 128>}, {transform_indices = @transform_2, window_bounds = array<i64: 1000, 1>}, {pipeline_mode = #tpu.pipeline_mode<synchronous>, transform_indices = @transform_3, window_bounds = array<i64: 128, 128>}, {pipeline_mode = #tpu.pipeline_mode<synchronous>, transform_indices = @transform_4, window_bounds = array<i64: 1, 128>}, {pipeline_mode = #tpu.pipeline_mode<synchronous>, transform_indices = @transform_5, window_bounds = array<i64: 128, 128>}, {pipeline_mode = #tpu.pipeline_mode<synchronous>, transform_indices = @transform_6, window_bounds = array<i64: 1, 128>}, {pipeline_mode = #tpu.pipeline_mode<synchronous>, transform_indices = @transform_7, window_bounds = array<i64: 128, 1>}, {pipeline_mode = #tpu.pipeline_mode<synchronous>, transform_indices = @transform_8, window_bounds = array<i64: 1, 1>}, {pipeline_mode = #tpu.pipeline_mode<synchronous>, transform_indices = @transform_9, window_bounds = array<i64: 1, 1>}]} {
    %eq3A = arith.constant 0 : i32
    %eq3A_0 = arith.cmpi eq, %arg0, %eq3A : i32
    %convert_element_type3A = arith.extui %eq3A_0 : i1 to i32
    %cond3A = arith.constant 0 : i32
    %cond3A_1 = arith.cmpi ne, %convert_element_type3A, %cond3A : i32
    scf.if %cond3A_1 {
      %broadcast_in_dim3A_26 = arith.constant 0.000000e+00 : f32
      %broadcast_in_dim3A_27 = vector.broadcast %broadcast_in_dim3A_26 : f32 to vector<1x128xf32>
      %swap3A_28 = arith.constant 0 : index
      %swap3A_29 = arith.constant 0 : index
      %swap3A_30 = vector.load %arg11[%swap3A_28, %swap3A_29] : memref<1x128xf32, #tpu.memory_space<vmem>>, vector<1x128xf32>
      tpu.vector_store %arg11[%swap3A_28, %swap3A_29], %broadcast_in_dim3A_27 {strides = array<i32>} : memref<1x128xf32, #tpu.memory_space<vmem>>, vector<1x128xf32>,
    } else {
    }
    %get3A = arith.constant 0 : index
    %get3A_2 = arith.constant 0 : index
    %get3A_3 = vector.load %arg1[%get3A, %get3A_2] : memref<1000x128xf32, #tpu.memory_space<vmem>>, vector<1000x128xf32>
    %get3A_4 = arith.constant 0 : index
    %get3A_5 = arith.constant 0 : index
    %get3A_6 = vector.load %arg3[%get3A_4, %get3A_5] : memref<1000x1xf32, #tpu.memory_space<vmem>>, vector<1000x1xf32>
    %mul3A = vector.broadcast %get3A_6 : vector<1000x1xf32> to vector<1000x128xf32>
    %mul3A_7 = arith.mulf %get3A_3, %mul3A : vector<1000x128xf32>
    %get3A_8 = arith.constant 0 : index
    %get3A_9 = arith.constant 0 : index
    %get3A_10 = vector.load %arg2[%get3A_8, %get3A_9] : memref<1x128xf32, #tpu.memory_space<vmem>>, vector<1x128xf32>
    %add3A = vector.broadcast %get3A_10 : vector<1x128xf32> to vector<1000x128xf32>
    %add3A_11 = arith.addf %mul3A_7, %add3A : vector<1000x128xf32>
    %max3A = arith.constant 0.000000e+00 : f32
    %max3A_12 = vector.broadcast %max3A : f32 to vector<1000x128xf32>
    %max3A_13 = arith.maximumf %add3A_11, %max3A_12 : vector<1000x128xf32>
    %get3A_14 = arith.constant 0 : index
    %get3A_15 = arith.constant 0 : index
    %get3A_16 = vector.load %arg11[%get3A_14, %get3A_15] : memref<1x128xf32, #tpu.memory_space<vmem>>, vector<1x128xf32>
    %reduce_sum3A = arith.constant dense<0.000000e+00> : vector<128xf32>
    %reduce_sum3A_17 = vector.multi_reduction <add>, %max3A_13, %reduce_sum3A [0] : vector<1000x128xf32> to vector<128xf32>
    %broadcast_in_dim3A = vector.shape_cast %reduce_sum3A_17 : vector<128xf32> to vector<1x128xf32>
    %add3A_18 = arith.addf %get3A_16, %broadcast_in_dim3A : vector<1x128xf32>
    %swap3A = arith.constant 0 : index
    %swap3A_19 = arith.constant 0 : index
    %swap3A_20 = vector.load %arg11[%swap3A, %swap3A_19] : memref<1x128xf32, #tpu.memory_space<vmem>>, vector<1x128xf32>
    tpu.vector_store %arg11[%swap3A, %swap3A_19], %add3A_18 {strides = array<i32>} : memref<1x128xf32, #tpu.memory_space<vmem>>, vector<1x128xf32>,
    %eq3A_21 = arith.constant 9 : i32
    %eq3A_22 = arith.cmpi eq, %arg0, %eq3A_21 : i32
    %convert_element_type3A_23 = arith.extui %eq3A_22 : i1 to i32
    %cond3A_24 = arith.constant 0 : i32
    %cond3A_25 = arith.cmpi ne, %convert_element_type3A_23, %cond3A_24 : i32
    scf.if %cond3A_25 {
      %get3A_26 = arith.constant 0 : index
      %get3A_27 = arith.constant 0 : index
      %get3A_28 = vector.load %arg11[%get3A_26, %get3A_27] : memref<1x128xf32, #tpu.memory_space<vmem>>, vector<1x128xf32>
      %mul3A_29 = arith.constant 9.99999974E-5 : f32
      %mul3A_30 = vector.broadcast %mul3A_29 : f32 to vector<1x128xf32>
      %mul3A_31 = arith.mulf %get3A_28, %mul3A_30 : vector<1x128xf32>
      %get3A_32 = arith.constant 0 : index
      %get3A_33 = arith.constant 0 : index
      %get3A_34 = vector.load %arg4[%get3A_32, %get3A_33] : memref<128x128xf32, #tpu.memory_space<vmem>>, vector<128x128xf32>
      %dot_general3A = arith.constant dense<0.000000e+00> : vector<1x128xf32>
      %dot_general3A_35 = tpu.matmul %mul3A_31, %get3A_34, %dot_general3A {dimension_numbers = #tpu.dot_dimension_numbers<[1], [0], [0], [1], [0, 0, 1, 1], [], []>, precision = #tpu.contract_precision<fp32>, transpose_lhs_hint = false} : vector<1x128xf32>, vector<128x128xf32>, vector<1x128xf32> -> vector<1x128xf32>
      %get3A_36 = arith.constant 0 : index
      %get3A_37 = arith.constant 0 : index
      %get3A_38 = vector.load %arg5[%get3A_36, %get3A_37] : memref<1x128xf32, #tpu.memory_space<vmem>>, vector<1x128xf32>
      %add3A_39 = arith.addf %dot_general3A_35, %get3A_38 : vector<1x128xf32>
      %max3A_40 = arith.constant 0.000000e+00 : f32
      %max3A_41 = vector.broadcast %max3A_40 : f32 to vector<1x128xf32>
      %max3A_42 = arith.maximumf %add3A_39, %max3A_41 : vector<1x128xf32>
      %get3A_43 = arith.constant 0 : index
      %get3A_44 = arith.constant 0 : index
      %get3A_45 = vector.load %arg6[%get3A_43, %get3A_44] : memref<128x128xf32, #tpu.memory_space<vmem>>, vector<128x128xf32>
      %dot_general3A_46 = arith.constant dense<0.000000e+00> : vector<1x128xf32>
      %dot_general3A_47 = tpu.matmul %max3A_42, %get3A_45, %dot_general3A_46 {dimension_numbers = #tpu.dot_dimension_numbers<[1], [0], [0], [1], [0, 0, 1, 1], [], []>, precision = #tpu.contract_precision<fp32>, transpose_lhs_hint = false} : vector<1x128xf32>, vector<128x128xf32>, vector<1x128xf32> -> vector<1x128xf32>
      %get3A_48 = arith.constant 0 : index
      %get3A_49 = arith.constant 0 : index
      %get3A_50 = vector.load %arg7[%get3A_48, %get3A_49] : memref<1x128xf32, #tpu.memory_space<vmem>>, vector<1x128xf32>
      %add3A_51 = arith.addf %dot_general3A_47, %get3A_50 : vector<1x128xf32>
      %max3A_52 = arith.constant 0.000000e+00 : f32
      %max3A_53 = vector.broadcast %max3A_52 : f32 to vector<1x128xf32>
      %max3A_54 = arith.maximumf %add3A_51, %max3A_53 : vector<1x128xf32>
      %get3A_55 = arith.constant 0 : index
      %get3A_56 = arith.constant 0 : index
      %get3A_57 = vector.load %arg8[%get3A_55, %get3A_56] : memref<128x1xf32, #tpu.memory_space<vmem>>, vector<128x1xf32>
      %dot_general3A_58 = arith.constant dense<0.000000e+00> : vector<1x1xf32>
      %dot_general3A_59 = tpu.matmul %max3A_54, %get3A_57, %dot_general3A_58 {dimension_numbers = #tpu.dot_dimension_numbers<[1], [0], [0], [1], [0, 0, 1, 1], [], []>, precision = #tpu.contract_precision<fp32>, transpose_lhs_hint = false} : vector<1x128xf32>, vector<128x1xf32>, vector<1x1xf32> -> vector<1x1xf32>
      %get3A_60 = arith.constant 0 : index
      %get3A_61 = arith.constant 0 : index
      %get3A_62 = vector.load %arg9[%get3A_60, %get3A_61] : memref<1x1xf32, #tpu.memory_space<vmem>>, vector<1x1xf32>
      %add3A_63 = arith.addf %dot_general3A_59, %get3A_62 : vector<1x1xf32>
      %swap3A_64 = arith.constant 0 : index
      %swap3A_65 = arith.constant 0 : index
      %swap3A_66 = vector.load %arg10[%swap3A_64, %swap3A_65] : memref<1x1xf32, #tpu.memory_space<vmem>>, vector<1x1xf32>
      tpu.vector_store %arg10[%swap3A_64, %swap3A_65], %add3A_63 {strides = array<i32>} : memref<1x1xf32, #tpu.memory_space<vmem>>, vector<1x1xf32>,
    } else {
    }
    return
  }
  func.func @transform_0(%arg0: i32) -> (i32, i32) {
    %c0_i32 = arith.constant 0 : i32
    %c0_i32_0 = arith.constant 0 : i32
    return %arg0, %c0_i32 : i32, i32
  }
  func.func @transform_1(%arg0: i32) -> (i32, i32) {
    %c0_i32 = arith.constant 0 : i32
    %c0_i32_0 = arith.constant 0 : i32
    %c0_i32_1 = arith.constant 0 : i32
    return %c0_i32, %c0_i32_0 : i32, i32
  }
  func.func @transform_2(%arg0: i32) -> (i32, i32) {
    %c0_i32 = arith.constant 0 : i32
    %c0_i32_0 = arith.constant 0 : i32
    return %arg0, %c0_i32 : i32, i32
  }
  func.func @transform_3(%arg0: i32) -> (i32, i32) {
    %c0_i32 = arith.constant 0 : i32
    %c0_i32_0 = arith.constant 0 : i32
    %c0_i32_1 = arith.constant 0 : i32
    return %c0_i32, %c0_i32_0 : i32, i32
  }
  func.func @transform_4(%arg0: i32) -> (i32, i32) {
    %c0_i32 = arith.constant 0 : i32
    %c0_i32_0 = arith.constant 0 : i32
    %c0_i32_1 = arith.constant 0 : i32
    return %c0_i32, %c0_i32_0 : i32, i32
  }
  func.func @transform_5(%arg0: i32) -> (i32, i32) {
    %c0_i32 = arith.constant 0 : i32
    %c0_i32_0 = arith.constant 0 : i32
    %c0_i32_1 = arith.constant 0 : i32
    return %c0_i32, %c0_i32_0 : i32, i32
  }
  func.func @transform_6(%arg0: i32) -> (i32, i32) {
    %c0_i32 = arith.constant 0 : i32
    %c0_i32_0 = arith.constant 0 : i32
    %c0_i32_1 = arith.constant 0 : i32
    return %c0_i32, %c0_i32_0 : i32, i32
  }
  func.func @transform_7(%arg0: i32) -> (i32, i32) {
    %c0_i32 = arith.constant 0 : i32
    %c0_i32_0 = arith.constant 0 : i32
    %c0_i32_1 = arith.constant 0 : i32
    return %c0_i32, %c0_i32_0 : i32, i32
  }
  func.func @transform_8(%arg0: i32) -> (i32, i32) {
    %c0_i32 = arith.constant 0 : i32
    %c0_i32_0 = arith.constant 0 : i32
    %c0_i32_1 = arith.constant 0 : i32
    return %c0_i32, %c0_i32_0 : i32, i32
  }
  func.func @transform_9(%arg0: i32) -> (i32, i32) {
    %c0_i32 = arith.constant 0 : i32
    %c0_i32_0 = arith.constant 0 : i32
    %c0_i32_1 = arith.constant 0 : i32
    return %c0_i32, %c0_i32_0 : i32, i32
  }
}

</mosaic_0001>

<sc_bundles>
// kernel: kernel.11.cloned.1.call-start
scs
__scs_entry_jumppad:
0x0: {  	(pc) =	sbr.rel $0x88, $3  }
0x1: {  	(tag) =	ssettag $0x0;
	lr =	simm.s32 $0x1  }
0x2: {  	[smem:$0x3F95] =	sst lr;
	_ =	strace $0xD0000000  }
0x3: {  	_ = 	snop  }
0x4: {  	_ = 	snop  }
0x5: {  	_ = 	snop  }
0x6: {  	_ = 	snop  }
0x7: {  	_ = 	snop  }
__scs_overlays_trampoline_lowered:
0x8: {  	[smem:$0x3FA4] =	sst s0  }
0x9: {  	[smem:$0x3FA5] =	sst s1  }
0xa: {  	[smem:$0x3FA6] =	sst s2  }
0xb: {  	[smem:$0x3FA7] =	sst s3  }
0xc: {  	[smem:$0x3FA8] =	sst s4  }
0xd: {  	[smem:$0x3FA9] =	sst s5  }
0xe: {  	[smem:$0x3FAA] =	sst s6  }
0xf: {  	[smem:$0x3FAB] =	sst s7  }
0x10: {  	[smem:$0x3FAC] =	sst s8  }
0x11: {  	[smem:$0x3FAD] =	sst s9;
	s0 =	simm.s32 @!p0 $0x0  }
0x12: {  	s1 =	sld [smem:$0x3F93];
	s0 =	simm.s32 @p0 $0x1  }
0x13: {  	[smem:$0x3FAE] =	sst s0;
	s0 =	simm.s32 @!p1 $0x0  }
0x14: {  	s2 =	sld [smem:$0x3F92];
	s0 =	simm.s32 @p1 $0x1  }
0x15: {  	[smem:$0x3FAF] =	sst s0;
	s0 =	simm.s32 @!p2 $0x0  }
0x16: {  	s3 =	sld [smem:$0x3FDB];
	s0 =	simm.s32 @p2 $0x1  }
0x17: {  	s4 =	simm.s32 $0x1BF5;
	[smem:$0x3FB1] =	sst s0  }
0x18: {  	s0 =	sld [smem:$0x3F94];
	_ =	swait.ge [sflag:s4], $0x0  }
0x19: {  	s7 =	sld [smem:$0x3F95]  }
0x1a: {  	s8 =	sadd.s32 $0xFFFFE003, lr  }
0x1b: {  	s9 =	sadd.s32 $0xFFFFFEF7, lr;
	s5 =	simm.s32 $0xFFFFFFFF;
	p2 =	slt.u32 s8, $0xFFFFF086  }
0x1c: {  	p1 =	slt.u32 s9, $0xF7A;
	s5 =	simm.s32 @!p2 $0x0  }
0x1d: {  	s5 =	simm.s32 @p1 $0x1;
	p0 =	seq.s32 s7, s2  }
0x1e: {  	s7 =	smul.u32 @!p0 $0xF7A, s2;
	p2 =	seq.s32 @!p0 s5, $0x0  }
0x1f: {  	s9 =	smul.u32 $0xF7A, s1;
	s8 =	simm.s32 @!p0 $0x1BF5;
	p2 =	por !p2, p0  }
0x20: {  	[sflag:s8] =	ssyncset.s32 @!p0 $0xFFFFF086;
	s6 =	sadd.s32 @!p0 s3, s7;
	s7 =	simm.s32 @!p0 $0x108  }
0x21: {  	s3 =	sadd.s32 s3, s9;
	s6 =	sadd.s32 @!p0 $0x88, s6;
	s7 =	simm.s32 @p2 $0x1082  }
0x22: {  	[simem:s7], [sflag:s8] =	dma.local @!p0 [hbm:s6], $0xF7A  }
0x23: {  	s9 =	sor.u32 $0xD0000000, s2;
	s6 =	simm.s32 $0x108;
	_ =	swait.ge @!p0 [sflag:s8], $0x0  }
0x24: {  	s3 =	sadd.s32 $0x88, s3;
	s6 =	simm.s32 @!p1 $0x1082;
	[sflag:s4] =	ssyncset.s32 $0xFFFFF086  }
0x25: {  	[simem:s6], [sflag:s4] =	dma.local [hbm:s3], $0xF7A  }
0x26: {  	[smem:$0x3F95] =	sst s1;
	(tag) =	ssettag s2;
	_ =	strace s9  }
0x27: {  	s1 =	sld [smem:$0x3FA5]  }
0x28: {  	s2 =	sld [smem:$0x3FA6]  }
0x29: {  	s4 =	sld [smem:$0x3FA8]  }
0x2a: {  	p0 =	seq.s32 s5, $0x0;
	s5 =	sld [smem:$0x3FA9]  }
0x2b: {  	s6 =	sld [smem:$0x3FAA]  }
0x2c: {  	s7 =	sld [smem:$0x3FAB]  }
0x2d: {  	s3 =	simm.s32 $0x108;
	s8 =	sld [smem:$0x3FAC]  }
0x2e: {  	s3 =	simm.s32 @!p0 $0x1082;
	s9 =	sld [smem:$0x3FAD]  }
0x2f: {  	lr =	sadd.s32 s0, s3;
	s0 =	sld [smem:$0x3FA4]  }
0x30: {  	s3 =	sld [smem:$0x3FA7]  }
0x31: {  	[smem:$0x3FB0] =	sst s10  }
0x32: {  	s10 =	sld [smem:$0x3FAE];
	_ =	sdelay $0x3  }
0x33: {  	p0 =	seq.s32 s10, $0x1;
	s10 =	sld [smem:$0x3FB0];
	_ =	sdelay $0x3  }
0x34: {  	[smem:$0x3FB0] =	sst s10  }
0x35: {  	s10 =	sld [smem:$0x3FAF];
	_ =	sdelay $0x3  }
0x36: {  	p1 =	seq.s32 s10, $0x1;
	s10 =	sld [smem:$0x3FB0];
	_ =	sdelay $0x3  }
0x37: {  	[smem:$0x3FB0] =	sst s10  }
0x38: {  	s10 =	sld [smem:$0x3FB1]  }
0x39: {  	_ = 	snop;
	(pc) =	sbr.ind lr, $3  }
0x3a: {  	_ = 	snop  }
0x3b: {  	_ = 	snop  }
0x3c: {  	p2 =	seq.s32 s10, $0x1;
	s10 =	sld [smem:$0x3FB0]  }
0x3d: {  	_ =	shalt  }
0x3e: {  	_ =	shalt  }
0x3f: {  	_ =	shalt  }
0x40: {  	_ =	shalt  }
0x41: {  	_ =	shalt  }
0x42: {  	_ =	shalt  }
0x43: {  	_ =	shalt  }
0x44: {  	_ =	shalt  }
0x45: {  	_ =	shalt  }
0x46: {  	_ =	shalt  }
0x47: {  	_ =	shalt  }
0x48: {  	_ =	shalt  }
0x49: {  	_ =	shalt  }
0x4a: {  	_ =	shalt  }
0x4b: {  	_ =	shalt  }
0x4c: {  	_ =	shalt  }
0x4d: {  	_ =	shalt  }
0x4e: {  	_ =	shalt  }
0x4f: {  	_ =	shalt  }
0x50: {  	_ =	shalt  }
0x51: {  	_ =	shalt  }
0x52: {  	_ =	shalt  }
0x53: {  	_ =	shalt  }
0x54: {  	_ =	shalt  }
0x55: {  	_ =	shalt  }
0x56: {  	_ =	shalt  }
0x57: {  	_ =	shalt  }
0x58: {  	_ =	shalt  }
0x59: {  	_ =	shalt  }
0x5a: {  	_ =	shalt  }
0x5b: {  	_ =	shalt  }
0x5c: {  	_ =	shalt  }
0x5d: {  	_ =	shalt  }
0x5e: {  	_ =	shalt  }
0x5f: {  	_ =	shalt  }
0x60: {  	_ =	shalt  }
0x61: {  	_ =	shalt  }
0x62: {  	_ =	shalt  }
0x63: {  	_ =	shalt  }
0x64: {  	_ =	shalt  }
0x65: {  	_ =	shalt  }
0x66: {  	_ =	shalt  }
0x67: {  	_ =	shalt  }
0x68: {  	_ =	shalt  }
0x69: {  	_ =	shalt  }
0x6a: {  	_ =	shalt  }
0x6b: {  	_ =	shalt  }
0x6c: {  	_ =	shalt  }
0x6d: {  	_ =	shalt  }
0x6e: {  	_ =	shalt  }
0x6f: {  	_ =	shalt  }
0x70: {  	_ =	shalt  }
0x71: {  	_ =	shalt  }
0x72: {  	_ =	shalt  }
0x73: {  	_ =	shalt  }
0x74: {  	_ =	shalt  }
0x75: {  	_ =	shalt  }
0x76: {  	_ =	shalt  }
0x77: {  	_ =	shalt  }
0x78: {  	_ =	shalt  }
0x79: {  	_ =	shalt  }
0x7a: {  	_ =	shalt  }
0x7b: {  	_ =	shalt  }
0x7c: {  	_ =	shalt  }
0x7d: {  	_ =	shalt  }
0x7e: {  	_ =	shalt  }
0x7f: {  	_ =	shalt  }
0x80: {  	_ =	shalt  }
0x81: {  	_ =	shalt  }
0x82: {  	_ =	shalt  }
0x83: {  	_ =	shalt  }
0x84: {  	_ =	shalt  }
0x85: {  	_ =	shalt  }
0x86: {  	_ =	shalt  }
0x87: {  	_ =	shalt  }
.Lfunc_end0:
.L_simem_size_0:
called_computation.1_lowered:
.L_overlay_start_0:
0x88: {  	s2 =	sld [smem:$0x3FD9]  }
0x89: {  	s3 =	sld [smem:$0x3FFE];
	_ =	sdelay $0x1  }
0x8a: {  	s1 =	srdreg.scid  }
0x8b: {  	s0 =	sand.u32 $0x1, s1  }
0x8c: {  	s16 =	sshll.u32 s0, $0xA;
	s2 =	sadd.s32 s3, s2  }
0x8d: {  	s2 =	sadd.s32 s2, s16  }
0x8e: {  	[smem:$0x3FBC] =	sst s2  }
0x8f: {  	_ = 	snop  }
0x90: {  	(tm) =	ssettm $0x1  }
0x91: {  	s17 =	sld [smem:$0x3FFB];
	_ =	sdelay $0x3  }
0x92: {  	_ =	strace s17  }
0x93: {  	s2 =	sld [smem:$0x3FFC];
	_ =	sdelay $0x3  }
0x94: {  	_ =	strace s2  }
0x95: {  	s2 =	sld [smem:$0x3FFD];
	_ =	sdelay $0x3  }
0x96: {  	_ =	strace s2  }
0x97: {  	_ =	strace $0x8FFFFFFF  }
0x98: {  	s18 =	sld [smem:$0x3FDB];
	_ =	sdelay $0x1  }
0x99: {  	s19 =	simm.s32 $_scs_section_size  }
0x9a: {  	s4 =	simm.s32 $_size__tile_overlayer_lowered;
	s5 =	simm.s32 $_tile_overlayer_lowered  }
0x9b: {  	s22 =	simm.s32 $0x1BFF;
	s21 =	sshll.u32 s5, $0x1;
	s2 =	sadd.s32 s19, s18  }
0x9c: {  	s6 =	simm.s32 $0x0;
	s20 =	sshll.u32 s4, $0x1;
	s4 =	sadd.s32 s21, s2  }
0x9d: {  	[timem:s6], [sflag:s22] =	dma.local [hbm:s4], s20  }
0x9e: {  	_ =	swait.ge [sflag:s22], s20  }
0x9f: {  	s3 =	ssub.s32 $0x0, s20;
	[sflag:s22] =	ssyncset.done $0x0  }
0xa0: {  	[sflag:s22] =	ssyncadd.s32 s3;
	_ =	sdelay $0x1  }
0xa1: {  	s23 =	simm.s32 $0x1B8B  }
0xa2: {  	_ =	swait.ge [sflag:s23], $0x1  }
0xa3: {  	[sflag:s23] =	ssyncset.done $0x0  }
0xa4: {  	s25 =	simm.s32 $0x1B8E;
	s24 =	sld [smem:$0x3FFE];
	[sflag:s23] =	ssyncadd.s32 $0xFFFFFFFF  }
0xa5: {  	s26 =	simm.s32 $execute0_lowered;
	[smem:$0x3FD2] =	sst s25  }
0xa6: {  	s4 =	sshll.u32 s26, $0x1;
	_ =	strace $0x80000049;
	[dreg:$0x1] =	wrdreg $0xFFFFFFFF  }
0xa7: {  	s28 =	simm.s32 $_size_execute0_lowered;
	s2 =	sadd.s32 s2, s4;
	[dreg:$0x0] =	wrdreg $0x0  }
0xa8: {  	s4 =	sshll.u32 s28, $0x1;
	[dreg:$0x2] =	wrdreg s2  }
0xa9: {  	[dreg:$0x3] =	wrdreg s4  }
0xaa: {  	[dreg:$0x4] =	wrdreg $0xC0  }
0xab: {  	_ =	task [dreg:s6], $0x5FFFF  }
0xac: {  	[dreg:$0x1] =	wrdreg $0xFFFFFFFF  }
0xad: {  	[dreg:$0x0] =	wrdreg $0x60  }
0xae: {  	[dreg:$0x2] =	wrdreg s24  }
0xaf: {  	[dreg:$0x3] =	wrdreg $0xB4000  }
0xb0: {  	[dreg:$0x4] =	wrdreg $0x9  }
0xb1: {  	_ =	task.clear_ibuf [dreg:s6], $0x5FFFF;
	_ =	strace $0x90000049  }
0xb2: {  	s29 =	simm.s32 $0x9;
	_ =	strace $0x8000004B  }
0xb3: {  	_ =	swait.ge [sflag:s29], $0x1  }
0xb4: {  	[sflag:s29] =	ssyncadd.s32 $0xFFFFFFFF  }
0xb5: {  	_ =	strace $0x9000004B  }
0xb6: {  	_ =	sfence  }
0xb7: {  	s30 =	sld [smem:$0x0];
	_ =	sdelay $0x2  }
0xb8: {  	s31 =	sshll.u32 s1, $0xD;
	s1 =	sshrl.u32 s1, $0x2  }
0xb9: {  	s3 =	sand.u32 $0x4000, s31;
	s1 =	sadd.s32 s1, s30  }
0xba: {  	s0 =	sor.u32 s3, s0;
	s1 =	sshll.u32 s1, $0x11  }
0xbb: {  	s0 =	sor.u32 s1, s0  }
0xbc: {  	s0 =	sadd.s32 $0x8F2B, s0  }
0xbd: {  	[sflag:s0] =	ssyncadd.remote.s32 $0x1  }
0xbe: {  	_ =	sfence.sel $0xFFFF  }
0xbf: {  	[dreg:$0x0] =	wrdreg $0xFFFFFFFF;
	(pc) =	sbr.abs _section_cstart, $3  }
0xc0: {  	[dreg:$0x1] =	wrdreg $0xFFFFFFFF  }
0xc1: {  	_ =	task.clear_ibuf [dreg:s6], $0x2FFFF;
	_ =	strace $0x9FFFFFFF  }
0xc2: {  	(tm) =	ssettm $0x7FFFFFFF  }
0xc3: {  	_ =	shalt  }
tec
execute0_lowered:
.L_overlay_start_1:
0x0: {  	(tag) =	ssettag $0x1  }
0x1: {  	s0 =	rddreg [dreg:$0x0]  }
0x2: {  	s1 =	rddreg [dreg:$0x1];
	s2 =	simm.s32 $0x0;
	s18 =	srdreg.scid  }
0x3: {  	s15 =	stileid.u32;
	s28 =	simm.s32 $0x80;
	s29 =	simm.s32 $0x5400  }
0x4: {  	s30 =	simm.s32 $0x1;
	[smem:$0x7FF] =	sst s2;
	s4 =	sadd.s32 $0x15E00, s0  }
0x5: {  	s5 =	sadd.s32 $0x2400, s0;
	s8 =	sand.u32 $0x1, s18;
	s19 =	smul.u32 $0x270, s15  }
0x6: {  	s3 =	sadd.s32 $0x3D000, s0;
	s6 =	smul.u32 $0x27000, s15;
	s7 =	sadd.s32 $0x3D400, s0  }
0x7: {  	s25 =	sshll.u32 s15, $0x4;
	s13 =	smul.u32 $0x9C, s15;
	s14 =	sadd.s32 $0xC040, s0  }
0x8: {  	s18 =	smul.u32 $0x13800, s15;
	p0 =	sne.s32 s15, $0xF;
	p1 =	sgt.u32 s15, $0x3  }
0x9: {  	s15 =	simm.s32 $0x9400;
	_ =	strace $0x8000004A;
	s20 =	ssub.s32 $0x2, s8  }
0xa: {  	[dreg:$0x3] =	wrdreg s3;
	s9 =	sshrl.u32 s20, $0x1;
	s10 =	sadd.s32 $0x80, s19  }
0xb: {  	s6 =	sshrl.u32 s6, $0x2;
	s17 =	sadd.s32 $0x100, s19;
	s16 =	sadd.s32 $0x180, s19  }
0xc: {  	s2 =	sadd.s32 $0x200, s19;
	s19 =	sshll.u32 s8, $0x6;
	s3 =	ssub.s32 s20, s9  }
0xd: {  	s21 =	sshll.u32 s10, $0x6;
	s6 =	sadd.s32 s6, s1;
	s23 =	sshll.u32 s17, $0x6  }
0xe: {  	s24 =	sshll.u32 s16, $0x6;
	s12 =	sshll.u32 s2, $0x6;
	s9 =	sadd.s32 s25, s5  }
0xf: {  	s10 =	sshll.u32 s10, $0x7;
	s0 =	sor.u32 s19, s18;
	s17 =	sshll.u32 s17, $0x7  }
0x10: {  	s2 =	sshll.u32 s2, $0x7;
	s18 =	simm.s32 $0x5;
	[dreg:$0x4] =	wrdreg s6  }
0x11: {  	s22 =	sadd.s32 s21, s1;
	s31 =	sadd.s32 s23, s1;
	s11 =	sadd.s32 s24, s1  }
0x12: {  	s12 =	sadd.s32 s12, s1;
	s6 =	sadd.s32 $0x9C000, s1;
	s26 =	sadd.s32 $0x9C00, s9  }
0x13: {  	s9 =	sadd.s32 $0x13840, s9;
	s10 =	sor.u32 s19, s10;
	s0 =	sshrl.u32 s0, $0x3  }
0x14: {  	s17 =	sor.u32 s19, s17;
	s2 =	sor.u32 s19, s2;
	[dreg:$0x5] =	wrdreg s22  }
0x15: {  	v0 =	vmov s8;
	s23 =	sshll.u32 s8, $0x3;
	s8 =	simm.s32 $0x8;
	[dreg:$0xa] =	wrdreg s26  }
0x16: {  	[dreg:$0xb] =	wrdreg s9;
	s10 =	sshrl.u32 s10, $0x3;
	s0 =	sadd.s32 s7, s0  }
0x17: {  	s21 =	sshrl.u32 s17, $0x3;
	s22 =	sshll.u32 s16, $0x7;
	[dreg:$0x6] =	wrdreg s31  }
0x18: {  	s2 =	sshrl.u32 s2, $0x3;
	s9 =	sadd.s32 s23, s7;
	[dreg:$0x7] =	wrdreg s11  }
0x19: {  	s26 =	smax.u32 s3, $0x1;
	s3 =	simm.s32 $0x2;
	[dreg:$0x8] =	wrdreg s12  }
0x1a: {  	s17 =	simm.s32 $0x1A80;
	s16 =	simm.s32 $0x3;
	[dreg:$0x9] =	wrdreg s6  }
0x1b: {  	s23 =	simm.s32 $0x280;
	[dreg:$0xc] =	wrdreg s0;
	s20 =	sadd.s32 s7, s10  }
0x1c: {  	s0 =	sadd.s32 s7, s21;
	s24 =	sadd.s32 s7, s2;
	[dreg:$0x12] =	wrdreg s26  }
0x1d: {  	s25 =	sadd.s32 $0x27000, s9;
	s26 =	simm.s32 $0x1A00;
	[dreg:$0xd] =	wrdreg s20  }
0x1e: {  	s2 =	simm.s32 $0x100;
	s21 =	simm.s32 $0x1B80;
	[dreg:$0xe] =	wrdreg s0  }
.Ltmp0:
0x1f: {  	s9 =	simm.s32 $0x0;
	[dreg:$0x10] =	wrdreg s24;
	(pc) =	sbr.rel .LBB2_1-.Ltmp0, $4  }
0x20: {  	s0 =	sor.u32 s19, s22;
	[dreg:$0x11] =	wrdreg s25;
	s24 =	simm.s32 $0x3400  }
0x21: {  	s25 =	simm.s32 $0x9;
	s19 =	simm.s32 $0x200;
	s0 =	sshrl.u32 s0, $0x3  }
0x22: {  	s20 =	simm.s32 $0x4;
	s22 =	simm.s32 $0x6;
	s0 =	sadd.s32 s7, s0  }
0x23: {  	s7 =	simm.s32 $0x7;
	[dreg:$0xf] =	wrdreg s0;
	s0 =	simm.s32 $0x7400  }
.LBB2_8:
0x24: {  	s9 =	simm.s32 @!p1 $0x0;
	s2 =	rddreg [dreg:$0xa];
	s10 =	simm.s32 @!p1 $0x9  }
0x25: {  	[tilespmem:s9], [sflag:$0x9] =	stream.linear.gather @!p1 [hbm4b:s2+s9], $0x80, $0x38;
	[tilespmem:$0x15040] =	vst v63  }
0x26: {  	_ =	swait.ge @!p1 [sflag:s10], $0x80  }
0x27: {  	[sflag:s10] =	ssyncset.done @!p1 $0x0  }
0x28: {  	s11 =	simm.s32 @!p1 $0x1A00;
	s2 =	rddreg [dreg:$0xb];
	[sflag:s10] =	ssyncadd.s32 @!p1 $0xFFFFFF80  }
0x29: {  	[tilespmem:s11], [sflag:$0x9] =	stream.linear.gather @!p1 [hbm4b:s2+s9], $0x80, $0x38;
	[tilespmem:$0x15040] =	vst v63  }
0x2a: {  	_ =	swait.ge @!p1 [sflag:s10], $0x80  }
0x2b: {  	[sflag:s10] =	ssyncset.done @!p1 $0x0  }
0x2c: {  	[sflag:s10] =	ssyncadd.s32 @!p1 $0xFFFFFF80  }
0x2d: {  	v1 =	vld @!p1 [tilespmem:$0x0]  }
0x2e: {  	v2 =	vld @!p1 [tilespmem:$0x10]  }
0x2f: {  	v3 =	vld @!p1 [tilespmem:$0x20]  }
0x30: {  	v4 =	vld @!p1 [tilespmem:$0x30]  }
0x31: {  	v5 =	vld @!p1 [tilespmem:$0x40]  }
0x32: {  	v6 =	vld @!p1 [tilespmem:$0x50];
	v1 =	vshll.u32 @!p1 v1, $0x1  }
0x33: {  	v7 =	vld @!p1 [tilespmem:$0x60];
	v2 =	vshll.u32 @!p1 v2, $0x1;
	v1 =	vor.u32 @!p1 v0, v1  }
0x34: {  	[tilespmem:$0x0] =	vst @!p1 v1;
	v1 =	vor.u32 @!p1 v0, v2;
	v2 =	vshll.u32 @!p1 v3, $0x1;
	v3 =	vld @!p1 [tilespmem:$0x70]  }
0x35: {  	[tilespmem:$0x10] =	vst @!p1 v1;
	v1 =	vor.u32 @!p1 v0, v2;
	v2 =	vshll.u32 @!p1 v4, $0x1  }
0x36: {  	[tilespmem:$0x20] =	vst @!p1 v1;
	v1 =	vor.u32 @!p1 v0, v2;
	v2 =	vshll.u32 @!p1 v5, $0x1  }
0x37: {  	[tilespmem:$0x30] =	vst @!p1 v1;
	v1 =	vor.u32 @!p1 v0, v2;
	v2 =	vshll.u32 @!p1 v6, $0x1  }
0x38: {  	[tilespmem:$0x40] =	vst @!p1 v1;
	v1 =	vor.u32 @!p1 v0, v2;
	v2 =	vshll.u32 @!p1 v7, $0x1  }
0x39: {  	[tilespmem:$0x50] =	vst @!p1 v1;
	v1 =	vor.u32 @!p1 v0, v2;
	v2 =	vshll.u32 @!p1 v3, $0x1  }
0x3a: {  	[tilespmem:$0x60] =	vst @!p1 v1;
	v1 =	vor.u32 @!p1 v0, v2  }
0x3b: {  	s12 =	simm.s32 @!p1 $0x80;
	s31 =	simm.s32 @!p1 $0x3400;
	[tilespmem:$0x70] =	vst @!p1 v1  }
0x3c: {  	[tilespmem:s31], [sflag:$0x1] =	stream.indirect.gather @!p1 [hbm4b:s4+s12], $0x40, s9, s12, $0xb8;
	[tilespmem:$0x15040] =	vst v63  }
0x3d: {  	s9 =	simm.s32 @!p1 $0x1  }
0x3e: {  	_ =	swait.ge @!p1 [sflag:s9], $0x2000  }
0x3f: {  	[sflag:s9] =	ssyncset.done @!p1 $0x0  }
0x40: {  	[sflag:s9] =	ssyncadd.s32 @!p1 $0xFFFFE000  }
0x41: {  	[spmem:s1] =	stream.indirect.scatter.add.f32 @!p1 [tilespmem:s31], [sflag:$0x9], $0x40, s11, s12, $0xb8;
	[tilespmem:$0x15040] =	vst v63  }
0x42: {  	_ =	swait.ge @!p1 [sflag:s10], $0x2000  }
0x43: {  	[sflag:s10] =	ssyncset.done @!p1 $0x0  }
0x44: {  	[sflag:s10] =	ssyncadd.s32 @!p1 $0xFFFFE000  }
0x45: {  	[bflag:$0x0] =	sbarrier.arrive $0xFFFF  }
0x46: {  	s6 =	rddreg [dreg:$0x4]  }
0x47: {  	[tilespmem:s24], [sflag:$0x9] =	stream.linear.gather [spmem:s6], $0x2000, $0x38;
	[tilespmem:$0x15040] =	vst v63  }
0x48: {  	_ =	swait.ge [sflag:s25], $0x2000  }
0x49: {  	[sflag:s25] =	ssyncset.done $0x0  }
0x4a: {  	s10 =	simm.s32 $0x40;
	s9 =	rddreg [dreg:$0xc];
	[sflag:s25] =	ssyncadd.s32 $0xFFFFE000  }
0x4b: {  	[hbm4b:s9+s10] =	stream.strided.scatter [tilespmem:s24], [sflag:$0x9], $0x2000, s28, s10, $0x38;
	[tilespmem:$0x15040] =	vst v63  }
0x4c: {  	_ =	swait.ge [sflag:s25], $0x2000  }
0x4d: {  	[sflag:s25] =	ssyncset.done $0x0  }
0x4e: {  	s11 =	rddreg [dreg:$0x5];
	[sflag:s25] =	ssyncadd.s32 $0xFFFFE000  }
0x4f: {  	[tilespmem:s24], [sflag:$0x9] =	stream.linear.gather [spmem:s11], $0x2000, $0x38;
	[tilespmem:$0x15040] =	vst v63  }
0x50: {  	_ =	swait.ge [sflag:s25], $0x2000  }
0x51: {  	[sflag:s25] =	ssyncset.done $0x0  }
0x52: {  	s12 =	rddreg [dreg:$0xd];
	[sflag:s25] =	ssyncadd.s32 $0xFFFFE000  }
0x53: {  	[hbm4b:s12+s10] =	stream.strided.scatter [tilespmem:s24], [sflag:$0x9], $0x2000, s28, s10, $0x38;
	[tilespmem:$0x15040] =	vst v63  }
0x54: {  	_ =	swait.ge [sflag:s25], $0x2000  }
0x55: {  	[sflag:s25] =	ssyncset.done $0x0  }
0x56: {  	s31 =	rddreg [dreg:$0x6];
	[sflag:s25] =	ssyncadd.s32 $0xFFFFE000  }
0x57: {  	[tilespmem:s24], [sflag:$0x9] =	stream.linear.gather [spmem:s31], $0x2000, $0x38;
	[tilespmem:$0x15040] =	vst v63  }
0x58: {  	_ =	swait.ge [sflag:s25], $0x2000  }
0x59: {  	[sflag:s25] =	ssyncset.done $0x0  }
0x5a: {  	s17 =	rddreg [dreg:$0xe];
	[sflag:s25] =	ssyncadd.s32 $0xFFFFE000  }
0x5b: {  	[hbm4b:s17+s10] =	stream.strided.scatter [tilespmem:s24], [sflag:$0x9], $0x2000, s28, s10, $0x38;
	[tilespmem:$0x15040] =	vst v63  }
0x5c: {  	_ =	swait.ge [sflag:s25], $0x2000  }
0x5d: {  	[sflag:s25] =	ssyncset.done $0x0  }
0x5e: {  	s11 =	rddreg [dreg:$0x7];
	[sflag:s25] =	ssyncadd.s32 $0xFFFFE000  }
0x5f: {  	[tilespmem:s24], [sflag:$0x9] =	stream.linear.gather [spmem:s11], $0x2000, $0x38;
	[tilespmem:$0x15040] =	vst v63  }
0x60: {  	_ =	swait.ge [sflag:s25], $0x2000  }
0x61: {  	[sflag:s25] =	ssyncset.done $0x0  }
0x62: {  	s19 =	rddreg [dreg:$0xf];
	[sflag:s25] =	ssyncadd.s32 $0xFFFFE000  }
0x63: {  	[hbm4b:s19+s10] =	stream.strided.scatter [tilespmem:s24], [sflag:$0x9], $0x2000, s28, s10, $0x38;
	[tilespmem:$0x15040] =	vst v63  }
0x64: {  	_ =	swait.ge [sflag:s25], $0x2000  }
0x65: {  	[sflag:s25] =	ssyncset.done $0x0  }
0x66: {  	s2 =	rddreg [dreg:$0x8];
	[sflag:s25] =	ssyncadd.s32 $0xFFFFE000  }
0x67: {  	[tilespmem:s24], [sflag:$0x9] =	stream.linear.gather [spmem:s2], $0x1C00, $0x38;
	[tilespmem:$0x15040] =	vst v63  }
0x68: {  	_ =	swait.ge [sflag:s25], $0x1C00  }
0x69: {  	[sflag:s25] =	ssyncset.done $0x0  }
0x6a: {  	s6 =	rddreg [dreg:$0x10];
	[sflag:s25] =	ssyncadd.s32 $0xFFFFE400  }
0x6b: {  	[hbm4b:s6+s10] =	stream.strided.scatter [tilespmem:s24], [sflag:$0x9], $0x1C00, s28, s10, $0x38;
	[tilespmem:$0x15040] =	vst v63  }
0x6c: {  	_ =	swait.ge [sflag:s25], $0x1C00  }
0x6d: {  	s9 =	simm.s32 @!p0 $0x5400;
	[sflag:s25] =	ssyncset.done $0x0  }
0x6e: {  	s10 =	simm.s32 @!p0 $0x9;
	s6 =	rddreg [dreg:$0x9];
	[sflag:s25] =	ssyncadd.s32 $0xFFFFE400  }
0x6f: {  	[tilespmem:s9], [sflag:$0x9] =	stream.linear.gather @!p0 [spmem:s6], $0x400, $0x38;
	[tilespmem:$0x15040] =	vst v63  }
0x70: {  	_ =	swait.ge @!p0 [sflag:s10], $0x400  }
0x71: {  	s12 =	simm.s32 @!p0 $0x80;
	[sflag:s10] =	ssyncset.done @!p0 $0x0  }
0x72: {  	s19 =	simm.s32 @!p0 $0x40;
	s17 =	rddreg [dreg:$0x11];
	[sflag:s10] =	ssyncadd.s32 @!p0 $0xFFFFFC00  }
0x73: {  	[hbm4b:s17+s19] =	stream.strided.scatter @!p0 [tilespmem:s9], [sflag:$0x9], $0x400, s12, s19, $0x38;
	[tilespmem:$0x15040] =	vst v63  }
0x74: {  	_ =	swait.ge @!p0 [sflag:s10], $0x400  }
0x75: {  	s12 =	smov.u32 s2;
	s2 =	rddreg [dreg:$0x13]  }
0x76: {  	s9 =	sadd.s32 $0x1, s2;
	s2 =	rddreg [dreg:$0x12]  }
0x77: {  	p2 =	sne.s32 s9, s2  }
.Ltmp1:
0x78: {  	_ = 	snop;
	(pc) =	sbr.rel @!p2 .LBB2_9-.Ltmp1, $3  }
0x79: {  	_ =	sdelay $0x1  }
0x7a: {  	s19 =	simm.s32 $0x200;
	[sflag:s10] =	ssyncset.done @!p0 $0x0  }
0x7b: {  	s17 =	simm.s32 $0x1A80;
	[sflag:s10] =	ssyncadd.s32 @!p0 $0xFFFFFC00;
	s2 =	simm.s32 $0x100  }
.LBB2_1:
0x7c: {  	[dreg:$0x13] =	wrdreg s9  }
0x7d: {  	s9 =	simm.s32 $0x0;
	s10 =	rddreg [dreg:$0x3]  }
0x7e: {  	[tilespmem:s24], [sflag:$0x9] =	stream.linear.gather [hbm4b:s10+s9], $0x2000, $0x38;
	[tilespmem:$0x15040] =	vst v63  }
0x7f: {  	_ =	swait.ge [sflag:s25], $0x2000  }
0x80: {  	[sflag:s25] =	ssyncset.done $0x0  }
0x81: {  	s10 =	rddreg [dreg:$0x4];
	[sflag:s25] =	ssyncadd.s32 $0xFFFFE000  }
0x82: {  	[spmem:s10] =	stream.linear.scatter [tilespmem:s24], [sflag:$0x9], $0x2000, $0x38;
	[tilespmem:$0x15040] =	vst v63  }
0x83: {  	_ =	swait.ge [sflag:s25], $0x2000  }
0x84: {  	[sflag:s25] =	ssyncset.done $0x0  }
0x85: {  	s10 =	rddreg [dreg:$0x5];
	[sflag:s25] =	ssyncadd.s32 $0xFFFFE000  }
0x86: {  	[spmem:s10] =	stream.linear.scatter [tilespmem:s24], [sflag:$0x9], $0x2000, $0x38;
	[tilespmem:$0x15040] =	vst v63  }
0x87: {  	_ =	swait.ge [sflag:s25], $0x2000  }
0x88: {  	[sflag:s25] =	ssyncset.done $0x0  }
0x89: {  	[sflag:s25] =	ssyncadd.s32 $0xFFFFE000  }
0x8a: {  	[spmem:s31] =	stream.linear.scatter [tilespmem:s24], [sflag:$0x9], $0x2000, $0x38;
	[tilespmem:$0x15040] =	vst v63  }
0x8b: {  	_ =	swait.ge [sflag:s25], $0x2000  }
0x8c: {  	[sflag:s25] =	ssyncset.done $0x0  }
0x8d: {  	[sflag:s25] =	ssyncadd.s32 $0xFFFFE000  }
0x8e: {  	[spmem:s11] =	stream.linear.scatter [tilespmem:s24], [sflag:$0x9], $0x2000, $0x38;
	[tilespmem:$0x15040] =	vst v63  }
0x8f: {  	_ =	swait.ge [sflag:s25], $0x2000  }
0x90: {  	[sflag:s25] =	ssyncset.done $0x0  }
0x91: {  	[sflag:s25] =	ssyncadd.s32 $0xFFFFE000  }
0x92: {  	[spmem:s12] =	stream.linear.scatter [tilespmem:s24], [sflag:$0x9], $0x1C00, $0x38;
	[tilespmem:$0x15040] =	vst v63  }
0x93: {  	_ =	swait.ge [sflag:s25], $0x1C00  }
0x94: {  	[sflag:s25] =	ssyncset.done $0x0  }
0x95: {  	s9 =	simm.s32 @!p0 $0x3400;
	[sflag:s25] =	ssyncadd.s32 $0xFFFFE400  }
0x96: {  	[spmem:s6] =	stream.linear.scatter @!p0 [tilespmem:s9], [sflag:$0x9], $0x400, $0x38;
	[tilespmem:$0x15040] =	vst v63  }
0x97: {  	s9 =	simm.s32 @!p0 $0x9  }
.Ltmp2:
0x98: {  	_ =	swait.ge @!p0 [sflag:s9], $0x400;
	(pc) =	sbr.rel .LBB2_2-.Ltmp2, $4  }
0x99: {  	[sflag:s9] =	ssyncset.done @!p0 $0x0  }
0x9a: {  	[sflag:s9] =	ssyncadd.s32 @!p0 $0xFFFFFC00  }
0x9b: {  	[bflag:$0x0] =	sbarrier.arrive $0xFFFF  }
0x9c: {  	s11 =	simm.s32 $0x0;
	s6 =	simm.s32 $0x180  }
.LBB2_7:
0x9d: {  	_ =	swait.ge [sflag:s20], $0x2000  }
0x9e: {  	[sflag:s20] =	ssyncset.done $0x0  }
0x9f: {  	[sflag:s20] =	ssyncadd.s32 $0xFFFFE000  }
0xa0: {  	[spmem:s1] =	stream.indirect.scatter.add.f32 [tilespmem:s15], [sflag:$0x8], $0x40, s10, s28, $0xb8;
	[tilespmem:$0x15040] =	vst v63  }
0xa1: {  	_ =	swait.ge [sflag:s18], $0x2000  }
0xa2: {  	[sflag:s18] =	ssyncset.done $0x0  }
0xa3: {  	[sflag:s18] =	ssyncadd.s32 $0xFFFFE000  }
0xa4: {  	_ =	swait.ge [sflag:s22], $0x2000  }
0xa5: {  	[sflag:s22] =	ssyncset.done $0x0  }
0xa6: {  	s11 =	sadd.s32 $0x1, s11;
	[sflag:s22] =	ssyncadd.s32 $0xFFFFE000  }
0xa7: {  	p2 =	sne.s32 s11, $0x3;
	_ =	swait.ge [sflag:s7], $0x2000  }
.Ltmp3:
0xa8: {  	[sflag:s7] =	ssyncset.done $0x0;
	(pc) =	sbr.rel @!p2 .LBB2_8-.Ltmp3, $4  }
0xa9: {  	[sflag:s7] =	ssyncadd.s32 $0xFFFFE000  }
0xaa: {  	_ =	swait.ge [sflag:s8], $0x2000  }
0xab: {  	[sflag:s8] =	ssyncset.done $0x0  }
0xac: {  	[sflag:s8] =	ssyncadd.s32 $0xFFFFE000  }
.LBB2_2:
0xad: {  	s9 =	smul.u32 $0x34, s11;
	_ =	sdelay $0x1  }
0xae: {  	s9 =	sadd.s32 s13, s9  }
0xaf: {  	s9 =	sshll.u32 s9, $0x4  }
0xb0: {  	s12 =	simm.s32 $0x0;
	s10 =	sadd.s32 s5, s9  }
0xb1: {  	[tilespmem:s12], [sflag:$0x9] =	stream.linear.gather [hbm4b:s10+s12], $0x1A00, $0x38;
	[tilespmem:$0x15040] =	vst v63  }
0xb2: {  	_ =	swait.ge [sflag:s25], $0x1A00  }
0xb3: {  	[sflag:s25] =	ssyncset.done $0x0  }
0xb4: {  	s9 =	sadd.s32 s9, s14;
	[sflag:s25] =	ssyncadd.s32 $0xFFFFE600  }
0xb5: {  	[tilespmem:s26], [sflag:$0x9] =	stream.linear.gather [hbm4b:s9+s12], $0x1A00, $0x38;
	[tilespmem:$0x15040] =	vst v63  }
0xb6: {  	_ =	swait.ge [sflag:s25], $0x1A00  }
0xb7: {  	[sflag:s25] =	ssyncset.done $0x0  }
0xb8: {  	s12 =	simm.s32 $0x0;
	[sflag:s25] =	ssyncadd.s32 $0xFFFFE600  }
0xb9: {  	v2 =	vld [tilespmem:s12+$0x0]  }
0xba: {  	v3 =	vld [tilespmem:s12+$0x10]  }
0xbb: {  	v5 =	vld [tilespmem:s12+$0x20]  }
0xbc: {  	v4 =	vld [tilespmem:s12+$0x30]  }
0xbd: {  	v1 =	vld [tilespmem:s12+$0x40]  }
0xbe: {  	v6 =	vshll.u32 v2, $0x1;
	v2 =	vld [tilespmem:s12+$0x50]  }
0xbf: {  	s9 =	simm.s32 $0x200;
	v7 =	vshll.u32 v3, $0x1;
	v3 =	vld [tilespmem:s12+$0x60];
	v6 =	vor.u32 v0, v6  }
.LBB2_3:
0xc0: {  	s10 =	sshra.s32 s9, $0x2;
	p2 =	sne.s32 s9, $0x6600;
	[tilespmem:s12+$0x0] =	vst v6;
	v6 =	vor.u32 v0, v7;
	v5 =	vshll.u32 v5, $0x1;
	v7 =	vld [tilespmem:s12+$0x70]  }
0xc1: {  	v8 =	vld [tilespmem:s10+$0x0];
	[tilespmem:s12+$0x10] =	vst v6;
	v5 =	vor.u32 v0, v5;
	v4 =	vshll.u32 v4, $0x1  }
0xc2: {  	v9 =	vld [tilespmem:s10+$0x10];
	[tilespmem:s12+$0x20] =	vst v5;
	v4 =	vor.u32 v0, v4;
	v1 =	vshll.u32 v1, $0x1  }
.Ltmp4:
0xc3: {  	v5 =	vld [tilespmem:s10+$0x20];
	[tilespmem:s12+$0x30] =	vst v4;
	v1 =	vor.u32 v0, v1;
	v2 =	vshll.u32 v2, $0x1;
	(pc) =	sbr.rel @p2 .LBB2_3-.Ltmp4, $4  }
0xc4: {  	v4 =	vld [tilespmem:s10+$0x30];
	[tilespmem:s12+$0x40] =	vst v1;
	v2 =	vor.u32 v0, v2;
	v3 =	vshll.u32 v3, $0x1  }
0xc5: {  	v1 =	vld [tilespmem:s10+$0x40];
	[tilespmem:s12+$0x50] =	vst v2;
	v3 =	vor.u32 v0, v3;
	v6 =	vshll.u32 v7, $0x1  }
0xc6: {  	v7 =	vshll.u32 v8, $0x1;
	v2 =	vld [tilespmem:s10+$0x50];
	[tilespmem:s12+$0x60] =	vst v3;
	v8 =	vor.u32 v0, v6  }
0xc7: {  	s9 =	sadd.s32 $0x200, s9;
	v6 =	vor.u32 v0, v7;
	v7 =	vshll.u32 v9, $0x1;
	v3 =	vld [tilespmem:s10+$0x60];
	[tilespmem:s12+$0x70] =	vst v8;
	s12 =	smov.u32 s10  }
0xc8: {  	[tilespmem:s12+$0x0] =	vst v6;
	v62 =	vor.u32 v0, v7;
	v5 =	vshll.u32 v5, $0x1;
	v63 =	vld [tilespmem:s12+$0x70]  }
0xc9: {  	[tilespmem:s12+$0x10] =	vst v62;
	v5 =	vor.u32 v0, v5;
	v4 =	vshll.u32 v4, $0x1  }
0xca: {  	[tilespmem:s12+$0x20] =	vst v5;
	v4 =	vor.u32 v0, v4;
	v1 =	vshll.u32 v1, $0x1  }
0xcb: {  	[tilespmem:s12+$0x30] =	vst v4;
	v1 =	vor.u32 v0, v1;
	v2 =	vshll.u32 v2, $0x1  }
0xcc: {  	[tilespmem:s12+$0x40] =	vst v1;
	v1 =	vor.u32 v0, v2;
	v2 =	vshll.u32 v3, $0x1  }
0xcd: {  	[tilespmem:s12+$0x50] =	vst v1;
	v1 =	vor.u32 v0, v2;
	v2 =	vshll.u32 v63, $0x1  }
0xce: {  	[tilespmem:s12+$0x60] =	vst v1;
	v1 =	vor.u32 v0, v2  }
0xcf: {  	[tilespmem:s12+$0x70] =	vst v1;
	s12 =	simm.s32 $0x0  }
0xd0: {  	[tilespmem:s24], [sflag:$0x1] =	stream.indirect.gather [hbm4b:s4+s28], $0x40, s12, s28, $0xb8;
	[tilespmem:$0x15040] =	vst v63  }
0xd1: {  	_ = 	snop  }
0xd2: {  	[tilespmem:s29], [sflag:$0x2] =	stream.indirect.gather [hbm4b:s4+s28], $0x40, s28, s28, $0xb8;
	[tilespmem:$0x15040] =	vst v63  }
0xd3: {  	_ =	swait.ge [sflag:s30], $0x2000  }
0xd4: {  	[sflag:s30] =	ssyncset.done $0x0  }
0xd5: {  	[sflag:s30] =	ssyncadd.s32 $0xFFFFE000  }
0xd6: {  	[spmem:s1] =	stream.indirect.scatter.add.f32 [tilespmem:s24], [sflag:$0x5], $0x40, s26, s28, $0xb8;
	[tilespmem:$0x15040] =	vst v63  }
0xd7: {  	_ = 	snop  }
0xd8: {  	[tilespmem:s0], [sflag:$0x3] =	stream.indirect.gather [hbm4b:s4+s28], $0x40, s2, s28, $0xb8;
	[tilespmem:$0x15040] =	vst v63  }
0xd9: {  	_ =	swait.ge [sflag:s3], $0x2000  }
0xda: {  	[sflag:s3] =	ssyncset.done $0x0  }
0xdb: {  	[sflag:s3] =	ssyncadd.s32 $0xFFFFE000  }
0xdc: {  	[spmem:s1] =	stream.indirect.scatter.add.f32 [tilespmem:s29], [sflag:$0x6], $0x40, s17, s28, $0xb8;
	[tilespmem:$0x15040] =	vst v63  }
0xdd: {  	_ = 	snop  }
0xde: {  	[tilespmem:s15], [sflag:$0x4] =	stream.indirect.gather [hbm4b:s4+s28], $0x40, s6, s28, $0xb8;
	[tilespmem:$0x15040] =	vst v63  }
0xdf: {  	_ =	swait.ge [sflag:s16], $0x2000  }
0xe0: {  	[sflag:s16] =	ssyncset.done $0x0  }
0xe1: {  	s9 =	simm.s32 $0x1B00;
	[sflag:s16] =	ssyncadd.s32 $0xFFFFE000  }
0xe2: {  	[spmem:s1] =	stream.indirect.scatter.add.f32 [tilespmem:s0], [sflag:$0x7], $0x40, s9, s28, $0xb8;
	[tilespmem:$0x15040] =	vst v63  }
0xe3: {  	_ =	swait.ge [sflag:s18], $0x2000  }
0xe4: {  	[sflag:s18] =	ssyncset.done $0x0  }
0xe5: {  	[sflag:s18] =	ssyncadd.s32 $0xFFFFE000  }
0xe6: {  	[tilespmem:s24], [sflag:$0x1] =	stream.indirect.gather [hbm4b:s4+s28], $0x40, s19, s28, $0xb8;
	[tilespmem:$0x15040] =	vst v63  }
0xe7: {  	_ =	swait.ge [sflag:s20], $0x2000  }
0xe8: {  	[sflag:s20] =	ssyncset.done $0x0  }
0xe9: {  	[sflag:s20] =	ssyncadd.s32 $0xFFFFE000  }
0xea: {  	[spmem:s1] =	stream.indirect.scatter.add.f32 [tilespmem:s15], [sflag:$0x8], $0x40, s21, s28, $0xb8;
	[tilespmem:$0x15040] =	vst v63  }
0xeb: {  	_ =	swait.ge [sflag:s22], $0x2000  }
0xec: {  	[sflag:s22] =	ssyncset.done $0x0  }
0xed: {  	[sflag:s22] =	ssyncadd.s32 $0xFFFFE000  }
0xee: {  	[tilespmem:s29], [sflag:$0x2] =	stream.indirect.gather [hbm4b:s4+s28], $0x40, s23, s28, $0xb8;
	[tilespmem:$0x15040] =	vst v63  }
.LBB2_5:
0xef: {  	_ =	swait.ge [sflag:s30], $0x2000  }
0xf0: {  	s9 =	sshra.s32 s12, $0x2;
	[sflag:s30] =	ssyncset.done $0x0  }
0xf1: {  	s10 =	sadd.s32 $0x1C00, s9;
	[sflag:s30] =	ssyncadd.s32 $0xFFFFE000  }
0xf2: {  	[spmem:s1] =	stream.indirect.scatter.add.f32 [tilespmem:s24], [sflag:$0x5], $0x40, s10, s28, $0xb8;
	[tilespmem:$0x15040] =	vst v63  }
0xf3: {  	_ =	swait.ge [sflag:s7], $0x2000  }
0xf4: {  	[sflag:s7] =	ssyncset.done $0x0  }
0xf5: {  	s31 =	sadd.s32 $0x300, s9;
	[sflag:s7] =	ssyncadd.s32 $0xFFFFE000  }
0xf6: {  	[tilespmem:s0], [sflag:$0x3] =	stream.indirect.gather [hbm4b:s4+s28], $0x40, s31, s28, $0xb8;
	[tilespmem:$0x15040] =	vst v63  }
0xf7: {  	_ =	swait.ge [sflag:s3], $0x2000  }
0xf8: {  	[sflag:s3] =	ssyncset.done $0x0  }
0xf9: {  	s31 =	sadd.s32 $0x1C80, s9;
	[sflag:s3] =	ssyncadd.s32 $0xFFFFE000  }
0xfa: {  	[spmem:s1] =	stream.indirect.scatter.add.f32 [tilespmem:s29], [sflag:$0x6], $0x40, s31, s28, $0xb8;
	[tilespmem:$0x15040] =	vst v63  }
0xfb: {  	_ =	swait.ge [sflag:s8], $0x2000  }
0xfc: {  	[sflag:s8] =	ssyncset.done $0x0  }
0xfd: {  	p2 =	seq.s32 s12, $0x5800;
	s31 =	sadd.s32 $0x380, s9;
	[sflag:s8] =	ssyncadd.s32 $0xFFFFE000  }
0xfe: {  	[tilespmem:s15], [sflag:$0x4] =	stream.indirect.gather [hbm4b:s4+s28], $0x40, s31, s28, $0xb8;
	[tilespmem:$0x15040] =	vst v63  }
.Ltmp5:
0xff: {  	_ = 	snop;
	(pc) =	sbr.rel @p2 .LBB2_7-.Ltmp5, $4  }
0x100: {  	_ =	swait.ge [sflag:s16], $0x2000  }
0x101: {  	[sflag:s16] =	ssyncset.done $0x0  }
0x102: {  	s10 =	sadd.s32 $0x1D80, s9;
	s31 =	sadd.s32 $0x1D00, s9;
	[sflag:s16] =	ssyncadd.s32 $0xFFFFE000  }
0x103: {  	[spmem:s1] =	stream.indirect.scatter.add.f32 [tilespmem:s0], [sflag:$0x7], $0x40, s31, s28, $0xb8;
	[tilespmem:$0x15040] =	vst v63  }
0x104: {  	_ =	swait.ge [sflag:s18], $0x2000  }
0x105: {  	[sflag:s18] =	ssyncset.done $0x0  }
0x106: {  	s31 =	sadd.s32 $0x400, s9;
	[sflag:s18] =	ssyncadd.s32 $0xFFFFE000  }
0x107: {  	[tilespmem:s24], [sflag:$0x1] =	stream.indirect.gather [hbm4b:s4+s28], $0x40, s31, s28, $0xb8;
	[tilespmem:$0x15040] =	vst v63  }
0x108: {  	_ =	swait.ge [sflag:s20], $0x2000  }
0x109: {  	[sflag:s20] =	ssyncset.done $0x0  }
0x10a: {  	[sflag:s20] =	ssyncadd.s32 $0xFFFFE000  }
0x10b: {  	[spmem:s1] =	stream.indirect.scatter.add.f32 [tilespmem:s15], [sflag:$0x8], $0x40, s10, s28, $0xb8;
	[tilespmem:$0x15040] =	vst v63  }
.Ltmp6:
0x10c: {  	_ = 	snop;
	(pc) =	sbr.rel .LBB2_5-.Ltmp6, $4  }
0x10d: {  	_ =	swait.ge [sflag:s22], $0x2000  }
0x10e: {  	[sflag:s22] =	ssyncset.done $0x0  }
0x10f: {  	s12 =	sadd.s32 $0x800, s12;
	s31 =	sadd.s32 $0x480, s9;
	[sflag:s22] =	ssyncadd.s32 $0xFFFFE000  }
0x110: {  	[tilespmem:s29], [sflag:$0x2] =	stream.indirect.gather [hbm4b:s4+s28], $0x40, s31, s28, $0xb8;
	[tilespmem:$0x15040] =	vst v63  }
.LBB2_9:
0x111: {  	_ =	sfence.sel $0x180000  }
0x112: {  	[bflag:$0x0] =	sbarrier.arrive $0xFFFF  }
0x113: {  	_ =	strace $0x9000004A  }
0x114: {  	s0 =	stileid.u32;
	[bflag:$0x2] =	sbarrier.arrive $0xFFFF  }
0x115: {  	p0 =	sne.s32 s0, $0x0;
	s0 =	rddreg [dreg:$0x2]  }
0x116: {  	s0 =	sadd.s32 @!p0 $0x100000, s0  }
0x117: {  	[sflag:s0] =	ssyncadd.tile.s32 @!p0 $0x1;
	_ =	shalt  }
.Lfunc_end2:
_tile_overlayer_lowered:
.L_overlay_start_2:
0x118: {  	(tag) =	ssettag $0x2  }
0x119: {  	s0 =	rddreg [dreg:$0x0];
	s2 =	stileid.u32  }
0x11a: {  	s1 =	rddreg [dreg:$0x1];
	p0 =	sne.s32 s2, $0x0  }
0x11b: {  	s3 =	rddreg [dreg:$0x2];
	[bflag:$0x3] =	sbarrier.arrive $0xFFFF;
	s2 =	simm.s32 @!p0 $0x1C09  }
0x11c: {  	[timem:s3], [sflag:s2] =	dma.local @!p0 [hbm:s0], s1  }
0x11d: {  	s0 =	simm.s32 @!p0 $0x9  }
0x11e: {  	_ =	swait.ge @!p0 [sflag:s0], s1  }
0x11f: {  	s1 =	ssub.s32 @!p0 $0x0, s1;
	[sflag:s0] =	ssyncset.done @!p0 $0x0  }
0x120: {  	[sflag:s0] =	ssyncadd.s32 @!p0 s1  }
0x121: {  	[bflag:$0x3] =	sbarrier.arrive $0xFFFF  }
0x122: {  	_ =	shalt  }

// kernel: kernel.14.cloned.1.call-start
scs
__scs_entry_jumppad:
0x0: {  	(pc) =	sbr.rel $0x88, $3  }
0x1: {  	(tag) =	ssettag $0x0;
	lr =	simm.s32 $0x1  }
0x2: {  	[smem:$0x3F95] =	sst lr;
	_ =	strace $0xD0000000  }
0x3: {  	_ = 	snop  }
0x4: {  	_ = 	snop  }
0x5: {  	_ = 	snop  }
0x6: {  	_ = 	snop  }
0x7: {  	_ = 	snop  }
__scs_overlays_trampoline_lowered:
0x8: {  	[smem:$0x3FA4] =	sst s0  }
0x9: {  	[smem:$0x3FA5] =	sst s1  }
0xa: {  	[smem:$0x3FA6] =	sst s2  }
0xb: {  	[smem:$0x3FA7] =	sst s3  }
0xc: {  	[smem:$0x3FA8] =	sst s4  }
0xd: {  	[smem:$0x3FA9] =	sst s5  }
0xe: {  	[smem:$0x3FAA] =	sst s6  }
0xf: {  	[smem:$0x3FAB] =	sst s7  }
0x10: {  	[smem:$0x3FAC] =	sst s8  }
0x11: {  	[smem:$0x3FAD] =	sst s9;
	s0 =	simm.s32 @!p0 $0x0  }
0x12: {  	s1 =	sld [smem:$0x3F93];
	s0 =	simm.s32 @p0 $0x1  }
0x13: {  	[smem:$0x3FAE] =	sst s0;
	s0 =	simm.s32 @!p1 $0x0  }
0x14: {  	s2 =	sld [smem:$0x3F92];
	s0 =	simm.s32 @p1 $0x1  }
0x15: {  	[smem:$0x3FAF] =	sst s0;
	s0 =	simm.s32 @!p2 $0x0  }
0x16: {  	s3 =	sld [smem:$0x3FDB];
	s0 =	simm.s32 @p2 $0x1  }
0x17: {  	s4 =	simm.s32 $0x1BF5;
	[smem:$0x3FB1] =	sst s0  }
0x18: {  	s0 =	sld [smem:$0x3F94];
	_ =	swait.ge [sflag:s4], $0x0  }
0x19: {  	s7 =	sld [smem:$0x3F95]  }
0x1a: {  	s8 =	sadd.s32 $0xFFFFE003, lr  }
0x1b: {  	s9 =	sadd.s32 $0xFFFFFEF7, lr;
	s5 =	simm.s32 $0xFFFFFFFF;
	p2 =	slt.u32 s8, $0xFFFFF086  }
0x1c: {  	p1 =	slt.u32 s9, $0xF7A;
	s5 =	simm.s32 @!p2 $0x0  }
0x1d: {  	s5 =	simm.s32 @p1 $0x1;
	p0 =	seq.s32 s7, s2  }
0x1e: {  	s7 =	smul.u32 @!p0 $0xF7A, s2;
	p2 =	seq.s32 @!p0 s5, $0x0  }
0x1f: {  	s9 =	smul.u32 $0xF7A, s1;
	s8 =	simm.s32 @!p0 $0x1BF5;
	p2 =	por !p2, p0  }
0x20: {  	[sflag:s8] =	ssyncset.s32 @!p0 $0xFFFFF086;
	s6 =	sadd.s32 @!p0 s3, s7;
	s7 =	simm.s32 @!p0 $0x108  }
0x21: {  	s3 =	sadd.s32 s3, s9;
	s6 =	sadd.s32 @!p0 $0x88, s6;
	s7 =	simm.s32 @p2 $0x1082  }
0x22: {  	[simem:s7], [sflag:s8] =	dma.local @!p0 [hbm:s6], $0xF7A  }
0x23: {  	s9 =	sor.u32 $0xD0000000, s2;
	s6 =	simm.s32 $0x108;
	_ =	swait.ge @!p0 [sflag:s8], $0x0  }
0x24: {  	s3 =	sadd.s32 $0x88, s3;
	s6 =	simm.s32 @!p1 $0x1082;
	[sflag:s4] =	ssyncset.s32 $0xFFFFF086  }
0x25: {  	[simem:s6], [sflag:s4] =	dma.local [hbm:s3], $0xF7A  }
0x26: {  	[smem:$0x3F95] =	sst s1;
	(tag) =	ssettag s2;
	_ =	strace s9  }
0x27: {  	s1 =	sld [smem:$0x3FA5]  }
0x28: {  	s2 =	sld [smem:$0x3FA6]  }
0x29: {  	s4 =	sld [smem:$0x3FA8]  }
0x2a: {  	p0 =	seq.s32 s5, $0x0;
	s5 =	sld [smem:$0x3FA9]  }
0x2b: {  	s6 =	sld [smem:$0x3FAA]  }
0x2c: {  	s7 =	sld [smem:$0x3FAB]  }
0x2d: {  	s3 =	simm.s32 $0x108;
	s8 =	sld [smem:$0x3FAC]  }
0x2e: {  	s3 =	simm.s32 @!p0 $0x1082;
	s9 =	sld [smem:$0x3FAD]  }
0x2f: {  	lr =	sadd.s32 s0, s3;
	s0 =	sld [smem:$0x3FA4]  }
0x30: {  	s3 =	sld [smem:$0x3FA7]  }
0x31: {  	[smem:$0x3FB0] =	sst s10  }
0x32: {  	s10 =	sld [smem:$0x3FAE];
	_ =	sdelay $0x3  }
0x33: {  	p0 =	seq.s32 s10, $0x1;
	s10 =	sld [smem:$0x3FB0];
	_ =	sdelay $0x3  }
0x34: {  	[smem:$0x3FB0] =	sst s10  }
0x35: {  	s10 =	sld [smem:$0x3FAF];
	_ =	sdelay $0x3  }
0x36: {  	p1 =	seq.s32 s10, $0x1;
	s10 =	sld [smem:$0x3FB0];
	_ =	sdelay $0x3  }
0x37: {  	[smem:$0x3FB0] =	sst s10  }
0x38: {  	s10 =	sld [smem:$0x3FB1]  }
0x39: {  	_ = 	snop;
	(pc) =	sbr.ind lr, $3  }
0x3a: {  	_ = 	snop  }
0x3b: {  	_ = 	snop  }
0x3c: {  	p2 =	seq.s32 s10, $0x1;
	s10 =	sld [smem:$0x3FB0]  }
0x3d: {  	_ =	shalt  }
0x3e: {  	_ =	shalt  }
0x3f: {  	_ =	shalt  }
0x40: {  	_ =	shalt  }
0x41: {  	_ =	shalt  }
0x42: {  	_ =	shalt  }
0x43: {  	_ =	shalt  }
0x44: {  	_ =	shalt  }
0x45: {  	_ =	shalt  }
0x46: {  	_ =	shalt  }
0x47: {  	_ =	shalt  }
0x48: {  	_ =	shalt  }
0x49: {  	_ =	shalt  }
0x4a: {  	_ =	shalt  }
0x4b: {  	_ =	shalt  }
0x4c: {  	_ =	shalt  }
0x4d: {  	_ =	shalt  }
0x4e: {  	_ =	shalt  }
0x4f: {  	_ =	shalt  }
0x50: {  	_ =	shalt  }
0x51: {  	_ =	shalt  }
0x52: {  	_ =	shalt  }
0x53: {  	_ =	shalt  }
0x54: {  	_ =	shalt  }
0x55: {  	_ =	shalt  }
0x56: {  	_ =	shalt  }
0x57: {  	_ =	shalt  }
0x58: {  	_ =	shalt  }
0x59: {  	_ =	shalt  }
0x5a: {  	_ =	shalt  }
0x5b: {  	_ =	shalt  }
0x5c: {  	_ =	shalt  }
0x5d: {  	_ =	shalt  }
0x5e: {  	_ =	shalt  }
0x5f: {  	_ =	shalt  }
0x60: {  	_ =	shalt  }
0x61: {  	_ =	shalt  }
0x62: {  	_ =	shalt  }
0x63: {  	_ =	shalt  }
0x64: {  	_ =	shalt  }
0x65: {  	_ =	shalt  }
0x66: {  	_ =	shalt  }
0x67: {  	_ =	shalt  }
0x68: {  	_ =	shalt  }
0x69: {  	_ =	shalt  }
0x6a: {  	_ =	shalt  }
0x6b: {  	_ =	shalt  }
0x6c: {  	_ =	shalt  }
0x6d: {  	_ =	shalt  }
0x6e: {  	_ =	shalt  }
0x6f: {  	_ =	shalt  }
0x70: {  	_ =	shalt  }
0x71: {  	_ =	shalt  }
0x72: {  	_ =	shalt  }
0x73: {  	_ =	shalt  }
0x74: {  	_ =	shalt  }
0x75: {  	_ =	shalt  }
0x76: {  	_ =	shalt  }
0x77: {  	_ =	shalt  }
0x78: {  	_ =	shalt  }
0x79: {  	_ =	shalt  }
0x7a: {  	_ =	shalt  }
0x7b: {  	_ =	shalt  }
0x7c: {  	_ =	shalt  }
0x7d: {  	_ =	shalt  }
0x7e: {  	_ =	shalt  }
0x7f: {  	_ =	shalt  }
0x80: {  	_ =	shalt  }
0x81: {  	_ =	shalt  }
0x82: {  	_ =	shalt  }
0x83: {  	_ =	shalt  }
0x84: {  	_ =	shalt  }
0x85: {  	_ =	shalt  }
0x86: {  	_ =	shalt  }
0x87: {  	_ =	shalt  }
.Lfunc_end0:
.L_simem_size_0:
called_computation.2_lowered:
.L_overlay_start_0:
0x88: {  	s2 =	sld [smem:$0x3FD9]  }
0x89: {  	s3 =	sld [smem:$0x3FFE];
	_ =	sdelay $0x1  }
0x8a: {  	s1 =	srdreg.scid  }
0x8b: {  	s0 =	sand.u32 $0x1, s1  }
0x8c: {  	s16 =	sshll.u32 s0, $0xA;
	s2 =	sadd.s32 s3, s2  }
0x8d: {  	s2 =	sadd.s32 s2, s16  }
0x8e: {  	[smem:$0x3FBC] =	sst s2  }
0x8f: {  	_ = 	snop  }
0x90: {  	(tm) =	ssettm $0x1  }
0x91: {  	s17 =	sld [smem:$0x3FFB];
	_ =	sdelay $0x3  }
0x92: {  	_ =	strace s17  }
0x93: {  	s2 =	sld [smem:$0x3FFC];
	_ =	sdelay $0x3  }
0x94: {  	_ =	strace s2  }
0x95: {  	s2 =	sld [smem:$0x3FFD];
	_ =	sdelay $0x3  }
0x96: {  	_ =	strace s2  }
0x97: {  	_ =	strace $0x8FFFFFFF  }
0x98: {  	s18 =	sld [smem:$0x3FDB];
	_ =	sdelay $0x1  }
0x99: {  	s19 =	simm.s32 $_scs_section_size  }
0x9a: {  	s4 =	simm.s32 $_size__tile_overlayer_lowered;
	s5 =	simm.s32 $_tile_overlayer_lowered  }
0x9b: {  	s22 =	simm.s32 $0x1BFF;
	s21 =	sshll.u32 s5, $0x1;
	s2 =	sadd.s32 s19, s18  }
0x9c: {  	s6 =	simm.s32 $0x0;
	s20 =	sshll.u32 s4, $0x1;
	s4 =	sadd.s32 s21, s2  }
0x9d: {  	[timem:s6], [sflag:s22] =	dma.local [hbm:s4], s20  }
0x9e: {  	_ =	swait.ge [sflag:s22], s20  }
0x9f: {  	s3 =	ssub.s32 $0x0, s20;
	[sflag:s22] =	ssyncset.done $0x0  }
0xa0: {  	[sflag:s22] =	ssyncadd.s32 s3;
	_ =	sdelay $0x1  }
0xa1: {  	s23 =	simm.s32 $0x1B8B  }
0xa2: {  	_ =	swait.ge [sflag:s23], $0x1  }
0xa3: {  	[sflag:s23] =	ssyncset.done $0x0  }
0xa4: {  	s25 =	simm.s32 $0x1B8E;
	s24 =	sld [smem:$0x3FFE];
	[sflag:s23] =	ssyncadd.s32 $0xFFFFFFFF  }
0xa5: {  	s26 =	simm.s32 $execute0_lowered;
	[smem:$0x3FD2] =	sst s25  }
0xa6: {  	s4 =	sshll.u32 s26, $0x1;
	_ =	strace $0x8000004C;
	[dreg:$0x1] =	wrdreg $0xFFFFFFFF  }
0xa7: {  	s28 =	simm.s32 $_size_execute0_lowered;
	s2 =	sadd.s32 s2, s4;
	[dreg:$0x0] =	wrdreg $0x0  }
0xa8: {  	s4 =	sshll.u32 s28, $0x1;
	[dreg:$0x2] =	wrdreg s2  }
0xa9: {  	[dreg:$0x3] =	wrdreg s4  }
0xaa: {  	[dreg:$0x4] =	wrdreg $0xC0  }
0xab: {  	_ =	task [dreg:s6], $0x5FFFF  }
0xac: {  	[dreg:$0x1] =	wrdreg $0xFFFFFFFF  }
0xad: {  	[dreg:$0x0] =	wrdreg $0x60  }
0xae: {  	[dreg:$0x2] =	wrdreg s24  }
0xaf: {  	[dreg:$0x3] =	wrdreg $0xB4000  }
0xb0: {  	[dreg:$0x4] =	wrdreg $0x9  }
0xb1: {  	_ =	task.clear_ibuf [dreg:s6], $0x5FFFF;
	_ =	strace $0x9000004C  }
0xb2: {  	s29 =	simm.s32 $0x9;
	_ =	strace $0x8000004E  }
0xb3: {  	_ =	swait.ge [sflag:s29], $0x1  }
0xb4: {  	[sflag:s29] =	ssyncadd.s32 $0xFFFFFFFF  }
0xb5: {  	_ =	strace $0x9000004E  }
0xb6: {  	_ =	sfence  }
0xb7: {  	s30 =	sld [smem:$0x0];
	_ =	sdelay $0x2  }
0xb8: {  	s31 =	sshll.u32 s1, $0xD;
	s1 =	sshrl.u32 s1, $0x2  }
0xb9: {  	s3 =	sand.u32 $0x4000, s31;
	s1 =	sadd.s32 s1, s30  }
0xba: {  	s0 =	sor.u32 s3, s0;
	s1 =	sshll.u32 s1, $0x11  }
0xbb: {  	s0 =	sor.u32 s1, s0  }
0xbc: {  	s0 =	sadd.s32 $0x8F2B, s0  }
0xbd: {  	[sflag:s0] =	ssyncadd.remote.s32 $0x1  }
0xbe: {  	_ =	sfence.sel $0xFFFF  }
0xbf: {  	[dreg:$0x0] =	wrdreg $0xFFFFFFFF;
	(pc) =	sbr.abs _section_cstart, $3  }
0xc0: {  	[dreg:$0x1] =	wrdreg $0xFFFFFFFF  }
0xc1: {  	_ =	task.clear_ibuf [dreg:s6], $0x2FFFF;
	_ =	strace $0x9FFFFFFF  }
0xc2: {  	(tm) =	ssettm $0x7FFFFFFF  }
0xc3: {  	_ =	shalt  }
tec
execute0_lowered:
.L_overlay_start_1:
0x0: {  	(tag) =	ssettag $0x1  }
0x1: {  	s0 =	rddreg [dreg:$0x0]  }
0x2: {  	s1 =	rddreg [dreg:$0x1];
	s2 =	simm.s32 $0x0;
	s18 =	srdreg.scid  }
0x3: {  	s15 =	stileid.u32;
	s28 =	simm.s32 $0x80;
	s29 =	simm.s32 $0x5400  }
0x4: {  	s30 =	simm.s32 $0x1;
	[smem:$0x7FF] =	sst s2;
	s4 =	sadd.s32 $0x15E00, s0  }
0x5: {  	s5 =	sadd.s32 $0x2400, s0;
	s8 =	sand.u32 $0x1, s18;
	s19 =	smul.u32 $0x270, s15  }
0x6: {  	s3 =	sadd.s32 $0x3D000, s0;
	s6 =	smul.u32 $0x27000, s15;
	s7 =	sadd.s32 $0x3D400, s0  }
0x7: {  	s25 =	sshll.u32 s15, $0x4;
	s13 =	smul.u32 $0x9C, s15;
	s14 =	sadd.s32 $0xC040, s0  }
0x8: {  	s18 =	smul.u32 $0x13800, s15;
	p0 =	sne.s32 s15, $0xF;
	p1 =	sgt.u32 s15, $0x3  }
0x9: {  	s15 =	simm.s32 $0x9400;
	_ =	strace $0x8000004D;
	s20 =	ssub.s32 $0x2, s8  }
0xa: {  	[dreg:$0x3] =	wrdreg s3;
	s9 =	sshrl.u32 s20, $0x1;
	s10 =	sadd.s32 $0x80, s19  }
0xb: {  	s6 =	sshrl.u32 s6, $0x2;
	s17 =	sadd.s32 $0x100, s19;
	s16 =	sadd.s32 $0x180, s19  }
0xc: {  	s2 =	sadd.s32 $0x200, s19;
	s19 =	sshll.u32 s8, $0x6;
	s3 =	ssub.s32 s20, s9  }
0xd: {  	s21 =	sshll.u32 s10, $0x6;
	s6 =	sadd.s32 s6, s1;
	s23 =	sshll.u32 s17, $0x6  }
0xe: {  	s24 =	sshll.u32 s16, $0x6;
	s12 =	sshll.u32 s2, $0x6;
	s9 =	sadd.s32 s25, s5  }
0xf: {  	s10 =	sshll.u32 s10, $0x7;
	s0 =	sor.u32 s19, s18;
	s17 =	sshll.u32 s17, $0x7  }
0x10: {  	s2 =	sshll.u32 s2, $0x7;
	s18 =	simm.s32 $0x5;
	[dreg:$0x4] =	wrdreg s6  }
0x11: {  	s22 =	sadd.s32 s21, s1;
	s31 =	sadd.s32 s23, s1;
	s11 =	sadd.s32 s24, s1  }
0x12: {  	s12 =	sadd.s32 s12, s1;
	s6 =	sadd.s32 $0x9C000, s1;
	s26 =	sadd.s32 $0x9C00, s9  }
0x13: {  	s9 =	sadd.s32 $0x13840, s9;
	s10 =	sor.u32 s19, s10;
	s0 =	sshrl.u32 s0, $0x3  }
0x14: {  	s17 =	sor.u32 s19, s17;
	s2 =	sor.u32 s19, s2;
	[dreg:$0x5] =	wrdreg s22  }
0x15: {  	v0 =	vmov s8;
	s23 =	sshll.u32 s8, $0x3;
	s8 =	simm.s32 $0x8;
	[dreg:$0xa] =	wrdreg s26  }
0x16: {  	[dreg:$0xb] =	wrdreg s9;
	s10 =	sshrl.u32 s10, $0x3;
	s0 =	sadd.s32 s7, s0  }
0x17: {  	s21 =	sshrl.u32 s17, $0x3;
	s22 =	sshll.u32 s16, $0x7;
	[dreg:$0x6] =	wrdreg s31  }
0x18: {  	s2 =	sshrl.u32 s2, $0x3;
	s9 =	sadd.s32 s23, s7;
	[dreg:$0x7] =	wrdreg s11  }
0x19: {  	s26 =	smax.u32 s3, $0x1;
	s3 =	simm.s32 $0x2;
	[dreg:$0x8] =	wrdreg s12  }
0x1a: {  	s17 =	simm.s32 $0x1A80;
	s16 =	simm.s32 $0x3;
	[dreg:$0x9] =	wrdreg s6  }
0x1b: {  	s23 =	simm.s32 $0x280;
	[dreg:$0xc] =	wrdreg s0;
	s20 =	sadd.s32 s7, s10  }
0x1c: {  	s0 =	sadd.s32 s7, s21;
	s24 =	sadd.s32 s7, s2;
	[dreg:$0x12] =	wrdreg s26  }
0x1d: {  	s25 =	sadd.s32 $0x27000, s9;
	s26 =	simm.s32 $0x1A00;
	[dreg:$0xd] =	wrdreg s20  }
0x1e: {  	s2 =	simm.s32 $0x100;
	s21 =	simm.s32 $0x1B80;
	[dreg:$0xe] =	wrdreg s0  }
.Ltmp0:
0x1f: {  	s9 =	simm.s32 $0x0;
	[dreg:$0x10] =	wrdreg s24;
	(pc) =	sbr.rel .LBB2_1-.Ltmp0, $4  }
0x20: {  	s0 =	sor.u32 s19, s22;
	[dreg:$0x11] =	wrdreg s25;
	s24 =	simm.s32 $0x3400  }
0x21: {  	s25 =	simm.s32 $0x9;
	s19 =	simm.s32 $0x200;
	s0 =	sshrl.u32 s0, $0x3  }
0x22: {  	s20 =	simm.s32 $0x4;
	s22 =	simm.s32 $0x6;
	s0 =	sadd.s32 s7, s0  }
0x23: {  	s7 =	simm.s32 $0x7;
	[dreg:$0xf] =	wrdreg s0;
	s0 =	simm.s32 $0x7400  }
.LBB2_8:
0x24: {  	s9 =	simm.s32 @!p1 $0x0;
	s2 =	rddreg [dreg:$0xa];
	s10 =	simm.s32 @!p1 $0x9  }
0x25: {  	[tilespmem:s9], [sflag:$0x9] =	stream.linear.gather @!p1 [hbm4b:s2+s9], $0x80, $0x38;
	[tilespmem:$0x15040] =	vst v63  }
0x26: {  	_ =	swait.ge @!p1 [sflag:s10], $0x80  }
0x27: {  	[sflag:s10] =	ssyncset.done @!p1 $0x0  }
0x28: {  	s11 =	simm.s32 @!p1 $0x1A00;
	s2 =	rddreg [dreg:$0xb];
	[sflag:s10] =	ssyncadd.s32 @!p1 $0xFFFFFF80  }
0x29: {  	[tilespmem:s11], [sflag:$0x9] =	stream.linear.gather @!p1 [hbm4b:s2+s9], $0x80, $0x38;
	[tilespmem:$0x15040] =	vst v63  }
0x2a: {  	_ =	swait.ge @!p1 [sflag:s10], $0x80  }
0x2b: {  	[sflag:s10] =	ssyncset.done @!p1 $0x0  }
0x2c: {  	[sflag:s10] =	ssyncadd.s32 @!p1 $0xFFFFFF80  }
0x2d: {  	v1 =	vld @!p1 [tilespmem:$0x0]  }
0x2e: {  	v2 =	vld @!p1 [tilespmem:$0x10]  }
0x2f: {  	v3 =	vld @!p1 [tilespmem:$0x20]  }
0x30: {  	v4 =	vld @!p1 [tilespmem:$0x30]  }
0x31: {  	v5 =	vld @!p1 [tilespmem:$0x40]  }
0x32: {  	v6 =	vld @!p1 [tilespmem:$0x50];
	v1 =	vshll.u32 @!p1 v1, $0x1  }
0x33: {  	v7 =	vld @!p1 [tilespmem:$0x60];
	v2 =	vshll.u32 @!p1 v2, $0x1;
	v1 =	vor.u32 @!p1 v0, v1  }
0x34: {  	[tilespmem:$0x0] =	vst @!p1 v1;
	v1 =	vor.u32 @!p1 v0, v2;
	v2 =	vshll.u32 @!p1 v3, $0x1;
	v3 =	vld @!p1 [tilespmem:$0x70]  }
0x35: {  	[tilespmem:$0x10] =	vst @!p1 v1;
	v1 =	vor.u32 @!p1 v0, v2;
	v2 =	vshll.u32 @!p1 v4, $0x1  }
0x36: {  	[tilespmem:$0x20] =	vst @!p1 v1;
	v1 =	vor.u32 @!p1 v0, v2;
	v2 =	vshll.u32 @!p1 v5, $0x1  }
0x37: {  	[tilespmem:$0x30] =	vst @!p1 v1;
	v1 =	vor.u32 @!p1 v0, v2;
	v2 =	vshll.u32 @!p1 v6, $0x1  }
0x38: {  	[tilespmem:$0x40] =	vst @!p1 v1;
	v1 =	vor.u32 @!p1 v0, v2;
	v2 =	vshll.u32 @!p1 v7, $0x1  }
0x39: {  	[tilespmem:$0x50] =	vst @!p1 v1;
	v1 =	vor.u32 @!p1 v0, v2;
	v2 =	vshll.u32 @!p1 v3, $0x1  }
0x3a: {  	[tilespmem:$0x60] =	vst @!p1 v1;
	v1 =	vor.u32 @!p1 v0, v2  }
0x3b: {  	s12 =	simm.s32 @!p1 $0x80;
	s31 =	simm.s32 @!p1 $0x3400;
	[tilespmem:$0x70] =	vst @!p1 v1  }
0x3c: {  	[tilespmem:s31], [sflag:$0x1] =	stream.indirect.gather @!p1 [hbm4b:s4+s12], $0x40, s9, s12, $0xb8;
	[tilespmem:$0x15040] =	vst v63  }
0x3d: {  	s9 =	simm.s32 @!p1 $0x1  }
0x3e: {  	_ =	swait.ge @!p1 [sflag:s9], $0x2000  }
0x3f: {  	[sflag:s9] =	ssyncset.done @!p1 $0x0  }
0x40: {  	[sflag:s9] =	ssyncadd.s32 @!p1 $0xFFFFE000  }
0x41: {  	[spmem:s1] =	stream.indirect.scatter.add.f32 @!p1 [tilespmem:s31], [sflag:$0x9], $0x40, s11, s12, $0xb8;
	[tilespmem:$0x15040] =	vst v63  }
0x42: {  	_ =	swait.ge @!p1 [sflag:s10], $0x2000  }
0x43: {  	[sflag:s10] =	ssyncset.done @!p1 $0x0  }
0x44: {  	[sflag:s10] =	ssyncadd.s32 @!p1 $0xFFFFE000  }
0x45: {  	[bflag:$0x0] =	sbarrier.arrive $0xFFFF  }
0x46: {  	s6 =	rddreg [dreg:$0x4]  }
0x47: {  	[tilespmem:s24], [sflag:$0x9] =	stream.linear.gather [spmem:s6], $0x2000, $0x38;
	[tilespmem:$0x15040] =	vst v63  }
0x48: {  	_ =	swait.ge [sflag:s25], $0x2000  }
0x49: {  	[sflag:s25] =	ssyncset.done $0x0  }
0x4a: {  	s10 =	simm.s32 $0x40;
	s9 =	rddreg [dreg:$0xc];
	[sflag:s25] =	ssyncadd.s32 $0xFFFFE000  }
0x4b: {  	[hbm4b:s9+s10] =	stream.strided.scatter [tilespmem:s24], [sflag:$0x9], $0x2000, s28, s10, $0x38;
	[tilespmem:$0x15040] =	vst v63  }
0x4c: {  	_ =	swait.ge [sflag:s25], $0x2000  }
0x4d: {  	[sflag:s25] =	ssyncset.done $0x0  }
0x4e: {  	s11 =	rddreg [dreg:$0x5];
	[sflag:s25] =	ssyncadd.s32 $0xFFFFE000  }
0x4f: {  	[tilespmem:s24], [sflag:$0x9] =	stream.linear.gather [spmem:s11], $0x2000, $0x38;
	[tilespmem:$0x15040] =	vst v63  }
0x50: {  	_ =	swait.ge [sflag:s25], $0x2000  }
0x51: {  	[sflag:s25] =	ssyncset.done $0x0  }
0x52: {  	s12 =	rddreg [dreg:$0xd];
	[sflag:s25] =	ssyncadd.s32 $0xFFFFE000  }
0x53: {  	[hbm4b:s12+s10] =	stream.strided.scatter [tilespmem:s24], [sflag:$0x9], $0x2000, s28, s10, $0x38;
	[tilespmem:$0x15040] =	vst v63  }
0x54: {  	_ =	swait.ge [sflag:s25], $0x2000  }
0x55: {  	[sflag:s25] =	ssyncset.done $0x0  }
0x56: {  	s31 =	rddreg [dreg:$0x6];
	[sflag:s25] =	ssyncadd.s32 $0xFFFFE000  }
0x57: {  	[tilespmem:s24], [sflag:$0x9] =	stream.linear.gather [spmem:s31], $0x2000, $0x38;
	[tilespmem:$0x15040] =	vst v63  }
0x58: {  	_ =	swait.ge [sflag:s25], $0x2000  }
0x59: {  	[sflag:s25] =	ssyncset.done $0x0  }
0x5a: {  	s17 =	rddreg [dreg:$0xe];
	[sflag:s25] =	ssyncadd.s32 $0xFFFFE000  }
0x5b: {  	[hbm4b:s17+s10] =	stream.strided.scatter [tilespmem:s24], [sflag:$0x9], $0x2000, s28, s10, $0x38;
	[tilespmem:$0x15040] =	vst v63  }
0x5c: {  	_ =	swait.ge [sflag:s25], $0x2000  }
0x5d: {  	[sflag:s25] =	ssyncset.done $0x0  }
0x5e: {  	s11 =	rddreg [dreg:$0x7];
	[sflag:s25] =	ssyncadd.s32 $0xFFFFE000  }
0x5f: {  	[tilespmem:s24], [sflag:$0x9] =	stream.linear.gather [spmem:s11], $0x2000, $0x38;
	[tilespmem:$0x15040] =	vst v63  }
0x60: {  	_ =	swait.ge [sflag:s25], $0x2000  }
0x61: {  	[sflag:s25] =	ssyncset.done $0x0  }
0x62: {  	s19 =	rddreg [dreg:$0xf];
	[sflag:s25] =	ssyncadd.s32 $0xFFFFE000  }
0x63: {  	[hbm4b:s19+s10] =	stream.strided.scatter [tilespmem:s24], [sflag:$0x9], $0x2000, s28, s10, $0x38;
	[tilespmem:$0x15040] =	vst v63  }
0x64: {  	_ =	swait.ge [sflag:s25], $0x2000  }
0x65: {  	[sflag:s25] =	ssyncset.done $0x0  }
0x66: {  	s2 =	rddreg [dreg:$0x8];
	[sflag:s25] =	ssyncadd.s32 $0xFFFFE000  }
0x67: {  	[tilespmem:s24], [sflag:$0x9] =	stream.linear.gather [spmem:s2], $0x1C00, $0x38;
	[tilespmem:$0x15040] =	vst v63  }
0x68: {  	_ =	swait.ge [sflag:s25], $0x1C00  }
0x69: {  	[sflag:s25] =	ssyncset.done $0x0  }
0x6a: {  	s6 =	rddreg [dreg:$0x10];
	[sflag:s25] =	ssyncadd.s32 $0xFFFFE400  }
0x6b: {  	[hbm4b:s6+s10] =	stream.strided.scatter [tilespmem:s24], [sflag:$0x9], $0x1C00, s28, s10, $0x38;
	[tilespmem:$0x15040] =	vst v63  }
0x6c: {  	_ =	swait.ge [sflag:s25], $0x1C00  }
0x6d: {  	s9 =	simm.s32 @!p0 $0x5400;
	[sflag:s25] =	ssyncset.done $0x0  }
0x6e: {  	s10 =	simm.s32 @!p0 $0x9;
	s6 =	rddreg [dreg:$0x9];
	[sflag:s25] =	ssyncadd.s32 $0xFFFFE400  }
0x6f: {  	[tilespmem:s9], [sflag:$0x9] =	stream.linear.gather @!p0 [spmem:s6], $0x400, $0x38;
	[tilespmem:$0x15040] =	vst v63  }
0x70: {  	_ =	swait.ge @!p0 [sflag:s10], $0x400  }
0x71: {  	s12 =	simm.s32 @!p0 $0x80;
	[sflag:s10] =	ssyncset.done @!p0 $0x0  }
0x72: {  	s19 =	simm.s32 @!p0 $0x40;
	s17 =	rddreg [dreg:$0x11];
	[sflag:s10] =	ssyncadd.s32 @!p0 $0xFFFFFC00  }
0x73: {  	[hbm4b:s17+s19] =	stream.strided.scatter @!p0 [tilespmem:s9], [sflag:$0x9], $0x400, s12, s19, $0x38;
	[tilespmem:$0x15040] =	vst v63  }
0x74: {  	_ =	swait.ge @!p0 [sflag:s10], $0x400  }
0x75: {  	s12 =	smov.u32 s2;
	s2 =	rddreg [dreg:$0x13]  }
0x76: {  	s9 =	sadd.s32 $0x1, s2;
	s2 =	rddreg [dreg:$0x12]  }
0x77: {  	p2 =	sne.s32 s9, s2  }
.Ltmp1:
0x78: {  	_ = 	snop;
	(pc) =	sbr.rel @!p2 .LBB2_9-.Ltmp1, $3  }
0x79: {  	_ =	sdelay $0x1  }
0x7a: {  	s19 =	simm.s32 $0x200;
	[sflag:s10] =	ssyncset.done @!p0 $0x0  }
0x7b: {  	s17 =	simm.s32 $0x1A80;
	[sflag:s10] =	ssyncadd.s32 @!p0 $0xFFFFFC00;
	s2 =	simm.s32 $0x100  }
.LBB2_1:
0x7c: {  	[dreg:$0x13] =	wrdreg s9  }
0x7d: {  	s9 =	simm.s32 $0x0;
	s10 =	rddreg [dreg:$0x3]  }
0x7e: {  	[tilespmem:s24], [sflag:$0x9] =	stream.linear.gather [hbm4b:s10+s9], $0x2000, $0x38;
	[tilespmem:$0x15040] =	vst v63  }
0x7f: {  	_ =	swait.ge [sflag:s25], $0x2000  }
0x80: {  	[sflag:s25] =	ssyncset.done $0x0  }
0x81: {  	s10 =	rddreg [dreg:$0x4];
	[sflag:s25] =	ssyncadd.s32 $0xFFFFE000  }
0x82: {  	[spmem:s10] =	stream.linear.scatter [tilespmem:s24], [sflag:$0x9], $0x2000, $0x38;
	[tilespmem:$0x15040] =	vst v63  }
0x83: {  	_ =	swait.ge [sflag:s25], $0x2000  }
0x84: {  	[sflag:s25] =	ssyncset.done $0x0  }
0x85: {  	s10 =	rddreg [dreg:$0x5];
	[sflag:s25] =	ssyncadd.s32 $0xFFFFE000  }
0x86: {  	[spmem:s10] =	stream.linear.scatter [tilespmem:s24], [sflag:$0x9], $0x2000, $0x38;
	[tilespmem:$0x15040] =	vst v63  }
0x87: {  	_ =	swait.ge [sflag:s25], $0x2000  }
0x88: {  	[sflag:s25] =	ssyncset.done $0x0  }
0x89: {  	[sflag:s25] =	ssyncadd.s32 $0xFFFFE000  }
0x8a: {  	[spmem:s31] =	stream.linear.scatter [tilespmem:s24], [sflag:$0x9], $0x2000, $0x38;
	[tilespmem:$0x15040] =	vst v63  }
0x8b: {  	_ =	swait.ge [sflag:s25], $0x2000  }
0x8c: {  	[sflag:s25] =	ssyncset.done $0x0  }
0x8d: {  	[sflag:s25] =	ssyncadd.s32 $0xFFFFE000  }
0x8e: {  	[spmem:s11] =	stream.linear.scatter [tilespmem:s24], [sflag:$0x9], $0x2000, $0x38;
	[tilespmem:$0x15040] =	vst v63  }
0x8f: {  	_ =	swait.ge [sflag:s25], $0x2000  }
0x90: {  	[sflag:s25] =	ssyncset.done $0x0  }
0x91: {  	[sflag:s25] =	ssyncadd.s32 $0xFFFFE000  }
0x92: {  	[spmem:s12] =	stream.linear.scatter [tilespmem:s24], [sflag:$0x9], $0x1C00, $0x38;
	[tilespmem:$0x15040] =	vst v63  }
0x93: {  	_ =	swait.ge [sflag:s25], $0x1C00  }
0x94: {  	[sflag:s25] =	ssyncset.done $0x0  }
0x95: {  	s9 =	simm.s32 @!p0 $0x3400;
	[sflag:s25] =	ssyncadd.s32 $0xFFFFE400  }
0x96: {  	[spmem:s6] =	stream.linear.scatter @!p0 [tilespmem:s9], [sflag:$0x9], $0x400, $0x38;
	[tilespmem:$0x15040] =	vst v63  }
0x97: {  	s9 =	simm.s32 @!p0 $0x9  }
.Ltmp2:
0x98: {  	_ =	swait.ge @!p0 [sflag:s9], $0x400;
	(pc) =	sbr.rel .LBB2_2-.Ltmp2, $4  }
0x99: {  	[sflag:s9] =	ssyncset.done @!p0 $0x0  }
0x9a: {  	[sflag:s9] =	ssyncadd.s32 @!p0 $0xFFFFFC00  }
0x9b: {  	[bflag:$0x0] =	sbarrier.arrive $0xFFFF  }
0x9c: {  	s11 =	simm.s32 $0x0;
	s6 =	simm.s32 $0x180  }
.LBB2_7:
0x9d: {  	_ =	swait.ge [sflag:s20], $0x2000  }
0x9e: {  	[sflag:s20] =	ssyncset.done $0x0  }
0x9f: {  	[sflag:s20] =	ssyncadd.s32 $0xFFFFE000  }
0xa0: {  	[spmem:s1] =	stream.indirect.scatter.add.f32 [tilespmem:s15], [sflag:$0x8], $0x40, s10, s28, $0xb8;
	[tilespmem:$0x15040] =	vst v63  }
0xa1: {  	_ =	swait.ge [sflag:s18], $0x2000  }
0xa2: {  	[sflag:s18] =	ssyncset.done $0x0  }
0xa3: {  	[sflag:s18] =	ssyncadd.s32 $0xFFFFE000  }
0xa4: {  	_ =	swait.ge [sflag:s22], $0x2000  }
0xa5: {  	[sflag:s22] =	ssyncset.done $0x0  }
0xa6: {  	s11 =	sadd.s32 $0x1, s11;
	[sflag:s22] =	ssyncadd.s32 $0xFFFFE000  }
0xa7: {  	p2 =	sne.s32 s11, $0x3;
	_ =	swait.ge [sflag:s7], $0x2000  }
.Ltmp3:
0xa8: {  	[sflag:s7] =	ssyncset.done $0x0;
	(pc) =	sbr.rel @!p2 .LBB2_8-.Ltmp3, $4  }
0xa9: {  	[sflag:s7] =	ssyncadd.s32 $0xFFFFE000  }
0xaa: {  	_ =	swait.ge [sflag:s8], $0x2000  }
0xab: {  	[sflag:s8] =	ssyncset.done $0x0  }
0xac: {  	[sflag:s8] =	ssyncadd.s32 $0xFFFFE000  }
.LBB2_2:
0xad: {  	s9 =	smul.u32 $0x34, s11;
	_ =	sdelay $0x1  }
0xae: {  	s9 =	sadd.s32 s13, s9  }
0xaf: {  	s9 =	sshll.u32 s9, $0x4  }
0xb0: {  	s12 =	simm.s32 $0x0;
	s10 =	sadd.s32 s5, s9  }
0xb1: {  	[tilespmem:s12], [sflag:$0x9] =	stream.linear.gather [hbm4b:s10+s12], $0x1A00, $0x38;
	[tilespmem:$0x15040] =	vst v63  }
0xb2: {  	_ =	swait.ge [sflag:s25], $0x1A00  }
0xb3: {  	[sflag:s25] =	ssyncset.done $0x0  }
0xb4: {  	s9 =	sadd.s32 s9, s14;
	[sflag:s25] =	ssyncadd.s32 $0xFFFFE600  }
0xb5: {  	[tilespmem:s26], [sflag:$0x9] =	stream.linear.gather [hbm4b:s9+s12], $0x1A00, $0x38;
	[tilespmem:$0x15040] =	vst v63  }
0xb6: {  	_ =	swait.ge [sflag:s25], $0x1A00  }
0xb7: {  	[sflag:s25] =	ssyncset.done $0x0  }
0xb8: {  	s12 =	simm.s32 $0x0;
	[sflag:s25] =	ssyncadd.s32 $0xFFFFE600  }
0xb9: {  	v2 =	vld [tilespmem:s12+$0x0]  }
0xba: {  	v3 =	vld [tilespmem:s12+$0x10]  }
0xbb: {  	v5 =	vld [tilespmem:s12+$0x20]  }
0xbc: {  	v4 =	vld [tilespmem:s12+$0x30]  }
0xbd: {  	v1 =	vld [tilespmem:s12+$0x40]  }
0xbe: {  	v6 =	vshll.u32 v2, $0x1;
	v2 =	vld [tilespmem:s12+$0x50]  }
0xbf: {  	s9 =	simm.s32 $0x200;
	v7 =	vshll.u32 v3, $0x1;
	v3 =	vld [tilespmem:s12+$0x60];
	v6 =	vor.u32 v0, v6  }
.LBB2_3:
0xc0: {  	s10 =	sshra.s32 s9, $0x2;
	p2 =	sne.s32 s9, $0x6600;
	[tilespmem:s12+$0x0] =	vst v6;
	v6 =	vor.u32 v0, v7;
	v5 =	vshll.u32 v5, $0x1;
	v7 =	vld [tilespmem:s12+$0x70]  }
0xc1: {  	v8 =	vld [tilespmem:s10+$0x0];
	[tilespmem:s12+$0x10] =	vst v6;
	v5 =	vor.u32 v0, v5;
	v4 =	vshll.u32 v4, $0x1  }
0xc2: {  	v9 =	vld [tilespmem:s10+$0x10];
	[tilespmem:s12+$0x20] =	vst v5;
	v4 =	vor.u32 v0, v4;
	v1 =	vshll.u32 v1, $0x1  }
.Ltmp4:
0xc3: {  	v5 =	vld [tilespmem:s10+$0x20];
	[tilespmem:s12+$0x30] =	vst v4;
	v1 =	vor.u32 v0, v1;
	v2 =	vshll.u32 v2, $0x1;
	(pc) =	sbr.rel @p2 .LBB2_3-.Ltmp4, $4  }
0xc4: {  	v4 =	vld [tilespmem:s10+$0x30];
	[tilespmem:s12+$0x40] =	vst v1;
	v2 =	vor.u32 v0, v2;
	v3 =	vshll.u32 v3, $0x1  }
0xc5: {  	v1 =	vld [tilespmem:s10+$0x40];
	[tilespmem:s12+$0x50] =	vst v2;
	v3 =	vor.u32 v0, v3;
	v6 =	vshll.u32 v7, $0x1  }
0xc6: {  	v7 =	vshll.u32 v8, $0x1;
	v2 =	vld [tilespmem:s10+$0x50];
	[tilespmem:s12+$0x60] =	vst v3;
	v8 =	vor.u32 v0, v6  }
0xc7: {  	s9 =	sadd.s32 $0x200, s9;
	v6 =	vor.u32 v0, v7;
	v7 =	vshll.u32 v9, $0x1;
	v3 =	vld [tilespmem:s10+$0x60];
	[tilespmem:s12+$0x70] =	vst v8;
	s12 =	smov.u32 s10  }
0xc8: {  	[tilespmem:s12+$0x0] =	vst v6;
	v62 =	vor.u32 v0, v7;
	v5 =	vshll.u32 v5, $0x1;
	v63 =	vld [tilespmem:s12+$0x70]  }
0xc9: {  	[tilespmem:s12+$0x10] =	vst v62;
	v5 =	vor.u32 v0, v5;
	v4 =	vshll.u32 v4, $0x1  }
0xca: {  	[tilespmem:s12+$0x20] =	vst v5;
	v4 =	vor.u32 v0, v4;
	v1 =	vshll.u32 v1, $0x1  }
0xcb: {  	[tilespmem:s12+$0x30] =	vst v4;
	v1 =	vor.u32 v0, v1;
	v2 =	vshll.u32 v2, $0x1  }
0xcc: {  	[tilespmem:s12+$0x40] =	vst v1;
	v1 =	vor.u32 v0, v2;
	v2 =	vshll.u32 v3, $0x1  }
0xcd: {  	[tilespmem:s12+$0x50] =	vst v1;
	v1 =	vor.u32 v0, v2;
	v2 =	vshll.u32 v63, $0x1  }
0xce: {  	[tilespmem:s12+$0x60] =	vst v1;
	v1 =	vor.u32 v0, v2  }
0xcf: {  	[tilespmem:s12+$0x70] =	vst v1;
	s12 =	simm.s32 $0x0  }
0xd0: {  	[tilespmem:s24], [sflag:$0x1] =	stream.indirect.gather [hbm4b:s4+s28], $0x40, s12, s28, $0xb8;
	[tilespmem:$0x15040] =	vst v63  }
0xd1: {  	_ = 	snop  }
0xd2: {  	[tilespmem:s29], [sflag:$0x2] =	stream.indirect.gather [hbm4b:s4+s28], $0x40, s28, s28, $0xb8;
	[tilespmem:$0x15040] =	vst v63  }
0xd3: {  	_ =	swait.ge [sflag:s30], $0x2000  }
0xd4: {  	[sflag:s30] =	ssyncset.done $0x0  }
0xd5: {  	[sflag:s30] =	ssyncadd.s32 $0xFFFFE000  }
0xd6: {  	[spmem:s1] =	stream.indirect.scatter.add.f32 [tilespmem:s24], [sflag:$0x5], $0x40, s26, s28, $0xb8;
	[tilespmem:$0x15040] =	vst v63  }
0xd7: {  	_ = 	snop  }
0xd8: {  	[tilespmem:s0], [sflag:$0x3] =	stream.indirect.gather [hbm4b:s4+s28], $0x40, s2, s28, $0xb8;
	[tilespmem:$0x15040] =	vst v63  }
0xd9: {  	_ =	swait.ge [sflag:s3], $0x2000  }
0xda: {  	[sflag:s3] =	ssyncset.done $0x0  }
0xdb: {  	[sflag:s3] =	ssyncadd.s32 $0xFFFFE000  }
0xdc: {  	[spmem:s1] =	stream.indirect.scatter.add.f32 [tilespmem:s29], [sflag:$0x6], $0x40, s17, s28, $0xb8;
	[tilespmem:$0x15040] =	vst v63  }
0xdd: {  	_ = 	snop  }
0xde: {  	[tilespmem:s15], [sflag:$0x4] =	stream.indirect.gather [hbm4b:s4+s28], $0x40, s6, s28, $0xb8;
	[tilespmem:$0x15040] =	vst v63  }
0xdf: {  	_ =	swait.ge [sflag:s16], $0x2000  }
0xe0: {  	[sflag:s16] =	ssyncset.done $0x0  }
0xe1: {  	s9 =	simm.s32 $0x1B00;
	[sflag:s16] =	ssyncadd.s32 $0xFFFFE000  }
0xe2: {  	[spmem:s1] =	stream.indirect.scatter.add.f32 [tilespmem:s0], [sflag:$0x7], $0x40, s9, s28, $0xb8;
	[tilespmem:$0x15040] =	vst v63  }
0xe3: {  	_ =	swait.ge [sflag:s18], $0x2000  }
0xe4: {  	[sflag:s18] =	ssyncset.done $0x0  }
0xe5: {  	[sflag:s18] =	ssyncadd.s32 $0xFFFFE000  }
0xe6: {  	[tilespmem:s24], [sflag:$0x1] =	stream.indirect.gather [hbm4b:s4+s28], $0x40, s19, s28, $0xb8;
	[tilespmem:$0x15040] =	vst v63  }
0xe7: {  	_ =	swait.ge [sflag:s20], $0x2000  }
0xe8: {  	[sflag:s20] =	ssyncset.done $0x0  }
0xe9: {  	[sflag:s20] =	ssyncadd.s32 $0xFFFFE000  }
0xea: {  	[spmem:s1] =	stream.indirect.scatter.add.f32 [tilespmem:s15], [sflag:$0x8], $0x40, s21, s28, $0xb8;
	[tilespmem:$0x15040] =	vst v63  }
0xeb: {  	_ =	swait.ge [sflag:s22], $0x2000  }
0xec: {  	[sflag:s22] =	ssyncset.done $0x0  }
0xed: {  	[sflag:s22] =	ssyncadd.s32 $0xFFFFE000  }
0xee: {  	[tilespmem:s29], [sflag:$0x2] =	stream.indirect.gather [hbm4b:s4+s28], $0x40, s23, s28, $0xb8;
	[tilespmem:$0x15040] =	vst v63  }
.LBB2_5:
0xef: {  	_ =	swait.ge [sflag:s30], $0x2000  }
0xf0: {  	s9 =	sshra.s32 s12, $0x2;
	[sflag:s30] =	ssyncset.done $0x0  }
0xf1: {  	s10 =	sadd.s32 $0x1C00, s9;
	[sflag:s30] =	ssyncadd.s32 $0xFFFFE000  }
0xf2: {  	[spmem:s1] =	stream.indirect.scatter.add.f32 [tilespmem:s24], [sflag:$0x5], $0x40, s10, s28, $0xb8;
	[tilespmem:$0x15040] =	vst v63  }
0xf3: {  	_ =	swait.ge [sflag:s7], $0x2000  }
0xf4: {  	[sflag:s7] =	ssyncset.done $0x0  }
0xf5: {  	s31 =	sadd.s32 $0x300, s9;
	[sflag:s7] =	ssyncadd.s32 $0xFFFFE000  }
0xf6: {  	[tilespmem:s0], [sflag:$0x3] =	stream.indirect.gather [hbm4b:s4+s28], $0x40, s31, s28, $0xb8;
	[tilespmem:$0x15040] =	vst v63  }
0xf7: {  	_ =	swait.ge [sflag:s3], $0x2000  }
0xf8: {  	[sflag:s3] =	ssyncset.done $0x0  }
0xf9: {  	s31 =	sadd.s32 $0x1C80, s9;
	[sflag:s3] =	ssyncadd.s32 $0xFFFFE000  }
0xfa: {  	[spmem:s1] =	stream.indirect.scatter.add.f32 [tilespmem:s29], [sflag:$0x6], $0x40, s31, s28, $0xb8;
	[tilespmem:$0x15040] =	vst v63  }
0xfb: {  	_ =	swait.ge [sflag:s8], $0x2000  }
0xfc: {  	[sflag:s8] =	ssyncset.done $0x0  }
0xfd: {  	p2 =	seq.s32 s12, $0x5800;
	s31 =	sadd.s32 $0x380, s9;
	[sflag:s8] =	ssyncadd.s32 $0xFFFFE000  }
0xfe: {  	[tilespmem:s15], [sflag:$0x4] =	stream.indirect.gather [hbm4b:s4+s28], $0x40, s31, s28, $0xb8;
	[tilespmem:$0x15040] =	vst v63  }
.Ltmp5:
0xff: {  	_ = 	snop;
	(pc) =	sbr.rel @p2 .LBB2_7-.Ltmp5, $4  }
0x100: {  	_ =	swait.ge [sflag:s16], $0x2000  }
0x101: {  	[sflag:s16] =	ssyncset.done $0x0  }
0x102: {  	s10 =	sadd.s32 $0x1D80, s9;
	s31 =	sadd.s32 $0x1D00, s9;
	[sflag:s16] =	ssyncadd.s32 $0xFFFFE000  }
0x103: {  	[spmem:s1] =	stream.indirect.scatter.add.f32 [tilespmem:s0], [sflag:$0x7], $0x40, s31, s28, $0xb8;
	[tilespmem:$0x15040] =	vst v63  }
0x104: {  	_ =	swait.ge [sflag:s18], $0x2000  }
0x105: {  	[sflag:s18] =	ssyncset.done $0x0  }
0x106: {  	s31 =	sadd.s32 $0x400, s9;
	[sflag:s18] =	ssyncadd.s32 $0xFFFFE000  }
0x107: {  	[tilespmem:s24], [sflag:$0x1] =	stream.indirect.gather [hbm4b:s4+s28], $0x40, s31, s28, $0xb8;
	[tilespmem:$0x15040] =	vst v63  }
0x108: {  	_ =	swait.ge [sflag:s20], $0x2000  }
0x109: {  	[sflag:s20] =	ssyncset.done $0x0  }
0x10a: {  	[sflag:s20] =	ssyncadd.s32 $0xFFFFE000  }
0x10b: {  	[spmem:s1] =	stream.indirect.scatter.add.f32 [tilespmem:s15], [sflag:$0x8], $0x40, s10, s28, $0xb8;
	[tilespmem:$0x15040] =	vst v63  }
.Ltmp6:
0x10c: {  	_ = 	snop;
	(pc) =	sbr.rel .LBB2_5-.Ltmp6, $4  }
0x10d: {  	_ =	swait.ge [sflag:s22], $0x2000  }
0x10e: {  	[sflag:s22] =	ssyncset.done $0x0  }
0x10f: {  	s12 =	sadd.s32 $0x800, s12;
	s31 =	sadd.s32 $0x480, s9;
	[sflag:s22] =	ssyncadd.s32 $0xFFFFE000  }
0x110: {  	[tilespmem:s29], [sflag:$0x2] =	stream.indirect.gather [hbm4b:s4+s28], $0x40, s31, s28, $0xb8;
	[tilespmem:$0x15040] =	vst v63  }
.LBB2_9:
0x111: {  	_ =	sfence.sel $0x180000  }
0x112: {  	[bflag:$0x0] =	sbarrier.arrive $0xFFFF  }
0x113: {  	_ =	strace $0x9000004D  }
0x114: {  	s0 =	stileid.u32;
	[bflag:$0x2] =	sbarrier.arrive $0xFFFF  }
0x115: {  	p0 =	sne.s32 s0, $0x0;
	s0 =	rddreg [dreg:$0x2]  }
0x116: {  	s0 =	sadd.s32 @!p0 $0x100000, s0  }
0x117: {  	[sflag:s0] =	ssyncadd.tile.s32 @!p0 $0x1;
	_ =	shalt  }
.Lfunc_end2:
_tile_overlayer_lowered:
.L_overlay_start_2:
0x118: {  	(tag) =	ssettag $0x2  }
0x119: {  	s0 =	rddreg [dreg:$0x0];
	s2 =	stileid.u32  }
0x11a: {  	s1 =	rddreg [dreg:$0x1];
	p0 =	sne.s32 s2, $0x0  }
0x11b: {  	s3 =	rddreg [dreg:$0x2];
	[bflag:$0x3] =	sbarrier.arrive $0xFFFF;
	s2 =	simm.s32 @!p0 $0x1C09  }
0x11c: {  	[timem:s3], [sflag:s2] =	dma.local @!p0 [hbm:s0], s1  }
0x11d: {  	s0 =	simm.s32 @!p0 $0x9  }
0x11e: {  	_ =	swait.ge @!p0 [sflag:s0], s1  }
0x11f: {  	s1 =	ssub.s32 @!p0 $0x0, s1;
	[sflag:s0] =	ssyncset.done @!p0 $0x0  }
0x120: {  	[sflag:s0] =	ssyncadd.s32 @!p0 s1  }
0x121: {  	[bflag:$0x3] =	sbarrier.arrive $0xFFFF  }
0x122: {  	_ =	shalt  }

// kernel: kernel.8.cloned.1.call-start
scs
__scs_entry_jumppad:
0x0: {  	(pc) =	sbr.rel $0x88, $3  }
0x1: {  	(tag) =	ssettag $0x0;
	lr =	simm.s32 $0x1  }
0x2: {  	[smem:$0x3F95] =	sst lr;
	_ =	strace $0xD0000000  }
0x3: {  	_ = 	snop  }
0x4: {  	_ = 	snop  }
0x5: {  	_ = 	snop  }
0x6: {  	_ = 	snop  }
0x7: {  	_ = 	snop  }
__scs_overlays_trampoline_lowered:
0x8: {  	[smem:$0x3FA4] =	sst s0  }
0x9: {  	[smem:$0x3FA5] =	sst s1  }
0xa: {  	[smem:$0x3FA6] =	sst s2  }
0xb: {  	[smem:$0x3FA7] =	sst s3  }
0xc: {  	[smem:$0x3FA8] =	sst s4  }
0xd: {  	[smem:$0x3FA9] =	sst s5  }
0xe: {  	[smem:$0x3FAA] =	sst s6  }
0xf: {  	[smem:$0x3FAB] =	sst s7  }
0x10: {  	[smem:$0x3FAC] =	sst s8  }
0x11: {  	[smem:$0x3FAD] =	sst s9;
	s0 =	simm.s32 @!p0 $0x0  }
0x12: {  	s1 =	sld [smem:$0x3F93];
	s0 =	simm.s32 @p0 $0x1  }
0x13: {  	[smem:$0x3FAE] =	sst s0;
	s0 =	simm.s32 @!p1 $0x0  }
0x14: {  	s2 =	sld [smem:$0x3F92];
	s0 =	simm.s32 @p1 $0x1  }
0x15: {  	[smem:$0x3FAF] =	sst s0;
	s0 =	simm.s32 @!p2 $0x0  }
0x16: {  	s3 =	sld [smem:$0x3FDB];
	s0 =	simm.s32 @p2 $0x1  }
0x17: {  	s4 =	simm.s32 $0x1BF5;
	[smem:$0x3FB1] =	sst s0  }
0x18: {  	s0 =	sld [smem:$0x3F94];
	_ =	swait.ge [sflag:s4], $0x0  }
0x19: {  	s7 =	sld [smem:$0x3F95]  }
0x1a: {  	s8 =	sadd.s32 $0xFFFFE003, lr  }
0x1b: {  	s9 =	sadd.s32 $0xFFFFFEF7, lr;
	s5 =	simm.s32 $0xFFFFFFFF;
	p2 =	slt.u32 s8, $0xFFFFF086  }
0x1c: {  	p1 =	slt.u32 s9, $0xF7A;
	s5 =	simm.s32 @!p2 $0x0  }
0x1d: {  	s5 =	simm.s32 @p1 $0x1;
	p0 =	seq.s32 s7, s2  }
0x1e: {  	s7 =	smul.u32 @!p0 $0xF7A, s2;
	p2 =	seq.s32 @!p0 s5, $0x0  }
0x1f: {  	s9 =	smul.u32 $0xF7A, s1;
	s8 =	simm.s32 @!p0 $0x1BF5;
	p2 =	por !p2, p0  }
0x20: {  	[sflag:s8] =	ssyncset.s32 @!p0 $0xFFFFF086;
	s6 =	sadd.s32 @!p0 s3, s7;
	s7 =	simm.s32 @!p0 $0x108  }
0x21: {  	s3 =	sadd.s32 s3, s9;
	s6 =	sadd.s32 @!p0 $0x88, s6;
	s7 =	simm.s32 @p2 $0x1082  }
0x22: {  	[simem:s7], [sflag:s8] =	dma.local @!p0 [hbm:s6], $0xF7A  }
0x23: {  	s9 =	sor.u32 $0xD0000000, s2;
	s6 =	simm.s32 $0x108;
	_ =	swait.ge @!p0 [sflag:s8], $0x0  }
0x24: {  	s3 =	sadd.s32 $0x88, s3;
	s6 =	simm.s32 @!p1 $0x1082;
	[sflag:s4] =	ssyncset.s32 $0xFFFFF086  }
0x25: {  	[simem:s6], [sflag:s4] =	dma.local [hbm:s3], $0xF7A  }
0x26: {  	[smem:$0x3F95] =	sst s1;
	(tag) =	ssettag s2;
	_ =	strace s9  }
0x27: {  	s1 =	sld [smem:$0x3FA5]  }
0x28: {  	s2 =	sld [smem:$0x3FA6]  }
0x29: {  	s4 =	sld [smem:$0x3FA8]  }
0x2a: {  	p0 =	seq.s32 s5, $0x0;
	s5 =	sld [smem:$0x3FA9]  }
0x2b: {  	s6 =	sld [smem:$0x3FAA]  }
0x2c: {  	s7 =	sld [smem:$0x3FAB]  }
0x2d: {  	s3 =	simm.s32 $0x108;
	s8 =	sld [smem:$0x3FAC]  }
0x2e: {  	s3 =	simm.s32 @!p0 $0x1082;
	s9 =	sld [smem:$0x3FAD]  }
0x2f: {  	lr =	sadd.s32 s0, s3;
	s0 =	sld [smem:$0x3FA4]  }
0x30: {  	s3 =	sld [smem:$0x3FA7]  }
0x31: {  	[smem:$0x3FB0] =	sst s10  }
0x32: {  	s10 =	sld [smem:$0x3FAE];
	_ =	sdelay $0x3  }
0x33: {  	p0 =	seq.s32 s10, $0x1;
	s10 =	sld [smem:$0x3FB0];
	_ =	sdelay $0x3  }
0x34: {  	[smem:$0x3FB0] =	sst s10  }
0x35: {  	s10 =	sld [smem:$0x3FAF];
	_ =	sdelay $0x3  }
0x36: {  	p1 =	seq.s32 s10, $0x1;
	s10 =	sld [smem:$0x3FB0];
	_ =	sdelay $0x3  }
0x37: {  	[smem:$0x3FB0] =	sst s10  }
0x38: {  	s10 =	sld [smem:$0x3FB1]  }
0x39: {  	_ = 	snop;
	(pc) =	sbr.ind lr, $3  }
0x3a: {  	_ = 	snop  }
0x3b: {  	_ = 	snop  }
0x3c: {  	p2 =	seq.s32 s10, $0x1;
	s10 =	sld [smem:$0x3FB0]  }
0x3d: {  	_ =	shalt  }
0x3e: {  	_ =	shalt  }
0x3f: {  	_ =	shalt  }
0x40: {  	_ =	shalt  }
0x41: {  	_ =	shalt  }
0x42: {  	_ =	shalt  }
0x43: {  	_ =	shalt  }
0x44: {  	_ =	shalt  }
0x45: {  	_ =	shalt  }
0x46: {  	_ =	shalt  }
0x47: {  	_ =	shalt  }
0x48: {  	_ =	shalt  }
0x49: {  	_ =	shalt  }
0x4a: {  	_ =	shalt  }
0x4b: {  	_ =	shalt  }
0x4c: {  	_ =	shalt  }
0x4d: {  	_ =	shalt  }
0x4e: {  	_ =	shalt  }
0x4f: {  	_ =	shalt  }
0x50: {  	_ =	shalt  }
0x51: {  	_ =	shalt  }
0x52: {  	_ =	shalt  }
0x53: {  	_ =	shalt  }
0x54: {  	_ =	shalt  }
0x55: {  	_ =	shalt  }
0x56: {  	_ =	shalt  }
0x57: {  	_ =	shalt  }
0x58: {  	_ =	shalt  }
0x59: {  	_ =	shalt  }
0x5a: {  	_ =	shalt  }
0x5b: {  	_ =	shalt  }
0x5c: {  	_ =	shalt  }
0x5d: {  	_ =	shalt  }
0x5e: {  	_ =	shalt  }
0x5f: {  	_ =	shalt  }
0x60: {  	_ =	shalt  }
0x61: {  	_ =	shalt  }
0x62: {  	_ =	shalt  }
0x63: {  	_ =	shalt  }
0x64: {  	_ =	shalt  }
0x65: {  	_ =	shalt  }
0x66: {  	_ =	shalt  }
0x67: {  	_ =	shalt  }
0x68: {  	_ =	shalt  }
0x69: {  	_ =	shalt  }
0x6a: {  	_ =	shalt  }
0x6b: {  	_ =	shalt  }
0x6c: {  	_ =	shalt  }
0x6d: {  	_ =	shalt  }
0x6e: {  	_ =	shalt  }
0x6f: {  	_ =	shalt  }
0x70: {  	_ =	shalt  }
0x71: {  	_ =	shalt  }
0x72: {  	_ =	shalt  }
0x73: {  	_ =	shalt  }
0x74: {  	_ =	shalt  }
0x75: {  	_ =	shalt  }
0x76: {  	_ =	shalt  }
0x77: {  	_ =	shalt  }
0x78: {  	_ =	shalt  }
0x79: {  	_ =	shalt  }
0x7a: {  	_ =	shalt  }
0x7b: {  	_ =	shalt  }
0x7c: {  	_ =	shalt  }
0x7d: {  	_ =	shalt  }
0x7e: {  	_ =	shalt  }
0x7f: {  	_ =	shalt  }
0x80: {  	_ =	shalt  }
0x81: {  	_ =	shalt  }
0x82: {  	_ =	shalt  }
0x83: {  	_ =	shalt  }
0x84: {  	_ =	shalt  }
0x85: {  	_ =	shalt  }
0x86: {  	_ =	shalt  }
0x87: {  	_ =	shalt  }
.Lfunc_end0:
.L_simem_size_0:
called_computation_lowered:
.L_overlay_start_0:
0x88: {  	s2 =	sld [smem:$0x3FD9]  }
0x89: {  	s3 =	sld [smem:$0x3FFE];
	_ =	sdelay $0x1  }
0x8a: {  	s1 =	srdreg.scid  }
0x8b: {  	s0 =	sand.u32 $0x1, s1  }
0x8c: {  	s17 =	sshll.u32 s0, $0xA;
	s2 =	sadd.s32 s3, s2  }
0x8d: {  	s2 =	sadd.s32 s2, s17  }
0x8e: {  	[smem:$0x3FBC] =	sst s2  }
0x8f: {  	_ = 	snop  }
0x90: {  	s2 =	sld [smem:$0x3FD0];
	(tm) =	ssettm $0x1  }
0x91: {  	s18 =	sld [smem:$0x3FFB];
	_ =	sdelay $0x3  }
0x92: {  	_ =	strace s18  }
0x93: {  	s3 =	sld [smem:$0x3FFC];
	_ =	sdelay $0x3  }
0x94: {  	_ =	strace s3  }
0x95: {  	s3 =	sld [smem:$0x3FFD];
	_ =	sdelay $0x3  }
0x96: {  	_ =	strace s3  }
0x97: {  	_ =	strace $0x8FFFFFFF  }
0x98: {  	s19 =	sld [smem:$0x3FDB];
	_ =	sdelay $0x1  }
0x99: {  	s4 =	simm.s32 $_scs_section_size  }
0x9a: {  	s5 =	simm.s32 $_size__tile_overlayer_lowered;
	s6 =	simm.s32 $_tile_overlayer_lowered  }
0x9b: {  	s22 =	simm.s32 $0x1BFF;
	s21 =	sshll.u32 s6, $0x1;
	s3 =	sadd.s32 s4, s19  }
0x9c: {  	s7 =	simm.s32 $0x0;
	s20 =	sshll.u32 s5, $0x1;
	s5 =	sadd.s32 s21, s3  }
0x9d: {  	[timem:s7], [sflag:s22] =	dma.local [hbm:s5], s20  }
0x9e: {  	_ =	swait.ge [sflag:s22], s20  }
0x9f: {  	s4 =	ssub.s32 $0x0, s20;
	[sflag:s22] =	ssyncset.done $0x0  }
0xa0: {  	[sflag:s22] =	ssyncadd.s32 s4;
	_ =	sdelay $0x1  }
0xa1: {  	s23 =	simm.s32 $0x1B8B  }
0xa2: {  	_ =	swait.ge [sflag:s23], $0x1  }
0xa3: {  	[sflag:s23] =	ssyncset.done $0x0  }
0xa4: {  	s25 =	simm.s32 $0x1B8E;
	s24 =	sld [smem:$0x3FFE];
	[sflag:s23] =	ssyncadd.s32 $0xFFFFFFFF  }
0xa5: {  	s26 =	simm.s32 $execute0_lowered;
	[smem:$0x3FD2] =	sst s25  }
0xa6: {  	s5 =	sshll.u32 s26, $0x1;
	_ =	strace $0x80000046;
	[dreg:$0x1] =	wrdreg $0xFFFFFFFF  }
0xa7: {  	s28 =	simm.s32 $_size_execute0_lowered;
	s3 =	sadd.s32 s3, s5;
	[dreg:$0x0] =	wrdreg $0x0  }
0xa8: {  	s5 =	sshll.u32 s28, $0x1;
	[dreg:$0x2] =	wrdreg s3  }
0xa9: {  	[dreg:$0x3] =	wrdreg s5  }
0xaa: {  	[dreg:$0x4] =	wrdreg $0xC0  }
0xab: {  	_ =	task [dreg:s7], $0x5FFFF  }
0xac: {  	[dreg:$0x1] =	wrdreg $0xFFFFFFFF  }
0xad: {  	[dreg:$0x0] =	wrdreg $0x60  }
0xae: {  	[dreg:$0x2] =	wrdreg s24  }
0xaf: {  	[dreg:$0x3] =	wrdreg s2  }
0xb0: {  	[dreg:$0x4] =	wrdreg $0x50F00  }
0xb1: {  	[dreg:$0x5] =	wrdreg $0x53680  }
0xb2: {  	[dreg:$0x6] =	wrdreg $0x9  }
0xb3: {  	_ =	task.clear_ibuf [dreg:s7], $0x7FFFF;
	_ =	strace $0x90000046  }
0xb4: {  	s29 =	simm.s32 $0x9;
	_ =	strace $0x80000048  }
0xb5: {  	_ =	swait.ge [sflag:s29], $0x1  }
0xb6: {  	[sflag:s29] =	ssyncadd.s32 $0xFFFFFFFF  }
0xb7: {  	_ =	strace $0x90000048  }
0xb8: {  	_ =	sfence  }
0xb9: {  	s30 =	sld [smem:$0x0];
	_ =	sdelay $0x2  }
0xba: {  	s31 =	sshll.u32 s1, $0xD;
	s1 =	sshrl.u32 s1, $0x2  }
0xbb: {  	s3 =	sand.u32 $0x4000, s31;
	s1 =	sadd.s32 s1, s30  }
0xbc: {  	s0 =	sor.u32 s3, s0;
	s1 =	sshll.u32 s1, $0x11  }
0xbd: {  	s0 =	sor.u32 s1, s0  }
0xbe: {  	s0 =	sadd.s32 $0x8F2B, s0  }
0xbf: {  	[sflag:s0] =	ssyncadd.remote.s32 $0x1  }
0xc0: {  	_ =	sfence.sel $0xFFFF  }
0xc1: {  	[dreg:$0x0] =	wrdreg $0xFFFFFFFF;
	(pc) =	sbr.abs _section_cstart, $3  }
0xc2: {  	[dreg:$0x1] =	wrdreg $0xFFFFFFFF  }
0xc3: {  	_ =	task.clear_ibuf [dreg:s7], $0x2FFFF;
	_ =	strace $0x9FFFFFFF  }
0xc4: {  	(tm) =	ssettm $0x7FFFFFFF  }
0xc5: {  	_ =	shalt  }
tec
execute0_lowered:
.L_overlay_start_1:
0x0: {  	(tag) =	ssettag $0x1  }
0x1: {  	s7 =	rddreg [dreg:$0x0]  }
0x2: {  	s1 =	rddreg [dreg:$0x1]  }
0x3: {  	s2 =	rddreg [dreg:$0x2]  }
0x4: {  	s3 =	rddreg [dreg:$0x3]  }
0x5: {  	s4 =	srdreg.scid;
	s0 =	rddreg [dreg:$0x4];
	s5 =	simm.s32 $0x0  }
0x6: {  	s21 =	simm.s32 $0x2700;
	s22 =	simm.s32 $0x4E80;
	s23 =	simm.s32 $0x4E00  }
0x7: {  	s24 =	simm.s32 $0x80;
	s10 =	sand.u32 $0x1, s4;
	[smem:$0x7FF] =	sst s5  }
0x8: {  	s4 =	stileid.u32;
	s13 =	sadd.s32 $0x2400, s7;
	s16 =	sadd.s32 $0x16000, s7  }
0x9: {  	s12 =	sadd.s32 $0x2700, s3;
	s6 =	sshll.u32 s10, $0x4;
	s14 =	smul.u32 $0x270, s4  }
0xa: {  	_ =	strace $0x80000047;
	s30 =	ssub.s32 $0x2, s10;
	s15 =	smul.u32 $0x4E20, s10  }
0xb: {  	s17 =	sshll.u32 s4, $0x4;
	p0 =	sne.s32 s4, $0xF;
	s25 =	sor.u32 s4, s6  }
0xc: {  	s6 =	sadd.s32 $0x15E00, s7;
	s11 =	sshrl.u32 s30, $0x1;
	s8 =	smul.u32 $0x2700, s25  }
0xd: {  	s17 =	sadd.s32 s17, s13;
	s9 =	smul.u32 $0x4E0, s25;
	s19 =	ssub.s32 s30, s11  }
0xe: {  	s10 =	sadd.s32 s14, s3;
	s11 =	sadd.s32 $0x2700, s2;
	s20 =	sshrl.u32 s15, $0x3  }
0xf: {  	p1 =	sgt.u32 s25, $0x3;
	s25 =	simm.s32 $0x0;
	s31 =	sadd.s32 s16, s20  }
0x10: {  	s19 =	smax.u32 s19, $0x1;
	s20 =	simm.s32 $0x1;
	s8 =	sshrl.u32 s8, $0x3  }
0x11: {  	s7 =	sadd.s32 s13, s9;
	s9 =	sadd.s32 s14, s2;
	s14 =	sadd.s32 s14, s15  }
0x12: {  	s8 =	sadd.s32 s13, s8;
	s13 =	sadd.s32 $0x9C00, s17;
	s18 =	sshrl.u32 s14, $0x3  }
0x13: {  	s14 =	sadd.s32 $0x13840, s17;
	s17 =	sadd.s32 $0x4E0, s31;
	s15 =	sadd.s32 s16, s18  }
0x14: {  	s8 =	sadd.s32 $0x9C40, s8;
	s18 =	sadd.s32 $0x9C2, s31;
	s16 =	sadd.s32 $0x4E2, s15  }
.LBB2_1:
0x15: {  	[tilespmem:s5], [sflag:$0x1] =	stream.linear.gather [hbm4b:s7+s5], $0x2700, $0x38;
	[tilespmem:$0x55E0] =	vst v63  }
0x16: {  	_ =	swait.ge [sflag:s20], $0x2700  }
0x17: {  	[sflag:s20] =	ssyncset.done $0x0  }
0x18: {  	[sflag:s20] =	ssyncadd.s32 $0xFFFFD900  }
0x19: {  	[tilespmem:s21], [sflag:$0x1] =	stream.linear.gather [hbm4b:s8+s5], $0x2700, $0x38;
	[tilespmem:$0x55E0] =	vst v63  }
0x1a: {  	_ =	swait.ge [sflag:s20], $0x2700  }
0x1b: {  	[sflag:s20] =	ssyncset.done $0x0  }
0x1c: {  	[sflag:s20] =	ssyncadd.s32 $0xFFFFD900  }
0x1d: {  	[tilespmem:s22], [sflag:$0x1] =	stream.linear.gather [hbm4b:s6+s5], $0x270, $0x38;
	[tilespmem:$0x55E0] =	vst v63  }
0x1e: {  	_ =	swait.ge [sflag:s20], $0x270  }
0x1f: {  	[sflag:s20] =	ssyncset.done $0x0  }
0x20: {  	[sflag:s20] =	ssyncadd.s32 $0xFFFFFD90  }
0x21: {  	[spmem:s9] =	stream.linear.scatter [tilespmem:s22], [sflag:$0x1], $0x270, $0x38;
	[tilespmem:$0x55E0] =	vst v63  }
0x22: {  	_ =	swait.ge [sflag:s20], $0x270  }
0x23: {  	[sflag:s20] =	ssyncset.done $0x0  }
0x24: {  	[sflag:s20] =	ssyncadd.s32 $0xFFFFFD90  }
0x25: {  	[spmem:s10] =	stream.linear.scatter [tilespmem:s22], [sflag:$0x1], $0x270, $0x38;
	[tilespmem:$0x55E0] =	vst v63  }
0x26: {  	_ =	swait.ge [sflag:s20], $0x270  }
0x27: {  	[sflag:s20] =	ssyncset.done $0x0  }
0x28: {  	s26 =	simm.s32 @!p0 $0x4E80;
	s28 =	simm.s32 @!p0 $0x1;
	[sflag:s20] =	ssyncadd.s32 $0xFFFFFD90  }
0x29: {  	[spmem:s11] =	stream.linear.scatter @!p0 [tilespmem:s26], [sflag:$0x1], $0x10, $0x38;
	[tilespmem:$0x55E0] =	vst v63  }
0x2a: {  	_ =	swait.ge @!p0 [sflag:s28], $0x10  }
0x2b: {  	[sflag:s28] =	ssyncset.done @!p0 $0x0  }
0x2c: {  	[sflag:s28] =	ssyncadd.s32 @!p0 $0xFFFFFFF0  }
0x2d: {  	[spmem:s12] =	stream.linear.scatter @!p0 [tilespmem:s26], [sflag:$0x1], $0x10, $0x38;
	[tilespmem:$0x55E0] =	vst v63  }
0x2e: {  	_ =	swait.ge @!p0 [sflag:s28], $0x10  }
0x2f: {  	[sflag:s28] =	ssyncset.done @!p0 $0x0  }
0x30: {  	[sflag:s28] =	ssyncadd.s32 @!p0 $0xFFFFFFF0  }
0x31: {  	[tilespmem:s23], [sflag:$0x1] =	stream.linear.gather [hbm4b:s1+s5], $0x80, $0x38;
	[tilespmem:$0x55E0] =	vst v63  }
0x32: {  	_ =	swait.ge [sflag:s20], $0x80  }
0x33: {  	[sflag:s20] =	ssyncset.done $0x0  }
0x34: {  	[sflag:s20] =	ssyncadd.s32 $0xFFFFFF80  }
0x35: {  	s30 =	simm.s32 $0x0;
	[bflag:$0x0] =	sbarrier.arrive $0xFFFF  }
0x36: {  	[spmem:s2] =	stream.indirect.scatter.add.f32 [tilespmem:s23], [sflag:$0x1], $0x1, s30, s24, $0xb8;
	[tilespmem:$0x55E0] =	vst v63  }
0x37: {  	_ =	swait.ge [sflag:s20], $0x80  }
0x38: {  	[sflag:s20] =	ssyncset.done $0x0  }
0x39: {  	s31 =	simm.s32 $0x2700;
	[sflag:s20] =	ssyncadd.s32 $0xFFFFFF80  }
0x3a: {  	[spmem:s3] =	stream.indirect.scatter.add.f32 [tilespmem:s23], [sflag:$0x1], $0x1, s31, s24, $0xb8;
	[tilespmem:$0x55E0] =	vst v63  }
0x3b: {  	_ =	swait.ge [sflag:s20], $0x80  }
0x3c: {  	s26 =	simm.s32 $0x200;
	s28 =	simm.s32 $0x400;
	[sflag:s20] =	ssyncset.done $0x0  }
.LBB2_2:
0x3d: {  	s29 =	sshra.s32 s26, $0x2  }
0x3e: {  	[sflag:s20] =	ssyncadd.s32 $0xFFFFFF80;
	s26 =	smov.u32 s28;
	s30 =	sadd.s32 $0x200, s28  }
0x3f: {  	[spmem:s2] =	stream.indirect.scatter.add.f32 [tilespmem:s23], [sflag:$0x1], $0x1, s29, s24, $0xb8;
	[tilespmem:$0x55E0] =	vst v63  }
0x40: {  	p2 =	sne.s32 s28, $0x9A00;
	_ =	swait.ge [sflag:s20], $0x80  }
.Ltmp0:
0x41: {  	[sflag:s20] =	ssyncset.done $0x0;
	(pc) =	sbr.rel @p2 .LBB2_2-.Ltmp0, $4  }
0x42: {  	s28 =	sadd.s32 $0x2700, s29;
	[sflag:s20] =	ssyncadd.s32 $0xFFFFFF80  }
0x43: {  	[spmem:s3] =	stream.indirect.scatter.add.f32 [tilespmem:s23], [sflag:$0x1], $0x1, s28, s24, $0xb8;
	[tilespmem:$0x55E0] =	vst v63  }
0x44: {  	_ =	swait.ge [sflag:s20], $0x80  }
0x45: {  	s28 =	smov.u32 s30;
	[sflag:s20] =	ssyncset.done $0x0  }
0x46: {  	s26 =	sshra.s32 s26, $0x2;
	[sflag:s20] =	ssyncadd.s32 $0xFFFFFF80  }
0x47: {  	[spmem:s2] =	stream.indirect.scatter.add.f32 [tilespmem:s23], [sflag:$0x1], $0x1, s26, s24, $0xb8;
	[tilespmem:$0x55E0] =	vst v63  }
0x48: {  	_ =	swait.ge [sflag:s20], $0x80  }
0x49: {  	[sflag:s20] =	ssyncset.done $0x0  }
0x4a: {  	s26 =	sadd.s32 $0x2700, s26;
	[sflag:s20] =	ssyncadd.s32 $0xFFFFFF80  }
0x4b: {  	[spmem:s3] =	stream.indirect.scatter.add.f32 [tilespmem:s23], [sflag:$0x1], $0x1, s26, s24, $0xb8;
	[tilespmem:$0x55E0] =	vst v63  }
0x4c: {  	_ =	swait.ge [sflag:s20], $0x80  }
0x4d: {  	[sflag:s20] =	ssyncset.done $0x0  }
0x4e: {  	s28 =	simm.s32 @!p1 $0x1;
	s26 =	simm.s32 @!p1 $0x0;
	[sflag:s20] =	ssyncadd.s32 $0xFFFFFF80  }
0x4f: {  	[tilespmem:s26], [sflag:$0x1] =	stream.linear.gather @!p1 [hbm4b:s13+s26], $0x80, $0x38;
	[tilespmem:$0x55E0] =	vst v63  }
0x50: {  	_ =	swait.ge @!p1 [sflag:s28], $0x80  }
0x51: {  	[sflag:s28] =	ssyncset.done @!p1 $0x0  }
0x52: {  	s29 =	simm.s32 @!p1 $0x2700;
	[sflag:s28] =	ssyncadd.s32 @!p1 $0xFFFFFF80  }
0x53: {  	[tilespmem:s29], [sflag:$0x1] =	stream.linear.gather @!p1 [hbm4b:s14+s26], $0x80, $0x38;
	[tilespmem:$0x55E0] =	vst v63  }
0x54: {  	_ =	swait.ge @!p1 [sflag:s28], $0x80  }
0x55: {  	[sflag:s28] =	ssyncset.done @!p1 $0x0  }
0x56: {  	s30 =	simm.s32 @!p1 $0x80;
	s31 =	simm.s32 @!p1 $0x4E00;
	[sflag:s28] =	ssyncadd.s32 @!p1 $0xFFFFFF80  }
0x57: {  	[spmem:s2] =	stream.indirect.scatter.add.f32 @!p1 [tilespmem:s31], [sflag:$0x1], $0x1, s26, s30, $0xb8;
	[tilespmem:$0x55E0] =	vst v63  }
0x58: {  	_ =	swait.ge @!p1 [sflag:s28], $0x80  }
0x59: {  	[sflag:s28] =	ssyncset.done @!p1 $0x0  }
0x5a: {  	[sflag:s28] =	ssyncadd.s32 @!p1 $0xFFFFFF80  }
0x5b: {  	[spmem:s3] =	stream.indirect.scatter.add.f32 @!p1 [tilespmem:s31], [sflag:$0x1], $0x1, s29, s30, $0xb8;
	[tilespmem:$0x55E0] =	vst v63  }
0x5c: {  	_ =	swait.ge @!p1 [sflag:s28], $0x80  }
0x5d: {  	[sflag:s28] =	ssyncset.done @!p1 $0x0  }
0x5e: {  	[sflag:s28] =	ssyncadd.s32 @!p1 $0xFFFFFF80  }
0x5f: {  	[bflag:$0x0] =	sbarrier.arrive $0xFFFF  }
0x60: {  	[tilespmem:s22], [sflag:$0x1] =	stream.linear.gather [spmem:s9], $0x270, $0x38;
	[tilespmem:$0x55E0] =	vst v63  }
0x61: {  	_ =	swait.ge [sflag:s20], $0x270  }
0x62: {  	[sflag:s20] =	ssyncset.done $0x0  }
0x63: {  	[sflag:s20] =	ssyncadd.s32 $0xFFFFFD90  }
0x64: {  	[hbm4b:s15+s5] =	stream.linear.scatter [tilespmem:s22], [sflag:$0x1], $0x270, $0x38;
	[tilespmem:$0x55E0] =	vst v63  }
0x65: {  	_ =	swait.ge [sflag:s20], $0x270  }
0x66: {  	[sflag:s20] =	ssyncset.done $0x0  }
0x67: {  	[sflag:s20] =	ssyncadd.s32 $0xFFFFFD90  }
0x68: {  	[tilespmem:s22], [sflag:$0x1] =	stream.linear.gather [spmem:s10], $0x270, $0x38;
	[tilespmem:$0x55E0] =	vst v63  }
0x69: {  	_ =	swait.ge [sflag:s20], $0x270  }
0x6a: {  	[sflag:s20] =	ssyncset.done $0x0  }
0x6b: {  	[sflag:s20] =	ssyncadd.s32 $0xFFFFFD90  }
0x6c: {  	[hbm4b:s16+s5] =	stream.linear.scatter [tilespmem:s22], [sflag:$0x1], $0x270, $0x38;
	[tilespmem:$0x55E0] =	vst v63  }
0x6d: {  	_ =	swait.ge [sflag:s20], $0x270  }
0x6e: {  	[sflag:s20] =	ssyncset.done $0x0  }
0x6f: {  	s26 =	simm.s32 @!p0 $0x4E80;
	s28 =	simm.s32 @!p0 $0x1;
	[sflag:s20] =	ssyncadd.s32 $0xFFFFFD90  }
0x70: {  	[tilespmem:s26], [sflag:$0x1] =	stream.linear.gather @!p0 [spmem:s11], $0x10, $0x38;
	[tilespmem:$0x55E0] =	vst v63  }
0x71: {  	_ =	swait.ge @!p0 [sflag:s28], $0x10  }
0x72: {  	[sflag:s28] =	ssyncset.done @!p0 $0x0  }
0x73: {  	s29 =	simm.s32 @!p0 $0x0;
	[sflag:s28] =	ssyncadd.s32 @!p0 $0xFFFFFFF0  }
0x74: {  	[hbm4b:s17+s29] =	stream.linear.scatter @!p0 [tilespmem:s26], [sflag:$0x1], $0x10, $0x38;
	[tilespmem:$0x55E0] =	vst v63  }
0x75: {  	_ =	swait.ge @!p0 [sflag:s28], $0x10  }
0x76: {  	[sflag:s28] =	ssyncset.done @!p0 $0x0  }
0x77: {  	[sflag:s28] =	ssyncadd.s32 @!p0 $0xFFFFFFF0  }
0x78: {  	[tilespmem:s26], [sflag:$0x1] =	stream.linear.gather @!p0 [spmem:s12], $0x10, $0x38;
	[tilespmem:$0x55E0] =	vst v63  }
0x79: {  	s25 =	sadd.s32 $0x1, s25;
	_ =	swait.ge @!p0 [sflag:s28], $0x10  }
0x7a: {  	p2 =	sne.s32 s25, s19;
	[sflag:s28] =	ssyncset.done @!p0 $0x0  }
.Ltmp1:
0x7b: {  	[sflag:s28] =	ssyncadd.s32 @!p0 $0xFFFFFFF0;
	(pc) =	sbr.rel @p2 .LBB2_1-.Ltmp1, $4  }
0x7c: {  	[hbm4b:s18+s29] =	stream.linear.scatter @!p0 [tilespmem:s26], [sflag:$0x1], $0x10, $0x38;
	[tilespmem:$0x55E0] =	vst v63  }
0x7d: {  	_ =	swait.ge @!p0 [sflag:s28], $0x10  }
0x7e: {  	[sflag:s28] =	ssyncset.done @!p0 $0x0  }
0x7f: {  	[sflag:s28] =	ssyncadd.s32 @!p0 $0xFFFFFFF0  }
0x80: {  	_ =	sfence.sel $0x180000  }
0x81: {  	[bflag:$0x0] =	sbarrier.arrive $0xFFFF  }
0x82: {  	p0 =	sne.s32 s4, $0x0;
	_ =	strace $0x90000047  }
0x83: {  	s0 =	sadd.s32 @!p0 $0x100000, s0;
	[bflag:$0x2] =	sbarrier.arrive $0xFFFF  }
0x84: {  	[sflag:s0] =	ssyncadd.tile.s32 @!p0 $0x1;
	_ =	shalt  }
.Lfunc_end2:
_tile_overlayer_lowered:
.L_overlay_start_2:
0x85: {  	(tag) =	ssettag $0x2  }
0x86: {  	s0 =	rddreg [dreg:$0x0];
	s2 =	stileid.u32  }
0x87: {  	s1 =	rddreg [dreg:$0x1];
	p0 =	sne.s32 s2, $0x0  }
0x88: {  	s3 =	rddreg [dreg:$0x2];
	[bflag:$0x3] =	sbarrier.arrive $0xFFFF;
	s2 =	simm.s32 @!p0 $0x1C01  }
0x89: {  	[timem:s3], [sflag:s2] =	dma.local @!p0 [hbm:s0], s1  }
0x8a: {  	s0 =	simm.s32 @!p0 $0x1  }
0x8b: {  	_ =	swait.ge @!p0 [sflag:s0], s1  }
0x8c: {  	s1 =	ssub.s32 @!p0 $0x0, s1;
	[sflag:s0] =	ssyncset.done @!p0 $0x0  }
0x8d: {  	[sflag:s0] =	ssyncadd.s32 @!p0 s1  }
0x8e: {  	[bflag:$0x3] =	sbarrier.arrive $0xFFFF  }
0x8f: {  	_ =	shalt  }

</sc_bundles>
